<compile_context>
chip_gen: v7x
topology: tpu7x:2x2x1
jax: 0.10.2.dev20260603
libtpu: 0.0.44.dev20260713+nightly
codegen_flags: <defaults>
</compile_context>

<pallas_src>
import functools

import jax
import jax.numpy as jnp
from jax import lax
from jax.experimental import pallas as pl
from jax.experimental.pallas import tpu as pltpu
from jax.experimental.pallas import tpu_sc as plsc

N = 10000
F = 128
H = 64
E = 320000
NC = 2
NS = 16
NW = NC * NS
K = 128
NBLK = E // K
BPW = NBLK // NW
NP = 10240
RPS = NP // NS
ZB = 128
G = 6
NG = BPW // G


def _embed_body(x_ref, w_ref, b_ref, o_ref):
    acc = jnp.dot(x_ref[:], w_ref[:], preferred_element_type=jnp.float32)
    o_ref[:] = jnp.maximum(acc + b_ref[:], 0.0).astype(jnp.bfloat16)


def _embed(x, w_emb, b_emb):
    return pl.pallas_call(
        _embed_body,
        out_shape=jax.ShapeDtypeStruct((N, H), jnp.bfloat16),
    )(x, w_emb, b_emb.reshape(1, H))


def _sc_body(eil_hbm, h_hbm, out_hbm, row_v, col_v, bufs, zbuf,
             agg_sh, gsem0, gsem1, ssem0, ssem1):
    cid = lax.axis_index("c")
    sid = lax.axis_index("s")
    wid = cid * NS + sid
    base = wid * BPW

    zero = jnp.zeros((32,), jnp.bfloat16)

    def zrow(i, c):
        for j in range(H // 32):
            zbuf[i, pl.ds(j * 32, 32)] = zero
        return c

    lax.fori_loop(0, ZB, zrow, 0)
    for t in range(RPS // ZB):
        pltpu.sync_copy(zbuf, agg_sh.at[pl.ds(sid * RPS + t * ZB, ZB)])

    pltpu.sync_copy(eil_hbm.at[pl.ds(base, BPW), 0], row_v.at[pl.ds(0, BPW)])
    pltpu.sync_copy(eil_hbm.at[pl.ds(base, BPW), 1], col_v.at[pl.ds(0, BPW)])

    @pl.when(wid < NBLK - NW * BPW)
    def _():
        pltpu.sync_copy(eil_hbm.at[NW * BPW + wid, 0], row_v.at[BPW])
        pltpu.sync_copy(eil_hbm.at[NW * BPW + wid, 1], col_v.at[BPW])

    plsc.subcore_barrier()

    gsems = (gsem0, gsem1)
    ssems = (ssem0, ssem1)

    def gat_start(s, g):
        for b in range(G):
            pltpu.async_copy(h_hbm.at[col_v.at[g * G + b]], bufs.at[s, b],
                             gsems[s])

    def gat_wait(s, g):
        for b in range(G):
            pltpu.make_async_copy(h_hbm.at[col_v.at[g * G + b]],
                                  bufs.at[s, b], gsems[s]).wait()

    def scat_start(s, g):
        for b in range(G):
            pltpu.async_copy(bufs.at[s, b], agg_sh.at[row_v.at[g * G + b]],
                             ssems[s], add=True)

    def scat_wait(s, g):
        for b in range(G):
            pltpu.make_async_copy(bufs.at[s, b],
                                  agg_sh.at[row_v.at[g * G + b]],
                                  ssems[s]).wait()

    gat_start(0, 0)

    def dbl(i, c):
        ga = 2 * i
        gb = 2 * i + 1
        gat_wait(0, ga)
        scat_start(0, ga)

        @pl.when(i > 0)
        def _():
            scat_wait(1, gb - 2)

        gat_start(1, gb)
        gat_wait(1, gb)
        scat_start(1, gb)
        scat_wait(0, ga)

        @pl.when(i < (NG - 2) // 2)
        def _():
            gat_start(0, ga + 2)

        return c

    lax.fori_loop(0, NG // 2, dbl, 0)
    if NG % 2:
        gat_start(0, NG - 1)
        gat_wait(0, NG - 1)
        scat_start(0, NG - 1)
        scat_wait(1, NG - 2)
        scat_wait(0, NG - 1)
    else:
        scat_wait(1, NG - 1)

    @pl.when(wid < NBLK - NW * BPW)
    def _():
        pltpu.sync_copy(h_hbm.at[col_v.at[BPW]], bufs.at[0, 0])
        pltpu.sync_copy(bufs.at[0, 0], agg_sh.at[row_v.at[BPW]], add=True)

    plsc.subcore_barrier()

    pltpu.sync_copy(agg_sh.at[pl.ds(sid * RPS, RPS)],
                    out_hbm.at[cid, pl.ds(sid * RPS, RPS)])


def _sc_scatter(eil, h):
    mesh = plsc.VectorSubcoreMesh(core_axis_name="c", subcore_axis_name="s")
    kern = functools.partial(
        pl.kernel,
        out_type=jax.ShapeDtypeStruct((NC, NP, H), jnp.bfloat16),
        mesh=mesh,
        scratch_types=[
            pltpu.VMEM((BPW + 1, K), jnp.int32),
            pltpu.VMEM((BPW + 1, K), jnp.int32),
            pltpu.VMEM((2, G, K, H), jnp.bfloat16),
            pltpu.VMEM((ZB, H), jnp.bfloat16),
            pltpu.VMEM_SHARED((NP, H), jnp.bfloat16),
            pltpu.SemaphoreType.DMA,
            pltpu.SemaphoreType.DMA,
            pltpu.SemaphoreType.DMA,
            pltpu.SemaphoreType.DMA,
        ],
        compiler_params=pltpu.CompilerParams(use_tc_tiling_on_sc=False),
    )(_sc_body)
    return kern(eil, h)


def _heads_body(p_ref, wm2_ref, bm2_ref, w0_ref, b0_ref, w1_ref,
                b1_ref, w2_ref, b2_ref, o0_ref, o1_ref, o2_ref):
    q = p_ref[:].astype(jnp.float32)
    agg = q[0:NP // 2, :] + q[NP // 2:NP, :]
    t = jnp.dot(agg, wm2_ref[:], preferred_element_type=jnp.float32)
    t = jnp.maximum(t + bm2_ref[:], 0.0)
    ridx = lax.broadcasted_iota(jnp.int32, (NP // 2, 128), 0)
    cidx = lax.broadcasted_iota(jnp.int32, (NP // 2, 128), 1)
    node = 2 * ridx + (cidx >= H).astype(jnp.int32)
    t = jnp.where(node < N, t, 0.0)
    s = jnp.sum(t, axis=0, keepdims=True)
    hbar = (s[:, 0:H] + s[:, H:128]) * (1.0 / N)
    v0 = jnp.dot(hbar, w0_ref[:], preferred_element_type=jnp.float32)
    for i in range(128):
        o0_ref[i:i + 1, :] = v0[:, 64 * i:64 * (i + 1)] + b0_ref[i:i + 1, :]
    v1 = jnp.dot(hbar, w1_ref[:], preferred_element_type=jnp.float32)
    for i in range(64):
        o1_ref[i:i + 1, :] = v1[:, 32 * i:32 * (i + 1)] + b1_ref[i:i + 1, :]
    v2 = jnp.dot(hbar, w2_ref[:], preferred_element_type=jnp.float32)
    for i in range(32):
        o2_ref[i:i + 1, :] = v2[:, 16 * i:16 * (i + 1)] + b2_ref[i:i + 1, :]


def _heads(p_packed, w_msg, b_msg, w0, b0, w1, b1, w2, b2):
    wm2 = jnp.zeros((128, 128), jnp.float32)
    wm2 = wm2.at[0:H, 0:H].set(w_msg).at[H:128, H:128].set(w_msg)
    bm2 = jnp.concatenate([b_msg, b_msg]).reshape(1, 128)
    return pl.pallas_call(
        _heads_body,
        out_shape=(
            jax.ShapeDtypeStruct((128, 64), jnp.float32),
            jax.ShapeDtypeStruct((64, 32), jnp.float32),
            jax.ShapeDtypeStruct((32, 16), jnp.float32),
        ),
    )(p_packed, wm2, bm2, w0, b0.reshape(128, 64),
      w1, b1.reshape(64, 32), w2, b2.reshape(32, 16))


def kernel(x, edge_index, W_emb, b_emb, W_msg, b_msg, W0, b0, W1, b1, W2, b2):
    h = _embed(x, W_emb, b_emb)
    eil = edge_index.reshape(2, NBLK, K).transpose(1, 0, 2)
    partials = _sc_scatter(eil, h)
    return _heads(partials.reshape(NP, 128), W_msg, b_msg,
                  W0, b0, W1, b1, W2, b2)

# --- scband reference (transcript-rebuilt; emitter-appended) ---
"""Pipeline reference for scband-graph-qnn-65481071398393 (READ-ONLY COPY).

The authoritative reference and input builder live on the scoring server;
editing this copy changes nothing except your own understanding.
"""

import jax, jax.numpy as jnp
import numpy as np

ARCH = [128, 64, 32, 16]
HIDDEN = 64
N_NODES = 10000
N_EDGES = 320000


def setup_inputs(seed: int = 0) -> dict:
    key = jax.random.key(seed)
    ks = jax.random.split(key, 12)
    x = jax.random.normal(ks[0], (N_NODES, ARCH[0]), dtype=jnp.float32)
    edge_index = jax.random.randint(ks[1], (2, N_EDGES), 0, N_NODES)
    # Learned parameters (stored as (in, out) so forward uses x @ W + b)
    W_emb = jax.random.normal(ks[2], (ARCH[0], HIDDEN), dtype=jnp.float32) * 0.05
    b_emb = jnp.zeros((HIDDEN,), dtype=jnp.float32)
    W_msg = jax.random.normal(ks[3], (HIDDEN, HIDDEN), dtype=jnp.float32) * 0.05
    b_msg = jnp.zeros((HIDDEN,), dtype=jnp.float32)
    W0 = jax.random.normal(ks[4], (HIDDEN, ARCH[0] * ARCH[1]), dtype=jnp.float32) * 0.05
    b0 = jnp.zeros((ARCH[0] * ARCH[1],), dtype=jnp.float32)
    W1 = jax.random.normal(ks[5], (HIDDEN, ARCH[1] * ARCH[2]), dtype=jnp.float32) * 0.05
    b1 = jnp.zeros((ARCH[1] * ARCH[2],), dtype=jnp.float32)
    W2 = jax.random.normal(ks[6], (HIDDEN, ARCH[2] * ARCH[3]), dtype=jnp.float32) * 0.05
    b2 = jnp.zeros((ARCH[2] * ARCH[3],), dtype=jnp.float32)
    return {"x": x, "edge_index": edge_index, "W_emb": W_emb, "b_emb": b_emb,
            "W_msg": W_msg, "b_msg": b_msg, "W0": W0, "b0": b0,
            "W1": W1, "b1": b1, "W2": W2, "b2": b2}


def reference(x, edge_index, W_emb, b_emb, W_msg, b_msg, W0, b0, W1, b1, W2, b2):
    h = jax.nn.relu(x @ W_emb + b_emb)
    row = edge_index[0]
    col = edge_index[1]
    # agg.index_add_(0, row, h[col])  -> gather + scatter-add
    agg = jnp.zeros_like(h).at[row].add(h[col])
    h = jax.nn.relu(agg @ W_msg + b_msg)
    weights = []
    params = [(W0, b0), (W1, b1), (W2, b2)]
    for layer, (W, b) in enumerate(params):
        flattened = (h @ W + b).reshape(-1, ARCH[layer], ARCH[layer + 1])
        w = flattened.mean(axis=0)
        weights.append(w)
    return tuple(weights)

if __name__ == "__main__":
    import jax
    _d = setup_inputs()
    print(jax.jit(kernel)(*tuple(_d.values())))

</pallas_src>

<mosaic_0001>
#map = affine_map<(d0, d1) -> (0, 0, 0)>
#map1 = affine_map<(d0, d1) -> (0, 0)>
module attributes {stable_mosaic.version = 14 : i64} {
  func.func @_sc_body(%arg0: i32, %arg1: i32, %arg2: memref<2500x2x128xi32, #tpu.memory_space<hbm>>, %arg3: memref<10000x64xbf16, #tpu.memory_space<hbm>>, %arg4: memref<2x10240x64xbf16, #tpu.memory_space<hbm>>, %arg5: memref<79x128xi32, #tpu.memory_space<vmem>>, %arg6: memref<79x128xi32, #tpu.memory_space<vmem>>, %arg7: memref<2x6x128x64xbf16, #tpu.memory_space<vmem>>, %arg8: memref<128x64xbf16, #tpu.memory_space<vmem>>, %arg9: memref<10240x64xbf16, #tpu.memory_space<vmem_shared>>, %arg10: memref<!tpu.dma_semaphore, #tpu.memory_space<semaphore_mem>>, %arg11: memref<!tpu.dma_semaphore, #tpu.memory_space<semaphore_mem>>, %arg12: memref<!tpu.dma_semaphore, #tpu.memory_space<semaphore_mem>>, %arg13: memref<!tpu.dma_semaphore, #tpu.memory_space<semaphore_mem>>) attributes {dimension_semantics = [#tpu.dimension_semantics<core_parallel>, #tpu.dimension_semantics<subcore_parallel>], iteration_bounds = array<i64: 2, 16>, scalar_prefetch = 0 : i64, scratch_operands = 9 : i64, tpu.core_type = #tpu.core_type<sc_vector_subcore>, window_params = [{transform_indices = #map}, {transform_indices = #map1}, {transform_indices = #map}]} {
    %mul3A = arith.constant 16 : i32
    %mul3A_0 = arith.muli %arg0, %mul3A : i32
    %add3A = arith.addi %mul3A_0, %arg1 : i32
    %mul3A_1 = arith.constant 78 : i32
    %mul3A_2 = arith.muli %add3A, %mul3A_1 : i32
    %broadcast_in_dim3A = arith.constant 0.000000e+00 : bf16
    %broadcast_in_dim3A_3 = vector.broadcast %broadcast_in_dim3A : bf16 to vector<32xbf16>
    %scan3A = arith.constant 0 : i32
    %scan3A_4 = arith.constant 0 : i32
    %scan3A_5 = arith.constant 128 : i32
    %scan3A_6 = arith.addi %scan3A_4, %scan3A_5 : i32
    %scan3A_7 = arith.constant 1 : i32
    scf.for %scan3A_514 = %scan3A_4 to %scan3A_6 step %scan3A_7  : i32 {
      %swap3A = arith.index_cast %scan3A_514 : i32 to index
      %swap3A_515 = arith.constant 0 : index
      %swap3A_516 = tpu.vector_load %arg8[%swap3A, %swap3A_515] {strides = array<i32>} : memref<128x64xbf16, #tpu.memory_space<vmem>>, vector<1x32xbf16>,
      %swap3A_517 = vector.shape_cast %swap3A_516 : vector<1x32xbf16> to vector<32xbf16>
      %swap3A_518 = vector.shape_cast %broadcast_in_dim3A_3 : vector<32xbf16> to vector<1x32xbf16>
      tpu.vector_store %arg8[%swap3A, %swap3A_515], %swap3A_518 {strides = array<i32>} : memref<128x64xbf16, #tpu.memory_space<vmem>>, vector<1x32xbf16>,
      %swap3A_519 = arith.index_cast %scan3A_514 : i32 to index
      %swap3A_520 = arith.constant 32 : index
      %swap3A_521 = tpu.vector_load %arg8[%swap3A_519, %swap3A_520] {strides = array<i32>} : memref<128x64xbf16, #tpu.memory_space<vmem>>, vector<1x32xbf16>,
      %swap3A_522 = vector.shape_cast %swap3A_521 : vector<1x32xbf16> to vector<32xbf16>
      %swap3A_523 = vector.shape_cast %broadcast_in_dim3A_3 : vector<32xbf16> to vector<1x32xbf16>
      tpu.vector_store %arg8[%swap3A_519, %swap3A_520], %swap3A_523 {strides = array<i32>} : memref<128x64xbf16, #tpu.memory_space<vmem>>, vector<1x32xbf16>,
    }
    %scan3A_8 = arith.constant 128 : i32
    %mul3A_9 = arith.constant 640 : i32
    %mul3A_10 = arith.muli %arg1, %mul3A_9 : i32
    %add3A_11 = arith.constant 0 : i32
    %add3A_12 = arith.addi %mul3A_10, %add3A_11 : i32
    "tpu.region"() ({
      %run_scoped3A_514 = tpu.sem_alloc : memref<!tpu.dma_semaphore, #tpu.memory_space<semaphore_mem>>
      %dma_start3A_515 = arith.constant 0 : i32
      %dma_start3A_516 = tpu.memref_slice %arg9[%add3A_12, %dma_start3A_515] : memref<10240x64xbf16, #tpu.memory_space<vmem_shared>> -> memref<128x64xbf16, #tpu.memory_space<vmem_shared>>
      %dma_start3A_517 = arith.constant 0 : i32
      %dma_start3A_518 = tpu.memref_slice %arg9[%add3A_12, %dma_start3A_517] : memref<10240x64xbf16, #tpu.memory_space<vmem_shared>> -> memref<128x64xbf16, #tpu.memory_space<vmem_shared>>
      tpu.enqueue_dma source(%arg8 : memref<128x64xbf16, #tpu.memory_space<vmem>>) target(%dma_start3A_518 : memref<128x64xbf16, #tpu.memory_space<vmem_shared>>) target_semaphore(%run_scoped3A_514 : memref<!tpu.dma_semaphore, #tpu.memory_space<semaphore_mem>>)
      %dma_wait3A_519 = arith.constant 0 : i32
      %dma_wait3A_520 = tpu.memref_slice %arg9[%add3A_12, %dma_wait3A_519] : memref<10240x64xbf16, #tpu.memory_space<vmem_shared>> -> memref<128x64xbf16, #tpu.memory_space<vmem_shared>>
      %dma_wait3A_521 = arith.constant 0 : i32
      %dma_wait3A_522 = tpu.memref_slice %arg9[%add3A_12, %dma_wait3A_521] : memref<10240x64xbf16, #tpu.memory_space<vmem_shared>> -> memref<128x64xbf16, #tpu.memory_space<vmem_shared>>
      tpu.wait_dma2 semaphore(%run_scoped3A_514 : memref<!tpu.dma_semaphore, #tpu.memory_space<semaphore_mem>>) src(%arg8 : memref<128x64xbf16, #tpu.memory_space<vmem>>) dst(%dma_wait3A_522 : memref<128x64xbf16, #tpu.memory_space<vmem_shared>>)
      tpu.yield
    }) : () -> ()
    %mul3A_13 = arith.constant 640 : i32
    %mul3A_14 = arith.muli %arg1, %mul3A_13 : i32
    %add3A_15 = arith.constant 128 : i32
    %add3A_16 = arith.addi %mul3A_14, %add3A_15 : i32
    "tpu.region"() ({
      %run_scoped3A_514 = tpu.sem_alloc : memref<!tpu.dma_semaphore, #tpu.memory_space<semaphore_mem>>
      %dma_start3A_515 = arith.constant 0 : i32
      %dma_start3A_516 = tpu.memref_slice %arg9[%add3A_16, %dma_start3A_515] : memref<10240x64xbf16, #tpu.memory_space<vmem_shared>> -> memref<128x64xbf16, #tpu.memory_space<vmem_shared>>
      %dma_start3A_517 = arith.constant 0 : i32
      %dma_start3A_518 = tpu.memref_slice %arg9[%add3A_16, %dma_start3A_517] : memref<10240x64xbf16, #tpu.memory_space<vmem_shared>> -> memref<128x64xbf16, #tpu.memory_space<vmem_shared>>
      tpu.enqueue_dma source(%arg8 : memref<128x64xbf16, #tpu.memory_space<vmem>>) target(%dma_start3A_518 : memref<128x64xbf16, #tpu.memory_space<vmem_shared>>) target_semaphore(%run_scoped3A_514 : memref<!tpu.dma_semaphore, #tpu.memory_space<semaphore_mem>>)
      %dma_wait3A_519 = arith.constant 0 : i32
      %dma_wait3A_520 = tpu.memref_slice %arg9[%add3A_16, %dma_wait3A_519] : memref<10240x64xbf16, #tpu.memory_space<vmem_shared>> -> memref<128x64xbf16, #tpu.memory_space<vmem_shared>>
      %dma_wait3A_521 = arith.constant 0 : i32
      %dma_wait3A_522 = tpu.memref_slice %arg9[%add3A_16, %dma_wait3A_521] : memref<10240x64xbf16, #tpu.memory_space<vmem_shared>> -> memref<128x64xbf16, #tpu.memory_space<vmem_shared>>
      tpu.wait_dma2 semaphore(%run_scoped3A_514 : memref<!tpu.dma_semaphore, #tpu.memory_space<semaphore_mem>>) src(%arg8 : memref<128x64xbf16, #tpu.memory_space<vmem>>) dst(%dma_wait3A_522 : memref<128x64xbf16, #tpu.memory_space<vmem_shared>>)
      tpu.yield
    }) : () -> ()
    %mul3A_17 = arith.constant 640 : i32
    %mul3A_18 = arith.muli %arg1, %mul3A_17 : i32
    %add3A_19 = arith.constant 256 : i32
    %add3A_20 = arith.addi %mul3A_18, %add3A_19 : i32
    "tpu.region"() ({
      %run_scoped3A_514 = tpu.sem_alloc : memref<!tpu.dma_semaphore, #tpu.memory_space<semaphore_mem>>
      %dma_start3A_515 = arith.constant 0 : i32
      %dma_start3A_516 = tpu.memref_slice %arg9[%add3A_20, %dma_start3A_515] : memref<10240x64xbf16, #tpu.memory_space<vmem_shared>> -> memref<128x64xbf16, #tpu.memory_space<vmem_shared>>
      %dma_start3A_517 = arith.constant 0 : i32
      %dma_start3A_518 = tpu.memref_slice %arg9[%add3A_20, %dma_start3A_517] : memref<10240x64xbf16, #tpu.memory_space<vmem_shared>> -> memref<128x64xbf16, #tpu.memory_space<vmem_shared>>
      tpu.enqueue_dma source(%arg8 : memref<128x64xbf16, #tpu.memory_space<vmem>>) target(%dma_start3A_518 : memref<128x64xbf16, #tpu.memory_space<vmem_shared>>) target_semaphore(%run_scoped3A_514 : memref<!tpu.dma_semaphore, #tpu.memory_space<semaphore_mem>>)
      %dma_wait3A_519 = arith.constant 0 : i32
      %dma_wait3A_520 = tpu.memref_slice %arg9[%add3A_20, %dma_wait3A_519] : memref<10240x64xbf16, #tpu.memory_space<vmem_shared>> -> memref<128x64xbf16, #tpu.memory_space<vmem_shared>>
      %dma_wait3A_521 = arith.constant 0 : i32
      %dma_wait3A_522 = tpu.memref_slice %arg9[%add3A_20, %dma_wait3A_521] : memref<10240x64xbf16, #tpu.memory_space<vmem_shared>> -> memref<128x64xbf16, #tpu.memory_space<vmem_shared>>
      tpu.wait_dma2 semaphore(%run_scoped3A_514 : memref<!tpu.dma_semaphore, #tpu.memory_space<semaphore_mem>>) src(%arg8 : memref<128x64xbf16, #tpu.memory_space<vmem>>) dst(%dma_wait3A_522 : memref<128x64xbf16, #tpu.memory_space<vmem_shared>>)
      tpu.yield
    }) : () -> ()
    %mul3A_21 = arith.constant 640 : i32
    %mul3A_22 = arith.muli %arg1, %mul3A_21 : i32
    %add3A_23 = arith.constant 384 : i32
    %add3A_24 = arith.addi %mul3A_22, %add3A_23 : i32
    "tpu.region"() ({
      %run_scoped3A_514 = tpu.sem_alloc : memref<!tpu.dma_semaphore, #tpu.memory_space<semaphore_mem>>
      %dma_start3A_515 = arith.constant 0 : i32
      %dma_start3A_516 = tpu.memref_slice %arg9[%add3A_24, %dma_start3A_515] : memref<10240x64xbf16, #tpu.memory_space<vmem_shared>> -> memref<128x64xbf16, #tpu.memory_space<vmem_shared>>
      %dma_start3A_517 = arith.constant 0 : i32
      %dma_start3A_518 = tpu.memref_slice %arg9[%add3A_24, %dma_start3A_517] : memref<10240x64xbf16, #tpu.memory_space<vmem_shared>> -> memref<128x64xbf16, #tpu.memory_space<vmem_shared>>
      tpu.enqueue_dma source(%arg8 : memref<128x64xbf16, #tpu.memory_space<vmem>>) target(%dma_start3A_518 : memref<128x64xbf16, #tpu.memory_space<vmem_shared>>) target_semaphore(%run_scoped3A_514 : memref<!tpu.dma_semaphore, #tpu.memory_space<semaphore_mem>>)
      %dma_wait3A_519 = arith.constant 0 : i32
      %dma_wait3A_520 = tpu.memref_slice %arg9[%add3A_24, %dma_wait3A_519] : memref<10240x64xbf16, #tpu.memory_space<vmem_shared>> -> memref<128x64xbf16, #tpu.memory_space<vmem_shared>>
      %dma_wait3A_521 = arith.constant 0 : i32
      %dma_wait3A_522 = tpu.memref_slice %arg9[%add3A_24, %dma_wait3A_521] : memref<10240x64xbf16, #tpu.memory_space<vmem_shared>> -> memref<128x64xbf16, #tpu.memory_space<vmem_shared>>
      tpu.wait_dma2 semaphore(%run_scoped3A_514 : memref<!tpu.dma_semaphore, #tpu.memory_space<semaphore_mem>>) src(%arg8 : memref<128x64xbf16, #tpu.memory_space<vmem>>) dst(%dma_wait3A_522 : memref<128x64xbf16, #tpu.memory_space<vmem_shared>>)
      tpu.yield
    }) : () -> ()
    %mul3A_25 = arith.constant 640 : i32
    %mul3A_26 = arith.muli %arg1, %mul3A_25 : i32
    %add3A_27 = arith.constant 512 : i32
    %add3A_28 = arith.addi %mul3A_26, %add3A_27 : i32
    "tpu.region"() ({
      %run_scoped3A_514 = tpu.sem_alloc : memref<!tpu.dma_semaphore, #tpu.memory_space<semaphore_mem>>
      %dma_start3A_515 = arith.constant 0 : i32
      %dma_start3A_516 = tpu.memref_slice %arg9[%add3A_28, %dma_start3A_515] : memref<10240x64xbf16, #tpu.memory_space<vmem_shared>> -> memref<128x64xbf16, #tpu.memory_space<vmem_shared>>
      %dma_start3A_517 = arith.constant 0 : i32
      %dma_start3A_518 = tpu.memref_slice %arg9[%add3A_28, %dma_start3A_517] : memref<10240x64xbf16, #tpu.memory_space<vmem_shared>> -> memref<128x64xbf16, #tpu.memory_space<vmem_shared>>
      tpu.enqueue_dma source(%arg8 : memref<128x64xbf16, #tpu.memory_space<vmem>>) target(%dma_start3A_518 : memref<128x64xbf16, #tpu.memory_space<vmem_shared>>) target_semaphore(%run_scoped3A_514 : memref<!tpu.dma_semaphore, #tpu.memory_space<semaphore_mem>>)
      %dma_wait3A_519 = arith.constant 0 : i32
      %dma_wait3A_520 = tpu.memref_slice %arg9[%add3A_28, %dma_wait3A_519] : memref<10240x64xbf16, #tpu.memory_space<vmem_shared>> -> memref<128x64xbf16, #tpu.memory_space<vmem_shared>>
      %dma_wait3A_521 = arith.constant 0 : i32
      %dma_wait3A_522 = tpu.memref_slice %arg9[%add3A_28, %dma_wait3A_521] : memref<10240x64xbf16, #tpu.memory_space<vmem_shared>> -> memref<128x64xbf16, #tpu.memory_space<vmem_shared>>
      tpu.wait_dma2 semaphore(%run_scoped3A_514 : memref<!tpu.dma_semaphore, #tpu.memory_space<semaphore_mem>>) src(%arg8 : memref<128x64xbf16, #tpu.memory_space<vmem>>) dst(%dma_wait3A_522 : memref<128x64xbf16, #tpu.memory_space<vmem_shared>>)
      tpu.yield
    }) : () -> ()
    %run_scoped3A = arith.constant 0 : i32
    "tpu.region"() ({
      %run_scoped3A_514 = tpu.sem_alloc : memref<!tpu.dma_semaphore, #tpu.memory_space<semaphore_mem>>
      %dma_start3A_515 = arith.constant 0 : i32
      %dma_start3A_516 = arith.constant 0 : i32
      %dma_start3A_517 = tpu.memref_slice %arg5[%dma_start3A_515, %dma_start3A_516] : memref<79x128xi32, #tpu.memory_space<vmem>> -> memref<78x128xi32, #tpu.memory_space<vmem>>
      %dma_start3A_518 = arith.constant 0 : i32
      %dma_start3A_519 = tpu.memref_slice %arg2[%mul3A_2, %run_scoped3A, %dma_start3A_518] : memref<2500x2x128xi32, #tpu.memory_space<hbm>> -> memref<78x1x128xi32, #tpu.memory_space<hbm>>
      %dma_start3A_520 = tpu.memref_squeeze %dma_start3A_519 : memref<78x1x128xi32, #tpu.memory_space<hbm>> -> memref<78x128xi32, #tpu.memory_space<hbm>>
      %dma_start3A_521 = arith.constant 0 : i32
      %dma_start3A_522 = arith.constant 0 : i32
      %dma_start3A_523 = tpu.memref_slice %arg5[%dma_start3A_521, %dma_start3A_522] : memref<79x128xi32, #tpu.memory_space<vmem>> -> memref<78x128xi32, #tpu.memory_space<vmem>>
      %dma_start3A_524 = arith.constant 0 : i32
      %dma_start3A_525 = tpu.memref_slice %arg2[%mul3A_2, %run_scoped3A, %dma_start3A_524] : memref<2500x2x128xi32, #tpu.memory_space<hbm>> -> memref<78x1x128xi32, #tpu.memory_space<hbm>>
      %dma_start3A_526 = tpu.memref_squeeze %dma_start3A_525 : memref<78x1x128xi32, #tpu.memory_space<hbm>> -> memref<78x128xi32, #tpu.memory_space<hbm>>
      tpu.enqueue_dma source(%dma_start3A_526 : memref<78x128xi32, #tpu.memory_space<hbm>>) target(%dma_start3A_523 : memref<78x128xi32, #tpu.memory_space<vmem>>) target_semaphore(%run_scoped3A_514 : memref<!tpu.dma_semaphore, #tpu.memory_space<semaphore_mem>>)
      %dma_wait3A_527 = arith.constant 0 : i32
      %dma_wait3A_528 = arith.constant 0 : i32
      %dma_wait3A_529 = tpu.memref_slice %arg5[%dma_wait3A_527, %dma_wait3A_528] : memref<79x128xi32, #tpu.memory_space<vmem>> -> memref<78x128xi32, #tpu.memory_space<vmem>>
      %dma_wait3A_530 = arith.constant 0 : i32
      %dma_wait3A_531 = tpu.memref_slice %arg2[%mul3A_2, %run_scoped3A, %dma_wait3A_530] : memref<2500x2x128xi32, #tpu.memory_space<hbm>> -> memref<78x1x128xi32, #tpu.memory_space<hbm>>
      %dma_wait3A_532 = tpu.memref_squeeze %dma_wait3A_531 : memref<78x1x128xi32, #tpu.memory_space<hbm>> -> memref<78x128xi32, #tpu.memory_space<hbm>>
      %dma_wait3A_533 = arith.constant 0 : i32
      %dma_wait3A_534 = arith.constant 0 : i32
      %dma_wait3A_535 = tpu.memref_slice %arg5[%dma_wait3A_533, %dma_wait3A_534] : memref<79x128xi32, #tpu.memory_space<vmem>> -> memref<78x128xi32, #tpu.memory_space<vmem>>
      %dma_wait3A_536 = arith.constant 0 : i32
      %dma_wait3A_537 = tpu.memref_slice %arg2[%mul3A_2, %run_scoped3A, %dma_wait3A_536] : memref<2500x2x128xi32, #tpu.memory_space<hbm>> -> memref<78x1x128xi32, #tpu.memory_space<hbm>>
      %dma_wait3A_538 = tpu.memref_squeeze %dma_wait3A_537 : memref<78x1x128xi32, #tpu.memory_space<hbm>> -> memref<78x128xi32, #tpu.memory_space<hbm>>
      tpu.wait_dma2 semaphore(%run_scoped3A_514 : memref<!tpu.dma_semaphore, #tpu.memory_space<semaphore_mem>>) src(%dma_wait3A_538 : memref<78x128xi32, #tpu.memory_space<hbm>>) dst(%dma_wait3A_535 : memref<78x128xi32, #tpu.memory_space<vmem>>)
      tpu.yield
    }) : () -> ()
    %run_scoped3A_29 = arith.constant 1 : i32
    "tpu.region"() ({
      %run_scoped3A_514 = tpu.sem_alloc : memref<!tpu.dma_semaphore, #tpu.memory_space<semaphore_mem>>
      %dma_start3A_515 = arith.constant 0 : i32
      %dma_start3A_516 = arith.constant 0 : i32
      %dma_start3A_517 = tpu.memref_slice %arg6[%dma_start3A_515, %dma_start3A_516] : memref<79x128xi32, #tpu.memory_space<vmem>> -> memref<78x128xi32, #tpu.memory_space<vmem>>
      %dma_start3A_518 = arith.constant 0 : i32
      %dma_start3A_519 = tpu.memref_slice %arg2[%mul3A_2, %run_scoped3A_29, %dma_start3A_518] : memref<2500x2x128xi32, #tpu.memory_space<hbm>> -> memref<78x1x128xi32, #tpu.memory_space<hbm>>
      %dma_start3A_520 = tpu.memref_squeeze %dma_start3A_519 : memref<78x1x128xi32, #tpu.memory_space<hbm>> -> memref<78x128xi32, #tpu.memory_space<hbm>>
      %dma_start3A_521 = arith.constant 0 : i32
      %dma_start3A_522 = arith.constant 0 : i32
      %dma_start3A_523 = tpu.memref_slice %arg6[%dma_start3A_521, %dma_start3A_522] : memref<79x128xi32, #tpu.memory_space<vmem>> -> memref<78x128xi32, #tpu.memory_space<vmem>>
      %dma_start3A_524 = arith.constant 0 : i32
      %dma_start3A_525 = tpu.memref_slice %arg2[%mul3A_2, %run_scoped3A_29, %dma_start3A_524] : memref<2500x2x128xi32, #tpu.memory_space<hbm>> -> memref<78x1x128xi32, #tpu.memory_space<hbm>>
      %dma_start3A_526 = tpu.memref_squeeze %dma_start3A_525 : memref<78x1x128xi32, #tpu.memory_space<hbm>> -> memref<78x128xi32, #tpu.memory_space<hbm>>
      tpu.enqueue_dma source(%dma_start3A_526 : memref<78x128xi32, #tpu.memory_space<hbm>>) target(%dma_start3A_523 : memref<78x128xi32, #tpu.memory_space<vmem>>) target_semaphore(%run_scoped3A_514 : memref<!tpu.dma_semaphore, #tpu.memory_space<semaphore_mem>>)
      %dma_wait3A_527 = arith.constant 0 : i32
      %dma_wait3A_528 = arith.constant 0 : i32
      %dma_wait3A_529 = tpu.memref_slice %arg6[%dma_wait3A_527, %dma_wait3A_528] : memref<79x128xi32, #tpu.memory_space<vmem>> -> memref<78x128xi32, #tpu.memory_space<vmem>>
      %dma_wait3A_530 = arith.constant 0 : i32
      %dma_wait3A_531 = tpu.memref_slice %arg2[%mul3A_2, %run_scoped3A_29, %dma_wait3A_530] : memref<2500x2x128xi32, #tpu.memory_space<hbm>> -> memref<78x1x128xi32, #tpu.memory_space<hbm>>
      %dma_wait3A_532 = tpu.memref_squeeze %dma_wait3A_531 : memref<78x1x128xi32, #tpu.memory_space<hbm>> -> memref<78x128xi32, #tpu.memory_space<hbm>>
      %dma_wait3A_533 = arith.constant 0 : i32
      %dma_wait3A_534 = arith.constant 0 : i32
      %dma_wait3A_535 = tpu.memref_slice %arg6[%dma_wait3A_533, %dma_wait3A_534] : memref<79x128xi32, #tpu.memory_space<vmem>> -> memref<78x128xi32, #tpu.memory_space<vmem>>
      %dma_wait3A_536 = arith.constant 0 : i32
      %dma_wait3A_537 = tpu.memref_slice %arg2[%mul3A_2, %run_scoped3A_29, %dma_wait3A_536] : memref<2500x2x128xi32, #tpu.memory_space<hbm>> -> memref<78x1x128xi32, #tpu.memory_space<hbm>>
      %dma_wait3A_538 = tpu.memref_squeeze %dma_wait3A_537 : memref<78x1x128xi32, #tpu.memory_space<hbm>> -> memref<78x128xi32, #tpu.memory_space<hbm>>
      tpu.wait_dma2 semaphore(%run_scoped3A_514 : memref<!tpu.dma_semaphore, #tpu.memory_space<semaphore_mem>>) src(%dma_wait3A_538 : memref<78x128xi32, #tpu.memory_space<hbm>>) dst(%dma_wait3A_535 : memref<78x128xi32, #tpu.memory_space<vmem>>)
      tpu.yield
    }) : () -> ()
    %lt3A = arith.constant 4 : i32
    %lt3A_30 = arith.cmpi slt, %add3A, %lt3A : i32
    %convert_element_type3A = arith.extui %lt3A_30 : i1 to i32
    %cond3A = arith.constant 0 : i32
    %cond3A_31 = arith.cmpi ne, %convert_element_type3A, %cond3A : i32
    scf.if %cond3A_31 {
      %add3A_514 = arith.constant 2496 : i32
      %add3A_515 = arith.addi %add3A_514, %add3A : i32
      %run_scoped3A_516 = arith.constant 0 : i32
      %run_scoped3A_517 = arith.constant 78 : i32
      "tpu.region"() ({
        %run_scoped3A_522 = tpu.sem_alloc : memref<!tpu.dma_semaphore, #tpu.memory_space<semaphore_mem>>
        %dma_start3A_523 = arith.constant 0 : i32
        %dma_start3A_524 = tpu.memref_slice %arg5[%run_scoped3A_517, %dma_start3A_523] : memref<79x128xi32, #tpu.memory_space<vmem>> -> memref<1x128xi32, #tpu.memory_space<vmem>>
        %dma_start3A_525 = tpu.memref_squeeze %dma_start3A_524 : memref<1x128xi32, #tpu.memory_space<vmem>> -> memref<128xi32, #tpu.memory_space<vmem>>
        %dma_start3A_526 = arith.constant 0 : i32
        %dma_start3A_527 = tpu.memref_slice %arg2[%add3A_515, %run_scoped3A_516, %dma_start3A_526] : memref<2500x2x128xi32, #tpu.memory_space<hbm>> -> memref<1x1x128xi32, #tpu.memory_space<hbm>>
        %dma_start3A_528 = tpu.memref_squeeze %dma_start3A_527 : memref<1x1x128xi32, #tpu.memory_space<hbm>> -> memref<128xi32, #tpu.memory_space<hbm>>
        %dma_start3A_529 = arith.constant 0 : i32
        %dma_start3A_530 = tpu.memref_slice %arg5[%run_scoped3A_517, %dma_start3A_529] : memref<79x128xi32, #tpu.memory_space<vmem>> -> memref<1x128xi32, #tpu.memory_space<vmem>>
        %dma_start3A_531 = tpu.memref_squeeze %dma_start3A_530 : memref<1x128xi32, #tpu.memory_space<vmem>> -> memref<128xi32, #tpu.memory_space<vmem>>
        %dma_start3A_532 = arith.constant 0 : i32
        %dma_start3A_533 = tpu.memref_slice %arg2[%add3A_515, %run_scoped3A_516, %dma_start3A_532] : memref<2500x2x128xi32, #tpu.memory_space<hbm>> -> memref<1x1x128xi32, #tpu.memory_space<hbm>>
        %dma_start3A_534 = tpu.memref_squeeze %dma_start3A_533 : memref<1x1x128xi32, #tpu.memory_space<hbm>> -> memref<128xi32, #tpu.memory_space<hbm>>
        tpu.enqueue_dma source(%dma_start3A_534 : memref<128xi32, #tpu.memory_space<hbm>>) target(%dma_start3A_531 : memref<128xi32, #tpu.memory_space<vmem>>) target_semaphore(%run_scoped3A_522 : memref<!tpu.dma_semaphore, #tpu.memory_space<semaphore_mem>>)
        %dma_wait3A_535 = arith.constant 0 : i32
        %dma_wait3A_536 = tpu.memref_slice %arg5[%run_scoped3A_517, %dma_wait3A_535] : memref<79x128xi32, #tpu.memory_space<vmem>> -> memref<1x128xi32, #tpu.memory_space<vmem>>
        %dma_wait3A_537 = tpu.memref_squeeze %dma_wait3A_536 : memref<1x128xi32, #tpu.memory_space<vmem>> -> memref<128xi32, #tpu.memory_space<vmem>>
        %dma_wait3A_538 = arith.constant 0 : i32
        %dma_wait3A_539 = tpu.memref_slice %arg2[%add3A_515, %run_scoped3A_516, %dma_wait3A_538] : memref<2500x2x128xi32, #tpu.memory_space<hbm>> -> memref<1x1x128xi32, #tpu.memory_space<hbm>>
        %dma_wait3A_540 = tpu.memref_squeeze %dma_wait3A_539 : memref<1x1x128xi32, #tpu.memory_space<hbm>> -> memref<128xi32, #tpu.memory_space<hbm>>
        %dma_wait3A_541 = arith.constant 0 : i32
        %dma_wait3A_542 = tpu.memref_slice %arg5[%run_scoped3A_517, %dma_wait3A_541] : memref<79x128xi32, #tpu.memory_space<vmem>> -> memref<1x128xi32, #tpu.memory_space<vmem>>
        %dma_wait3A_543 = tpu.memref_squeeze %dma_wait3A_542 : memref<1x128xi32, #tpu.memory_space<vmem>> -> memref<128xi32, #tpu.memory_space<vmem>>
        %dma_wait3A_544 = arith.constant 0 : i32
        %dma_wait3A_545 = tpu.memref_slice %arg2[%add3A_515, %run_scoped3A_516, %dma_wait3A_544] : memref<2500x2x128xi32, #tpu.memory_space<hbm>> -> memref<1x1x128xi32, #tpu.memory_space<hbm>>
        %dma_wait3A_546 = tpu.memref_squeeze %dma_wait3A_545 : memref<1x1x128xi32, #tpu.memory_space<hbm>> -> memref<128xi32, #tpu.memory_space<hbm>>
        tpu.wait_dma2 semaphore(%run_scoped3A_522 : memref<!tpu.dma_semaphore, #tpu.memory_space<semaphore_mem>>) src(%dma_wait3A_546 : memref<128xi32, #tpu.memory_space<hbm>>) dst(%dma_wait3A_543 : memref<128xi32, #tpu.memory_space<vmem>>)
        tpu.yield
      }) : () -> ()
      %add3A_518 = arith.constant 2496 : i32
      %add3A_519 = arith.addi %add3A_518, %add3A : i32
      %run_scoped3A_520 = arith.constant 1 : i32
      %run_scoped3A_521 = arith.constant 78 : i32
      "tpu.region"() ({
        %run_scoped3A_522 = tpu.sem_alloc : memref<!tpu.dma_semaphore, #tpu.memory_space<semaphore_mem>>
        %dma_start3A_523 = arith.constant 0 : i32
        %dma_start3A_524 = tpu.memref_slice %arg6[%run_scoped3A_521, %dma_start3A_523] : memref<79x128xi32, #tpu.memory_space<vmem>> -> memref<1x128xi32, #tpu.memory_space<vmem>>
        %dma_start3A_525 = tpu.memref_squeeze %dma_start3A_524 : memref<1x128xi32, #tpu.memory_space<vmem>> -> memref<128xi32, #tpu.memory_space<vmem>>
        %dma_start3A_526 = arith.constant 0 : i32
        %dma_start3A_527 = tpu.memref_slice %arg2[%add3A_519, %run_scoped3A_520, %dma_start3A_526] : memref<2500x2x128xi32, #tpu.memory_space<hbm>> -> memref<1x1x128xi32, #tpu.memory_space<hbm>>
        %dma_start3A_528 = tpu.memref_squeeze %dma_start3A_527 : memref<1x1x128xi32, #tpu.memory_space<hbm>> -> memref<128xi32, #tpu.memory_space<hbm>>
        %dma_start3A_529 = arith.constant 0 : i32
        %dma_start3A_530 = tpu.memref_slice %arg6[%run_scoped3A_521, %dma_start3A_529] : memref<79x128xi32, #tpu.memory_space<vmem>> -> memref<1x128xi32, #tpu.memory_space<vmem>>
        %dma_start3A_531 = tpu.memref_squeeze %dma_start3A_530 : memref<1x128xi32, #tpu.memory_space<vmem>> -> memref<128xi32, #tpu.memory_space<vmem>>
        %dma_start3A_532 = arith.constant 0 : i32
        %dma_start3A_533 = tpu.memref_slice %arg2[%add3A_519, %run_scoped3A_520, %dma_start3A_532] : memref<2500x2x128xi32, #tpu.memory_space<hbm>> -> memref<1x1x128xi32, #tpu.memory_space<hbm>>
        %dma_start3A_534 = tpu.memref_squeeze %dma_start3A_533 : memref<1x1x128xi32, #tpu.memory_space<hbm>> -> memref<128xi32, #tpu.memory_space<hbm>>
        tpu.enqueue_dma source(%dma_start3A_534 : memref<128xi32, #tpu.memory_space<hbm>>) target(%dma_start3A_531 : memref<128xi32, #tpu.memory_space<vmem>>) target_semaphore(%run_scoped3A_522 : memref<!tpu.dma_semaphore, #tpu.memory_space<semaphore_mem>>)
        %dma_wait3A_535 = arith.constant 0 : i32
        %dma_wait3A_536 = tpu.memref_slice %arg6[%run_scoped3A_521, %dma_wait3A_535] : memref<79x128xi32, #tpu.memory_space<vmem>> -> memref<1x128xi32, #tpu.memory_space<vmem>>
        %dma_wait3A_537 = tpu.memref_squeeze %dma_wait3A_536 : memref<1x128xi32, #tpu.memory_space<vmem>> -> memref<128xi32, #tpu.memory_space<vmem>>
        %dma_wait3A_538 = arith.constant 0 : i32
        %dma_wait3A_539 = tpu.memref_slice %arg2[%add3A_519, %run_scoped3A_520, %dma_wait3A_538] : memref<2500x2x128xi32, #tpu.memory_space<hbm>> -> memref<1x1x128xi32, #tpu.memory_space<hbm>>
        %dma_wait3A_540 = tpu.memref_squeeze %dma_wait3A_539 : memref<1x1x128xi32, #tpu.memory_space<hbm>> -> memref<128xi32, #tpu.memory_space<hbm>>
        %dma_wait3A_541 = arith.constant 0 : i32
        %dma_wait3A_542 = tpu.memref_slice %arg6[%run_scoped3A_521, %dma_wait3A_541] : memref<79x128xi32, #tpu.memory_space<vmem>> -> memref<1x128xi32, #tpu.memory_space<vmem>>
        %dma_wait3A_543 = tpu.memref_squeeze %dma_wait3A_542 : memref<1x128xi32, #tpu.memory_space<vmem>> -> memref<128xi32, #tpu.memory_space<vmem>>
        %dma_wait3A_544 = arith.constant 0 : i32
        %dma_wait3A_545 = tpu.memref_slice %arg2[%add3A_519, %run_scoped3A_520, %dma_wait3A_544] : memref<2500x2x128xi32, #tpu.memory_space<hbm>> -> memref<1x1x128xi32, #tpu.memory_space<hbm>>
        %dma_wait3A_546 = tpu.memref_squeeze %dma_wait3A_545 : memref<1x1x128xi32, #tpu.memory_space<hbm>> -> memref<128xi32, #tpu.memory_space<hbm>>
        tpu.wait_dma2 semaphore(%run_scoped3A_522 : memref<!tpu.dma_semaphore, #tpu.memory_space<semaphore_mem>>) src(%dma_wait3A_546 : memref<128xi32, #tpu.memory_space<hbm>>) dst(%dma_wait3A_543 : memref<128xi32, #tpu.memory_space<vmem>>)
        tpu.yield
      }) : () -> ()
    } else {
    }
    %barrier3A = arith.constant 0 : index
    tpu.barrier barrier_id(%barrier3A)
    %dma_start3A = arith.constant 0 : i32
    %dma_start3A_32 = arith.constant 0 : i32
    %dma_start3A_33 = arith.constant 0 : i32
    %dma_start3A_34 = arith.constant 0 : i32
    %dma_start3A_35 = arith.constant 0 : i32
    %dma_start3A_36 = tpu.memref_slice %arg7[%dma_start3A_32, %dma_start3A_33, %dma_start3A_34, %dma_start3A_35] : memref<2x6x128x64xbf16, #tpu.memory_space<vmem>> -> memref<1x1x128x64xbf16, #tpu.memory_space<vmem>>
    %dma_start3A_37 = tpu.memref_squeeze %dma_start3A_36 : memref<1x1x128x64xbf16, #tpu.memory_space<vmem>> -> memref<128x64xbf16, #tpu.memory_space<vmem>>
    %dma_start3A_38 = arith.constant 0 : i32
    %dma_start3A_39 = tpu.memref_slice %arg6[%dma_start3A, %dma_start3A_38] : memref<79x128xi32, #tpu.memory_space<vmem>> -> memref<1x128xi32, #tpu.memory_space<vmem>>
    %dma_start3A_40 = tpu.memref_squeeze %dma_start3A_39 : memref<1x128xi32, #tpu.memory_space<vmem>> -> memref<128xi32, #tpu.memory_space<vmem>>
    %dma_start3A_41 = arith.constant 0 : i32
    %dma_start3A_42 = arith.constant 0 : i32
    %dma_start3A_43 = tpu.memref_slice %arg3[%dma_start3A_41, %dma_start3A_42] : memref<10000x64xbf16, #tpu.memory_space<hbm>> -> memref<10000x64xbf16, #tpu.memory_space<hbm>>
    tpu.enqueue_indirect_dma source(%dma_start3A_43 : memref<10000x64xbf16, #tpu.memory_space<hbm>>) target(%dma_start3A_37 : memref<128x64xbf16, #tpu.memory_space<vmem>>) offsets(%dma_start3A_40 : memref<128xi32, #tpu.memory_space<vmem>>) semaphore(%arg10 : memref<!tpu.dma_semaphore, #tpu.memory_space<semaphore_mem>>)
    %dma_start3A_44 = arith.constant 1 : i32
    %dma_start3A_45 = arith.constant 0 : i32
    %dma_start3A_46 = arith.constant 1 : i32
    %dma_start3A_47 = arith.constant 0 : i32
    %dma_start3A_48 = arith.constant 0 : i32
    %dma_start3A_49 = tpu.memref_slice %arg7[%dma_start3A_45, %dma_start3A_46, %dma_start3A_47, %dma_start3A_48] : memref<2x6x128x64xbf16, #tpu.memory_space<vmem>> -> memref<1x1x128x64xbf16, #tpu.memory_space<vmem>>
    %dma_start3A_50 = tpu.memref_squeeze %dma_start3A_49 : memref<1x1x128x64xbf16, #tpu.memory_space<vmem>> -> memref<128x64xbf16, #tpu.memory_space<vmem>>
    %dma_start3A_51 = arith.constant 0 : i32
    %dma_start3A_52 = tpu.memref_slice %arg6[%dma_start3A_44, %dma_start3A_51] : memref<79x128xi32, #tpu.memory_space<vmem>> -> memref<1x128xi32, #tpu.memory_space<vmem>>
    %dma_start3A_53 = tpu.memref_squeeze %dma_start3A_52 : memref<1x128xi32, #tpu.memory_space<vmem>> -> memref<128xi32, #tpu.memory_space<vmem>>
    %dma_start3A_54 = arith.constant 0 : i32
    %dma_start3A_55 = arith.constant 0 : i32
    %dma_start3A_56 = tpu.memref_slice %arg3[%dma_start3A_54, %dma_start3A_55] : memref<10000x64xbf16, #tpu.memory_space<hbm>> -> memref<10000x64xbf16, #tpu.memory_space<hbm>>
    tpu.enqueue_indirect_dma source(%dma_start3A_56 : memref<10000x64xbf16, #tpu.memory_space<hbm>>) target(%dma_start3A_50 : memref<128x64xbf16, #tpu.memory_space<vmem>>) offsets(%dma_start3A_53 : memref<128xi32, #tpu.memory_space<vmem>>) semaphore(%arg10 : memref<!tpu.dma_semaphore, #tpu.memory_space<semaphore_mem>>)
    %dma_start3A_57 = arith.constant 2 : i32
    %dma_start3A_58 = arith.constant 0 : i32
    %dma_start3A_59 = arith.constant 2 : i32
    %dma_start3A_60 = arith.constant 0 : i32
    %dma_start3A_61 = arith.constant 0 : i32
    %dma_start3A_62 = tpu.memref_slice %arg7[%dma_start3A_58, %dma_start3A_59, %dma_start3A_60, %dma_start3A_61] : memref<2x6x128x64xbf16, #tpu.memory_space<vmem>> -> memref<1x1x128x64xbf16, #tpu.memory_space<vmem>>
    %dma_start3A_63 = tpu.memref_squeeze %dma_start3A_62 : memref<1x1x128x64xbf16, #tpu.memory_space<vmem>> -> memref<128x64xbf16, #tpu.memory_space<vmem>>
    %dma_start3A_64 = arith.constant 0 : i32
    %dma_start3A_65 = tpu.memref_slice %arg6[%dma_start3A_57, %dma_start3A_64] : memref<79x128xi32, #tpu.memory_space<vmem>> -> memref<1x128xi32, #tpu.memory_space<vmem>>
    %dma_start3A_66 = tpu.memref_squeeze %dma_start3A_65 : memref<1x128xi32, #tpu.memory_space<vmem>> -> memref<128xi32, #tpu.memory_space<vmem>>
    %dma_start3A_67 = arith.constant 0 : i32
    %dma_start3A_68 = arith.constant 0 : i32
    %dma_start3A_69 = tpu.memref_slice %arg3[%dma_start3A_67, %dma_start3A_68] : memref<10000x64xbf16, #tpu.memory_space<hbm>> -> memref<10000x64xbf16, #tpu.memory_space<hbm>>
    tpu.enqueue_indirect_dma source(%dma_start3A_69 : memref<10000x64xbf16, #tpu.memory_space<hbm>>) target(%dma_start3A_63 : memref<128x64xbf16, #tpu.memory_space<vmem>>) offsets(%dma_start3A_66 : memref<128xi32, #tpu.memory_space<vmem>>) semaphore(%arg10 : memref<!tpu.dma_semaphore, #tpu.memory_space<semaphore_mem>>)
    %dma_start3A_70 = arith.constant 3 : i32
    %dma_start3A_71 = arith.constant 0 : i32
    %dma_start3A_72 = arith.constant 3 : i32
    %dma_start3A_73 = arith.constant 0 : i32
    %dma_start3A_74 = arith.constant 0 : i32
    %dma_start3A_75 = tpu.memref_slice %arg7[%dma_start3A_71, %dma_start3A_72, %dma_start3A_73, %dma_start3A_74] : memref<2x6x128x64xbf16, #tpu.memory_space<vmem>> -> memref<1x1x128x64xbf16, #tpu.memory_space<vmem>>
    %dma_start3A_76 = tpu.memref_squeeze %dma_start3A_75 : memref<1x1x128x64xbf16, #tpu.memory_space<vmem>> -> memref<128x64xbf16, #tpu.memory_space<vmem>>
    %dma_start3A_77 = arith.constant 0 : i32
    %dma_start3A_78 = tpu.memref_slice %arg6[%dma_start3A_70, %dma_start3A_77] : memref<79x128xi32, #tpu.memory_space<vmem>> -> memref<1x128xi32, #tpu.memory_space<vmem>>
    %dma_start3A_79 = tpu.memref_squeeze %dma_start3A_78 : memref<1x128xi32, #tpu.memory_space<vmem>> -> memref<128xi32, #tpu.memory_space<vmem>>
    %dma_start3A_80 = arith.constant 0 : i32
    %dma_start3A_81 = arith.constant 0 : i32
    %dma_start3A_82 = tpu.memref_slice %arg3[%dma_start3A_80, %dma_start3A_81] : memref<10000x64xbf16, #tpu.memory_space<hbm>> -> memref<10000x64xbf16, #tpu.memory_space<hbm>>
    tpu.enqueue_indirect_dma source(%dma_start3A_82 : memref<10000x64xbf16, #tpu.memory_space<hbm>>) target(%dma_start3A_76 : memref<128x64xbf16, #tpu.memory_space<vmem>>) offsets(%dma_start3A_79 : memref<128xi32, #tpu.memory_space<vmem>>) semaphore(%arg10 : memref<!tpu.dma_semaphore, #tpu.memory_space<semaphore_mem>>)
    %dma_start3A_83 = arith.constant 4 : i32
    %dma_start3A_84 = arith.constant 0 : i32
    %dma_start3A_85 = arith.constant 4 : i32
    %dma_start3A_86 = arith.constant 0 : i32
    %dma_start3A_87 = arith.constant 0 : i32
    %dma_start3A_88 = tpu.memref_slice %arg7[%dma_start3A_84, %dma_start3A_85, %dma_start3A_86, %dma_start3A_87] : memref<2x6x128x64xbf16, #tpu.memory_space<vmem>> -> memref<1x1x128x64xbf16, #tpu.memory_space<vmem>>
    %dma_start3A_89 = tpu.memref_squeeze %dma_start3A_88 : memref<1x1x128x64xbf16, #tpu.memory_space<vmem>> -> memref<128x64xbf16, #tpu.memory_space<vmem>>
    %dma_start3A_90 = arith.constant 0 : i32
    %dma_start3A_91 = tpu.memref_slice %arg6[%dma_start3A_83, %dma_start3A_90] : memref<79x128xi32, #tpu.memory_space<vmem>> -> memref<1x128xi32, #tpu.memory_space<vmem>>
    %dma_start3A_92 = tpu.memref_squeeze %dma_start3A_91 : memref<1x128xi32, #tpu.memory_space<vmem>> -> memref<128xi32, #tpu.memory_space<vmem>>
    %dma_start3A_93 = arith.constant 0 : i32
    %dma_start3A_94 = arith.constant 0 : i32
    %dma_start3A_95 = tpu.memref_slice %arg3[%dma_start3A_93, %dma_start3A_94] : memref<10000x64xbf16, #tpu.memory_space<hbm>> -> memref<10000x64xbf16, #tpu.memory_space<hbm>>
    tpu.enqueue_indirect_dma source(%dma_start3A_95 : memref<10000x64xbf16, #tpu.memory_space<hbm>>) target(%dma_start3A_89 : memref<128x64xbf16, #tpu.memory_space<vmem>>) offsets(%dma_start3A_92 : memref<128xi32, #tpu.memory_space<vmem>>) semaphore(%arg10 : memref<!tpu.dma_semaphore, #tpu.memory_space<semaphore_mem>>)
    %dma_start3A_96 = arith.constant 5 : i32
    %dma_start3A_97 = arith.constant 0 : i32
    %dma_start3A_98 = arith.constant 5 : i32
    %dma_start3A_99 = arith.constant 0 : i32
    %dma_start3A_100 = arith.constant 0 : i32
    %dma_start3A_101 = tpu.memref_slice %arg7[%dma_start3A_97, %dma_start3A_98, %dma_start3A_99, %dma_start3A_100] : memref<2x6x128x64xbf16, #tpu.memory_space<vmem>> -> memref<1x1x128x64xbf16, #tpu.memory_space<vmem>>
    %dma_start3A_102 = tpu.memref_squeeze %dma_start3A_101 : memref<1x1x128x64xbf16, #tpu.memory_space<vmem>> -> memref<128x64xbf16, #tpu.memory_space<vmem>>
    %dma_start3A_103 = arith.constant 0 : i32
    %dma_start3A_104 = tpu.memref_slice %arg6[%dma_start3A_96, %dma_start3A_103] : memref<79x128xi32, #tpu.memory_space<vmem>> -> memref<1x128xi32, #tpu.memory_space<vmem>>
    %dma_start3A_105 = tpu.memref_squeeze %dma_start3A_104 : memref<1x128xi32, #tpu.memory_space<vmem>> -> memref<128xi32, #tpu.memory_space<vmem>>
    %dma_start3A_106 = arith.constant 0 : i32
    %dma_start3A_107 = arith.constant 0 : i32
    %dma_start3A_108 = tpu.memref_slice %arg3[%dma_start3A_106, %dma_start3A_107] : memref<10000x64xbf16, #tpu.memory_space<hbm>> -> memref<10000x64xbf16, #tpu.memory_space<hbm>>
    tpu.enqueue_indirect_dma source(%dma_start3A_108 : memref<10000x64xbf16, #tpu.memory_space<hbm>>) target(%dma_start3A_102 : memref<128x64xbf16, #tpu.memory_space<vmem>>) offsets(%dma_start3A_105 : memref<128xi32, #tpu.memory_space<vmem>>) semaphore(%arg10 : memref<!tpu.dma_semaphore, #tpu.memory_space<semaphore_mem>>)
    %scan3A_109 = arith.constant 0 : i32
    %scan3A_110 = arith.constant 0 : i32
    %scan3A_111 = arith.constant 6 : i32
    %scan3A_112 = arith.addi %scan3A_110, %scan3A_111 : i32
    %scan3A_113 = arith.constant 1 : i32
    scf.for %scan3A_514 = %scan3A_110 to %scan3A_112 step %scan3A_113  : i32 {
      %mul3A_515 = arith.constant 2 : i32
      %mul3A_516 = arith.muli %mul3A_515, %scan3A_514 : i32
      %mul3A_517 = arith.constant 2 : i32
      %mul3A_518 = arith.muli %mul3A_517, %scan3A_514 : i32
      %add3A_519 = arith.constant 1 : i32
      %add3A_520 = arith.addi %mul3A_518, %add3A_519 : i32
      %mul3A_521 = arith.constant 6 : i32
      %mul3A_522 = arith.muli %mul3A_516, %mul3A_521 : i32
      %add3A_523 = arith.constant 0 : i32
      %add3A_524 = arith.addi %mul3A_522, %add3A_523 : i32
      %dma_wait3A_525 = arith.constant 0 : i32
      %dma_wait3A_526 = arith.constant 0 : i32
      %dma_wait3A_527 = arith.constant 0 : i32
      %dma_wait3A_528 = arith.constant 0 : i32
      %dma_wait3A_529 = tpu.memref_slice %arg7[%dma_wait3A_525, %dma_wait3A_526, %dma_wait3A_527, %dma_wait3A_528] : memref<2x6x128x64xbf16, #tpu.memory_space<vmem>> -> memref<1x1x128x64xbf16, #tpu.memory_space<vmem>>
      %dma_wait3A_530 = tpu.memref_squeeze %dma_wait3A_529 : memref<1x1x128x64xbf16, #tpu.memory_space<vmem>> -> memref<128x64xbf16, #tpu.memory_space<vmem>>
      %dma_wait3A_531 = arith.constant 0 : i32
      %dma_wait3A_532 = tpu.memref_slice %arg6[%add3A_524, %dma_wait3A_531] : memref<79x128xi32, #tpu.memory_space<vmem>> -> memref<1x128xi32, #tpu.memory_space<vmem>>
      %dma_wait3A_533 = tpu.memref_squeeze %dma_wait3A_532 : memref<1x128xi32, #tpu.memory_space<vmem>> -> memref<128xi32, #tpu.memory_space<vmem>>
      %dma_wait3A_534 = arith.constant 0 : i32
      %dma_wait3A_535 = arith.constant 0 : i32
      %dma_wait3A_536 = tpu.memref_slice %arg3[%dma_wait3A_534, %dma_wait3A_535] : memref<10000x64xbf16, #tpu.memory_space<hbm>> -> memref<10000x64xbf16, #tpu.memory_space<hbm>>
      tpu.wait_indirect_dma semaphore(%arg10 : memref<!tpu.dma_semaphore, #tpu.memory_space<semaphore_mem>>) src(%dma_wait3A_536 : memref<10000x64xbf16, #tpu.memory_space<hbm>>) dst(%dma_wait3A_530 : memref<128x64xbf16, #tpu.memory_space<vmem>>)
      %mul3A_537 = arith.constant 6 : i32
      %mul3A_538 = arith.muli %mul3A_516, %mul3A_537 : i32
      %add3A_539 = arith.constant 1 : i32
      %add3A_540 = arith.addi %mul3A_538, %add3A_539 : i32
      %dma_wait3A_541 = arith.constant 0 : i32
      %dma_wait3A_542 = arith.constant 1 : i32
      %dma_wait3A_543 = arith.constant 0 : i32
      %dma_wait3A_544 = arith.constant 0 : i32
      %dma_wait3A_545 = tpu.memref_slice %arg7[%dma_wait3A_541, %dma_wait3A_542, %dma_wait3A_543, %dma_wait3A_544] : memref<2x6x128x64xbf16, #tpu.memory_space<vmem>> -> memref<1x1x128x64xbf16, #tpu.memory_space<vmem>>
      %dma_wait3A_546 = tpu.memref_squeeze %dma_wait3A_545 : memref<1x1x128x64xbf16, #tpu.memory_space<vmem>> -> memref<128x64xbf16, #tpu.memory_space<vmem>>
      %dma_wait3A_547 = arith.constant 0 : i32
      %dma_wait3A_548 = tpu.memref_slice %arg6[%add3A_540, %dma_wait3A_547] : memref<79x128xi32, #tpu.memory_space<vmem>> -> memref<1x128xi32, #tpu.memory_space<vmem>>
      %dma_wait3A_549 = tpu.memref_squeeze %dma_wait3A_548 : memref<1x128xi32, #tpu.memory_space<vmem>> -> memref<128xi32, #tpu.memory_space<vmem>>
      %dma_wait3A_550 = arith.constant 0 : i32
      %dma_wait3A_551 = arith.constant 0 : i32
      %dma_wait3A_552 = tpu.memref_slice %arg3[%dma_wait3A_550, %dma_wait3A_551] : memref<10000x64xbf16, #tpu.memory_space<hbm>> -> memref<10000x64xbf16, #tpu.memory_space<hbm>>
      tpu.wait_indirect_dma semaphore(%arg10 : memref<!tpu.dma_semaphore, #tpu.memory_space<semaphore_mem>>) src(%dma_wait3A_552 : memref<10000x64xbf16, #tpu.memory_space<hbm>>) dst(%dma_wait3A_546 : memref<128x64xbf16, #tpu.memory_space<vmem>>)
      %mul3A_553 = arith.constant 6 : i32
      %mul3A_554 = arith.muli %mul3A_516, %mul3A_553 : i32
      %add3A_555 = arith.constant 2 : i32
      %add3A_556 = arith.addi %mul3A_554, %add3A_555 : i32
      %dma_wait3A_557 = arith.constant 0 : i32
      %dma_wait3A_558 = arith.constant 2 : i32
      %dma_wait3A_559 = arith.constant 0 : i32
      %dma_wait3A_560 = arith.constant 0 : i32
      %dma_wait3A_561 = tpu.memref_slice %arg7[%dma_wait3A_557, %dma_wait3A_558, %dma_wait3A_559, %dma_wait3A_560] : memref<2x6x128x64xbf16, #tpu.memory_space<vmem>> -> memref<1x1x128x64xbf16, #tpu.memory_space<vmem>>
      %dma_wait3A_562 = tpu.memref_squeeze %dma_wait3A_561 : memref<1x1x128x64xbf16, #tpu.memory_space<vmem>> -> memref<128x64xbf16, #tpu.memory_space<vmem>>
      %dma_wait3A_563 = arith.constant 0 : i32
      %dma_wait3A_564 = tpu.memref_slice %arg6[%add3A_556, %dma_wait3A_563] : memref<79x128xi32, #tpu.memory_space<vmem>> -> memref<1x128xi32, #tpu.memory_space<vmem>>
      %dma_wait3A_565 = tpu.memref_squeeze %dma_wait3A_564 : memref<1x128xi32, #tpu.memory_space<vmem>> -> memref<128xi32, #tpu.memory_space<vmem>>
      %dma_wait3A_566 = arith.constant 0 : i32
      %dma_wait3A_567 = arith.constant 0 : i32
      %dma_wait3A_568 = tpu.memref_slice %arg3[%dma_wait3A_566, %dma_wait3A_567] : memref<10000x64xbf16, #tpu.memory_space<hbm>> -> memref<10000x64xbf16, #tpu.memory_space<hbm>>
      tpu.wait_indirect_dma semaphore(%arg10 : memref<!tpu.dma_semaphore, #tpu.memory_space<semaphore_mem>>) src(%dma_wait3A_568 : memref<10000x64xbf16, #tpu.memory_space<hbm>>) dst(%dma_wait3A_562 : memref<128x64xbf16, #tpu.memory_space<vmem>>)
      %mul3A_569 = arith.constant 6 : i32
      %mul3A_570 = arith.muli %mul3A_516, %mul3A_569 : i32
      %add3A_571 = arith.constant 3 : i32
      %add3A_572 = arith.addi %mul3A_570, %add3A_571 : i32
      %dma_wait3A_573 = arith.constant 0 : i32
      %dma_wait3A_574 = arith.constant 3 : i32
      %dma_wait3A_575 = arith.constant 0 : i32
      %dma_wait3A_576 = arith.constant 0 : i32
      %dma_wait3A_577 = tpu.memref_slice %arg7[%dma_wait3A_573, %dma_wait3A_574, %dma_wait3A_575, %dma_wait3A_576] : memref<2x6x128x64xbf16, #tpu.memory_space<vmem>> -> memref<1x1x128x64xbf16, #tpu.memory_space<vmem>>
      %dma_wait3A_578 = tpu.memref_squeeze %dma_wait3A_577 : memref<1x1x128x64xbf16, #tpu.memory_space<vmem>> -> memref<128x64xbf16, #tpu.memory_space<vmem>>
      %dma_wait3A_579 = arith.constant 0 : i32
      %dma_wait3A_580 = tpu.memref_slice %arg6[%add3A_572, %dma_wait3A_579] : memref<79x128xi32, #tpu.memory_space<vmem>> -> memref<1x128xi32, #tpu.memory_space<vmem>>
      %dma_wait3A_581 = tpu.memref_squeeze %dma_wait3A_580 : memref<1x128xi32, #tpu.memory_space<vmem>> -> memref<128xi32, #tpu.memory_space<vmem>>
      %dma_wait3A_582 = arith.constant 0 : i32
      %dma_wait3A_583 = arith.constant 0 : i32
      %dma_wait3A_584 = tpu.memref_slice %arg3[%dma_wait3A_582, %dma_wait3A_583] : memref<10000x64xbf16, #tpu.memory_space<hbm>> -> memref<10000x64xbf16, #tpu.memory_space<hbm>>
      tpu.wait_indirect_dma semaphore(%arg10 : memref<!tpu.dma_semaphore, #tpu.memory_space<semaphore_mem>>) src(%dma_wait3A_584 : memref<10000x64xbf16, #tpu.memory_space<hbm>>) dst(%dma_wait3A_578 : memref<128x64xbf16, #tpu.memory_space<vmem>>)
      %mul3A_585 = arith.constant 6 : i32
      %mul3A_586 = arith.muli %mul3A_516, %mul3A_585 : i32
      %add3A_587 = arith.constant 4 : i32
      %add3A_588 = arith.addi %mul3A_586, %add3A_587 : i32
      %dma_wait3A_589 = arith.constant 0 : i32
      %dma_wait3A_590 = arith.constant 4 : i32
      %dma_wait3A_591 = arith.constant 0 : i32
      %dma_wait3A_592 = arith.constant 0 : i32
      %dma_wait3A_593 = tpu.memref_slice %arg7[%dma_wait3A_589, %dma_wait3A_590, %dma_wait3A_591, %dma_wait3A_592] : memref<2x6x128x64xbf16, #tpu.memory_space<vmem>> -> memref<1x1x128x64xbf16, #tpu.memory_space<vmem>>
      %dma_wait3A_594 = tpu.memref_squeeze %dma_wait3A_593 : memref<1x1x128x64xbf16, #tpu.memory_space<vmem>> -> memref<128x64xbf16, #tpu.memory_space<vmem>>
      %dma_wait3A_595 = arith.constant 0 : i32
      %dma_wait3A_596 = tpu.memref_slice %arg6[%add3A_588, %dma_wait3A_595] : memref<79x128xi32, #tpu.memory_space<vmem>> -> memref<1x128xi32, #tpu.memory_space<vmem>>
      %dma_wait3A_597 = tpu.memref_squeeze %dma_wait3A_596 : memref<1x128xi32, #tpu.memory_space<vmem>> -> memref<128xi32, #tpu.memory_space<vmem>>
      %dma_wait3A_598 = arith.constant 0 : i32
      %dma_wait3A_599 = arith.constant 0 : i32
      %dma_wait3A_600 = tpu.memref_slice %arg3[%dma_wait3A_598, %dma_wait3A_599] : memref<10000x64xbf16, #tpu.memory_space<hbm>> -> memref<10000x64xbf16, #tpu.memory_space<hbm>>
      tpu.wait_indirect_dma semaphore(%arg10 : memref<!tpu.dma_semaphore, #tpu.memory_space<semaphore_mem>>) src(%dma_wait3A_600 : memref<10000x64xbf16, #tpu.memory_space<hbm>>) dst(%dma_wait3A_594 : memref<128x64xbf16, #tpu.memory_space<vmem>>)
      %mul3A_601 = arith.constant 6 : i32
      %mul3A_602 = arith.muli %mul3A_516, %mul3A_601 : i32
      %add3A_603 = arith.constant 5 : i32
      %add3A_604 = arith.addi %mul3A_602, %add3A_603 : i32
      %dma_wait3A_605 = arith.constant 0 : i32
      %dma_wait3A_606 = arith.constant 5 : i32
      %dma_wait3A_607 = arith.constant 0 : i32
      %dma_wait3A_608 = arith.constant 0 : i32
      %dma_wait3A_609 = tpu.memref_slice %arg7[%dma_wait3A_605, %dma_wait3A_606, %dma_wait3A_607, %dma_wait3A_608] : memref<2x6x128x64xbf16, #tpu.memory_space<vmem>> -> memref<1x1x128x64xbf16, #tpu.memory_space<vmem>>
      %dma_wait3A_610 = tpu.memref_squeeze %dma_wait3A_609 : memref<1x1x128x64xbf16, #tpu.memory_space<vmem>> -> memref<128x64xbf16, #tpu.memory_space<vmem>>
      %dma_wait3A_611 = arith.constant 0 : i32
      %dma_wait3A_612 = tpu.memref_slice %arg6[%add3A_604, %dma_wait3A_611] : memref<79x128xi32, #tpu.memory_space<vmem>> -> memref<1x128xi32, #tpu.memory_space<vmem>>
      %dma_wait3A_613 = tpu.memref_squeeze %dma_wait3A_612 : memref<1x128xi32, #tpu.memory_space<vmem>> -> memref<128xi32, #tpu.memory_space<vmem>>
      %dma_wait3A_614 = arith.constant 0 : i32
      %dma_wait3A_615 = arith.constant 0 : i32
      %dma_wait3A_616 = tpu.memref_slice %arg3[%dma_wait3A_614, %dma_wait3A_615] : memref<10000x64xbf16, #tpu.memory_space<hbm>> -> memref<10000x64xbf16, #tpu.memory_space<hbm>>
      tpu.wait_indirect_dma semaphore(%arg10 : memref<!tpu.dma_semaphore, #tpu.memory_space<semaphore_mem>>) src(%dma_wait3A_616 : memref<10000x64xbf16, #tpu.memory_space<hbm>>) dst(%dma_wait3A_610 : memref<128x64xbf16, #tpu.memory_space<vmem>>)
      %mul3A_617 = arith.constant 6 : i32
      %mul3A_618 = arith.muli %mul3A_516, %mul3A_617 : i32
      %add3A_619 = arith.constant 0 : i32
      %add3A_620 = arith.addi %mul3A_618, %add3A_619 : i32
      %dma_start3A_621 = arith.constant 0 : i32
      %dma_start3A_622 = arith.constant 0 : i32
      %dma_start3A_623 = arith.constant 0 : i32
      %dma_start3A_624 = arith.constant 0 : i32
      %dma_start3A_625 = tpu.memref_slice %arg7[%dma_start3A_621, %dma_start3A_622, %dma_start3A_623, %dma_start3A_624] : memref<2x6x128x64xbf16, #tpu.memory_space<vmem>> -> memref<1x1x128x64xbf16, #tpu.memory_space<vmem>>
      %dma_start3A_626 = tpu.memref_squeeze %dma_start3A_625 : memref<1x1x128x64xbf16, #tpu.memory_space<vmem>> -> memref<128x64xbf16, #tpu.memory_space<vmem>>
      %dma_start3A_627 = arith.constant 0 : i32
      %dma_start3A_628 = tpu.memref_slice %arg5[%add3A_620, %dma_start3A_627] : memref<79x128xi32, #tpu.memory_space<vmem>> -> memref<1x128xi32, #tpu.memory_space<vmem>>
      %dma_start3A_629 = tpu.memref_squeeze %dma_start3A_628 : memref<1x128xi32, #tpu.memory_space<vmem>> -> memref<128xi32, #tpu.memory_space<vmem>>
      %dma_start3A_630 = arith.constant 0 : i32
      %dma_start3A_631 = arith.constant 0 : i32
      %dma_start3A_632 = tpu.memref_slice %arg9[%dma_start3A_630, %dma_start3A_631] : memref<10240x64xbf16, #tpu.memory_space<vmem_shared>> -> memref<10240x64xbf16, #tpu.memory_space<vmem_shared>>
      tpu.enqueue_indirect_dma source(%dma_start3A_626 : memref<128x64xbf16, #tpu.memory_space<vmem>>) target(%dma_start3A_632 : memref<10240x64xbf16, #tpu.memory_space<vmem_shared>>) offsets(%dma_start3A_629 : memref<128xi32, #tpu.memory_space<vmem>>) semaphore(%arg12 : memref<!tpu.dma_semaphore, #tpu.memory_space<semaphore_mem>>) {add = true}
      %mul3A_633 = arith.constant 6 : i32
      %mul3A_634 = arith.muli %mul3A_516, %mul3A_633 : i32
      %add3A_635 = arith.constant 1 : i32
      %add3A_636 = arith.addi %mul3A_634, %add3A_635 : i32
      %dma_start3A_637 = arith.constant 0 : i32
      %dma_start3A_638 = arith.constant 1 : i32
      %dma_start3A_639 = arith.constant 0 : i32
      %dma_start3A_640 = arith.constant 0 : i32
      %dma_start3A_641 = tpu.memref_slice %arg7[%dma_start3A_637, %dma_start3A_638, %dma_start3A_639, %dma_start3A_640] : memref<2x6x128x64xbf16, #tpu.memory_space<vmem>> -> memref<1x1x128x64xbf16, #tpu.memory_space<vmem>>
      %dma_start3A_642 = tpu.memref_squeeze %dma_start3A_641 : memref<1x1x128x64xbf16, #tpu.memory_space<vmem>> -> memref<128x64xbf16, #tpu.memory_space<vmem>>
      %dma_start3A_643 = arith.constant 0 : i32
      %dma_start3A_644 = tpu.memref_slice %arg5[%add3A_636, %dma_start3A_643] : memref<79x128xi32, #tpu.memory_space<vmem>> -> memref<1x128xi32, #tpu.memory_space<vmem>>
      %dma_start3A_645 = tpu.memref_squeeze %dma_start3A_644 : memref<1x128xi32, #tpu.memory_space<vmem>> -> memref<128xi32, #tpu.memory_space<vmem>>
      %dma_start3A_646 = arith.constant 0 : i32
      %dma_start3A_647 = arith.constant 0 : i32
      %dma_start3A_648 = tpu.memref_slice %arg9[%dma_start3A_646, %dma_start3A_647] : memref<10240x64xbf16, #tpu.memory_space<vmem_shared>> -> memref<10240x64xbf16, #tpu.memory_space<vmem_shared>>
      tpu.enqueue_indirect_dma source(%dma_start3A_642 : memref<128x64xbf16, #tpu.memory_space<vmem>>) target(%dma_start3A_648 : memref<10240x64xbf16, #tpu.memory_space<vmem_shared>>) offsets(%dma_start3A_645 : memref<128xi32, #tpu.memory_space<vmem>>) semaphore(%arg12 : memref<!tpu.dma_semaphore, #tpu.memory_space<semaphore_mem>>) {add = true}
      %mul3A_649 = arith.constant 6 : i32
      %mul3A_650 = arith.muli %mul3A_516, %mul3A_649 : i32
      %add3A_651 = arith.constant 2 : i32
      %add3A_652 = arith.addi %mul3A_650, %add3A_651 : i32
      %dma_start3A_653 = arith.constant 0 : i32
      %dma_start3A_654 = arith.constant 2 : i32
      %dma_start3A_655 = arith.constant 0 : i32
      %dma_start3A_656 = arith.constant 0 : i32
      %dma_start3A_657 = tpu.memref_slice %arg7[%dma_start3A_653, %dma_start3A_654, %dma_start3A_655, %dma_start3A_656] : memref<2x6x128x64xbf16, #tpu.memory_space<vmem>> -> memref<1x1x128x64xbf16, #tpu.memory_space<vmem>>
      %dma_start3A_658 = tpu.memref_squeeze %dma_start3A_657 : memref<1x1x128x64xbf16, #tpu.memory_space<vmem>> -> memref<128x64xbf16, #tpu.memory_space<vmem>>
      %dma_start3A_659 = arith.constant 0 : i32
      %dma_start3A_660 = tpu.memref_slice %arg5[%add3A_652, %dma_start3A_659] : memref<79x128xi32, #tpu.memory_space<vmem>> -> memref<1x128xi32, #tpu.memory_space<vmem>>
      %dma_start3A_661 = tpu.memref_squeeze %dma_start3A_660 : memref<1x128xi32, #tpu.memory_space<vmem>> -> memref<128xi32, #tpu.memory_space<vmem>>
      %dma_start3A_662 = arith.constant 0 : i32
      %dma_start3A_663 = arith.constant 0 : i32
      %dma_start3A_664 = tpu.memref_slice %arg9[%dma_start3A_662, %dma_start3A_663] : memref<10240x64xbf16, #tpu.memory_space<vmem_shared>> -> memref<10240x64xbf16, #tpu.memory_space<vmem_shared>>
      tpu.enqueue_indirect_dma source(%dma_start3A_658 : memref<128x64xbf16, #tpu.memory_space<vmem>>) target(%dma_start3A_664 : memref<10240x64xbf16, #tpu.memory_space<vmem_shared>>) offsets(%dma_start3A_661 : memref<128xi32, #tpu.memory_space<vmem>>) semaphore(%arg12 : memref<!tpu.dma_semaphore, #tpu.memory_space<semaphore_mem>>) {add = true}
      %mul3A_665 = arith.constant 6 : i32
      %mul3A_666 = arith.muli %mul3A_516, %mul3A_665 : i32
      %add3A_667 = arith.constant 3 : i32
      %add3A_668 = arith.addi %mul3A_666, %add3A_667 : i32
      %dma_start3A_669 = arith.constant 0 : i32
      %dma_start3A_670 = arith.constant 3 : i32
      %dma_start3A_671 = arith.constant 0 : i32
      %dma_start3A_672 = arith.constant 0 : i32
      %dma_start3A_673 = tpu.memref_slice %arg7[%dma_start3A_669, %dma_start3A_670, %dma_start3A_671, %dma_start3A_672] : memref<2x6x128x64xbf16, #tpu.memory_space<vmem>> -> memref<1x1x128x64xbf16, #tpu.memory_space<vmem>>
      %dma_start3A_674 = tpu.memref_squeeze %dma_start3A_673 : memref<1x1x128x64xbf16, #tpu.memory_space<vmem>> -> memref<128x64xbf16, #tpu.memory_space<vmem>>
      %dma_start3A_675 = arith.constant 0 : i32
      %dma_start3A_676 = tpu.memref_slice %arg5[%add3A_668, %dma_start3A_675] : memref<79x128xi32, #tpu.memory_space<vmem>> -> memref<1x128xi32, #tpu.memory_space<vmem>>
      %dma_start3A_677 = tpu.memref_squeeze %dma_start3A_676 : memref<1x128xi32, #tpu.memory_space<vmem>> -> memref<128xi32, #tpu.memory_space<vmem>>
      %dma_start3A_678 = arith.constant 0 : i32
      %dma_start3A_679 = arith.constant 0 : i32
      %dma_start3A_680 = tpu.memref_slice %arg9[%dma_start3A_678, %dma_start3A_679] : memref<10240x64xbf16, #tpu.memory_space<vmem_shared>> -> memref<10240x64xbf16, #tpu.memory_space<vmem_shared>>
      tpu.enqueue_indirect_dma source(%dma_start3A_674 : memref<128x64xbf16, #tpu.memory_space<vmem>>) target(%dma_start3A_680 : memref<10240x64xbf16, #tpu.memory_space<vmem_shared>>) offsets(%dma_start3A_677 : memref<128xi32, #tpu.memory_space<vmem>>) semaphore(%arg12 : memref<!tpu.dma_semaphore, #tpu.memory_space<semaphore_mem>>) {add = true}
      %mul3A_681 = arith.constant 6 : i32
      %mul3A_682 = arith.muli %mul3A_516, %mul3A_681 : i32
      %add3A_683 = arith.constant 4 : i32
      %add3A_684 = arith.addi %mul3A_682, %add3A_683 : i32
      %dma_start3A_685 = arith.constant 0 : i32
      %dma_start3A_686 = arith.constant 4 : i32
      %dma_start3A_687 = arith.constant 0 : i32
      %dma_start3A_688 = arith.constant 0 : i32
      %dma_start3A_689 = tpu.memref_slice %arg7[%dma_start3A_685, %dma_start3A_686, %dma_start3A_687, %dma_start3A_688] : memref<2x6x128x64xbf16, #tpu.memory_space<vmem>> -> memref<1x1x128x64xbf16, #tpu.memory_space<vmem>>
      %dma_start3A_690 = tpu.memref_squeeze %dma_start3A_689 : memref<1x1x128x64xbf16, #tpu.memory_space<vmem>> -> memref<128x64xbf16, #tpu.memory_space<vmem>>
      %dma_start3A_691 = arith.constant 0 : i32
      %dma_start3A_692 = tpu.memref_slice %arg5[%add3A_684, %dma_start3A_691] : memref<79x128xi32, #tpu.memory_space<vmem>> -> memref<1x128xi32, #tpu.memory_space<vmem>>
      %dma_start3A_693 = tpu.memref_squeeze %dma_start3A_692 : memref<1x128xi32, #tpu.memory_space<vmem>> -> memref<128xi32, #tpu.memory_space<vmem>>
      %dma_start3A_694 = arith.constant 0 : i32
      %dma_start3A_695 = arith.constant 0 : i32
      %dma_start3A_696 = tpu.memref_slice %arg9[%dma_start3A_694, %dma_start3A_695] : memref<10240x64xbf16, #tpu.memory_space<vmem_shared>> -> memref<10240x64xbf16, #tpu.memory_space<vmem_shared>>
      tpu.enqueue_indirect_dma source(%dma_start3A_690 : memref<128x64xbf16, #tpu.memory_space<vmem>>) target(%dma_start3A_696 : memref<10240x64xbf16, #tpu.memory_space<vmem_shared>>) offsets(%dma_start3A_693 : memref<128xi32, #tpu.memory_space<vmem>>) semaphore(%arg12 : memref<!tpu.dma_semaphore, #tpu.memory_space<semaphore_mem>>) {add = true}
      %mul3A_697 = arith.constant 6 : i32
      %mul3A_698 = arith.muli %mul3A_516, %mul3A_697 : i32
      %add3A_699 = arith.constant 5 : i32
      %add3A_700 = arith.addi %mul3A_698, %add3A_699 : i32
      %dma_start3A_701 = arith.constant 0 : i32
      %dma_start3A_702 = arith.constant 5 : i32
      %dma_start3A_703 = arith.constant 0 : i32
      %dma_start3A_704 = arith.constant 0 : i32
      %dma_start3A_705 = tpu.memref_slice %arg7[%dma_start3A_701, %dma_start3A_702, %dma_start3A_703, %dma_start3A_704] : memref<2x6x128x64xbf16, #tpu.memory_space<vmem>> -> memref<1x1x128x64xbf16, #tpu.memory_space<vmem>>
      %dma_start3A_706 = tpu.memref_squeeze %dma_start3A_705 : memref<1x1x128x64xbf16, #tpu.memory_space<vmem>> -> memref<128x64xbf16, #tpu.memory_space<vmem>>
      %dma_start3A_707 = arith.constant 0 : i32
      %dma_start3A_708 = tpu.memref_slice %arg5[%add3A_700, %dma_start3A_707] : memref<79x128xi32, #tpu.memory_space<vmem>> -> memref<1x128xi32, #tpu.memory_space<vmem>>
      %dma_start3A_709 = tpu.memref_squeeze %dma_start3A_708 : memref<1x128xi32, #tpu.memory_space<vmem>> -> memref<128xi32, #tpu.memory_space<vmem>>
      %dma_start3A_710 = arith.constant 0 : i32
      %dma_start3A_711 = arith.constant 0 : i32
      %dma_start3A_712 = tpu.memref_slice %arg9[%dma_start3A_710, %dma_start3A_711] : memref<10240x64xbf16, #tpu.memory_space<vmem_shared>> -> memref<10240x64xbf16, #tpu.memory_space<vmem_shared>>
      tpu.enqueue_indirect_dma source(%dma_start3A_706 : memref<128x64xbf16, #tpu.memory_space<vmem>>) target(%dma_start3A_712 : memref<10240x64xbf16, #tpu.memory_space<vmem_shared>>) offsets(%dma_start3A_709 : memref<128xi32, #tpu.memory_space<vmem>>) semaphore(%arg12 : memref<!tpu.dma_semaphore, #tpu.memory_space<semaphore_mem>>) {add = true}
      %gt3A = arith.constant 0 : i32
      %gt3A_713 = arith.cmpi sgt, %scan3A_514, %gt3A : i32
      %convert_element_type3A_714 = arith.extui %gt3A_713 : i1 to i32
      %cond3A_715 = arith.constant 0 : i32
      %cond3A_716 = arith.cmpi ne, %convert_element_type3A_714, %cond3A_715 : i32
      scf.if %cond3A_716 {
        %sub3A = arith.constant 2 : i32
        %sub3A_1106 = arith.subi %add3A_520, %sub3A : i32
        %mul3A_1107 = arith.constant 6 : i32
        %mul3A_1108 = arith.muli %sub3A_1106, %mul3A_1107 : i32
        %add3A_1109 = arith.constant 0 : i32
        %add3A_1110 = arith.addi %mul3A_1108, %add3A_1109 : i32
        %dma_wait3A_1111 = arith.constant 1 : i32
        %dma_wait3A_1112 = arith.constant 0 : i32
        %dma_wait3A_1113 = arith.constant 0 : i32
        %dma_wait3A_1114 = arith.constant 0 : i32
        %dma_wait3A_1115 = tpu.memref_slice %arg7[%dma_wait3A_1111, %dma_wait3A_1112, %dma_wait3A_1113, %dma_wait3A_1114] : memref<2x6x128x64xbf16, #tpu.memory_space<vmem>> -> memref<1x1x128x64xbf16, #tpu.memory_space<vmem>>
        %dma_wait3A_1116 = tpu.memref_squeeze %dma_wait3A_1115 : memref<1x1x128x64xbf16, #tpu.memory_space<vmem>> -> memref<128x64xbf16, #tpu.memory_space<vmem>>
        %dma_wait3A_1117 = arith.constant 0 : i32
        %dma_wait3A_1118 = tpu.memref_slice %arg5[%add3A_1110, %dma_wait3A_1117] : memref<79x128xi32, #tpu.memory_space<vmem>> -> memref<1x128xi32, #tpu.memory_space<vmem>>
        %dma_wait3A_1119 = tpu.memref_squeeze %dma_wait3A_1118 : memref<1x128xi32, #tpu.memory_space<vmem>> -> memref<128xi32, #tpu.memory_space<vmem>>
        %dma_wait3A_1120 = arith.constant 0 : i32
        %dma_wait3A_1121 = arith.constant 0 : i32
        %dma_wait3A_1122 = tpu.memref_slice %arg9[%dma_wait3A_1120, %dma_wait3A_1121] : memref<10240x64xbf16, #tpu.memory_space<vmem_shared>> -> memref<10240x64xbf16, #tpu.memory_space<vmem_shared>>
        tpu.wait_indirect_dma semaphore(%arg13 : memref<!tpu.dma_semaphore, #tpu.memory_space<semaphore_mem>>) src(%dma_wait3A_1116 : memref<128x64xbf16, #tpu.memory_space<vmem>>) dst(%dma_wait3A_1122 : memref<10240x64xbf16, #tpu.memory_space<vmem_shared>>)
        %mul3A_1123 = arith.constant 6 : i32
        %mul3A_1124 = arith.muli %sub3A_1106, %mul3A_1123 : i32
        %add3A_1125 = arith.constant 1 : i32
        %add3A_1126 = arith.addi %mul3A_1124, %add3A_1125 : i32
        %dma_wait3A_1127 = arith.constant 1 : i32
        %dma_wait3A_1128 = arith.constant 1 : i32
        %dma_wait3A_1129 = arith.constant 0 : i32
        %dma_wait3A_1130 = arith.constant 0 : i32
        %dma_wait3A_1131 = tpu.memref_slice %arg7[%dma_wait3A_1127, %dma_wait3A_1128, %dma_wait3A_1129, %dma_wait3A_1130] : memref<2x6x128x64xbf16, #tpu.memory_space<vmem>> -> memref<1x1x128x64xbf16, #tpu.memory_space<vmem>>
        %dma_wait3A_1132 = tpu.memref_squeeze %dma_wait3A_1131 : memref<1x1x128x64xbf16, #tpu.memory_space<vmem>> -> memref<128x64xbf16, #tpu.memory_space<vmem>>
        %dma_wait3A_1133 = arith.constant 0 : i32
        %dma_wait3A_1134 = tpu.memref_slice %arg5[%add3A_1126, %dma_wait3A_1133] : memref<79x128xi32, #tpu.memory_space<vmem>> -> memref<1x128xi32, #tpu.memory_space<vmem>>
        %dma_wait3A_1135 = tpu.memref_squeeze %dma_wait3A_1134 : memref<1x128xi32, #tpu.memory_space<vmem>> -> memref<128xi32, #tpu.memory_space<vmem>>
        %dma_wait3A_1136 = arith.constant 0 : i32
        %dma_wait3A_1137 = arith.constant 0 : i32
        %dma_wait3A_1138 = tpu.memref_slice %arg9[%dma_wait3A_1136, %dma_wait3A_1137] : memref<10240x64xbf16, #tpu.memory_space<vmem_shared>> -> memref<10240x64xbf16, #tpu.memory_space<vmem_shared>>
        tpu.wait_indirect_dma semaphore(%arg13 : memref<!tpu.dma_semaphore, #tpu.memory_space<semaphore_mem>>) src(%dma_wait3A_1132 : memref<128x64xbf16, #tpu.memory_space<vmem>>) dst(%dma_wait3A_1138 : memref<10240x64xbf16, #tpu.memory_space<vmem_shared>>)
        %mul3A_1139 = arith.constant 6 : i32
        %mul3A_1140 = arith.muli %sub3A_1106, %mul3A_1139 : i32
        %add3A_1141 = arith.constant 2 : i32
        %add3A_1142 = arith.addi %mul3A_1140, %add3A_1141 : i32
        %dma_wait3A_1143 = arith.constant 1 : i32
        %dma_wait3A_1144 = arith.constant 2 : i32
        %dma_wait3A_1145 = arith.constant 0 : i32
        %dma_wait3A_1146 = arith.constant 0 : i32
        %dma_wait3A_1147 = tpu.memref_slice %arg7[%dma_wait3A_1143, %dma_wait3A_1144, %dma_wait3A_1145, %dma_wait3A_1146] : memref<2x6x128x64xbf16, #tpu.memory_space<vmem>> -> memref<1x1x128x64xbf16, #tpu.memory_space<vmem>>
        %dma_wait3A_1148 = tpu.memref_squeeze %dma_wait3A_1147 : memref<1x1x128x64xbf16, #tpu.memory_space<vmem>> -> memref<128x64xbf16, #tpu.memory_space<vmem>>
        %dma_wait3A_1149 = arith.constant 0 : i32
        %dma_wait3A_1150 = tpu.memref_slice %arg5[%add3A_1142, %dma_wait3A_1149] : memref<79x128xi32, #tpu.memory_space<vmem>> -> memref<1x128xi32, #tpu.memory_space<vmem>>
        %dma_wait3A_1151 = tpu.memref_squeeze %dma_wait3A_1150 : memref<1x128xi32, #tpu.memory_space<vmem>> -> memref<128xi32, #tpu.memory_space<vmem>>
        %dma_wait3A_1152 = arith.constant 0 : i32
        %dma_wait3A_1153 = arith.constant 0 : i32
        %dma_wait3A_1154 = tpu.memref_slice %arg9[%dma_wait3A_1152, %dma_wait3A_1153] : memref<10240x64xbf16, #tpu.memory_space<vmem_shared>> -> memref<10240x64xbf16, #tpu.memory_space<vmem_shared>>
        tpu.wait_indirect_dma semaphore(%arg13 : memref<!tpu.dma_semaphore, #tpu.memory_space<semaphore_mem>>) src(%dma_wait3A_1148 : memref<128x64xbf16, #tpu.memory_space<vmem>>) dst(%dma_wait3A_1154 : memref<10240x64xbf16, #tpu.memory_space<vmem_shared>>)
        %mul3A_1155 = arith.constant 6 : i32
        %mul3A_1156 = arith.muli %sub3A_1106, %mul3A_1155 : i32
        %add3A_1157 = arith.constant 3 : i32
        %add3A_1158 = arith.addi %mul3A_1156, %add3A_1157 : i32
        %dma_wait3A_1159 = arith.constant 1 : i32
        %dma_wait3A_1160 = arith.constant 3 : i32
        %dma_wait3A_1161 = arith.constant 0 : i32
        %dma_wait3A_1162 = arith.constant 0 : i32
        %dma_wait3A_1163 = tpu.memref_slice %arg7[%dma_wait3A_1159, %dma_wait3A_1160, %dma_wait3A_1161, %dma_wait3A_1162] : memref<2x6x128x64xbf16, #tpu.memory_space<vmem>> -> memref<1x1x128x64xbf16, #tpu.memory_space<vmem>>
        %dma_wait3A_1164 = tpu.memref_squeeze %dma_wait3A_1163 : memref<1x1x128x64xbf16, #tpu.memory_space<vmem>> -> memref<128x64xbf16, #tpu.memory_space<vmem>>
        %dma_wait3A_1165 = arith.constant 0 : i32
        %dma_wait3A_1166 = tpu.memref_slice %arg5[%add3A_1158, %dma_wait3A_1165] : memref<79x128xi32, #tpu.memory_space<vmem>> -> memref<1x128xi32, #tpu.memory_space<vmem>>
        %dma_wait3A_1167 = tpu.memref_squeeze %dma_wait3A_1166 : memref<1x128xi32, #tpu.memory_space<vmem>> -> memref<128xi32, #tpu.memory_space<vmem>>
        %dma_wait3A_1168 = arith.constant 0 : i32
        %dma_wait3A_1169 = arith.constant 0 : i32
        %dma_wait3A_1170 = tpu.memref_slice %arg9[%dma_wait3A_1168, %dma_wait3A_1169] : memref<10240x64xbf16, #tpu.memory_space<vmem_shared>> -> memref<10240x64xbf16, #tpu.memory_space<vmem_shared>>
        tpu.wait_indirect_dma semaphore(%arg13 : memref<!tpu.dma_semaphore, #tpu.memory_space<semaphore_mem>>) src(%dma_wait3A_1164 : memref<128x64xbf16, #tpu.memory_space<vmem>>) dst(%dma_wait3A_1170 : memref<10240x64xbf16, #tpu.memory_space<vmem_shared>>)
        %mul3A_1171 = arith.constant 6 : i32
        %mul3A_1172 = arith.muli %sub3A_1106, %mul3A_1171 : i32
        %add3A_1173 = arith.constant 4 : i32
        %add3A_1174 = arith.addi %mul3A_1172, %add3A_1173 : i32
        %dma_wait3A_1175 = arith.constant 1 : i32
        %dma_wait3A_1176 = arith.constant 4 : i32
        %dma_wait3A_1177 = arith.constant 0 : i32
        %dma_wait3A_1178 = arith.constant 0 : i32
        %dma_wait3A_1179 = tpu.memref_slice %arg7[%dma_wait3A_1175, %dma_wait3A_1176, %dma_wait3A_1177, %dma_wait3A_1178] : memref<2x6x128x64xbf16, #tpu.memory_space<vmem>> -> memref<1x1x128x64xbf16, #tpu.memory_space<vmem>>
        %dma_wait3A_1180 = tpu.memref_squeeze %dma_wait3A_1179 : memref<1x1x128x64xbf16, #tpu.memory_space<vmem>> -> memref<128x64xbf16, #tpu.memory_space<vmem>>
        %dma_wait3A_1181 = arith.constant 0 : i32
        %dma_wait3A_1182 = tpu.memref_slice %arg5[%add3A_1174, %dma_wait3A_1181] : memref<79x128xi32, #tpu.memory_space<vmem>> -> memref<1x128xi32, #tpu.memory_space<vmem>>
        %dma_wait3A_1183 = tpu.memref_squeeze %dma_wait3A_1182 : memref<1x128xi32, #tpu.memory_space<vmem>> -> memref<128xi32, #tpu.memory_space<vmem>>
        %dma_wait3A_1184 = arith.constant 0 : i32
        %dma_wait3A_1185 = arith.constant 0 : i32
        %dma_wait3A_1186 = tpu.memref_slice %arg9[%dma_wait3A_1184, %dma_wait3A_1185] : memref<10240x64xbf16, #tpu.memory_space<vmem_shared>> -> memref<10240x64xbf16, #tpu.memory_space<vmem_shared>>
        tpu.wait_indirect_dma semaphore(%arg13 : memref<!tpu.dma_semaphore, #tpu.memory_space<semaphore_mem>>) src(%dma_wait3A_1180 : memref<128x64xbf16, #tpu.memory_space<vmem>>) dst(%dma_wait3A_1186 : memref<10240x64xbf16, #tpu.memory_space<vmem_shared>>)
        %mul3A_1187 = arith.constant 6 : i32
        %mul3A_1188 = arith.muli %sub3A_1106, %mul3A_1187 : i32
        %add3A_1189 = arith.constant 5 : i32
        %add3A_1190 = arith.addi %mul3A_1188, %add3A_1189 : i32
        %dma_wait3A_1191 = arith.constant 1 : i32
        %dma_wait3A_1192 = arith.constant 5 : i32
        %dma_wait3A_1193 = arith.constant 0 : i32
        %dma_wait3A_1194 = arith.constant 0 : i32
        %dma_wait3A_1195 = tpu.memref_slice %arg7[%dma_wait3A_1191, %dma_wait3A_1192, %dma_wait3A_1193, %dma_wait3A_1194] : memref<2x6x128x64xbf16, #tpu.memory_space<vmem>> -> memref<1x1x128x64xbf16, #tpu.memory_space<vmem>>
        %dma_wait3A_1196 = tpu.memref_squeeze %dma_wait3A_1195 : memref<1x1x128x64xbf16, #tpu.memory_space<vmem>> -> memref<128x64xbf16, #tpu.memory_space<vmem>>
        %dma_wait3A_1197 = arith.constant 0 : i32
        %dma_wait3A_1198 = tpu.memref_slice %arg5[%add3A_1190, %dma_wait3A_1197] : memref<79x128xi32, #tpu.memory_space<vmem>> -> memref<1x128xi32, #tpu.memory_space<vmem>>
        %dma_wait3A_1199 = tpu.memref_squeeze %dma_wait3A_1198 : memref<1x128xi32, #tpu.memory_space<vmem>> -> memref<128xi32, #tpu.memory_space<vmem>>
        %dma_wait3A_1200 = arith.constant 0 : i32
        %dma_wait3A_1201 = arith.constant 0 : i32
        %dma_wait3A_1202 = tpu.memref_slice %arg9[%dma_wait3A_1200, %dma_wait3A_1201] : memref<10240x64xbf16, #tpu.memory_space<vmem_shared>> -> memref<10240x64xbf16, #tpu.memory_space<vmem_shared>>
        tpu.wait_indirect_dma semaphore(%arg13 : memref<!tpu.dma_semaphore, #tpu.memory_space<semaphore_mem>>) src(%dma_wait3A_1196 : memref<128x64xbf16, #tpu.memory_space<vmem>>) dst(%dma_wait3A_1202 : memref<10240x64xbf16, #tpu.memory_space<vmem_shared>>)
      } else {
      }
      %mul3A_717 = arith.constant 6 : i32
      %mul3A_718 = arith.muli %add3A_520, %mul3A_717 : i32
      %add3A_719 = arith.constant 0 : i32
      %add3A_720 = arith.addi %mul3A_718, %add3A_719 : i32
      %dma_start3A_721 = arith.constant 1 : i32
      %dma_start3A_722 = arith.constant 0 : i32
      %dma_start3A_723 = arith.constant 0 : i32
      %dma_start3A_724 = arith.constant 0 : i32
      %dma_start3A_725 = tpu.memref_slice %arg7[%dma_start3A_721, %dma_start3A_722, %dma_start3A_723, %dma_start3A_724] : memref<2x6x128x64xbf16, #tpu.memory_space<vmem>> -> memref<1x1x128x64xbf16, #tpu.memory_space<vmem>>
      %dma_start3A_726 = tpu.memref_squeeze %dma_start3A_725 : memref<1x1x128x64xbf16, #tpu.memory_space<vmem>> -> memref<128x64xbf16, #tpu.memory_space<vmem>>
      %dma_start3A_727 = arith.constant 0 : i32
      %dma_start3A_728 = tpu.memref_slice %arg6[%add3A_720, %dma_start3A_727] : memref<79x128xi32, #tpu.memory_space<vmem>> -> memref<1x128xi32, #tpu.memory_space<vmem>>
      %dma_start3A_729 = tpu.memref_squeeze %dma_start3A_728 : memref<1x128xi32, #tpu.memory_space<vmem>> -> memref<128xi32, #tpu.memory_space<vmem>>
      %dma_start3A_730 = arith.constant 0 : i32
      %dma_start3A_731 = arith.constant 0 : i32
      %dma_start3A_732 = tpu.memref_slice %arg3[%dma_start3A_730, %dma_start3A_731] : memref<10000x64xbf16, #tpu.memory_space<hbm>> -> memref<10000x64xbf16, #tpu.memory_space<hbm>>
      tpu.enqueue_indirect_dma source(%dma_start3A_732 : memref<10000x64xbf16, #tpu.memory_space<hbm>>) target(%dma_start3A_726 : memref<128x64xbf16, #tpu.memory_space<vmem>>) offsets(%dma_start3A_729 : memref<128xi32, #tpu.memory_space<vmem>>) semaphore(%arg11 : memref<!tpu.dma_semaphore, #tpu.memory_space<semaphore_mem>>)
      %mul3A_733 = arith.constant 6 : i32
      %mul3A_734 = arith.muli %add3A_520, %mul3A_733 : i32
      %add3A_735 = arith.constant 1 : i32
      %add3A_736 = arith.addi %mul3A_734, %add3A_735 : i32
      %dma_start3A_737 = arith.constant 1 : i32
      %dma_start3A_738 = arith.constant 1 : i32
      %dma_start3A_739 = arith.constant 0 : i32
      %dma_start3A_740 = arith.constant 0 : i32
      %dma_start3A_741 = tpu.memref_slice %arg7[%dma_start3A_737, %dma_start3A_738, %dma_start3A_739, %dma_start3A_740] : memref<2x6x128x64xbf16, #tpu.memory_space<vmem>> -> memref<1x1x128x64xbf16, #tpu.memory_space<vmem>>
      %dma_start3A_742 = tpu.memref_squeeze %dma_start3A_741 : memref<1x1x128x64xbf16, #tpu.memory_space<vmem>> -> memref<128x64xbf16, #tpu.memory_space<vmem>>
      %dma_start3A_743 = arith.constant 0 : i32
      %dma_start3A_744 = tpu.memref_slice %arg6[%add3A_736, %dma_start3A_743] : memref<79x128xi32, #tpu.memory_space<vmem>> -> memref<1x128xi32, #tpu.memory_space<vmem>>
      %dma_start3A_745 = tpu.memref_squeeze %dma_start3A_744 : memref<1x128xi32, #tpu.memory_space<vmem>> -> memref<128xi32, #tpu.memory_space<vmem>>
      %dma_start3A_746 = arith.constant 0 : i32
      %dma_start3A_747 = arith.constant 0 : i32
      %dma_start3A_748 = tpu.memref_slice %arg3[%dma_start3A_746, %dma_start3A_747] : memref<10000x64xbf16, #tpu.memory_space<hbm>> -> memref<10000x64xbf16, #tpu.memory_space<hbm>>
      tpu.enqueue_indirect_dma source(%dma_start3A_748 : memref<10000x64xbf16, #tpu.memory_space<hbm>>) target(%dma_start3A_742 : memref<128x64xbf16, #tpu.memory_space<vmem>>) offsets(%dma_start3A_745 : memref<128xi32, #tpu.memory_space<vmem>>) semaphore(%arg11 : memref<!tpu.dma_semaphore, #tpu.memory_space<semaphore_mem>>)
      %mul3A_749 = arith.constant 6 : i32
      %mul3A_750 = arith.muli %add3A_520, %mul3A_749 : i32
      %add3A_751 = arith.constant 2 : i32
      %add3A_752 = arith.addi %mul3A_750, %add3A_751 : i32
      %dma_start3A_753 = arith.constant 1 : i32
      %dma_start3A_754 = arith.constant 2 : i32
      %dma_start3A_755 = arith.constant 0 : i32
      %dma_start3A_756 = arith.constant 0 : i32
      %dma_start3A_757 = tpu.memref_slice %arg7[%dma_start3A_753, %dma_start3A_754, %dma_start3A_755, %dma_start3A_756] : memref<2x6x128x64xbf16, #tpu.memory_space<vmem>> -> memref<1x1x128x64xbf16, #tpu.memory_space<vmem>>
      %dma_start3A_758 = tpu.memref_squeeze %dma_start3A_757 : memref<1x1x128x64xbf16, #tpu.memory_space<vmem>> -> memref<128x64xbf16, #tpu.memory_space<vmem>>
      %dma_start3A_759 = arith.constant 0 : i32
      %dma_start3A_760 = tpu.memref_slice %arg6[%add3A_752, %dma_start3A_759] : memref<79x128xi32, #tpu.memory_space<vmem>> -> memref<1x128xi32, #tpu.memory_space<vmem>>
      %dma_start3A_761 = tpu.memref_squeeze %dma_start3A_760 : memref<1x128xi32, #tpu.memory_space<vmem>> -> memref<128xi32, #tpu.memory_space<vmem>>
      %dma_start3A_762 = arith.constant 0 : i32
      %dma_start3A_763 = arith.constant 0 : i32
      %dma_start3A_764 = tpu.memref_slice %arg3[%dma_start3A_762, %dma_start3A_763] : memref<10000x64xbf16, #tpu.memory_space<hbm>> -> memref<10000x64xbf16, #tpu.memory_space<hbm>>
      tpu.enqueue_indirect_dma source(%dma_start3A_764 : memref<10000x64xbf16, #tpu.memory_space<hbm>>) target(%dma_start3A_758 : memref<128x64xbf16, #tpu.memory_space<vmem>>) offsets(%dma_start3A_761 : memref<128xi32, #tpu.memory_space<vmem>>) semaphore(%arg11 : memref<!tpu.dma_semaphore, #tpu.memory_space<semaphore_mem>>)
      %mul3A_765 = arith.constant 6 : i32
      %mul3A_766 = arith.muli %add3A_520, %mul3A_765 : i32
      %add3A_767 = arith.constant 3 : i32
      %add3A_768 = arith.addi %mul3A_766, %add3A_767 : i32
      %dma_start3A_769 = arith.constant 1 : i32
      %dma_start3A_770 = arith.constant 3 : i32
      %dma_start3A_771 = arith.constant 0 : i32
      %dma_start3A_772 = arith.constant 0 : i32
      %dma_start3A_773 = tpu.memref_slice %arg7[%dma_start3A_769, %dma_start3A_770, %dma_start3A_771, %dma_start3A_772] : memref<2x6x128x64xbf16, #tpu.memory_space<vmem>> -> memref<1x1x128x64xbf16, #tpu.memory_space<vmem>>
      %dma_start3A_774 = tpu.memref_squeeze %dma_start3A_773 : memref<1x1x128x64xbf16, #tpu.memory_space<vmem>> -> memref<128x64xbf16, #tpu.memory_space<vmem>>
      %dma_start3A_775 = arith.constant 0 : i32
      %dma_start3A_776 = tpu.memref_slice %arg6[%add3A_768, %dma_start3A_775] : memref<79x128xi32, #tpu.memory_space<vmem>> -> memref<1x128xi32, #tpu.memory_space<vmem>>
      %dma_start3A_777 = tpu.memref_squeeze %dma_start3A_776 : memref<1x128xi32, #tpu.memory_space<vmem>> -> memref<128xi32, #tpu.memory_space<vmem>>
      %dma_start3A_778 = arith.constant 0 : i32
      %dma_start3A_779 = arith.constant 0 : i32
      %dma_start3A_780 = tpu.memref_slice %arg3[%dma_start3A_778, %dma_start3A_779] : memref<10000x64xbf16, #tpu.memory_space<hbm>> -> memref<10000x64xbf16, #tpu.memory_space<hbm>>
      tpu.enqueue_indirect_dma source(%dma_start3A_780 : memref<10000x64xbf16, #tpu.memory_space<hbm>>) target(%dma_start3A_774 : memref<128x64xbf16, #tpu.memory_space<vmem>>) offsets(%dma_start3A_777 : memref<128xi32, #tpu.memory_space<vmem>>) semaphore(%arg11 : memref<!tpu.dma_semaphore, #tpu.memory_space<semaphore_mem>>)
      %mul3A_781 = arith.constant 6 : i32
      %mul3A_782 = arith.muli %add3A_520, %mul3A_781 : i32
      %add3A_783 = arith.constant 4 : i32
      %add3A_784 = arith.addi %mul3A_782, %add3A_783 : i32
      %dma_start3A_785 = arith.constant 1 : i32
      %dma_start3A_786 = arith.constant 4 : i32
      %dma_start3A_787 = arith.constant 0 : i32
      %dma_start3A_788 = arith.constant 0 : i32
      %dma_start3A_789 = tpu.memref_slice %arg7[%dma_start3A_785, %dma_start3A_786, %dma_start3A_787, %dma_start3A_788] : memref<2x6x128x64xbf16, #tpu.memory_space<vmem>> -> memref<1x1x128x64xbf16, #tpu.memory_space<vmem>>
      %dma_start3A_790 = tpu.memref_squeeze %dma_start3A_789 : memref<1x1x128x64xbf16, #tpu.memory_space<vmem>> -> memref<128x64xbf16, #tpu.memory_space<vmem>>
      %dma_start3A_791 = arith.constant 0 : i32
      %dma_start3A_792 = tpu.memref_slice %arg6[%add3A_784, %dma_start3A_791] : memref<79x128xi32, #tpu.memory_space<vmem>> -> memref<1x128xi32, #tpu.memory_space<vmem>>
      %dma_start3A_793 = tpu.memref_squeeze %dma_start3A_792 : memref<1x128xi32, #tpu.memory_space<vmem>> -> memref<128xi32, #tpu.memory_space<vmem>>
      %dma_start3A_794 = arith.constant 0 : i32
      %dma_start3A_795 = arith.constant 0 : i32
      %dma_start3A_796 = tpu.memref_slice %arg3[%dma_start3A_794, %dma_start3A_795] : memref<10000x64xbf16, #tpu.memory_space<hbm>> -> memref<10000x64xbf16, #tpu.memory_space<hbm>>
      tpu.enqueue_indirect_dma source(%dma_start3A_796 : memref<10000x64xbf16, #tpu.memory_space<hbm>>) target(%dma_start3A_790 : memref<128x64xbf16, #tpu.memory_space<vmem>>) offsets(%dma_start3A_793 : memref<128xi32, #tpu.memory_space<vmem>>) semaphore(%arg11 : memref<!tpu.dma_semaphore, #tpu.memory_space<semaphore_mem>>)
      %mul3A_797 = arith.constant 6 : i32
      %mul3A_798 = arith.muli %add3A_520, %mul3A_797 : i32
      %add3A_799 = arith.constant 5 : i32
      %add3A_800 = arith.addi %mul3A_798, %add3A_799 : i32
      %dma_start3A_801 = arith.constant 1 : i32
      %dma_start3A_802 = arith.constant 5 : i32
      %dma_start3A_803 = arith.constant 0 : i32
      %dma_start3A_804 = arith.constant 0 : i32
      %dma_start3A_805 = tpu.memref_slice %arg7[%dma_start3A_801, %dma_start3A_802, %dma_start3A_803, %dma_start3A_804] : memref<2x6x128x64xbf16, #tpu.memory_space<vmem>> -> memref<1x1x128x64xbf16, #tpu.memory_space<vmem>>
      %dma_start3A_806 = tpu.memref_squeeze %dma_start3A_805 : memref<1x1x128x64xbf16, #tpu.memory_space<vmem>> -> memref<128x64xbf16, #tpu.memory_space<vmem>>
      %dma_start3A_807 = arith.constant 0 : i32
      %dma_start3A_808 = tpu.memref_slice %arg6[%add3A_800, %dma_start3A_807] : memref<79x128xi32, #tpu.memory_space<vmem>> -> memref<1x128xi32, #tpu.memory_space<vmem>>
      %dma_start3A_809 = tpu.memref_squeeze %dma_start3A_808 : memref<1x128xi32, #tpu.memory_space<vmem>> -> memref<128xi32, #tpu.memory_space<vmem>>
      %dma_start3A_810 = arith.constant 0 : i32
      %dma_start3A_811 = arith.constant 0 : i32
      %dma_start3A_812 = tpu.memref_slice %arg3[%dma_start3A_810, %dma_start3A_811] : memref<10000x64xbf16, #tpu.memory_space<hbm>> -> memref<10000x64xbf16, #tpu.memory_space<hbm>>
      tpu.enqueue_indirect_dma source(%dma_start3A_812 : memref<10000x64xbf16, #tpu.memory_space<hbm>>) target(%dma_start3A_806 : memref<128x64xbf16, #tpu.memory_space<vmem>>) offsets(%dma_start3A_809 : memref<128xi32, #tpu.memory_space<vmem>>) semaphore(%arg11 : memref<!tpu.dma_semaphore, #tpu.memory_space<semaphore_mem>>)
      %mul3A_813 = arith.constant 6 : i32
      %mul3A_814 = arith.muli %add3A_520, %mul3A_813 : i32
      %add3A_815 = arith.constant 0 : i32
      %add3A_816 = arith.addi %mul3A_814, %add3A_815 : i32
      %dma_wait3A_817 = arith.constant 1 : i32
      %dma_wait3A_818 = arith.constant 0 : i32
      %dma_wait3A_819 = arith.constant 0 : i32
      %dma_wait3A_820 = arith.constant 0 : i32
      %dma_wait3A_821 = tpu.memref_slice %arg7[%dma_wait3A_817, %dma_wait3A_818, %dma_wait3A_819, %dma_wait3A_820] : memref<2x6x128x64xbf16, #tpu.memory_space<vmem>> -> memref<1x1x128x64xbf16, #tpu.memory_space<vmem>>
      %dma_wait3A_822 = tpu.memref_squeeze %dma_wait3A_821 : memref<1x1x128x64xbf16, #tpu.memory_space<vmem>> -> memref<128x64xbf16, #tpu.memory_space<vmem>>
      %dma_wait3A_823 = arith.constant 0 : i32
      %dma_wait3A_824 = tpu.memref_slice %arg6[%add3A_816, %dma_wait3A_823] : memref<79x128xi32, #tpu.memory_space<vmem>> -> memref<1x128xi32, #tpu.memory_space<vmem>>
      %dma_wait3A_825 = tpu.memref_squeeze %dma_wait3A_824 : memref<1x128xi32, #tpu.memory_space<vmem>> -> memref<128xi32, #tpu.memory_space<vmem>>
      %dma_wait3A_826 = arith.constant 0 : i32
      %dma_wait3A_827 = arith.constant 0 : i32
      %dma_wait3A_828 = tpu.memref_slice %arg3[%dma_wait3A_826, %dma_wait3A_827] : memref<10000x64xbf16, #tpu.memory_space<hbm>> -> memref<10000x64xbf16, #tpu.memory_space<hbm>>
      tpu.wait_indirect_dma semaphore(%arg11 : memref<!tpu.dma_semaphore, #tpu.memory_space<semaphore_mem>>) src(%dma_wait3A_828 : memref<10000x64xbf16, #tpu.memory_space<hbm>>) dst(%dma_wait3A_822 : memref<128x64xbf16, #tpu.memory_space<vmem>>)
      %mul3A_829 = arith.constant 6 : i32
      %mul3A_830 = arith.muli %add3A_520, %mul3A_829 : i32
      %add3A_831 = arith.constant 1 : i32
      %add3A_832 = arith.addi %mul3A_830, %add3A_831 : i32
      %dma_wait3A_833 = arith.constant 1 : i32
      %dma_wait3A_834 = arith.constant 1 : i32
      %dma_wait3A_835 = arith.constant 0 : i32
      %dma_wait3A_836 = arith.constant 0 : i32
      %dma_wait3A_837 = tpu.memref_slice %arg7[%dma_wait3A_833, %dma_wait3A_834, %dma_wait3A_835, %dma_wait3A_836] : memref<2x6x128x64xbf16, #tpu.memory_space<vmem>> -> memref<1x1x128x64xbf16, #tpu.memory_space<vmem>>
      %dma_wait3A_838 = tpu.memref_squeeze %dma_wait3A_837 : memref<1x1x128x64xbf16, #tpu.memory_space<vmem>> -> memref<128x64xbf16, #tpu.memory_space<vmem>>
      %dma_wait3A_839 = arith.constant 0 : i32
      %dma_wait3A_840 = tpu.memref_slice %arg6[%add3A_832, %dma_wait3A_839] : memref<79x128xi32, #tpu.memory_space<vmem>> -> memref<1x128xi32, #tpu.memory_space<vmem>>
      %dma_wait3A_841 = tpu.memref_squeeze %dma_wait3A_840 : memref<1x128xi32, #tpu.memory_space<vmem>> -> memref<128xi32, #tpu.memory_space<vmem>>
      %dma_wait3A_842 = arith.constant 0 : i32
      %dma_wait3A_843 = arith.constant 0 : i32
      %dma_wait3A_844 = tpu.memref_slice %arg3[%dma_wait3A_842, %dma_wait3A_843] : memref<10000x64xbf16, #tpu.memory_space<hbm>> -> memref<10000x64xbf16, #tpu.memory_space<hbm>>
      tpu.wait_indirect_dma semaphore(%arg11 : memref<!tpu.dma_semaphore, #tpu.memory_space<semaphore_mem>>) src(%dma_wait3A_844 : memref<10000x64xbf16, #tpu.memory_space<hbm>>) dst(%dma_wait3A_838 : memref<128x64xbf16, #tpu.memory_space<vmem>>)
      %mul3A_845 = arith.constant 6 : i32
      %mul3A_846 = arith.muli %add3A_520, %mul3A_845 : i32
      %add3A_847 = arith.constant 2 : i32
      %add3A_848 = arith.addi %mul3A_846, %add3A_847 : i32
      %dma_wait3A_849 = arith.constant 1 : i32
      %dma_wait3A_850 = arith.constant 2 : i32
      %dma_wait3A_851 = arith.constant 0 : i32
      %dma_wait3A_852 = arith.constant 0 : i32
      %dma_wait3A_853 = tpu.memref_slice %arg7[%dma_wait3A_849, %dma_wait3A_850, %dma_wait3A_851, %dma_wait3A_852] : memref<2x6x128x64xbf16, #tpu.memory_space<vmem>> -> memref<1x1x128x64xbf16, #tpu.memory_space<vmem>>
      %dma_wait3A_854 = tpu.memref_squeeze %dma_wait3A_853 : memref<1x1x128x64xbf16, #tpu.memory_space<vmem>> -> memref<128x64xbf16, #tpu.memory_space<vmem>>
      %dma_wait3A_855 = arith.constant 0 : i32
      %dma_wait3A_856 = tpu.memref_slice %arg6[%add3A_848, %dma_wait3A_855] : memref<79x128xi32, #tpu.memory_space<vmem>> -> memref<1x128xi32, #tpu.memory_space<vmem>>
      %dma_wait3A_857 = tpu.memref_squeeze %dma_wait3A_856 : memref<1x128xi32, #tpu.memory_space<vmem>> -> memref<128xi32, #tpu.memory_space<vmem>>
      %dma_wait3A_858 = arith.constant 0 : i32
      %dma_wait3A_859 = arith.constant 0 : i32
      %dma_wait3A_860 = tpu.memref_slice %arg3[%dma_wait3A_858, %dma_wait3A_859] : memref<10000x64xbf16, #tpu.memory_space<hbm>> -> memref<10000x64xbf16, #tpu.memory_space<hbm>>
      tpu.wait_indirect_dma semaphore(%arg11 : memref<!tpu.dma_semaphore, #tpu.memory_space<semaphore_mem>>) src(%dma_wait3A_860 : memref<10000x64xbf16, #tpu.memory_space<hbm>>) dst(%dma_wait3A_854 : memref<128x64xbf16, #tpu.memory_space<vmem>>)
      %mul3A_861 = arith.constant 6 : i32
      %mul3A_862 = arith.muli %add3A_520, %mul3A_861 : i32
      %add3A_863 = arith.constant 3 : i32
      %add3A_864 = arith.addi %mul3A_862, %add3A_863 : i32
      %dma_wait3A_865 = arith.constant 1 : i32
      %dma_wait3A_866 = arith.constant 3 : i32
      %dma_wait3A_867 = arith.constant 0 : i32
      %dma_wait3A_868 = arith.constant 0 : i32
      %dma_wait3A_869 = tpu.memref_slice %arg7[%dma_wait3A_865, %dma_wait3A_866, %dma_wait3A_867, %dma_wait3A_868] : memref<2x6x128x64xbf16, #tpu.memory_space<vmem>> -> memref<1x1x128x64xbf16, #tpu.memory_space<vmem>>
      %dma_wait3A_870 = tpu.memref_squeeze %dma_wait3A_869 : memref<1x1x128x64xbf16, #tpu.memory_space<vmem>> -> memref<128x64xbf16, #tpu.memory_space<vmem>>
      %dma_wait3A_871 = arith.constant 0 : i32
      %dma_wait3A_872 = tpu.memref_slice %arg6[%add3A_864, %dma_wait3A_871] : memref<79x128xi32, #tpu.memory_space<vmem>> -> memref<1x128xi32, #tpu.memory_space<vmem>>
      %dma_wait3A_873 = tpu.memref_squeeze %dma_wait3A_872 : memref<1x128xi32, #tpu.memory_space<vmem>> -> memref<128xi32, #tpu.memory_space<vmem>>
      %dma_wait3A_874 = arith.constant 0 : i32
      %dma_wait3A_875 = arith.constant 0 : i32
      %dma_wait3A_876 = tpu.memref_slice %arg3[%dma_wait3A_874, %dma_wait3A_875] : memref<10000x64xbf16, #tpu.memory_space<hbm>> -> memref<10000x64xbf16, #tpu.memory_space<hbm>>
      tpu.wait_indirect_dma semaphore(%arg11 : memref<!tpu.dma_semaphore, #tpu.memory_space<semaphore_mem>>) src(%dma_wait3A_876 : memref<10000x64xbf16, #tpu.memory_space<hbm>>) dst(%dma_wait3A_870 : memref<128x64xbf16, #tpu.memory_space<vmem>>)
      %mul3A_877 = arith.constant 6 : i32
      %mul3A_878 = arith.muli %add3A_520, %mul3A_877 : i32
      %add3A_879 = arith.constant 4 : i32
      %add3A_880 = arith.addi %mul3A_878, %add3A_879 : i32
      %dma_wait3A_881 = arith.constant 1 : i32
      %dma_wait3A_882 = arith.constant 4 : i32
      %dma_wait3A_883 = arith.constant 0 : i32
      %dma_wait3A_884 = arith.constant 0 : i32
      %dma_wait3A_885 = tpu.memref_slice %arg7[%dma_wait3A_881, %dma_wait3A_882, %dma_wait3A_883, %dma_wait3A_884] : memref<2x6x128x64xbf16, #tpu.memory_space<vmem>> -> memref<1x1x128x64xbf16, #tpu.memory_space<vmem>>
      %dma_wait3A_886 = tpu.memref_squeeze %dma_wait3A_885 : memref<1x1x128x64xbf16, #tpu.memory_space<vmem>> -> memref<128x64xbf16, #tpu.memory_space<vmem>>
      %dma_wait3A_887 = arith.constant 0 : i32
      %dma_wait3A_888 = tpu.memref_slice %arg6[%add3A_880, %dma_wait3A_887] : memref<79x128xi32, #tpu.memory_space<vmem>> -> memref<1x128xi32, #tpu.memory_space<vmem>>
      %dma_wait3A_889 = tpu.memref_squeeze %dma_wait3A_888 : memref<1x128xi32, #tpu.memory_space<vmem>> -> memref<128xi32, #tpu.memory_space<vmem>>
      %dma_wait3A_890 = arith.constant 0 : i32
      %dma_wait3A_891 = arith.constant 0 : i32
      %dma_wait3A_892 = tpu.memref_slice %arg3[%dma_wait3A_890, %dma_wait3A_891] : memref<10000x64xbf16, #tpu.memory_space<hbm>> -> memref<10000x64xbf16, #tpu.memory_space<hbm>>
      tpu.wait_indirect_dma semaphore(%arg11 : memref<!tpu.dma_semaphore, #tpu.memory_space<semaphore_mem>>) src(%dma_wait3A_892 : memref<10000x64xbf16, #tpu.memory_space<hbm>>) dst(%dma_wait3A_886 : memref<128x64xbf16, #tpu.memory_space<vmem>>)
      %mul3A_893 = arith.constant 6 : i32
      %mul3A_894 = arith.muli %add3A_520, %mul3A_893 : i32
      %add3A_895 = arith.constant 5 : i32
      %add3A_896 = arith.addi %mul3A_894, %add3A_895 : i32
      %dma_wait3A_897 = arith.constant 1 : i32
      %dma_wait3A_898 = arith.constant 5 : i32
      %dma_wait3A_899 = arith.constant 0 : i32
      %dma_wait3A_900 = arith.constant 0 : i32
      %dma_wait3A_901 = tpu.memref_slice %arg7[%dma_wait3A_897, %dma_wait3A_898, %dma_wait3A_899, %dma_wait3A_900] : memref<2x6x128x64xbf16, #tpu.memory_space<vmem>> -> memref<1x1x128x64xbf16, #tpu.memory_space<vmem>>
      %dma_wait3A_902 = tpu.memref_squeeze %dma_wait3A_901 : memref<1x1x128x64xbf16, #tpu.memory_space<vmem>> -> memref<128x64xbf16, #tpu.memory_space<vmem>>
      %dma_wait3A_903 = arith.constant 0 : i32
      %dma_wait3A_904 = tpu.memref_slice %arg6[%add3A_896, %dma_wait3A_903] : memref<79x128xi32, #tpu.memory_space<vmem>> -> memref<1x128xi32, #tpu.memory_space<vmem>>
      %dma_wait3A_905 = tpu.memref_squeeze %dma_wait3A_904 : memref<1x128xi32, #tpu.memory_space<vmem>> -> memref<128xi32, #tpu.memory_space<vmem>>
      %dma_wait3A_906 = arith.constant 0 : i32
      %dma_wait3A_907 = arith.constant 0 : i32
      %dma_wait3A_908 = tpu.memref_slice %arg3[%dma_wait3A_906, %dma_wait3A_907] : memref<10000x64xbf16, #tpu.memory_space<hbm>> -> memref<10000x64xbf16, #tpu.memory_space<hbm>>
      tpu.wait_indirect_dma semaphore(%arg11 : memref<!tpu.dma_semaphore, #tpu.memory_space<semaphore_mem>>) src(%dma_wait3A_908 : memref<10000x64xbf16, #tpu.memory_space<hbm>>) dst(%dma_wait3A_902 : memref<128x64xbf16, #tpu.memory_space<vmem>>)
      %mul3A_909 = arith.constant 6 : i32
      %mul3A_910 = arith.muli %add3A_520, %mul3A_909 : i32
      %add3A_911 = arith.constant 0 : i32
      %add3A_912 = arith.addi %mul3A_910, %add3A_911 : i32
      %dma_start3A_913 = arith.constant 1 : i32
      %dma_start3A_914 = arith.constant 0 : i32
      %dma_start3A_915 = arith.constant 0 : i32
      %dma_start3A_916 = arith.constant 0 : i32
      %dma_start3A_917 = tpu.memref_slice %arg7[%dma_start3A_913, %dma_start3A_914, %dma_start3A_915, %dma_start3A_916] : memref<2x6x128x64xbf16, #tpu.memory_space<vmem>> -> memref<1x1x128x64xbf16, #tpu.memory_space<vmem>>
      %dma_start3A_918 = tpu.memref_squeeze %dma_start3A_917 : memref<1x1x128x64xbf16, #tpu.memory_space<vmem>> -> memref<128x64xbf16, #tpu.memory_space<vmem>>
      %dma_start3A_919 = arith.constant 0 : i32
      %dma_start3A_920 = tpu.memref_slice %arg5[%add3A_912, %dma_start3A_919] : memref<79x128xi32, #tpu.memory_space<vmem>> -> memref<1x128xi32, #tpu.memory_space<vmem>>
      %dma_start3A_921 = tpu.memref_squeeze %dma_start3A_920 : memref<1x128xi32, #tpu.memory_space<vmem>> -> memref<128xi32, #tpu.memory_space<vmem>>
      %dma_start3A_922 = arith.constant 0 : i32
      %dma_start3A_923 = arith.constant 0 : i32
      %dma_start3A_924 = tpu.memref_slice %arg9[%dma_start3A_922, %dma_start3A_923] : memref<10240x64xbf16, #tpu.memory_space<vmem_shared>> -> memref<10240x64xbf16, #tpu.memory_space<vmem_shared>>
      tpu.enqueue_indirect_dma source(%dma_start3A_918 : memref<128x64xbf16, #tpu.memory_space<vmem>>) target(%dma_start3A_924 : memref<10240x64xbf16, #tpu.memory_space<vmem_shared>>) offsets(%dma_start3A_921 : memref<128xi32, #tpu.memory_space<vmem>>) semaphore(%arg13 : memref<!tpu.dma_semaphore, #tpu.memory_space<semaphore_mem>>) {add = true}
      %mul3A_925 = arith.constant 6 : i32
      %mul3A_926 = arith.muli %add3A_520, %mul3A_925 : i32
      %add3A_927 = arith.constant 1 : i32
      %add3A_928 = arith.addi %mul3A_926, %add3A_927 : i32
      %dma_start3A_929 = arith.constant 1 : i32
      %dma_start3A_930 = arith.constant 1 : i32
      %dma_start3A_931 = arith.constant 0 : i32
      %dma_start3A_932 = arith.constant 0 : i32
      %dma_start3A_933 = tpu.memref_slice %arg7[%dma_start3A_929, %dma_start3A_930, %dma_start3A_931, %dma_start3A_932] : memref<2x6x128x64xbf16, #tpu.memory_space<vmem>> -> memref<1x1x128x64xbf16, #tpu.memory_space<vmem>>
      %dma_start3A_934 = tpu.memref_squeeze %dma_start3A_933 : memref<1x1x128x64xbf16, #tpu.memory_space<vmem>> -> memref<128x64xbf16, #tpu.memory_space<vmem>>
      %dma_start3A_935 = arith.constant 0 : i32
      %dma_start3A_936 = tpu.memref_slice %arg5[%add3A_928, %dma_start3A_935] : memref<79x128xi32, #tpu.memory_space<vmem>> -> memref<1x128xi32, #tpu.memory_space<vmem>>
      %dma_start3A_937 = tpu.memref_squeeze %dma_start3A_936 : memref<1x128xi32, #tpu.memory_space<vmem>> -> memref<128xi32, #tpu.memory_space<vmem>>
      %dma_start3A_938 = arith.constant 0 : i32
      %dma_start3A_939 = arith.constant 0 : i32
      %dma_start3A_940 = tpu.memref_slice %arg9[%dma_start3A_938, %dma_start3A_939] : memref<10240x64xbf16, #tpu.memory_space<vmem_shared>> -> memref<10240x64xbf16, #tpu.memory_space<vmem_shared>>
      tpu.enqueue_indirect_dma source(%dma_start3A_934 : memref<128x64xbf16, #tpu.memory_space<vmem>>) target(%dma_start3A_940 : memref<10240x64xbf16, #tpu.memory_space<vmem_shared>>) offsets(%dma_start3A_937 : memref<128xi32, #tpu.memory_space<vmem>>) semaphore(%arg13 : memref<!tpu.dma_semaphore, #tpu.memory_space<semaphore_mem>>) {add = true}
      %mul3A_941 = arith.constant 6 : i32
      %mul3A_942 = arith.muli %add3A_520, %mul3A_941 : i32
      %add3A_943 = arith.constant 2 : i32
      %add3A_944 = arith.addi %mul3A_942, %add3A_943 : i32
      %dma_start3A_945 = arith.constant 1 : i32
      %dma_start3A_946 = arith.constant 2 : i32
      %dma_start3A_947 = arith.constant 0 : i32
      %dma_start3A_948 = arith.constant 0 : i32
      %dma_start3A_949 = tpu.memref_slice %arg7[%dma_start3A_945, %dma_start3A_946, %dma_start3A_947, %dma_start3A_948] : memref<2x6x128x64xbf16, #tpu.memory_space<vmem>> -> memref<1x1x128x64xbf16, #tpu.memory_space<vmem>>
      %dma_start3A_950 = tpu.memref_squeeze %dma_start3A_949 : memref<1x1x128x64xbf16, #tpu.memory_space<vmem>> -> memref<128x64xbf16, #tpu.memory_space<vmem>>
      %dma_start3A_951 = arith.constant 0 : i32
      %dma_start3A_952 = tpu.memref_slice %arg5[%add3A_944, %dma_start3A_951] : memref<79x128xi32, #tpu.memory_space<vmem>> -> memref<1x128xi32, #tpu.memory_space<vmem>>
      %dma_start3A_953 = tpu.memref_squeeze %dma_start3A_952 : memref<1x128xi32, #tpu.memory_space<vmem>> -> memref<128xi32, #tpu.memory_space<vmem>>
      %dma_start3A_954 = arith.constant 0 : i32
      %dma_start3A_955 = arith.constant 0 : i32
      %dma_start3A_956 = tpu.memref_slice %arg9[%dma_start3A_954, %dma_start3A_955] : memref<10240x64xbf16, #tpu.memory_space<vmem_shared>> -> memref<10240x64xbf16, #tpu.memory_space<vmem_shared>>
      tpu.enqueue_indirect_dma source(%dma_start3A_950 : memref<128x64xbf16, #tpu.memory_space<vmem>>) target(%dma_start3A_956 : memref<10240x64xbf16, #tpu.memory_space<vmem_shared>>) offsets(%dma_start3A_953 : memref<128xi32, #tpu.memory_space<vmem>>) semaphore(%arg13 : memref<!tpu.dma_semaphore, #tpu.memory_space<semaphore_mem>>) {add = true}
      %mul3A_957 = arith.constant 6 : i32
      %mul3A_958 = arith.muli %add3A_520, %mul3A_957 : i32
      %add3A_959 = arith.constant 3 : i32
      %add3A_960 = arith.addi %mul3A_958, %add3A_959 : i32
      %dma_start3A_961 = arith.constant 1 : i32
      %dma_start3A_962 = arith.constant 3 : i32
      %dma_start3A_963 = arith.constant 0 : i32
      %dma_start3A_964 = arith.constant 0 : i32
      %dma_start3A_965 = tpu.memref_slice %arg7[%dma_start3A_961, %dma_start3A_962, %dma_start3A_963, %dma_start3A_964] : memref<2x6x128x64xbf16, #tpu.memory_space<vmem>> -> memref<1x1x128x64xbf16, #tpu.memory_space<vmem>>
      %dma_start3A_966 = tpu.memref_squeeze %dma_start3A_965 : memref<1x1x128x64xbf16, #tpu.memory_space<vmem>> -> memref<128x64xbf16, #tpu.memory_space<vmem>>
      %dma_start3A_967 = arith.constant 0 : i32
      %dma_start3A_968 = tpu.memref_slice %arg5[%add3A_960, %dma_start3A_967] : memref<79x128xi32, #tpu.memory_space<vmem>> -> memref<1x128xi32, #tpu.memory_space<vmem>>
      %dma_start3A_969 = tpu.memref_squeeze %dma_start3A_968 : memref<1x128xi32, #tpu.memory_space<vmem>> -> memref<128xi32, #tpu.memory_space<vmem>>
      %dma_start3A_970 = arith.constant 0 : i32
      %dma_start3A_971 = arith.constant 0 : i32
      %dma_start3A_972 = tpu.memref_slice %arg9[%dma_start3A_970, %dma_start3A_971] : memref<10240x64xbf16, #tpu.memory_space<vmem_shared>> -> memref<10240x64xbf16, #tpu.memory_space<vmem_shared>>
      tpu.enqueue_indirect_dma source(%dma_start3A_966 : memref<128x64xbf16, #tpu.memory_space<vmem>>) target(%dma_start3A_972 : memref<10240x64xbf16, #tpu.memory_space<vmem_shared>>) offsets(%dma_start3A_969 : memref<128xi32, #tpu.memory_space<vmem>>) semaphore(%arg13 : memref<!tpu.dma_semaphore, #tpu.memory_space<semaphore_mem>>) {add = true}
      %mul3A_973 = arith.constant 6 : i32
      %mul3A_974 = arith.muli %add3A_520, %mul3A_973 : i32
      %add3A_975 = arith.constant 4 : i32
      %add3A_976 = arith.addi %mul3A_974, %add3A_975 : i32
      %dma_start3A_977 = arith.constant 1 : i32
      %dma_start3A_978 = arith.constant 4 : i32
      %dma_start3A_979 = arith.constant 0 : i32
      %dma_start3A_980 = arith.constant 0 : i32
      %dma_start3A_981 = tpu.memref_slice %arg7[%dma_start3A_977, %dma_start3A_978, %dma_start3A_979, %dma_start3A_980] : memref<2x6x128x64xbf16, #tpu.memory_space<vmem>> -> memref<1x1x128x64xbf16, #tpu.memory_space<vmem>>
      %dma_start3A_982 = tpu.memref_squeeze %dma_start3A_981 : memref<1x1x128x64xbf16, #tpu.memory_space<vmem>> -> memref<128x64xbf16, #tpu.memory_space<vmem>>
      %dma_start3A_983 = arith.constant 0 : i32
      %dma_start3A_984 = tpu.memref_slice %arg5[%add3A_976, %dma_start3A_983] : memref<79x128xi32, #tpu.memory_space<vmem>> -> memref<1x128xi32, #tpu.memory_space<vmem>>
      %dma_start3A_985 = tpu.memref_squeeze %dma_start3A_984 : memref<1x128xi32, #tpu.memory_space<vmem>> -> memref<128xi32, #tpu.memory_space<vmem>>
      %dma_start3A_986 = arith.constant 0 : i32
      %dma_start3A_987 = arith.constant 0 : i32
      %dma_start3A_988 = tpu.memref_slice %arg9[%dma_start3A_986, %dma_start3A_987] : memref<10240x64xbf16, #tpu.memory_space<vmem_shared>> -> memref<10240x64xbf16, #tpu.memory_space<vmem_shared>>
      tpu.enqueue_indirect_dma source(%dma_start3A_982 : memref<128x64xbf16, #tpu.memory_space<vmem>>) target(%dma_start3A_988 : memref<10240x64xbf16, #tpu.memory_space<vmem_shared>>) offsets(%dma_start3A_985 : memref<128xi32, #tpu.memory_space<vmem>>) semaphore(%arg13 : memref<!tpu.dma_semaphore, #tpu.memory_space<semaphore_mem>>) {add = true}
      %mul3A_989 = arith.constant 6 : i32
      %mul3A_990 = arith.muli %add3A_520, %mul3A_989 : i32
      %add3A_991 = arith.constant 5 : i32
      %add3A_992 = arith.addi %mul3A_990, %add3A_991 : i32
      %dma_start3A_993 = arith.constant 1 : i32
      %dma_start3A_994 = arith.constant 5 : i32
      %dma_start3A_995 = arith.constant 0 : i32
      %dma_start3A_996 = arith.constant 0 : i32
      %dma_start3A_997 = tpu.memref_slice %arg7[%dma_start3A_993, %dma_start3A_994, %dma_start3A_995, %dma_start3A_996] : memref<2x6x128x64xbf16, #tpu.memory_space<vmem>> -> memref<1x1x128x64xbf16, #tpu.memory_space<vmem>>
      %dma_start3A_998 = tpu.memref_squeeze %dma_start3A_997 : memref<1x1x128x64xbf16, #tpu.memory_space<vmem>> -> memref<128x64xbf16, #tpu.memory_space<vmem>>
      %dma_start3A_999 = arith.constant 0 : i32
      %dma_start3A_1000 = tpu.memref_slice %arg5[%add3A_992, %dma_start3A_999] : memref<79x128xi32, #tpu.memory_space<vmem>> -> memref<1x128xi32, #tpu.memory_space<vmem>>
      %dma_start3A_1001 = tpu.memref_squeeze %dma_start3A_1000 : memref<1x128xi32, #tpu.memory_space<vmem>> -> memref<128xi32, #tpu.memory_space<vmem>>
      %dma_start3A_1002 = arith.constant 0 : i32
      %dma_start3A_1003 = arith.constant 0 : i32
      %dma_start3A_1004 = tpu.memref_slice %arg9[%dma_start3A_1002, %dma_start3A_1003] : memref<10240x64xbf16, #tpu.memory_space<vmem_shared>> -> memref<10240x64xbf16, #tpu.memory_space<vmem_shared>>
      tpu.enqueue_indirect_dma source(%dma_start3A_998 : memref<128x64xbf16, #tpu.memory_space<vmem>>) target(%dma_start3A_1004 : memref<10240x64xbf16, #tpu.memory_space<vmem_shared>>) offsets(%dma_start3A_1001 : memref<128xi32, #tpu.memory_space<vmem>>) semaphore(%arg13 : memref<!tpu.dma_semaphore, #tpu.memory_space<semaphore_mem>>) {add = true}
      %mul3A_1005 = arith.constant 6 : i32
      %mul3A_1006 = arith.muli %mul3A_516, %mul3A_1005 : i32
      %add3A_1007 = arith.constant 0 : i32
      %add3A_1008 = arith.addi %mul3A_1006, %add3A_1007 : i32
      %dma_wait3A_1009 = arith.constant 0 : i32
      %dma_wait3A_1010 = arith.constant 0 : i32
      %dma_wait3A_1011 = arith.constant 0 : i32
      %dma_wait3A_1012 = arith.constant 0 : i32
      %dma_wait3A_1013 = tpu.memref_slice %arg7[%dma_wait3A_1009, %dma_wait3A_1010, %dma_wait3A_1011, %dma_wait3A_1012] : memref<2x6x128x64xbf16, #tpu.memory_space<vmem>> -> memref<1x1x128x64xbf16, #tpu.memory_space<vmem>>
      %dma_wait3A_1014 = tpu.memref_squeeze %dma_wait3A_1013 : memref<1x1x128x64xbf16, #tpu.memory_space<vmem>> -> memref<128x64xbf16, #tpu.memory_space<vmem>>
      %dma_wait3A_1015 = arith.constant 0 : i32
      %dma_wait3A_1016 = tpu.memref_slice %arg5[%add3A_1008, %dma_wait3A_1015] : memref<79x128xi32, #tpu.memory_space<vmem>> -> memref<1x128xi32, #tpu.memory_space<vmem>>
      %dma_wait3A_1017 = tpu.memref_squeeze %dma_wait3A_1016 : memref<1x128xi32, #tpu.memory_space<vmem>> -> memref<128xi32, #tpu.memory_space<vmem>>
      %dma_wait3A_1018 = arith.constant 0 : i32
      %dma_wait3A_1019 = arith.constant 0 : i32
      %dma_wait3A_1020 = tpu.memref_slice %arg9[%dma_wait3A_1018, %dma_wait3A_1019] : memref<10240x64xbf16, #tpu.memory_space<vmem_shared>> -> memref<10240x64xbf16, #tpu.memory_space<vmem_shared>>
      tpu.wait_indirect_dma semaphore(%arg12 : memref<!tpu.dma_semaphore, #tpu.memory_space<semaphore_mem>>) src(%dma_wait3A_1014 : memref<128x64xbf16, #tpu.memory_space<vmem>>) dst(%dma_wait3A_1020 : memref<10240x64xbf16, #tpu.memory_space<vmem_shared>>)
      %mul3A_1021 = arith.constant 6 : i32
      %mul3A_1022 = arith.muli %mul3A_516, %mul3A_1021 : i32
      %add3A_1023 = arith.constant 1 : i32
      %add3A_1024 = arith.addi %mul3A_1022, %add3A_1023 : i32
      %dma_wait3A_1025 = arith.constant 0 : i32
      %dma_wait3A_1026 = arith.constant 1 : i32
      %dma_wait3A_1027 = arith.constant 0 : i32
      %dma_wait3A_1028 = arith.constant 0 : i32
      %dma_wait3A_1029 = tpu.memref_slice %arg7[%dma_wait3A_1025, %dma_wait3A_1026, %dma_wait3A_1027, %dma_wait3A_1028] : memref<2x6x128x64xbf16, #tpu.memory_space<vmem>> -> memref<1x1x128x64xbf16, #tpu.memory_space<vmem>>
      %dma_wait3A_1030 = tpu.memref_squeeze %dma_wait3A_1029 : memref<1x1x128x64xbf16, #tpu.memory_space<vmem>> -> memref<128x64xbf16, #tpu.memory_space<vmem>>
      %dma_wait3A_1031 = arith.constant 0 : i32
      %dma_wait3A_1032 = tpu.memref_slice %arg5[%add3A_1024, %dma_wait3A_1031] : memref<79x128xi32, #tpu.memory_space<vmem>> -> memref<1x128xi32, #tpu.memory_space<vmem>>
      %dma_wait3A_1033 = tpu.memref_squeeze %dma_wait3A_1032 : memref<1x128xi32, #tpu.memory_space<vmem>> -> memref<128xi32, #tpu.memory_space<vmem>>
      %dma_wait3A_1034 = arith.constant 0 : i32
      %dma_wait3A_1035 = arith.constant 0 : i32
      %dma_wait3A_1036 = tpu.memref_slice %arg9[%dma_wait3A_1034, %dma_wait3A_1035] : memref<10240x64xbf16, #tpu.memory_space<vmem_shared>> -> memref<10240x64xbf16, #tpu.memory_space<vmem_shared>>
      tpu.wait_indirect_dma semaphore(%arg12 : memref<!tpu.dma_semaphore, #tpu.memory_space<semaphore_mem>>) src(%dma_wait3A_1030 : memref<128x64xbf16, #tpu.memory_space<vmem>>) dst(%dma_wait3A_1036 : memref<10240x64xbf16, #tpu.memory_space<vmem_shared>>)
      %mul3A_1037 = arith.constant 6 : i32
      %mul3A_1038 = arith.muli %mul3A_516, %mul3A_1037 : i32
      %add3A_1039 = arith.constant 2 : i32
      %add3A_1040 = arith.addi %mul3A_1038, %add3A_1039 : i32
      %dma_wait3A_1041 = arith.constant 0 : i32
      %dma_wait3A_1042 = arith.constant 2 : i32
      %dma_wait3A_1043 = arith.constant 0 : i32
      %dma_wait3A_1044 = arith.constant 0 : i32
      %dma_wait3A_1045 = tpu.memref_slice %arg7[%dma_wait3A_1041, %dma_wait3A_1042, %dma_wait3A_1043, %dma_wait3A_1044] : memref<2x6x128x64xbf16, #tpu.memory_space<vmem>> -> memref<1x1x128x64xbf16, #tpu.memory_space<vmem>>
      %dma_wait3A_1046 = tpu.memref_squeeze %dma_wait3A_1045 : memref<1x1x128x64xbf16, #tpu.memory_space<vmem>> -> memref<128x64xbf16, #tpu.memory_space<vmem>>
      %dma_wait3A_1047 = arith.constant 0 : i32
      %dma_wait3A_1048 = tpu.memref_slice %arg5[%add3A_1040, %dma_wait3A_1047] : memref<79x128xi32, #tpu.memory_space<vmem>> -> memref<1x128xi32, #tpu.memory_space<vmem>>
      %dma_wait3A_1049 = tpu.memref_squeeze %dma_wait3A_1048 : memref<1x128xi32, #tpu.memory_space<vmem>> -> memref<128xi32, #tpu.memory_space<vmem>>
      %dma_wait3A_1050 = arith.constant 0 : i32
      %dma_wait3A_1051 = arith.constant 0 : i32
      %dma_wait3A_1052 = tpu.memref_slice %arg9[%dma_wait3A_1050, %dma_wait3A_1051] : memref<10240x64xbf16, #tpu.memory_space<vmem_shared>> -> memref<10240x64xbf16, #tpu.memory_space<vmem_shared>>
      tpu.wait_indirect_dma semaphore(%arg12 : memref<!tpu.dma_semaphore, #tpu.memory_space<semaphore_mem>>) src(%dma_wait3A_1046 : memref<128x64xbf16, #tpu.memory_space<vmem>>) dst(%dma_wait3A_1052 : memref<10240x64xbf16, #tpu.memory_space<vmem_shared>>)
      %mul3A_1053 = arith.constant 6 : i32
      %mul3A_1054 = arith.muli %mul3A_516, %mul3A_1053 : i32
      %add3A_1055 = arith.constant 3 : i32
      %add3A_1056 = arith.addi %mul3A_1054, %add3A_1055 : i32
      %dma_wait3A_1057 = arith.constant 0 : i32
      %dma_wait3A_1058 = arith.constant 3 : i32
      %dma_wait3A_1059 = arith.constant 0 : i32
      %dma_wait3A_1060 = arith.constant 0 : i32
      %dma_wait3A_1061 = tpu.memref_slice %arg7[%dma_wait3A_1057, %dma_wait3A_1058, %dma_wait3A_1059, %dma_wait3A_1060] : memref<2x6x128x64xbf16, #tpu.memory_space<vmem>> -> memref<1x1x128x64xbf16, #tpu.memory_space<vmem>>
      %dma_wait3A_1062 = tpu.memref_squeeze %dma_wait3A_1061 : memref<1x1x128x64xbf16, #tpu.memory_space<vmem>> -> memref<128x64xbf16, #tpu.memory_space<vmem>>
      %dma_wait3A_1063 = arith.constant 0 : i32
      %dma_wait3A_1064 = tpu.memref_slice %arg5[%add3A_1056, %dma_wait3A_1063] : memref<79x128xi32, #tpu.memory_space<vmem>> -> memref<1x128xi32, #tpu.memory_space<vmem>>
      %dma_wait3A_1065 = tpu.memref_squeeze %dma_wait3A_1064 : memref<1x128xi32, #tpu.memory_space<vmem>> -> memref<128xi32, #tpu.memory_space<vmem>>
      %dma_wait3A_1066 = arith.constant 0 : i32
      %dma_wait3A_1067 = arith.constant 0 : i32
      %dma_wait3A_1068 = tpu.memref_slice %arg9[%dma_wait3A_1066, %dma_wait3A_1067] : memref<10240x64xbf16, #tpu.memory_space<vmem_shared>> -> memref<10240x64xbf16, #tpu.memory_space<vmem_shared>>
      tpu.wait_indirect_dma semaphore(%arg12 : memref<!tpu.dma_semaphore, #tpu.memory_space<semaphore_mem>>) src(%dma_wait3A_1062 : memref<128x64xbf16, #tpu.memory_space<vmem>>) dst(%dma_wait3A_1068 : memref<10240x64xbf16, #tpu.memory_space<vmem_shared>>)
      %mul3A_1069 = arith.constant 6 : i32
      %mul3A_1070 = arith.muli %mul3A_516, %mul3A_1069 : i32
      %add3A_1071 = arith.constant 4 : i32
      %add3A_1072 = arith.addi %mul3A_1070, %add3A_1071 : i32
      %dma_wait3A_1073 = arith.constant 0 : i32
      %dma_wait3A_1074 = arith.constant 4 : i32
      %dma_wait3A_1075 = arith.constant 0 : i32
      %dma_wait3A_1076 = arith.constant 0 : i32
      %dma_wait3A_1077 = tpu.memref_slice %arg7[%dma_wait3A_1073, %dma_wait3A_1074, %dma_wait3A_1075, %dma_wait3A_1076] : memref<2x6x128x64xbf16, #tpu.memory_space<vmem>> -> memref<1x1x128x64xbf16, #tpu.memory_space<vmem>>
      %dma_wait3A_1078 = tpu.memref_squeeze %dma_wait3A_1077 : memref<1x1x128x64xbf16, #tpu.memory_space<vmem>> -> memref<128x64xbf16, #tpu.memory_space<vmem>>
      %dma_wait3A_1079 = arith.constant 0 : i32
      %dma_wait3A_1080 = tpu.memref_slice %arg5[%add3A_1072, %dma_wait3A_1079] : memref<79x128xi32, #tpu.memory_space<vmem>> -> memref<1x128xi32, #tpu.memory_space<vmem>>
      %dma_wait3A_1081 = tpu.memref_squeeze %dma_wait3A_1080 : memref<1x128xi32, #tpu.memory_space<vmem>> -> memref<128xi32, #tpu.memory_space<vmem>>
      %dma_wait3A_1082 = arith.constant 0 : i32
      %dma_wait3A_1083 = arith.constant 0 : i32
      %dma_wait3A_1084 = tpu.memref_slice %arg9[%dma_wait3A_1082, %dma_wait3A_1083] : memref<10240x64xbf16, #tpu.memory_space<vmem_shared>> -> memref<10240x64xbf16, #tpu.memory_space<vmem_shared>>
      tpu.wait_indirect_dma semaphore(%arg12 : memref<!tpu.dma_semaphore, #tpu.memory_space<semaphore_mem>>) src(%dma_wait3A_1078 : memref<128x64xbf16, #tpu.memory_space<vmem>>) dst(%dma_wait3A_1084 : memref<10240x64xbf16, #tpu.memory_space<vmem_shared>>)
      %mul3A_1085 = arith.constant 6 : i32
      %mul3A_1086 = arith.muli %mul3A_516, %mul3A_1085 : i32
      %add3A_1087 = arith.constant 5 : i32
      %add3A_1088 = arith.addi %mul3A_1086, %add3A_1087 : i32
      %dma_wait3A_1089 = arith.constant 0 : i32
      %dma_wait3A_1090 = arith.constant 5 : i32
      %dma_wait3A_1091 = arith.constant 0 : i32
      %dma_wait3A_1092 = arith.constant 0 : i32
      %dma_wait3A_1093 = tpu.memref_slice %arg7[%dma_wait3A_1089, %dma_wait3A_1090, %dma_wait3A_1091, %dma_wait3A_1092] : memref<2x6x128x64xbf16, #tpu.memory_space<vmem>> -> memref<1x1x128x64xbf16, #tpu.memory_space<vmem>>
      %dma_wait3A_1094 = tpu.memref_squeeze %dma_wait3A_1093 : memref<1x1x128x64xbf16, #tpu.memory_space<vmem>> -> memref<128x64xbf16, #tpu.memory_space<vmem>>
      %dma_wait3A_1095 = arith.constant 0 : i32
      %dma_wait3A_1096 = tpu.memref_slice %arg5[%add3A_1088, %dma_wait3A_1095] : memref<79x128xi32, #tpu.memory_space<vmem>> -> memref<1x128xi32, #tpu.memory_space<vmem>>
      %dma_wait3A_1097 = tpu.memref_squeeze %dma_wait3A_1096 : memref<1x128xi32, #tpu.memory_space<vmem>> -> memref<128xi32, #tpu.memory_space<vmem>>
      %dma_wait3A_1098 = arith.constant 0 : i32
      %dma_wait3A_1099 = arith.constant 0 : i32
      %dma_wait3A_1100 = tpu.memref_slice %arg9[%dma_wait3A_1098, %dma_wait3A_1099] : memref<10240x64xbf16, #tpu.memory_space<vmem_shared>> -> memref<10240x64xbf16, #tpu.memory_space<vmem_shared>>
      tpu.wait_indirect_dma semaphore(%arg12 : memref<!tpu.dma_semaphore, #tpu.memory_space<semaphore_mem>>) src(%dma_wait3A_1094 : memref<128x64xbf16, #tpu.memory_space<vmem>>) dst(%dma_wait3A_1100 : memref<10240x64xbf16, #tpu.memory_space<vmem_shared>>)
      %lt3A_1101 = arith.constant 5 : i32
      %lt3A_1102 = arith.cmpi slt, %scan3A_514, %lt3A_1101 : i32
      %convert_element_type3A_1103 = arith.extui %lt3A_1102 : i1 to i32
      %cond3A_1104 = arith.constant 0 : i32
      %cond3A_1105 = arith.cmpi ne, %convert_element_type3A_1103, %cond3A_1104 : i32
      scf.if %cond3A_1105 {
        %add3A_1106 = arith.constant 2 : i32
        %add3A_1107 = arith.addi %mul3A_516, %add3A_1106 : i32
        %mul3A_1108 = arith.constant 6 : i32
        %mul3A_1109 = arith.muli %add3A_1107, %mul3A_1108 : i32
        %add3A_1110 = arith.constant 0 : i32
        %add3A_1111 = arith.addi %mul3A_1109, %add3A_1110 : i32
        %dma_start3A_1112 = arith.constant 0 : i32
        %dma_start3A_1113 = arith.constant 0 : i32
        %dma_start3A_1114 = arith.constant 0 : i32
        %dma_start3A_1115 = arith.constant 0 : i32
        %dma_start3A_1116 = tpu.memref_slice %arg7[%dma_start3A_1112, %dma_start3A_1113, %dma_start3A_1114, %dma_start3A_1115] : memref<2x6x128x64xbf16, #tpu.memory_space<vmem>> -> memref<1x1x128x64xbf16, #tpu.memory_space<vmem>>
        %dma_start3A_1117 = tpu.memref_squeeze %dma_start3A_1116 : memref<1x1x128x64xbf16, #tpu.memory_space<vmem>> -> memref<128x64xbf16, #tpu.memory_space<vmem>>
        %dma_start3A_1118 = arith.constant 0 : i32
        %dma_start3A_1119 = tpu.memref_slice %arg6[%add3A_1111, %dma_start3A_1118] : memref<79x128xi32, #tpu.memory_space<vmem>> -> memref<1x128xi32, #tpu.memory_space<vmem>>
        %dma_start3A_1120 = tpu.memref_squeeze %dma_start3A_1119 : memref<1x128xi32, #tpu.memory_space<vmem>> -> memref<128xi32, #tpu.memory_space<vmem>>
        %dma_start3A_1121 = arith.constant 0 : i32
        %dma_start3A_1122 = arith.constant 0 : i32
        %dma_start3A_1123 = tpu.memref_slice %arg3[%dma_start3A_1121, %dma_start3A_1122] : memref<10000x64xbf16, #tpu.memory_space<hbm>> -> memref<10000x64xbf16, #tpu.memory_space<hbm>>
        tpu.enqueue_indirect_dma source(%dma_start3A_1123 : memref<10000x64xbf16, #tpu.memory_space<hbm>>) target(%dma_start3A_1117 : memref<128x64xbf16, #tpu.memory_space<vmem>>) offsets(%dma_start3A_1120 : memref<128xi32, #tpu.memory_space<vmem>>) semaphore(%arg10 : memref<!tpu.dma_semaphore, #tpu.memory_space<semaphore_mem>>)
        %mul3A_1124 = arith.constant 6 : i32
        %mul3A_1125 = arith.muli %add3A_1107, %mul3A_1124 : i32
        %add3A_1126 = arith.constant 1 : i32
        %add3A_1127 = arith.addi %mul3A_1125, %add3A_1126 : i32
        %dma_start3A_1128 = arith.constant 0 : i32
        %dma_start3A_1129 = arith.constant 1 : i32
        %dma_start3A_1130 = arith.constant 0 : i32
        %dma_start3A_1131 = arith.constant 0 : i32
        %dma_start3A_1132 = tpu.memref_slice %arg7[%dma_start3A_1128, %dma_start3A_1129, %dma_start3A_1130, %dma_start3A_1131] : memref<2x6x128x64xbf16, #tpu.memory_space<vmem>> -> memref<1x1x128x64xbf16, #tpu.memory_space<vmem>>
        %dma_start3A_1133 = tpu.memref_squeeze %dma_start3A_1132 : memref<1x1x128x64xbf16, #tpu.memory_space<vmem>> -> memref<128x64xbf16, #tpu.memory_space<vmem>>
        %dma_start3A_1134 = arith.constant 0 : i32
        %dma_start3A_1135 = tpu.memref_slice %arg6[%add3A_1127, %dma_start3A_1134] : memref<79x128xi32, #tpu.memory_space<vmem>> -> memref<1x128xi32, #tpu.memory_space<vmem>>
        %dma_start3A_1136 = tpu.memref_squeeze %dma_start3A_1135 : memref<1x128xi32, #tpu.memory_space<vmem>> -> memref<128xi32, #tpu.memory_space<vmem>>
        %dma_start3A_1137 = arith.constant 0 : i32
        %dma_start3A_1138 = arith.constant 0 : i32
        %dma_start3A_1139 = tpu.memref_slice %arg3[%dma_start3A_1137, %dma_start3A_1138] : memref<10000x64xbf16, #tpu.memory_space<hbm>> -> memref<10000x64xbf16, #tpu.memory_space<hbm>>
        tpu.enqueue_indirect_dma source(%dma_start3A_1139 : memref<10000x64xbf16, #tpu.memory_space<hbm>>) target(%dma_start3A_1133 : memref<128x64xbf16, #tpu.memory_space<vmem>>) offsets(%dma_start3A_1136 : memref<128xi32, #tpu.memory_space<vmem>>) semaphore(%arg10 : memref<!tpu.dma_semaphore, #tpu.memory_space<semaphore_mem>>)
        %mul3A_1140 = arith.constant 6 : i32
        %mul3A_1141 = arith.muli %add3A_1107, %mul3A_1140 : i32
        %add3A_1142 = arith.constant 2 : i32
        %add3A_1143 = arith.addi %mul3A_1141, %add3A_1142 : i32
        %dma_start3A_1144 = arith.constant 0 : i32
        %dma_start3A_1145 = arith.constant 2 : i32
        %dma_start3A_1146 = arith.constant 0 : i32
        %dma_start3A_1147 = arith.constant 0 : i32
        %dma_start3A_1148 = tpu.memref_slice %arg7[%dma_start3A_1144, %dma_start3A_1145, %dma_start3A_1146, %dma_start3A_1147] : memref<2x6x128x64xbf16, #tpu.memory_space<vmem>> -> memref<1x1x128x64xbf16, #tpu.memory_space<vmem>>
        %dma_start3A_1149 = tpu.memref_squeeze %dma_start3A_1148 : memref<1x1x128x64xbf16, #tpu.memory_space<vmem>> -> memref<128x64xbf16, #tpu.memory_space<vmem>>
        %dma_start3A_1150 = arith.constant 0 : i32
        %dma_start3A_1151 = tpu.memref_slice %arg6[%add3A_1143, %dma_start3A_1150] : memref<79x128xi32, #tpu.memory_space<vmem>> -> memref<1x128xi32, #tpu.memory_space<vmem>>
        %dma_start3A_1152 = tpu.memref_squeeze %dma_start3A_1151 : memref<1x128xi32, #tpu.memory_space<vmem>> -> memref<128xi32, #tpu.memory_space<vmem>>
        %dma_start3A_1153 = arith.constant 0 : i32
        %dma_start3A_1154 = arith.constant 0 : i32
        %dma_start3A_1155 = tpu.memref_slice %arg3[%dma_start3A_1153, %dma_start3A_1154] : memref<10000x64xbf16, #tpu.memory_space<hbm>> -> memref<10000x64xbf16, #tpu.memory_space<hbm>>
        tpu.enqueue_indirect_dma source(%dma_start3A_1155 : memref<10000x64xbf16, #tpu.memory_space<hbm>>) target(%dma_start3A_1149 : memref<128x64xbf16, #tpu.memory_space<vmem>>) offsets(%dma_start3A_1152 : memref<128xi32, #tpu.memory_space<vmem>>) semaphore(%arg10 : memref<!tpu.dma_semaphore, #tpu.memory_space<semaphore_mem>>)
        %mul3A_1156 = arith.constant 6 : i32
        %mul3A_1157 = arith.muli %add3A_1107, %mul3A_1156 : i32
        %add3A_1158 = arith.constant 3 : i32
        %add3A_1159 = arith.addi %mul3A_1157, %add3A_1158 : i32
        %dma_start3A_1160 = arith.constant 0 : i32
        %dma_start3A_1161 = arith.constant 3 : i32
        %dma_start3A_1162 = arith.constant 0 : i32
        %dma_start3A_1163 = arith.constant 0 : i32
        %dma_start3A_1164 = tpu.memref_slice %arg7[%dma_start3A_1160, %dma_start3A_1161, %dma_start3A_1162, %dma_start3A_1163] : memref<2x6x128x64xbf16, #tpu.memory_space<vmem>> -> memref<1x1x128x64xbf16, #tpu.memory_space<vmem>>
        %dma_start3A_1165 = tpu.memref_squeeze %dma_start3A_1164 : memref<1x1x128x64xbf16, #tpu.memory_space<vmem>> -> memref<128x64xbf16, #tpu.memory_space<vmem>>
        %dma_start3A_1166 = arith.constant 0 : i32
        %dma_start3A_1167 = tpu.memref_slice %arg6[%add3A_1159, %dma_start3A_1166] : memref<79x128xi32, #tpu.memory_space<vmem>> -> memref<1x128xi32, #tpu.memory_space<vmem>>
        %dma_start3A_1168 = tpu.memref_squeeze %dma_start3A_1167 : memref<1x128xi32, #tpu.memory_space<vmem>> -> memref<128xi32, #tpu.memory_space<vmem>>
        %dma_start3A_1169 = arith.constant 0 : i32
        %dma_start3A_1170 = arith.constant 0 : i32
        %dma_start3A_1171 = tpu.memref_slice %arg3[%dma_start3A_1169, %dma_start3A_1170] : memref<10000x64xbf16, #tpu.memory_space<hbm>> -> memref<10000x64xbf16, #tpu.memory_space<hbm>>
        tpu.enqueue_indirect_dma source(%dma_start3A_1171 : memref<10000x64xbf16, #tpu.memory_space<hbm>>) target(%dma_start3A_1165 : memref<128x64xbf16, #tpu.memory_space<vmem>>) offsets(%dma_start3A_1168 : memref<128xi32, #tpu.memory_space<vmem>>) semaphore(%arg10 : memref<!tpu.dma_semaphore, #tpu.memory_space<semaphore_mem>>)
        %mul3A_1172 = arith.constant 6 : i32
        %mul3A_1173 = arith.muli %add3A_1107, %mul3A_1172 : i32
        %add3A_1174 = arith.constant 4 : i32
        %add3A_1175 = arith.addi %mul3A_1173, %add3A_1174 : i32
        %dma_start3A_1176 = arith.constant 0 : i32
        %dma_start3A_1177 = arith.constant 4 : i32
        %dma_start3A_1178 = arith.constant 0 : i32
        %dma_start3A_1179 = arith.constant 0 : i32
        %dma_start3A_1180 = tpu.memref_slice %arg7[%dma_start3A_1176, %dma_start3A_1177, %dma_start3A_1178, %dma_start3A_1179] : memref<2x6x128x64xbf16, #tpu.memory_space<vmem>> -> memref<1x1x128x64xbf16, #tpu.memory_space<vmem>>
        %dma_start3A_1181 = tpu.memref_squeeze %dma_start3A_1180 : memref<1x1x128x64xbf16, #tpu.memory_space<vmem>> -> memref<128x64xbf16, #tpu.memory_space<vmem>>
        %dma_start3A_1182 = arith.constant 0 : i32
        %dma_start3A_1183 = tpu.memref_slice %arg6[%add3A_1175, %dma_start3A_1182] : memref<79x128xi32, #tpu.memory_space<vmem>> -> memref<1x128xi32, #tpu.memory_space<vmem>>
        %dma_start3A_1184 = tpu.memref_squeeze %dma_start3A_1183 : memref<1x128xi32, #tpu.memory_space<vmem>> -> memref<128xi32, #tpu.memory_space<vmem>>
        %dma_start3A_1185 = arith.constant 0 : i32
        %dma_start3A_1186 = arith.constant 0 : i32
        %dma_start3A_1187 = tpu.memref_slice %arg3[%dma_start3A_1185, %dma_start3A_1186] : memref<10000x64xbf16, #tpu.memory_space<hbm>> -> memref<10000x64xbf16, #tpu.memory_space<hbm>>
        tpu.enqueue_indirect_dma source(%dma_start3A_1187 : memref<10000x64xbf16, #tpu.memory_space<hbm>>) target(%dma_start3A_1181 : memref<128x64xbf16, #tpu.memory_space<vmem>>) offsets(%dma_start3A_1184 : memref<128xi32, #tpu.memory_space<vmem>>) semaphore(%arg10 : memref<!tpu.dma_semaphore, #tpu.memory_space<semaphore_mem>>)
        %mul3A_1188 = arith.constant 6 : i32
        %mul3A_1189 = arith.muli %add3A_1107, %mul3A_1188 : i32
        %add3A_1190 = arith.constant 5 : i32
        %add3A_1191 = arith.addi %mul3A_1189, %add3A_1190 : i32
        %dma_start3A_1192 = arith.constant 0 : i32
        %dma_start3A_1193 = arith.constant 5 : i32
        %dma_start3A_1194 = arith.constant 0 : i32
        %dma_start3A_1195 = arith.constant 0 : i32
        %dma_start3A_1196 = tpu.memref_slice %arg7[%dma_start3A_1192, %dma_start3A_1193, %dma_start3A_1194, %dma_start3A_1195] : memref<2x6x128x64xbf16, #tpu.memory_space<vmem>> -> memref<1x1x128x64xbf16, #tpu.memory_space<vmem>>
        %dma_start3A_1197 = tpu.memref_squeeze %dma_start3A_1196 : memref<1x1x128x64xbf16, #tpu.memory_space<vmem>> -> memref<128x64xbf16, #tpu.memory_space<vmem>>
        %dma_start3A_1198 = arith.constant 0 : i32
        %dma_start3A_1199 = tpu.memref_slice %arg6[%add3A_1191, %dma_start3A_1198] : memref<79x128xi32, #tpu.memory_space<vmem>> -> memref<1x128xi32, #tpu.memory_space<vmem>>
        %dma_start3A_1200 = tpu.memref_squeeze %dma_start3A_1199 : memref<1x128xi32, #tpu.memory_space<vmem>> -> memref<128xi32, #tpu.memory_space<vmem>>
        %dma_start3A_1201 = arith.constant 0 : i32
        %dma_start3A_1202 = arith.constant 0 : i32
        %dma_start3A_1203 = tpu.memref_slice %arg3[%dma_start3A_1201, %dma_start3A_1202] : memref<10000x64xbf16, #tpu.memory_space<hbm>> -> memref<10000x64xbf16, #tpu.memory_space<hbm>>
        tpu.enqueue_indirect_dma source(%dma_start3A_1203 : memref<10000x64xbf16, #tpu.memory_space<hbm>>) target(%dma_start3A_1197 : memref<128x64xbf16, #tpu.memory_space<vmem>>) offsets(%dma_start3A_1200 : memref<128xi32, #tpu.memory_space<vmem>>) semaphore(%arg10 : memref<!tpu.dma_semaphore, #tpu.memory_space<semaphore_mem>>)
      } else {
      }
    }
    %scan3A_114 = arith.constant 6 : i32
    %dma_start3A_115 = arith.constant 72 : i32
    %dma_start3A_116 = arith.constant 0 : i32
    %dma_start3A_117 = arith.constant 0 : i32
    %dma_start3A_118 = arith.constant 0 : i32
    %dma_start3A_119 = arith.constant 0 : i32
    %dma_start3A_120 = tpu.memref_slice %arg7[%dma_start3A_116, %dma_start3A_117, %dma_start3A_118, %dma_start3A_119] : memref<2x6x128x64xbf16, #tpu.memory_space<vmem>> -> memref<1x1x128x64xbf16, #tpu.memory_space<vmem>>
    %dma_start3A_121 = tpu.memref_squeeze %dma_start3A_120 : memref<1x1x128x64xbf16, #tpu.memory_space<vmem>> -> memref<128x64xbf16, #tpu.memory_space<vmem>>
    %dma_start3A_122 = arith.constant 0 : i32
    %dma_start3A_123 = tpu.memref_slice %arg6[%dma_start3A_115, %dma_start3A_122] : memref<79x128xi32, #tpu.memory_space<vmem>> -> memref<1x128xi32, #tpu.memory_space<vmem>>
    %dma_start3A_124 = tpu.memref_squeeze %dma_start3A_123 : memref<1x128xi32, #tpu.memory_space<vmem>> -> memref<128xi32, #tpu.memory_space<vmem>>
    %dma_start3A_125 = arith.constant 0 : i32
    %dma_start3A_126 = arith.constant 0 : i32
    %dma_start3A_127 = tpu.memref_slice %arg3[%dma_start3A_125, %dma_start3A_126] : memref<10000x64xbf16, #tpu.memory_space<hbm>> -> memref<10000x64xbf16, #tpu.memory_space<hbm>>
    tpu.enqueue_indirect_dma source(%dma_start3A_127 : memref<10000x64xbf16, #tpu.memory_space<hbm>>) target(%dma_start3A_121 : memref<128x64xbf16, #tpu.memory_space<vmem>>) offsets(%dma_start3A_124 : memref<128xi32, #tpu.memory_space<vmem>>) semaphore(%arg10 : memref<!tpu.dma_semaphore, #tpu.memory_space<semaphore_mem>>)
    %dma_start3A_128 = arith.constant 73 : i32
    %dma_start3A_129 = arith.constant 0 : i32
    %dma_start3A_130 = arith.constant 1 : i32
    %dma_start3A_131 = arith.constant 0 : i32
    %dma_start3A_132 = arith.constant 0 : i32
    %dma_start3A_133 = tpu.memref_slice %arg7[%dma_start3A_129, %dma_start3A_130, %dma_start3A_131, %dma_start3A_132] : memref<2x6x128x64xbf16, #tpu.memory_space<vmem>> -> memref<1x1x128x64xbf16, #tpu.memory_space<vmem>>
    %dma_start3A_134 = tpu.memref_squeeze %dma_start3A_133 : memref<1x1x128x64xbf16, #tpu.memory_space<vmem>> -> memref<128x64xbf16, #tpu.memory_space<vmem>>
    %dma_start3A_135 = arith.constant 0 : i32
    %dma_start3A_136 = tpu.memref_slice %arg6[%dma_start3A_128, %dma_start3A_135] : memref<79x128xi32, #tpu.memory_space<vmem>> -> memref<1x128xi32, #tpu.memory_space<vmem>>
    %dma_start3A_137 = tpu.memref_squeeze %dma_start3A_136 : memref<1x128xi32, #tpu.memory_space<vmem>> -> memref<128xi32, #tpu.memory_space<vmem>>
    %dma_start3A_138 = arith.constant 0 : i32
    %dma_start3A_139 = arith.constant 0 : i32
    %dma_start3A_140 = tpu.memref_slice %arg3[%dma_start3A_138, %dma_start3A_139] : memref<10000x64xbf16, #tpu.memory_space<hbm>> -> memref<10000x64xbf16, #tpu.memory_space<hbm>>
    tpu.enqueue_indirect_dma source(%dma_start3A_140 : memref<10000x64xbf16, #tpu.memory_space<hbm>>) target(%dma_start3A_134 : memref<128x64xbf16, #tpu.memory_space<vmem>>) offsets(%dma_start3A_137 : memref<128xi32, #tpu.memory_space<vmem>>) semaphore(%arg10 : memref<!tpu.dma_semaphore, #tpu.memory_space<semaphore_mem>>)
    %dma_start3A_141 = arith.constant 74 : i32
    %dma_start3A_142 = arith.constant 0 : i32
    %dma_start3A_143 = arith.constant 2 : i32
    %dma_start3A_144 = arith.constant 0 : i32
    %dma_start3A_145 = arith.constant 0 : i32
    %dma_start3A_146 = tpu.memref_slice %arg7[%dma_start3A_142, %dma_start3A_143, %dma_start3A_144, %dma_start3A_145] : memref<2x6x128x64xbf16, #tpu.memory_space<vmem>> -> memref<1x1x128x64xbf16, #tpu.memory_space<vmem>>
    %dma_start3A_147 = tpu.memref_squeeze %dma_start3A_146 : memref<1x1x128x64xbf16, #tpu.memory_space<vmem>> -> memref<128x64xbf16, #tpu.memory_space<vmem>>
    %dma_start3A_148 = arith.constant 0 : i32
    %dma_start3A_149 = tpu.memref_slice %arg6[%dma_start3A_141, %dma_start3A_148] : memref<79x128xi32, #tpu.memory_space<vmem>> -> memref<1x128xi32, #tpu.memory_space<vmem>>
    %dma_start3A_150 = tpu.memref_squeeze %dma_start3A_149 : memref<1x128xi32, #tpu.memory_space<vmem>> -> memref<128xi32, #tpu.memory_space<vmem>>
    %dma_start3A_151 = arith.constant 0 : i32
    %dma_start3A_152 = arith.constant 0 : i32
    %dma_start3A_153 = tpu.memref_slice %arg3[%dma_start3A_151, %dma_start3A_152] : memref<10000x64xbf16, #tpu.memory_space<hbm>> -> memref<10000x64xbf16, #tpu.memory_space<hbm>>
    tpu.enqueue_indirect_dma source(%dma_start3A_153 : memref<10000x64xbf16, #tpu.memory_space<hbm>>) target(%dma_start3A_147 : memref<128x64xbf16, #tpu.memory_space<vmem>>) offsets(%dma_start3A_150 : memref<128xi32, #tpu.memory_space<vmem>>) semaphore(%arg10 : memref<!tpu.dma_semaphore, #tpu.memory_space<semaphore_mem>>)
    %dma_start3A_154 = arith.constant 75 : i32
    %dma_start3A_155 = arith.constant 0 : i32
    %dma_start3A_156 = arith.constant 3 : i32
    %dma_start3A_157 = arith.constant 0 : i32
    %dma_start3A_158 = arith.constant 0 : i32
    %dma_start3A_159 = tpu.memref_slice %arg7[%dma_start3A_155, %dma_start3A_156, %dma_start3A_157, %dma_start3A_158] : memref<2x6x128x64xbf16, #tpu.memory_space<vmem>> -> memref<1x1x128x64xbf16, #tpu.memory_space<vmem>>
    %dma_start3A_160 = tpu.memref_squeeze %dma_start3A_159 : memref<1x1x128x64xbf16, #tpu.memory_space<vmem>> -> memref<128x64xbf16, #tpu.memory_space<vmem>>
    %dma_start3A_161 = arith.constant 0 : i32
    %dma_start3A_162 = tpu.memref_slice %arg6[%dma_start3A_154, %dma_start3A_161] : memref<79x128xi32, #tpu.memory_space<vmem>> -> memref<1x128xi32, #tpu.memory_space<vmem>>
    %dma_start3A_163 = tpu.memref_squeeze %dma_start3A_162 : memref<1x128xi32, #tpu.memory_space<vmem>> -> memref<128xi32, #tpu.memory_space<vmem>>
    %dma_start3A_164 = arith.constant 0 : i32
    %dma_start3A_165 = arith.constant 0 : i32
    %dma_start3A_166 = tpu.memref_slice %arg3[%dma_start3A_164, %dma_start3A_165] : memref<10000x64xbf16, #tpu.memory_space<hbm>> -> memref<10000x64xbf16, #tpu.memory_space<hbm>>
    tpu.enqueue_indirect_dma source(%dma_start3A_166 : memref<10000x64xbf16, #tpu.memory_space<hbm>>) target(%dma_start3A_160 : memref<128x64xbf16, #tpu.memory_space<vmem>>) offsets(%dma_start3A_163 : memref<128xi32, #tpu.memory_space<vmem>>) semaphore(%arg10 : memref<!tpu.dma_semaphore, #tpu.memory_space<semaphore_mem>>)
    %dma_start3A_167 = arith.constant 76 : i32
    %dma_start3A_168 = arith.constant 0 : i32
    %dma_start3A_169 = arith.constant 4 : i32
    %dma_start3A_170 = arith.constant 0 : i32
    %dma_start3A_171 = arith.constant 0 : i32
    %dma_start3A_172 = tpu.memref_slice %arg7[%dma_start3A_168, %dma_start3A_169, %dma_start3A_170, %dma_start3A_171] : memref<2x6x128x64xbf16, #tpu.memory_space<vmem>> -> memref<1x1x128x64xbf16, #tpu.memory_space<vmem>>
    %dma_start3A_173 = tpu.memref_squeeze %dma_start3A_172 : memref<1x1x128x64xbf16, #tpu.memory_space<vmem>> -> memref<128x64xbf16, #tpu.memory_space<vmem>>
    %dma_start3A_174 = arith.constant 0 : i32
    %dma_start3A_175 = tpu.memref_slice %arg6[%dma_start3A_167, %dma_start3A_174] : memref<79x128xi32, #tpu.memory_space<vmem>> -> memref<1x128xi32, #tpu.memory_space<vmem>>
    %dma_start3A_176 = tpu.memref_squeeze %dma_start3A_175 : memref<1x128xi32, #tpu.memory_space<vmem>> -> memref<128xi32, #tpu.memory_space<vmem>>
    %dma_start3A_177 = arith.constant 0 : i32
    %dma_start3A_178 = arith.constant 0 : i32
    %dma_start3A_179 = tpu.memref_slice %arg3[%dma_start3A_177, %dma_start3A_178] : memref<10000x64xbf16, #tpu.memory_space<hbm>> -> memref<10000x64xbf16, #tpu.memory_space<hbm>>
    tpu.enqueue_indirect_dma source(%dma_start3A_179 : memref<10000x64xbf16, #tpu.memory_space<hbm>>) target(%dma_start3A_173 : memref<128x64xbf16, #tpu.memory_space<vmem>>) offsets(%dma_start3A_176 : memref<128xi32, #tpu.memory_space<vmem>>) semaphore(%arg10 : memref<!tpu.dma_semaphore, #tpu.memory_space<semaphore_mem>>)
    %dma_start3A_180 = arith.constant 77 : i32
    %dma_start3A_181 = arith.constant 0 : i32
    %dma_start3A_182 = arith.constant 5 : i32
    %dma_start3A_183 = arith.constant 0 : i32
    %dma_start3A_184 = arith.constant 0 : i32
    %dma_start3A_185 = tpu.memref_slice %arg7[%dma_start3A_181, %dma_start3A_182, %dma_start3A_183, %dma_start3A_184] : memref<2x6x128x64xbf16, #tpu.memory_space<vmem>> -> memref<1x1x128x64xbf16, #tpu.memory_space<vmem>>
    %dma_start3A_186 = tpu.memref_squeeze %dma_start3A_185 : memref<1x1x128x64xbf16, #tpu.memory_space<vmem>> -> memref<128x64xbf16, #tpu.memory_space<vmem>>
    %dma_start3A_187 = arith.constant 0 : i32
    %dma_start3A_188 = tpu.memref_slice %arg6[%dma_start3A_180, %dma_start3A_187] : memref<79x128xi32, #tpu.memory_space<vmem>> -> memref<1x128xi32, #tpu.memory_space<vmem>>
    %dma_start3A_189 = tpu.memref_squeeze %dma_start3A_188 : memref<1x128xi32, #tpu.memory_space<vmem>> -> memref<128xi32, #tpu.memory_space<vmem>>
    %dma_start3A_190 = arith.constant 0 : i32
    %dma_start3A_191 = arith.constant 0 : i32
    %dma_start3A_192 = tpu.memref_slice %arg3[%dma_start3A_190, %dma_start3A_191] : memref<10000x64xbf16, #tpu.memory_space<hbm>> -> memref<10000x64xbf16, #tpu.memory_space<hbm>>
    tpu.enqueue_indirect_dma source(%dma_start3A_192 : memref<10000x64xbf16, #tpu.memory_space<hbm>>) target(%dma_start3A_186 : memref<128x64xbf16, #tpu.memory_space<vmem>>) offsets(%dma_start3A_189 : memref<128xi32, #tpu.memory_space<vmem>>) semaphore(%arg10 : memref<!tpu.dma_semaphore, #tpu.memory_space<semaphore_mem>>)
    %dma_wait3A = arith.constant 72 : i32
    %dma_wait3A_193 = arith.constant 0 : i32
    %dma_wait3A_194 = arith.constant 0 : i32
    %dma_wait3A_195 = arith.constant 0 : i32
    %dma_wait3A_196 = arith.constant 0 : i32
    %dma_wait3A_197 = tpu.memref_slice %arg7[%dma_wait3A_193, %dma_wait3A_194, %dma_wait3A_195, %dma_wait3A_196] : memref<2x6x128x64xbf16, #tpu.memory_space<vmem>> -> memref<1x1x128x64xbf16, #tpu.memory_space<vmem>>
    %dma_wait3A_198 = tpu.memref_squeeze %dma_wait3A_197 : memref<1x1x128x64xbf16, #tpu.memory_space<vmem>> -> memref<128x64xbf16, #tpu.memory_space<vmem>>
    %dma_wait3A_199 = arith.constant 0 : i32
    %dma_wait3A_200 = tpu.memref_slice %arg6[%dma_wait3A, %dma_wait3A_199] : memref<79x128xi32, #tpu.memory_space<vmem>> -> memref<1x128xi32, #tpu.memory_space<vmem>>
    %dma_wait3A_201 = tpu.memref_squeeze %dma_wait3A_200 : memref<1x128xi32, #tpu.memory_space<vmem>> -> memref<128xi32, #tpu.memory_space<vmem>>
    %dma_wait3A_202 = arith.constant 0 : i32
    %dma_wait3A_203 = arith.constant 0 : i32
    %dma_wait3A_204 = tpu.memref_slice %arg3[%dma_wait3A_202, %dma_wait3A_203] : memref<10000x64xbf16, #tpu.memory_space<hbm>> -> memref<10000x64xbf16, #tpu.memory_space<hbm>>
    tpu.wait_indirect_dma semaphore(%arg10 : memref<!tpu.dma_semaphore, #tpu.memory_space<semaphore_mem>>) src(%dma_wait3A_204 : memref<10000x64xbf16, #tpu.memory_space<hbm>>) dst(%dma_wait3A_198 : memref<128x64xbf16, #tpu.memory_space<vmem>>)
    %dma_wait3A_205 = arith.constant 73 : i32
    %dma_wait3A_206 = arith.constant 0 : i32
    %dma_wait3A_207 = arith.constant 1 : i32
    %dma_wait3A_208 = arith.constant 0 : i32
    %dma_wait3A_209 = arith.constant 0 : i32
    %dma_wait3A_210 = tpu.memref_slice %arg7[%dma_wait3A_206, %dma_wait3A_207, %dma_wait3A_208, %dma_wait3A_209] : memref<2x6x128x64xbf16, #tpu.memory_space<vmem>> -> memref<1x1x128x64xbf16, #tpu.memory_space<vmem>>
    %dma_wait3A_211 = tpu.memref_squeeze %dma_wait3A_210 : memref<1x1x128x64xbf16, #tpu.memory_space<vmem>> -> memref<128x64xbf16, #tpu.memory_space<vmem>>
    %dma_wait3A_212 = arith.constant 0 : i32
    %dma_wait3A_213 = tpu.memref_slice %arg6[%dma_wait3A_205, %dma_wait3A_212] : memref<79x128xi32, #tpu.memory_space<vmem>> -> memref<1x128xi32, #tpu.memory_space<vmem>>
    %dma_wait3A_214 = tpu.memref_squeeze %dma_wait3A_213 : memref<1x128xi32, #tpu.memory_space<vmem>> -> memref<128xi32, #tpu.memory_space<vmem>>
    %dma_wait3A_215 = arith.constant 0 : i32
    %dma_wait3A_216 = arith.constant 0 : i32
    %dma_wait3A_217 = tpu.memref_slice %arg3[%dma_wait3A_215, %dma_wait3A_216] : memref<10000x64xbf16, #tpu.memory_space<hbm>> -> memref<10000x64xbf16, #tpu.memory_space<hbm>>
    tpu.wait_indirect_dma semaphore(%arg10 : memref<!tpu.dma_semaphore, #tpu.memory_space<semaphore_mem>>) src(%dma_wait3A_217 : memref<10000x64xbf16, #tpu.memory_space<hbm>>) dst(%dma_wait3A_211 : memref<128x64xbf16, #tpu.memory_space<vmem>>)
    %dma_wait3A_218 = arith.constant 74 : i32
    %dma_wait3A_219 = arith.constant 0 : i32
    %dma_wait3A_220 = arith.constant 2 : i32
    %dma_wait3A_221 = arith.constant 0 : i32
    %dma_wait3A_222 = arith.constant 0 : i32
    %dma_wait3A_223 = tpu.memref_slice %arg7[%dma_wait3A_219, %dma_wait3A_220, %dma_wait3A_221, %dma_wait3A_222] : memref<2x6x128x64xbf16, #tpu.memory_space<vmem>> -> memref<1x1x128x64xbf16, #tpu.memory_space<vmem>>
    %dma_wait3A_224 = tpu.memref_squeeze %dma_wait3A_223 : memref<1x1x128x64xbf16, #tpu.memory_space<vmem>> -> memref<128x64xbf16, #tpu.memory_space<vmem>>
    %dma_wait3A_225 = arith.constant 0 : i32
    %dma_wait3A_226 = tpu.memref_slice %arg6[%dma_wait3A_218, %dma_wait3A_225] : memref<79x128xi32, #tpu.memory_space<vmem>> -> memref<1x128xi32, #tpu.memory_space<vmem>>
    %dma_wait3A_227 = tpu.memref_squeeze %dma_wait3A_226 : memref<1x128xi32, #tpu.memory_space<vmem>> -> memref<128xi32, #tpu.memory_space<vmem>>
    %dma_wait3A_228 = arith.constant 0 : i32
    %dma_wait3A_229 = arith.constant 0 : i32
    %dma_wait3A_230 = tpu.memref_slice %arg3[%dma_wait3A_228, %dma_wait3A_229] : memref<10000x64xbf16, #tpu.memory_space<hbm>> -> memref<10000x64xbf16, #tpu.memory_space<hbm>>
    tpu.wait_indirect_dma semaphore(%arg10 : memref<!tpu.dma_semaphore, #tpu.memory_space<semaphore_mem>>) src(%dma_wait3A_230 : memref<10000x64xbf16, #tpu.memory_space<hbm>>) dst(%dma_wait3A_224 : memref<128x64xbf16, #tpu.memory_space<vmem>>)
    %dma_wait3A_231 = arith.constant 75 : i32
    %dma_wait3A_232 = arith.constant 0 : i32
    %dma_wait3A_233 = arith.constant 3 : i32
    %dma_wait3A_234 = arith.constant 0 : i32
    %dma_wait3A_235 = arith.constant 0 : i32
    %dma_wait3A_236 = tpu.memref_slice %arg7[%dma_wait3A_232, %dma_wait3A_233, %dma_wait3A_234, %dma_wait3A_235] : memref<2x6x128x64xbf16, #tpu.memory_space<vmem>> -> memref<1x1x128x64xbf16, #tpu.memory_space<vmem>>
    %dma_wait3A_237 = tpu.memref_squeeze %dma_wait3A_236 : memref<1x1x128x64xbf16, #tpu.memory_space<vmem>> -> memref<128x64xbf16, #tpu.memory_space<vmem>>
    %dma_wait3A_238 = arith.constant 0 : i32
    %dma_wait3A_239 = tpu.memref_slice %arg6[%dma_wait3A_231, %dma_wait3A_238] : memref<79x128xi32, #tpu.memory_space<vmem>> -> memref<1x128xi32, #tpu.memory_space<vmem>>
    %dma_wait3A_240 = tpu.memref_squeeze %dma_wait3A_239 : memref<1x128xi32, #tpu.memory_space<vmem>> -> memref<128xi32, #tpu.memory_space<vmem>>
    %dma_wait3A_241 = arith.constant 0 : i32
    %dma_wait3A_242 = arith.constant 0 : i32
    %dma_wait3A_243 = tpu.memref_slice %arg3[%dma_wait3A_241, %dma_wait3A_242] : memref<10000x64xbf16, #tpu.memory_space<hbm>> -> memref<10000x64xbf16, #tpu.memory_space<hbm>>
    tpu.wait_indirect_dma semaphore(%arg10 : memref<!tpu.dma_semaphore, #tpu.memory_space<semaphore_mem>>) src(%dma_wait3A_243 : memref<10000x64xbf16, #tpu.memory_space<hbm>>) dst(%dma_wait3A_237 : memref<128x64xbf16, #tpu.memory_space<vmem>>)
    %dma_wait3A_244 = arith.constant 76 : i32
    %dma_wait3A_245 = arith.constant 0 : i32
    %dma_wait3A_246 = arith.constant 4 : i32
    %dma_wait3A_247 = arith.constant 0 : i32
    %dma_wait3A_248 = arith.constant 0 : i32
    %dma_wait3A_249 = tpu.memref_slice %arg7[%dma_wait3A_245, %dma_wait3A_246, %dma_wait3A_247, %dma_wait3A_248] : memref<2x6x128x64xbf16, #tpu.memory_space<vmem>> -> memref<1x1x128x64xbf16, #tpu.memory_space<vmem>>
    %dma_wait3A_250 = tpu.memref_squeeze %dma_wait3A_249 : memref<1x1x128x64xbf16, #tpu.memory_space<vmem>> -> memref<128x64xbf16, #tpu.memory_space<vmem>>
    %dma_wait3A_251 = arith.constant 0 : i32
    %dma_wait3A_252 = tpu.memref_slice %arg6[%dma_wait3A_244, %dma_wait3A_251] : memref<79x128xi32, #tpu.memory_space<vmem>> -> memref<1x128xi32, #tpu.memory_space<vmem>>
    %dma_wait3A_253 = tpu.memref_squeeze %dma_wait3A_252 : memref<1x128xi32, #tpu.memory_space<vmem>> -> memref<128xi32, #tpu.memory_space<vmem>>
    %dma_wait3A_254 = arith.constant 0 : i32
    %dma_wait3A_255 = arith.constant 0 : i32
    %dma_wait3A_256 = tpu.memref_slice %arg3[%dma_wait3A_254, %dma_wait3A_255] : memref<10000x64xbf16, #tpu.memory_space<hbm>> -> memref<10000x64xbf16, #tpu.memory_space<hbm>>
    tpu.wait_indirect_dma semaphore(%arg10 : memref<!tpu.dma_semaphore, #tpu.memory_space<semaphore_mem>>) src(%dma_wait3A_256 : memref<10000x64xbf16, #tpu.memory_space<hbm>>) dst(%dma_wait3A_250 : memref<128x64xbf16, #tpu.memory_space<vmem>>)
    %dma_wait3A_257 = arith.constant 77 : i32
    %dma_wait3A_258 = arith.constant 0 : i32
    %dma_wait3A_259 = arith.constant 5 : i32
    %dma_wait3A_260 = arith.constant 0 : i32
    %dma_wait3A_261 = arith.constant 0 : i32
    %dma_wait3A_262 = tpu.memref_slice %arg7[%dma_wait3A_258, %dma_wait3A_259, %dma_wait3A_260, %dma_wait3A_261] : memref<2x6x128x64xbf16, #tpu.memory_space<vmem>> -> memref<1x1x128x64xbf16, #tpu.memory_space<vmem>>
    %dma_wait3A_263 = tpu.memref_squeeze %dma_wait3A_262 : memref<1x1x128x64xbf16, #tpu.memory_space<vmem>> -> memref<128x64xbf16, #tpu.memory_space<vmem>>
    %dma_wait3A_264 = arith.constant 0 : i32
    %dma_wait3A_265 = tpu.memref_slice %arg6[%dma_wait3A_257, %dma_wait3A_264] : memref<79x128xi32, #tpu.memory_space<vmem>> -> memref<1x128xi32, #tpu.memory_space<vmem>>
    %dma_wait3A_266 = tpu.memref_squeeze %dma_wait3A_265 : memref<1x128xi32, #tpu.memory_space<vmem>> -> memref<128xi32, #tpu.memory_space<vmem>>
    %dma_wait3A_267 = arith.constant 0 : i32
    %dma_wait3A_268 = arith.constant 0 : i32
    %dma_wait3A_269 = tpu.memref_slice %arg3[%dma_wait3A_267, %dma_wait3A_268] : memref<10000x64xbf16, #tpu.memory_space<hbm>> -> memref<10000x64xbf16, #tpu.memory_space<hbm>>
    tpu.wait_indirect_dma semaphore(%arg10 : memref<!tpu.dma_semaphore, #tpu.memory_space<semaphore_mem>>) src(%dma_wait3A_269 : memref<10000x64xbf16, #tpu.memory_space<hbm>>) dst(%dma_wait3A_263 : memref<128x64xbf16, #tpu.memory_space<vmem>>)
    %dma_start3A_270 = arith.constant 0 : i32
    %dma_start3A_271 = arith.constant 0 : i32
    %dma_start3A_272 = arith.constant 72 : i32
    %dma_start3A_273 = arith.constant 0 : i32
    %dma_start3A_274 = arith.constant 0 : i32
    %dma_start3A_275 = tpu.memref_slice %arg7[%dma_start3A_270, %dma_start3A_271, %dma_start3A_273, %dma_start3A_274] : memref<2x6x128x64xbf16, #tpu.memory_space<vmem>> -> memref<1x1x128x64xbf16, #tpu.memory_space<vmem>>
    %dma_start3A_276 = tpu.memref_squeeze %dma_start3A_275 : memref<1x1x128x64xbf16, #tpu.memory_space<vmem>> -> memref<128x64xbf16, #tpu.memory_space<vmem>>
    %dma_start3A_277 = arith.constant 0 : i32
    %dma_start3A_278 = tpu.memref_slice %arg5[%dma_start3A_272, %dma_start3A_277] : memref<79x128xi32, #tpu.memory_space<vmem>> -> memref<1x128xi32, #tpu.memory_space<vmem>>
    %dma_start3A_279 = tpu.memref_squeeze %dma_start3A_278 : memref<1x128xi32, #tpu.memory_space<vmem>> -> memref<128xi32, #tpu.memory_space<vmem>>
    %dma_start3A_280 = arith.constant 0 : i32
    %dma_start3A_281 = arith.constant 0 : i32
    %dma_start3A_282 = tpu.memref_slice %arg9[%dma_start3A_280, %dma_start3A_281] : memref<10240x64xbf16, #tpu.memory_space<vmem_shared>> -> memref<10240x64xbf16, #tpu.memory_space<vmem_shared>>
    tpu.enqueue_indirect_dma source(%dma_start3A_276 : memref<128x64xbf16, #tpu.memory_space<vmem>>) target(%dma_start3A_282 : memref<10240x64xbf16, #tpu.memory_space<vmem_shared>>) offsets(%dma_start3A_279 : memref<128xi32, #tpu.memory_space<vmem>>) semaphore(%arg12 : memref<!tpu.dma_semaphore, #tpu.memory_space<semaphore_mem>>) {add = true}
    %dma_start3A_283 = arith.constant 0 : i32
    %dma_start3A_284 = arith.constant 1 : i32
    %dma_start3A_285 = arith.constant 73 : i32
    %dma_start3A_286 = arith.constant 0 : i32
    %dma_start3A_287 = arith.constant 0 : i32
    %dma_start3A_288 = tpu.memref_slice %arg7[%dma_start3A_283, %dma_start3A_284, %dma_start3A_286, %dma_start3A_287] : memref<2x6x128x64xbf16, #tpu.memory_space<vmem>> -> memref<1x1x128x64xbf16, #tpu.memory_space<vmem>>
    %dma_start3A_289 = tpu.memref_squeeze %dma_start3A_288 : memref<1x1x128x64xbf16, #tpu.memory_space<vmem>> -> memref<128x64xbf16, #tpu.memory_space<vmem>>
    %dma_start3A_290 = arith.constant 0 : i32
    %dma_start3A_291 = tpu.memref_slice %arg5[%dma_start3A_285, %dma_start3A_290] : memref<79x128xi32, #tpu.memory_space<vmem>> -> memref<1x128xi32, #tpu.memory_space<vmem>>
    %dma_start3A_292 = tpu.memref_squeeze %dma_start3A_291 : memref<1x128xi32, #tpu.memory_space<vmem>> -> memref<128xi32, #tpu.memory_space<vmem>>
    %dma_start3A_293 = arith.constant 0 : i32
    %dma_start3A_294 = arith.constant 0 : i32
    %dma_start3A_295 = tpu.memref_slice %arg9[%dma_start3A_293, %dma_start3A_294] : memref<10240x64xbf16, #tpu.memory_space<vmem_shared>> -> memref<10240x64xbf16, #tpu.memory_space<vmem_shared>>
    tpu.enqueue_indirect_dma source(%dma_start3A_289 : memref<128x64xbf16, #tpu.memory_space<vmem>>) target(%dma_start3A_295 : memref<10240x64xbf16, #tpu.memory_space<vmem_shared>>) offsets(%dma_start3A_292 : memref<128xi32, #tpu.memory_space<vmem>>) semaphore(%arg12 : memref<!tpu.dma_semaphore, #tpu.memory_space<semaphore_mem>>) {add = true}
    %dma_start3A_296 = arith.constant 0 : i32
    %dma_start3A_297 = arith.constant 2 : i32
    %dma_start3A_298 = arith.constant 74 : i32
    %dma_start3A_299 = arith.constant 0 : i32
    %dma_start3A_300 = arith.constant 0 : i32
    %dma_start3A_301 = tpu.memref_slice %arg7[%dma_start3A_296, %dma_start3A_297, %dma_start3A_299, %dma_start3A_300] : memref<2x6x128x64xbf16, #tpu.memory_space<vmem>> -> memref<1x1x128x64xbf16, #tpu.memory_space<vmem>>
    %dma_start3A_302 = tpu.memref_squeeze %dma_start3A_301 : memref<1x1x128x64xbf16, #tpu.memory_space<vmem>> -> memref<128x64xbf16, #tpu.memory_space<vmem>>
    %dma_start3A_303 = arith.constant 0 : i32
    %dma_start3A_304 = tpu.memref_slice %arg5[%dma_start3A_298, %dma_start3A_303] : memref<79x128xi32, #tpu.memory_space<vmem>> -> memref<1x128xi32, #tpu.memory_space<vmem>>
    %dma_start3A_305 = tpu.memref_squeeze %dma_start3A_304 : memref<1x128xi32, #tpu.memory_space<vmem>> -> memref<128xi32, #tpu.memory_space<vmem>>
    %dma_start3A_306 = arith.constant 0 : i32
    %dma_start3A_307 = arith.constant 0 : i32
    %dma_start3A_308 = tpu.memref_slice %arg9[%dma_start3A_306, %dma_start3A_307] : memref<10240x64xbf16, #tpu.memory_space<vmem_shared>> -> memref<10240x64xbf16, #tpu.memory_space<vmem_shared>>
    tpu.enqueue_indirect_dma source(%dma_start3A_302 : memref<128x64xbf16, #tpu.memory_space<vmem>>) target(%dma_start3A_308 : memref<10240x64xbf16, #tpu.memory_space<vmem_shared>>) offsets(%dma_start3A_305 : memref<128xi32, #tpu.memory_space<vmem>>) semaphore(%arg12 : memref<!tpu.dma_semaphore, #tpu.memory_space<semaphore_mem>>) {add = true}
    %dma_start3A_309 = arith.constant 0 : i32
    %dma_start3A_310 = arith.constant 3 : i32
    %dma_start3A_311 = arith.constant 75 : i32
    %dma_start3A_312 = arith.constant 0 : i32
    %dma_start3A_313 = arith.constant 0 : i32
    %dma_start3A_314 = tpu.memref_slice %arg7[%dma_start3A_309, %dma_start3A_310, %dma_start3A_312, %dma_start3A_313] : memref<2x6x128x64xbf16, #tpu.memory_space<vmem>> -> memref<1x1x128x64xbf16, #tpu.memory_space<vmem>>
    %dma_start3A_315 = tpu.memref_squeeze %dma_start3A_314 : memref<1x1x128x64xbf16, #tpu.memory_space<vmem>> -> memref<128x64xbf16, #tpu.memory_space<vmem>>
    %dma_start3A_316 = arith.constant 0 : i32
    %dma_start3A_317 = tpu.memref_slice %arg5[%dma_start3A_311, %dma_start3A_316] : memref<79x128xi32, #tpu.memory_space<vmem>> -> memref<1x128xi32, #tpu.memory_space<vmem>>
    %dma_start3A_318 = tpu.memref_squeeze %dma_start3A_317 : memref<1x128xi32, #tpu.memory_space<vmem>> -> memref<128xi32, #tpu.memory_space<vmem>>
    %dma_start3A_319 = arith.constant 0 : i32
    %dma_start3A_320 = arith.constant 0 : i32
    %dma_start3A_321 = tpu.memref_slice %arg9[%dma_start3A_319, %dma_start3A_320] : memref<10240x64xbf16, #tpu.memory_space<vmem_shared>> -> memref<10240x64xbf16, #tpu.memory_space<vmem_shared>>
    tpu.enqueue_indirect_dma source(%dma_start3A_315 : memref<128x64xbf16, #tpu.memory_space<vmem>>) target(%dma_start3A_321 : memref<10240x64xbf16, #tpu.memory_space<vmem_shared>>) offsets(%dma_start3A_318 : memref<128xi32, #tpu.memory_space<vmem>>) semaphore(%arg12 : memref<!tpu.dma_semaphore, #tpu.memory_space<semaphore_mem>>) {add = true}
    %dma_start3A_322 = arith.constant 0 : i32
    %dma_start3A_323 = arith.constant 4 : i32
    %dma_start3A_324 = arith.constant 76 : i32
    %dma_start3A_325 = arith.constant 0 : i32
    %dma_start3A_326 = arith.constant 0 : i32
    %dma_start3A_327 = tpu.memref_slice %arg7[%dma_start3A_322, %dma_start3A_323, %dma_start3A_325, %dma_start3A_326] : memref<2x6x128x64xbf16, #tpu.memory_space<vmem>> -> memref<1x1x128x64xbf16, #tpu.memory_space<vmem>>
    %dma_start3A_328 = tpu.memref_squeeze %dma_start3A_327 : memref<1x1x128x64xbf16, #tpu.memory_space<vmem>> -> memref<128x64xbf16, #tpu.memory_space<vmem>>
    %dma_start3A_329 = arith.constant 0 : i32
    %dma_start3A_330 = tpu.memref_slice %arg5[%dma_start3A_324, %dma_start3A_329] : memref<79x128xi32, #tpu.memory_space<vmem>> -> memref<1x128xi32, #tpu.memory_space<vmem>>
    %dma_start3A_331 = tpu.memref_squeeze %dma_start3A_330 : memref<1x128xi32, #tpu.memory_space<vmem>> -> memref<128xi32, #tpu.memory_space<vmem>>
    %dma_start3A_332 = arith.constant 0 : i32
    %dma_start3A_333 = arith.constant 0 : i32
    %dma_start3A_334 = tpu.memref_slice %arg9[%dma_start3A_332, %dma_start3A_333] : memref<10240x64xbf16, #tpu.memory_space<vmem_shared>> -> memref<10240x64xbf16, #tpu.memory_space<vmem_shared>>
    tpu.enqueue_indirect_dma source(%dma_start3A_328 : memref<128x64xbf16, #tpu.memory_space<vmem>>) target(%dma_start3A_334 : memref<10240x64xbf16, #tpu.memory_space<vmem_shared>>) offsets(%dma_start3A_331 : memref<128xi32, #tpu.memory_space<vmem>>) semaphore(%arg12 : memref<!tpu.dma_semaphore, #tpu.memory_space<semaphore_mem>>) {add = true}
    %dma_start3A_335 = arith.constant 0 : i32
    %dma_start3A_336 = arith.constant 5 : i32
    %dma_start3A_337 = arith.constant 77 : i32
    %dma_start3A_338 = arith.constant 0 : i32
    %dma_start3A_339 = arith.constant 0 : i32
    %dma_start3A_340 = tpu.memref_slice %arg7[%dma_start3A_335, %dma_start3A_336, %dma_start3A_338, %dma_start3A_339] : memref<2x6x128x64xbf16, #tpu.memory_space<vmem>> -> memref<1x1x128x64xbf16, #tpu.memory_space<vmem>>
    %dma_start3A_341 = tpu.memref_squeeze %dma_start3A_340 : memref<1x1x128x64xbf16, #tpu.memory_space<vmem>> -> memref<128x64xbf16, #tpu.memory_space<vmem>>
    %dma_start3A_342 = arith.constant 0 : i32
    %dma_start3A_343 = tpu.memref_slice %arg5[%dma_start3A_337, %dma_start3A_342] : memref<79x128xi32, #tpu.memory_space<vmem>> -> memref<1x128xi32, #tpu.memory_space<vmem>>
    %dma_start3A_344 = tpu.memref_squeeze %dma_start3A_343 : memref<1x128xi32, #tpu.memory_space<vmem>> -> memref<128xi32, #tpu.memory_space<vmem>>
    %dma_start3A_345 = arith.constant 0 : i32
    %dma_start3A_346 = arith.constant 0 : i32
    %dma_start3A_347 = tpu.memref_slice %arg9[%dma_start3A_345, %dma_start3A_346] : memref<10240x64xbf16, #tpu.memory_space<vmem_shared>> -> memref<10240x64xbf16, #tpu.memory_space<vmem_shared>>
    tpu.enqueue_indirect_dma source(%dma_start3A_341 : memref<128x64xbf16, #tpu.memory_space<vmem>>) target(%dma_start3A_347 : memref<10240x64xbf16, #tpu.memory_space<vmem_shared>>) offsets(%dma_start3A_344 : memref<128xi32, #tpu.memory_space<vmem>>) semaphore(%arg12 : memref<!tpu.dma_semaphore, #tpu.memory_space<semaphore_mem>>) {add = true}
    %dma_wait3A_348 = arith.constant 1 : i32
    %dma_wait3A_349 = arith.constant 0 : i32
    %dma_wait3A_350 = arith.constant 66 : i32
    %dma_wait3A_351 = arith.constant 0 : i32
    %dma_wait3A_352 = arith.constant 0 : i32
    %dma_wait3A_353 = tpu.memref_slice %arg7[%dma_wait3A_348, %dma_wait3A_349, %dma_wait3A_351, %dma_wait3A_352] : memref<2x6x128x64xbf16, #tpu.memory_space<vmem>> -> memref<1x1x128x64xbf16, #tpu.memory_space<vmem>>
    %dma_wait3A_354 = tpu.memref_squeeze %dma_wait3A_353 : memref<1x1x128x64xbf16, #tpu.memory_space<vmem>> -> memref<128x64xbf16, #tpu.memory_space<vmem>>
    %dma_wait3A_355 = arith.constant 0 : i32
    %dma_wait3A_356 = tpu.memref_slice %arg5[%dma_wait3A_350, %dma_wait3A_355] : memref<79x128xi32, #tpu.memory_space<vmem>> -> memref<1x128xi32, #tpu.memory_space<vmem>>
    %dma_wait3A_357 = tpu.memref_squeeze %dma_wait3A_356 : memref<1x128xi32, #tpu.memory_space<vmem>> -> memref<128xi32, #tpu.memory_space<vmem>>
    %dma_wait3A_358 = arith.constant 0 : i32
    %dma_wait3A_359 = arith.constant 0 : i32
    %dma_wait3A_360 = tpu.memref_slice %arg9[%dma_wait3A_358, %dma_wait3A_359] : memref<10240x64xbf16, #tpu.memory_space<vmem_shared>> -> memref<10240x64xbf16, #tpu.memory_space<vmem_shared>>
    tpu.wait_indirect_dma semaphore(%arg13 : memref<!tpu.dma_semaphore, #tpu.memory_space<semaphore_mem>>) src(%dma_wait3A_354 : memref<128x64xbf16, #tpu.memory_space<vmem>>) dst(%dma_wait3A_360 : memref<10240x64xbf16, #tpu.memory_space<vmem_shared>>)
    %dma_wait3A_361 = arith.constant 1 : i32
    %dma_wait3A_362 = arith.constant 1 : i32
    %dma_wait3A_363 = arith.constant 67 : i32
    %dma_wait3A_364 = arith.constant 0 : i32
    %dma_wait3A_365 = arith.constant 0 : i32
    %dma_wait3A_366 = tpu.memref_slice %arg7[%dma_wait3A_361, %dma_wait3A_362, %dma_wait3A_364, %dma_wait3A_365] : memref<2x6x128x64xbf16, #tpu.memory_space<vmem>> -> memref<1x1x128x64xbf16, #tpu.memory_space<vmem>>
    %dma_wait3A_367 = tpu.memref_squeeze %dma_wait3A_366 : memref<1x1x128x64xbf16, #tpu.memory_space<vmem>> -> memref<128x64xbf16, #tpu.memory_space<vmem>>
    %dma_wait3A_368 = arith.constant 0 : i32
    %dma_wait3A_369 = tpu.memref_slice %arg5[%dma_wait3A_363, %dma_wait3A_368] : memref<79x128xi32, #tpu.memory_space<vmem>> -> memref<1x128xi32, #tpu.memory_space<vmem>>
    %dma_wait3A_370 = tpu.memref_squeeze %dma_wait3A_369 : memref<1x128xi32, #tpu.memory_space<vmem>> -> memref<128xi32, #tpu.memory_space<vmem>>
    %dma_wait3A_371 = arith.constant 0 : i32
    %dma_wait3A_372 = arith.constant 0 : i32
    %dma_wait3A_373 = tpu.memref_slice %arg9[%dma_wait3A_371, %dma_wait3A_372] : memref<10240x64xbf16, #tpu.memory_space<vmem_shared>> -> memref<10240x64xbf16, #tpu.memory_space<vmem_shared>>
    tpu.wait_indirect_dma semaphore(%arg13 : memref<!tpu.dma_semaphore, #tpu.memory_space<semaphore_mem>>) src(%dma_wait3A_367 : memref<128x64xbf16, #tpu.memory_space<vmem>>) dst(%dma_wait3A_373 : memref<10240x64xbf16, #tpu.memory_space<vmem_shared>>)
    %dma_wait3A_374 = arith.constant 1 : i32
    %dma_wait3A_375 = arith.constant 2 : i32
    %dma_wait3A_376 = arith.constant 68 : i32
    %dma_wait3A_377 = arith.constant 0 : i32
    %dma_wait3A_378 = arith.constant 0 : i32
    %dma_wait3A_379 = tpu.memref_slice %arg7[%dma_wait3A_374, %dma_wait3A_375, %dma_wait3A_377, %dma_wait3A_378] : memref<2x6x128x64xbf16, #tpu.memory_space<vmem>> -> memref<1x1x128x64xbf16, #tpu.memory_space<vmem>>
    %dma_wait3A_380 = tpu.memref_squeeze %dma_wait3A_379 : memref<1x1x128x64xbf16, #tpu.memory_space<vmem>> -> memref<128x64xbf16, #tpu.memory_space<vmem>>
    %dma_wait3A_381 = arith.constant 0 : i32
    %dma_wait3A_382 = tpu.memref_slice %arg5[%dma_wait3A_376, %dma_wait3A_381] : memref<79x128xi32, #tpu.memory_space<vmem>> -> memref<1x128xi32, #tpu.memory_space<vmem>>
    %dma_wait3A_383 = tpu.memref_squeeze %dma_wait3A_382 : memref<1x128xi32, #tpu.memory_space<vmem>> -> memref<128xi32, #tpu.memory_space<vmem>>
    %dma_wait3A_384 = arith.constant 0 : i32
    %dma_wait3A_385 = arith.constant 0 : i32
    %dma_wait3A_386 = tpu.memref_slice %arg9[%dma_wait3A_384, %dma_wait3A_385] : memref<10240x64xbf16, #tpu.memory_space<vmem_shared>> -> memref<10240x64xbf16, #tpu.memory_space<vmem_shared>>
    tpu.wait_indirect_dma semaphore(%arg13 : memref<!tpu.dma_semaphore, #tpu.memory_space<semaphore_mem>>) src(%dma_wait3A_380 : memref<128x64xbf16, #tpu.memory_space<vmem>>) dst(%dma_wait3A_386 : memref<10240x64xbf16, #tpu.memory_space<vmem_shared>>)
    %dma_wait3A_387 = arith.constant 1 : i32
    %dma_wait3A_388 = arith.constant 3 : i32
    %dma_wait3A_389 = arith.constant 69 : i32
    %dma_wait3A_390 = arith.constant 0 : i32
    %dma_wait3A_391 = arith.constant 0 : i32
    %dma_wait3A_392 = tpu.memref_slice %arg7[%dma_wait3A_387, %dma_wait3A_388, %dma_wait3A_390, %dma_wait3A_391] : memref<2x6x128x64xbf16, #tpu.memory_space<vmem>> -> memref<1x1x128x64xbf16, #tpu.memory_space<vmem>>
    %dma_wait3A_393 = tpu.memref_squeeze %dma_wait3A_392 : memref<1x1x128x64xbf16, #tpu.memory_space<vmem>> -> memref<128x64xbf16, #tpu.memory_space<vmem>>
    %dma_wait3A_394 = arith.constant 0 : i32
    %dma_wait3A_395 = tpu.memref_slice %arg5[%dma_wait3A_389, %dma_wait3A_394] : memref<79x128xi32, #tpu.memory_space<vmem>> -> memref<1x128xi32, #tpu.memory_space<vmem>>
    %dma_wait3A_396 = tpu.memref_squeeze %dma_wait3A_395 : memref<1x128xi32, #tpu.memory_space<vmem>> -> memref<128xi32, #tpu.memory_space<vmem>>
    %dma_wait3A_397 = arith.constant 0 : i32
    %dma_wait3A_398 = arith.constant 0 : i32
    %dma_wait3A_399 = tpu.memref_slice %arg9[%dma_wait3A_397, %dma_wait3A_398] : memref<10240x64xbf16, #tpu.memory_space<vmem_shared>> -> memref<10240x64xbf16, #tpu.memory_space<vmem_shared>>
    tpu.wait_indirect_dma semaphore(%arg13 : memref<!tpu.dma_semaphore, #tpu.memory_space<semaphore_mem>>) src(%dma_wait3A_393 : memref<128x64xbf16, #tpu.memory_space<vmem>>) dst(%dma_wait3A_399 : memref<10240x64xbf16, #tpu.memory_space<vmem_shared>>)
    %dma_wait3A_400 = arith.constant 1 : i32
    %dma_wait3A_401 = arith.constant 4 : i32
    %dma_wait3A_402 = arith.constant 70 : i32
    %dma_wait3A_403 = arith.constant 0 : i32
    %dma_wait3A_404 = arith.constant 0 : i32
    %dma_wait3A_405 = tpu.memref_slice %arg7[%dma_wait3A_400, %dma_wait3A_401, %dma_wait3A_403, %dma_wait3A_404] : memref<2x6x128x64xbf16, #tpu.memory_space<vmem>> -> memref<1x1x128x64xbf16, #tpu.memory_space<vmem>>
    %dma_wait3A_406 = tpu.memref_squeeze %dma_wait3A_405 : memref<1x1x128x64xbf16, #tpu.memory_space<vmem>> -> memref<128x64xbf16, #tpu.memory_space<vmem>>
    %dma_wait3A_407 = arith.constant 0 : i32
    %dma_wait3A_408 = tpu.memref_slice %arg5[%dma_wait3A_402, %dma_wait3A_407] : memref<79x128xi32, #tpu.memory_space<vmem>> -> memref<1x128xi32, #tpu.memory_space<vmem>>
    %dma_wait3A_409 = tpu.memref_squeeze %dma_wait3A_408 : memref<1x128xi32, #tpu.memory_space<vmem>> -> memref<128xi32, #tpu.memory_space<vmem>>
    %dma_wait3A_410 = arith.constant 0 : i32
    %dma_wait3A_411 = arith.constant 0 : i32
    %dma_wait3A_412 = tpu.memref_slice %arg9[%dma_wait3A_410, %dma_wait3A_411] : memref<10240x64xbf16, #tpu.memory_space<vmem_shared>> -> memref<10240x64xbf16, #tpu.memory_space<vmem_shared>>
    tpu.wait_indirect_dma semaphore(%arg13 : memref<!tpu.dma_semaphore, #tpu.memory_space<semaphore_mem>>) src(%dma_wait3A_406 : memref<128x64xbf16, #tpu.memory_space<vmem>>) dst(%dma_wait3A_412 : memref<10240x64xbf16, #tpu.memory_space<vmem_shared>>)
    %dma_wait3A_413 = arith.constant 1 : i32
    %dma_wait3A_414 = arith.constant 5 : i32
    %dma_wait3A_415 = arith.constant 71 : i32
    %dma_wait3A_416 = arith.constant 0 : i32
    %dma_wait3A_417 = arith.constant 0 : i32
    %dma_wait3A_418 = tpu.memref_slice %arg7[%dma_wait3A_413, %dma_wait3A_414, %dma_wait3A_416, %dma_wait3A_417] : memref<2x6x128x64xbf16, #tpu.memory_space<vmem>> -> memref<1x1x128x64xbf16, #tpu.memory_space<vmem>>
    %dma_wait3A_419 = tpu.memref_squeeze %dma_wait3A_418 : memref<1x1x128x64xbf16, #tpu.memory_space<vmem>> -> memref<128x64xbf16, #tpu.memory_space<vmem>>
    %dma_wait3A_420 = arith.constant 0 : i32
    %dma_wait3A_421 = tpu.memref_slice %arg5[%dma_wait3A_415, %dma_wait3A_420] : memref<79x128xi32, #tpu.memory_space<vmem>> -> memref<1x128xi32, #tpu.memory_space<vmem>>
    %dma_wait3A_422 = tpu.memref_squeeze %dma_wait3A_421 : memref<1x128xi32, #tpu.memory_space<vmem>> -> memref<128xi32, #tpu.memory_space<vmem>>
    %dma_wait3A_423 = arith.constant 0 : i32
    %dma_wait3A_424 = arith.constant 0 : i32
    %dma_wait3A_425 = tpu.memref_slice %arg9[%dma_wait3A_423, %dma_wait3A_424] : memref<10240x64xbf16, #tpu.memory_space<vmem_shared>> -> memref<10240x64xbf16, #tpu.memory_space<vmem_shared>>
    tpu.wait_indirect_dma semaphore(%arg13 : memref<!tpu.dma_semaphore, #tpu.memory_space<semaphore_mem>>) src(%dma_wait3A_419 : memref<128x64xbf16, #tpu.memory_space<vmem>>) dst(%dma_wait3A_425 : memref<10240x64xbf16, #tpu.memory_space<vmem_shared>>)
    %dma_wait3A_426 = arith.constant 0 : i32
    %dma_wait3A_427 = arith.constant 0 : i32
    %dma_wait3A_428 = arith.constant 72 : i32
    %dma_wait3A_429 = arith.constant 0 : i32
    %dma_wait3A_430 = arith.constant 0 : i32
    %dma_wait3A_431 = tpu.memref_slice %arg7[%dma_wait3A_426, %dma_wait3A_427, %dma_wait3A_429, %dma_wait3A_430] : memref<2x6x128x64xbf16, #tpu.memory_space<vmem>> -> memref<1x1x128x64xbf16, #tpu.memory_space<vmem>>
    %dma_wait3A_432 = tpu.memref_squeeze %dma_wait3A_431 : memref<1x1x128x64xbf16, #tpu.memory_space<vmem>> -> memref<128x64xbf16, #tpu.memory_space<vmem>>
    %dma_wait3A_433 = arith.constant 0 : i32
    %dma_wait3A_434 = tpu.memref_slice %arg5[%dma_wait3A_428, %dma_wait3A_433] : memref<79x128xi32, #tpu.memory_space<vmem>> -> memref<1x128xi32, #tpu.memory_space<vmem>>
    %dma_wait3A_435 = tpu.memref_squeeze %dma_wait3A_434 : memref<1x128xi32, #tpu.memory_space<vmem>> -> memref<128xi32, #tpu.memory_space<vmem>>
    %dma_wait3A_436 = arith.constant 0 : i32
    %dma_wait3A_437 = arith.constant 0 : i32
    %dma_wait3A_438 = tpu.memref_slice %arg9[%dma_wait3A_436, %dma_wait3A_437] : memref<10240x64xbf16, #tpu.memory_space<vmem_shared>> -> memref<10240x64xbf16, #tpu.memory_space<vmem_shared>>
    tpu.wait_indirect_dma semaphore(%arg12 : memref<!tpu.dma_semaphore, #tpu.memory_space<semaphore_mem>>) src(%dma_wait3A_432 : memref<128x64xbf16, #tpu.memory_space<vmem>>) dst(%dma_wait3A_438 : memref<10240x64xbf16, #tpu.memory_space<vmem_shared>>)
    %dma_wait3A_439 = arith.constant 0 : i32
    %dma_wait3A_440 = arith.constant 1 : i32
    %dma_wait3A_441 = arith.constant 73 : i32
    %dma_wait3A_442 = arith.constant 0 : i32
    %dma_wait3A_443 = arith.constant 0 : i32
    %dma_wait3A_444 = tpu.memref_slice %arg7[%dma_wait3A_439, %dma_wait3A_440, %dma_wait3A_442, %dma_wait3A_443] : memref<2x6x128x64xbf16, #tpu.memory_space<vmem>> -> memref<1x1x128x64xbf16, #tpu.memory_space<vmem>>
    %dma_wait3A_445 = tpu.memref_squeeze %dma_wait3A_444 : memref<1x1x128x64xbf16, #tpu.memory_space<vmem>> -> memref<128x64xbf16, #tpu.memory_space<vmem>>
    %dma_wait3A_446 = arith.constant 0 : i32
    %dma_wait3A_447 = tpu.memref_slice %arg5[%dma_wait3A_441, %dma_wait3A_446] : memref<79x128xi32, #tpu.memory_space<vmem>> -> memref<1x128xi32, #tpu.memory_space<vmem>>
    %dma_wait3A_448 = tpu.memref_squeeze %dma_wait3A_447 : memref<1x128xi32, #tpu.memory_space<vmem>> -> memref<128xi32, #tpu.memory_space<vmem>>
    %dma_wait3A_449 = arith.constant 0 : i32
    %dma_wait3A_450 = arith.constant 0 : i32
    %dma_wait3A_451 = tpu.memref_slice %arg9[%dma_wait3A_449, %dma_wait3A_450] : memref<10240x64xbf16, #tpu.memory_space<vmem_shared>> -> memref<10240x64xbf16, #tpu.memory_space<vmem_shared>>
    tpu.wait_indirect_dma semaphore(%arg12 : memref<!tpu.dma_semaphore, #tpu.memory_space<semaphore_mem>>) src(%dma_wait3A_445 : memref<128x64xbf16, #tpu.memory_space<vmem>>) dst(%dma_wait3A_451 : memref<10240x64xbf16, #tpu.memory_space<vmem_shared>>)
    %dma_wait3A_452 = arith.constant 0 : i32
    %dma_wait3A_453 = arith.constant 2 : i32
    %dma_wait3A_454 = arith.constant 74 : i32
    %dma_wait3A_455 = arith.constant 0 : i32
    %dma_wait3A_456 = arith.constant 0 : i32
    %dma_wait3A_457 = tpu.memref_slice %arg7[%dma_wait3A_452, %dma_wait3A_453, %dma_wait3A_455, %dma_wait3A_456] : memref<2x6x128x64xbf16, #tpu.memory_space<vmem>> -> memref<1x1x128x64xbf16, #tpu.memory_space<vmem>>
    %dma_wait3A_458 = tpu.memref_squeeze %dma_wait3A_457 : memref<1x1x128x64xbf16, #tpu.memory_space<vmem>> -> memref<128x64xbf16, #tpu.memory_space<vmem>>
    %dma_wait3A_459 = arith.constant 0 : i32
    %dma_wait3A_460 = tpu.memref_slice %arg5[%dma_wait3A_454, %dma_wait3A_459] : memref<79x128xi32, #tpu.memory_space<vmem>> -> memref<1x128xi32, #tpu.memory_space<vmem>>
    %dma_wait3A_461 = tpu.memref_squeeze %dma_wait3A_460 : memref<1x128xi32, #tpu.memory_space<vmem>> -> memref<128xi32, #tpu.memory_space<vmem>>
    %dma_wait3A_462 = arith.constant 0 : i32
    %dma_wait3A_463 = arith.constant 0 : i32
    %dma_wait3A_464 = tpu.memref_slice %arg9[%dma_wait3A_462, %dma_wait3A_463] : memref<10240x64xbf16, #tpu.memory_space<vmem_shared>> -> memref<10240x64xbf16, #tpu.memory_space<vmem_shared>>
    tpu.wait_indirect_dma semaphore(%arg12 : memref<!tpu.dma_semaphore, #tpu.memory_space<semaphore_mem>>) src(%dma_wait3A_458 : memref<128x64xbf16, #tpu.memory_space<vmem>>) dst(%dma_wait3A_464 : memref<10240x64xbf16, #tpu.memory_space<vmem_shared>>)
    %dma_wait3A_465 = arith.constant 0 : i32
    %dma_wait3A_466 = arith.constant 3 : i32
    %dma_wait3A_467 = arith.constant 75 : i32
    %dma_wait3A_468 = arith.constant 0 : i32
    %dma_wait3A_469 = arith.constant 0 : i32
    %dma_wait3A_470 = tpu.memref_slice %arg7[%dma_wait3A_465, %dma_wait3A_466, %dma_wait3A_468, %dma_wait3A_469] : memref<2x6x128x64xbf16, #tpu.memory_space<vmem>> -> memref<1x1x128x64xbf16, #tpu.memory_space<vmem>>
    %dma_wait3A_471 = tpu.memref_squeeze %dma_wait3A_470 : memref<1x1x128x64xbf16, #tpu.memory_space<vmem>> -> memref<128x64xbf16, #tpu.memory_space<vmem>>
    %dma_wait3A_472 = arith.constant 0 : i32
    %dma_wait3A_473 = tpu.memref_slice %arg5[%dma_wait3A_467, %dma_wait3A_472] : memref<79x128xi32, #tpu.memory_space<vmem>> -> memref<1x128xi32, #tpu.memory_space<vmem>>
    %dma_wait3A_474 = tpu.memref_squeeze %dma_wait3A_473 : memref<1x128xi32, #tpu.memory_space<vmem>> -> memref<128xi32, #tpu.memory_space<vmem>>
    %dma_wait3A_475 = arith.constant 0 : i32
    %dma_wait3A_476 = arith.constant 0 : i32
    %dma_wait3A_477 = tpu.memref_slice %arg9[%dma_wait3A_475, %dma_wait3A_476] : memref<10240x64xbf16, #tpu.memory_space<vmem_shared>> -> memref<10240x64xbf16, #tpu.memory_space<vmem_shared>>
    tpu.wait_indirect_dma semaphore(%arg12 : memref<!tpu.dma_semaphore, #tpu.memory_space<semaphore_mem>>) src(%dma_wait3A_471 : memref<128x64xbf16, #tpu.memory_space<vmem>>) dst(%dma_wait3A_477 : memref<10240x64xbf16, #tpu.memory_space<vmem_shared>>)
    %dma_wait3A_478 = arith.constant 0 : i32
    %dma_wait3A_479 = arith.constant 4 : i32
    %dma_wait3A_480 = arith.constant 76 : i32
    %dma_wait3A_481 = arith.constant 0 : i32
    %dma_wait3A_482 = arith.constant 0 : i32
    %dma_wait3A_483 = tpu.memref_slice %arg7[%dma_wait3A_478, %dma_wait3A_479, %dma_wait3A_481, %dma_wait3A_482] : memref<2x6x128x64xbf16, #tpu.memory_space<vmem>> -> memref<1x1x128x64xbf16, #tpu.memory_space<vmem>>
    %dma_wait3A_484 = tpu.memref_squeeze %dma_wait3A_483 : memref<1x1x128x64xbf16, #tpu.memory_space<vmem>> -> memref<128x64xbf16, #tpu.memory_space<vmem>>
    %dma_wait3A_485 = arith.constant 0 : i32
    %dma_wait3A_486 = tpu.memref_slice %arg5[%dma_wait3A_480, %dma_wait3A_485] : memref<79x128xi32, #tpu.memory_space<vmem>> -> memref<1x128xi32, #tpu.memory_space<vmem>>
    %dma_wait3A_487 = tpu.memref_squeeze %dma_wait3A_486 : memref<1x128xi32, #tpu.memory_space<vmem>> -> memref<128xi32, #tpu.memory_space<vmem>>
    %dma_wait3A_488 = arith.constant 0 : i32
    %dma_wait3A_489 = arith.constant 0 : i32
    %dma_wait3A_490 = tpu.memref_slice %arg9[%dma_wait3A_488, %dma_wait3A_489] : memref<10240x64xbf16, #tpu.memory_space<vmem_shared>> -> memref<10240x64xbf16, #tpu.memory_space<vmem_shared>>
    tpu.wait_indirect_dma semaphore(%arg12 : memref<!tpu.dma_semaphore, #tpu.memory_space<semaphore_mem>>) src(%dma_wait3A_484 : memref<128x64xbf16, #tpu.memory_space<vmem>>) dst(%dma_wait3A_490 : memref<10240x64xbf16, #tpu.memory_space<vmem_shared>>)
    %dma_wait3A_491 = arith.constant 0 : i32
    %dma_wait3A_492 = arith.constant 5 : i32
    %dma_wait3A_493 = arith.constant 77 : i32
    %dma_wait3A_494 = arith.constant 0 : i32
    %dma_wait3A_495 = arith.constant 0 : i32
    %dma_wait3A_496 = tpu.memref_slice %arg7[%dma_wait3A_491, %dma_wait3A_492, %dma_wait3A_494, %dma_wait3A_495] : memref<2x6x128x64xbf16, #tpu.memory_space<vmem>> -> memref<1x1x128x64xbf16, #tpu.memory_space<vmem>>
    %dma_wait3A_497 = tpu.memref_squeeze %dma_wait3A_496 : memref<1x1x128x64xbf16, #tpu.memory_space<vmem>> -> memref<128x64xbf16, #tpu.memory_space<vmem>>
    %dma_wait3A_498 = arith.constant 0 : i32
    %dma_wait3A_499 = tpu.memref_slice %arg5[%dma_wait3A_493, %dma_wait3A_498] : memref<79x128xi32, #tpu.memory_space<vmem>> -> memref<1x128xi32, #tpu.memory_space<vmem>>
    %dma_wait3A_500 = tpu.memref_squeeze %dma_wait3A_499 : memref<1x128xi32, #tpu.memory_space<vmem>> -> memref<128xi32, #tpu.memory_space<vmem>>
    %dma_wait3A_501 = arith.constant 0 : i32
    %dma_wait3A_502 = arith.constant 0 : i32
    %dma_wait3A_503 = tpu.memref_slice %arg9[%dma_wait3A_501, %dma_wait3A_502] : memref<10240x64xbf16, #tpu.memory_space<vmem_shared>> -> memref<10240x64xbf16, #tpu.memory_space<vmem_shared>>
    tpu.wait_indirect_dma semaphore(%arg12 : memref<!tpu.dma_semaphore, #tpu.memory_space<semaphore_mem>>) src(%dma_wait3A_497 : memref<128x64xbf16, #tpu.memory_space<vmem>>) dst(%dma_wait3A_503 : memref<10240x64xbf16, #tpu.memory_space<vmem_shared>>)
    %lt3A_504 = arith.constant 4 : i32
    %lt3A_505 = arith.cmpi slt, %add3A, %lt3A_504 : i32
    %convert_element_type3A_506 = arith.extui %lt3A_505 : i1 to i32
    %cond3A_507 = arith.constant 0 : i32
    %cond3A_508 = arith.cmpi ne, %convert_element_type3A_506, %cond3A_507 : i32
    scf.if %cond3A_508 {
      %run_scoped3A_514 = arith.constant 78 : i32
      %run_scoped3A_515 = arith.constant 0 : i32
      %run_scoped3A_516 = arith.constant 0 : i32
      "tpu.region"() ({
        %run_scoped3A_520 = tpu.sem_alloc : memref<!tpu.dma_semaphore, #tpu.memory_space<semaphore_mem>>
        %dma_start3A_521 = arith.constant 0 : i32
        %dma_start3A_522 = arith.constant 0 : i32
        %dma_start3A_523 = tpu.memref_slice %arg7[%run_scoped3A_515, %run_scoped3A_516, %dma_start3A_521, %dma_start3A_522] : memref<2x6x128x64xbf16, #tpu.memory_space<vmem>> -> memref<1x1x128x64xbf16, #tpu.memory_space<vmem>>
        %dma_start3A_524 = tpu.memref_squeeze %dma_start3A_523 : memref<1x1x128x64xbf16, #tpu.memory_space<vmem>> -> memref<128x64xbf16, #tpu.memory_space<vmem>>
        %dma_start3A_525 = arith.constant 0 : i32
        %dma_start3A_526 = tpu.memref_slice %arg6[%run_scoped3A_514, %dma_start3A_525] : memref<79x128xi32, #tpu.memory_space<vmem>> -> memref<1x128xi32, #tpu.memory_space<vmem>>
        %dma_start3A_527 = tpu.memref_squeeze %dma_start3A_526 : memref<1x128xi32, #tpu.memory_space<vmem>> -> memref<128xi32, #tpu.memory_space<vmem>>
        %dma_start3A_528 = arith.constant 0 : i32
        %dma_start3A_529 = arith.constant 0 : i32
        %dma_start3A_530 = tpu.memref_slice %arg3[%dma_start3A_528, %dma_start3A_529] : memref<10000x64xbf16, #tpu.memory_space<hbm>> -> memref<10000x64xbf16, #tpu.memory_space<hbm>>
        tpu.enqueue_indirect_dma source(%dma_start3A_530 : memref<10000x64xbf16, #tpu.memory_space<hbm>>) target(%dma_start3A_524 : memref<128x64xbf16, #tpu.memory_space<vmem>>) offsets(%dma_start3A_527 : memref<128xi32, #tpu.memory_space<vmem>>) semaphore(%run_scoped3A_520 : memref<!tpu.dma_semaphore, #tpu.memory_space<semaphore_mem>>)
        %dma_wait3A_531 = arith.constant 0 : i32
        %dma_wait3A_532 = arith.constant 0 : i32
        %dma_wait3A_533 = tpu.memref_slice %arg7[%run_scoped3A_515, %run_scoped3A_516, %dma_wait3A_531, %dma_wait3A_532] : memref<2x6x128x64xbf16, #tpu.memory_space<vmem>> -> memref<1x1x128x64xbf16, #tpu.memory_space<vmem>>
        %dma_wait3A_534 = tpu.memref_squeeze %dma_wait3A_533 : memref<1x1x128x64xbf16, #tpu.memory_space<vmem>> -> memref<128x64xbf16, #tpu.memory_space<vmem>>
        %dma_wait3A_535 = arith.constant 0 : i32
        %dma_wait3A_536 = tpu.memref_slice %arg6[%run_scoped3A_514, %dma_wait3A_535] : memref<79x128xi32, #tpu.memory_space<vmem>> -> memref<1x128xi32, #tpu.memory_space<vmem>>
        %dma_wait3A_537 = tpu.memref_squeeze %dma_wait3A_536 : memref<1x128xi32, #tpu.memory_space<vmem>> -> memref<128xi32, #tpu.memory_space<vmem>>
        %dma_wait3A_538 = arith.constant 0 : i32
        %dma_wait3A_539 = arith.constant 0 : i32
        %dma_wait3A_540 = tpu.memref_slice %arg3[%dma_wait3A_538, %dma_wait3A_539] : memref<10000x64xbf16, #tpu.memory_space<hbm>> -> memref<10000x64xbf16, #tpu.memory_space<hbm>>
        tpu.wait_indirect_dma semaphore(%run_scoped3A_520 : memref<!tpu.dma_semaphore, #tpu.memory_space<semaphore_mem>>) src(%dma_wait3A_540 : memref<10000x64xbf16, #tpu.memory_space<hbm>>) dst(%dma_wait3A_534 : memref<128x64xbf16, #tpu.memory_space<vmem>>)
        tpu.yield
      }) : () -> ()
      %run_scoped3A_517 = arith.constant 0 : i32
      %run_scoped3A_518 = arith.constant 0 : i32
      %run_scoped3A_519 = arith.constant 78 : i32
      "tpu.region"() ({
        %run_scoped3A_520 = tpu.sem_alloc : memref<!tpu.dma_semaphore, #tpu.memory_space<semaphore_mem>>
        %dma_start3A_521 = arith.constant 0 : i32
        %dma_start3A_522 = arith.constant 0 : i32
        %dma_start3A_523 = tpu.memref_slice %arg7[%run_scoped3A_517, %run_scoped3A_518, %dma_start3A_521, %dma_start3A_522] : memref<2x6x128x64xbf16, #tpu.memory_space<vmem>> -> memref<1x1x128x64xbf16, #tpu.memory_space<vmem>>
        %dma_start3A_524 = tpu.memref_squeeze %dma_start3A_523 : memref<1x1x128x64xbf16, #tpu.memory_space<vmem>> -> memref<128x64xbf16, #tpu.memory_space<vmem>>
        %dma_start3A_525 = arith.constant 0 : i32
        %dma_start3A_526 = tpu.memref_slice %arg5[%run_scoped3A_519, %dma_start3A_525] : memref<79x128xi32, #tpu.memory_space<vmem>> -> memref<1x128xi32, #tpu.memory_space<vmem>>
        %dma_start3A_527 = tpu.memref_squeeze %dma_start3A_526 : memref<1x128xi32, #tpu.memory_space<vmem>> -> memref<128xi32, #tpu.memory_space<vmem>>
        %dma_start3A_528 = arith.constant 0 : i32
        %dma_start3A_529 = arith.constant 0 : i32
        %dma_start3A_530 = tpu.memref_slice %arg9[%dma_start3A_528, %dma_start3A_529] : memref<10240x64xbf16, #tpu.memory_space<vmem_shared>> -> memref<10240x64xbf16, #tpu.memory_space<vmem_shared>>
        tpu.enqueue_indirect_dma source(%dma_start3A_524 : memref<128x64xbf16, #tpu.memory_space<vmem>>) target(%dma_start3A_530 : memref<10240x64xbf16, #tpu.memory_space<vmem_shared>>) offsets(%dma_start3A_527 : memref<128xi32, #tpu.memory_space<vmem>>) semaphore(%run_scoped3A_520 : memref<!tpu.dma_semaphore, #tpu.memory_space<semaphore_mem>>) {add = true}
        %dma_wait3A_531 = arith.constant 0 : i32
        %dma_wait3A_532 = arith.constant 0 : i32
        %dma_wait3A_533 = tpu.memref_slice %arg7[%run_scoped3A_517, %run_scoped3A_518, %dma_wait3A_531, %dma_wait3A_532] : memref<2x6x128x64xbf16, #tpu.memory_space<vmem>> -> memref<1x1x128x64xbf16, #tpu.memory_space<vmem>>
        %dma_wait3A_534 = tpu.memref_squeeze %dma_wait3A_533 : memref<1x1x128x64xbf16, #tpu.memory_space<vmem>> -> memref<128x64xbf16, #tpu.memory_space<vmem>>
        %dma_wait3A_535 = arith.constant 0 : i32
        %dma_wait3A_536 = tpu.memref_slice %arg5[%run_scoped3A_519, %dma_wait3A_535] : memref<79x128xi32, #tpu.memory_space<vmem>> -> memref<1x128xi32, #tpu.memory_space<vmem>>
        %dma_wait3A_537 = tpu.memref_squeeze %dma_wait3A_536 : memref<1x128xi32, #tpu.memory_space<vmem>> -> memref<128xi32, #tpu.memory_space<vmem>>
        %dma_wait3A_538 = arith.constant 0 : i32
        %dma_wait3A_539 = arith.constant 0 : i32
        %dma_wait3A_540 = tpu.memref_slice %arg9[%dma_wait3A_538, %dma_wait3A_539] : memref<10240x64xbf16, #tpu.memory_space<vmem_shared>> -> memref<10240x64xbf16, #tpu.memory_space<vmem_shared>>
        tpu.wait_indirect_dma semaphore(%run_scoped3A_520 : memref<!tpu.dma_semaphore, #tpu.memory_space<semaphore_mem>>) src(%dma_wait3A_534 : memref<128x64xbf16, #tpu.memory_space<vmem>>) dst(%dma_wait3A_540 : memref<10240x64xbf16, #tpu.memory_space<vmem_shared>>)
        tpu.yield
      }) : () -> ()
    } else {
    }
    %barrier3A_509 = arith.constant 0 : index
    tpu.barrier barrier_id(%barrier3A_509)
    %mul3A_510 = arith.constant 640 : i32
    %mul3A_511 = arith.muli %arg1, %mul3A_510 : i32
    %mul3A_512 = arith.constant 640 : i32
    %mul3A_513 = arith.muli %arg1, %mul3A_512 : i32
    "tpu.region"() ({
      %run_scoped3A_514 = tpu.sem_alloc : memref<!tpu.dma_semaphore, #tpu.memory_space<semaphore_mem>>
      %dma_start3A_515 = arith.constant 0 : i32
      %dma_start3A_516 = tpu.memref_slice %arg4[%arg0, %mul3A_513, %dma_start3A_515] : memref<2x10240x64xbf16, #tpu.memory_space<hbm>> -> memref<1x640x64xbf16, #tpu.memory_space<hbm>>
      %dma_start3A_517 = tpu.memref_squeeze %dma_start3A_516 : memref<1x640x64xbf16, #tpu.memory_space<hbm>> -> memref<640x64xbf16, #tpu.memory_space<hbm>>
      %dma_start3A_518 = arith.constant 0 : i32
      %dma_start3A_519 = tpu.memref_slice %arg9[%mul3A_511, %dma_start3A_518] : memref<10240x64xbf16, #tpu.memory_space<vmem_shared>> -> memref<640x64xbf16, #tpu.memory_space<vmem_shared>>
      tpu.enqueue_dma source(%dma_start3A_519 : memref<640x64xbf16, #tpu.memory_space<vmem_shared>>) target(%dma_start3A_517 : memref<640x64xbf16, #tpu.memory_space<hbm>>) target_semaphore(%run_scoped3A_514 : memref<!tpu.dma_semaphore, #tpu.memory_space<semaphore_mem>>)
      %dma_wait3A_520 = arith.constant 0 : i32
      %dma_wait3A_521 = tpu.memref_slice %arg4[%arg0, %mul3A_513, %dma_wait3A_520] : memref<2x10240x64xbf16, #tpu.memory_space<hbm>> -> memref<1x640x64xbf16, #tpu.memory_space<hbm>>
      %dma_wait3A_522 = tpu.memref_squeeze %dma_wait3A_521 : memref<1x640x64xbf16, #tpu.memory_space<hbm>> -> memref<640x64xbf16, #tpu.memory_space<hbm>>
      %dma_wait3A_523 = arith.constant 0 : i32
      %dma_wait3A_524 = tpu.memref_slice %arg9[%mul3A_511, %dma_wait3A_523] : memref<10240x64xbf16, #tpu.memory_space<vmem_shared>> -> memref<640x64xbf16, #tpu.memory_space<vmem_shared>>
      tpu.wait_dma2 semaphore(%run_scoped3A_514 : memref<!tpu.dma_semaphore, #tpu.memory_space<semaphore_mem>>) src(%dma_wait3A_524 : memref<640x64xbf16, #tpu.memory_space<vmem_shared>>) dst(%dma_wait3A_522 : memref<640x64xbf16, #tpu.memory_space<hbm>>)
      tpu.yield
    }) : () -> ()
    return
  }
}

module attributes {stable_mosaic.version = 14 : i64} {
  func.func @_embed_body(%arg0: memref<10000x128xf32, #tpu.memory_space<vmem>>, %arg1: memref<128x64xf32, #tpu.memory_space<vmem>>, %arg2: memref<1x64xf32, #tpu.memory_space<vmem>>, %arg3: memref<10000x64xbf16, #tpu.memory_space<vmem>>) attributes {dimension_semantics = [], scalar_prefetch = 0 : i64, scratch_operands = 0 : i64, tpu.core_type = #tpu.core_type<tc>} {
    %get3A = arith.constant 0 : index
    %get3A_0 = arith.constant 0 : index
    %get3A_1 = vector.load %arg0[%get3A, %get3A_0] : memref<10000x128xf32, #tpu.memory_space<vmem>>, vector<10000x128xf32>
    %get3A_2 = arith.constant 0 : index
    %get3A_3 = arith.constant 0 : index
    %get3A_4 = vector.load %arg1[%get3A_2, %get3A_3] : memref<128x64xf32, #tpu.memory_space<vmem>>, vector<128x64xf32>
    %dot_general3A = arith.constant dense<0.000000e+00> : vector<10000x64xf32>
    %dot_general3A_5 = tpu.matmul %get3A_1, %get3A_4, %dot_general3A {dimension_numbers = #tpu.dot_dimension_numbers<[1], [0], [0], [1], [0, 0, 1, 1], [], []>, transpose_lhs_hint = false} : vector<10000x128xf32>, vector<128x64xf32>, vector<10000x64xf32> -> vector<10000x64xf32>
    %get3A_6 = arith.constant 0 : index
    %get3A_7 = arith.constant 0 : index
    %get3A_8 = vector.load %arg2[%get3A_6, %get3A_7] : memref<1x64xf32, #tpu.memory_space<vmem>>, vector<1x64xf32>
    %add3A = vector.broadcast %get3A_8 : vector<1x64xf32> to vector<10000x64xf32>
    %add3A_9 = arith.addf %dot_general3A_5, %add3A : vector<10000x64xf32>
    %max3A = arith.constant 0.000000e+00 : f32
    %max3A_10 = vector.broadcast %max3A : f32 to vector<10000x64xf32>
    %max3A_11 = arith.maximumf %add3A_9, %max3A_10 : vector<10000x64xf32>
    %convert_element_type3A = arith.truncf %max3A_11 : vector<10000x64xf32> to vector<10000x64xbf16>
    %swap3A = arith.constant 0 : index
    %swap3A_12 = arith.constant 0 : index
    %swap3A_13 = vector.load %arg3[%swap3A, %swap3A_12] : memref<10000x64xbf16, #tpu.memory_space<vmem>>, vector<10000x64xbf16>
    tpu.vector_store %arg3[%swap3A, %swap3A_12], %convert_element_type3A {strides = array<i32>} : memref<10000x64xbf16, #tpu.memory_space<vmem>>, vector<10000x64xbf16>,
    return
  }
}

module attributes {stable_mosaic.version = 14 : i64} {
  func.func @_heads_body(%arg0: memref<10240x128xbf16, #tpu.memory_space<vmem>>, %arg1: memref<128x128xf32, #tpu.memory_space<vmem>>, %arg2: memref<1x128xf32, #tpu.memory_space<vmem>>, %arg3: memref<64x8192xf32, #tpu.memory_space<vmem>>, %arg4: memref<128x64xf32, #tpu.memory_space<vmem>>, %arg5: memref<64x2048xf32, #tpu.memory_space<vmem>>, %arg6: memref<64x32xf32, #tpu.memory_space<vmem>>, %arg7: memref<64x512xf32, #tpu.memory_space<vmem>>, %arg8: memref<32x16xf32, #tpu.memory_space<vmem>>, %arg9: memref<128x64xf32, #tpu.memory_space<vmem>>, %arg10: memref<64x32xf32, #tpu.memory_space<vmem>>, %arg11: memref<32x16xf32, #tpu.memory_space<vmem>>) attributes {dimension_semantics = [], scalar_prefetch = 0 : i64, scratch_operands = 0 : i64, tpu.core_type = #tpu.core_type<tc>} {
    %get3A = arith.constant 0 : index
    %get3A_0 = arith.constant 0 : index
    %get3A_1 = vector.load %arg0[%get3A, %get3A_0] : memref<10240x128xbf16, #tpu.memory_space<vmem>>, vector<10240x128xbf16>
    %convert_element_type3A = arith.extf %get3A_1 : vector<10240x128xbf16> to vector<10240x128xf32>
    %slice3A = vector.extract_strided_slice %convert_element_type3A {offsets = [0, 0], sizes = [5120, 128], strides = [1, 1]} : vector<10240x128xf32> to vector<5120x128xf32>
    %slice3A_2 = vector.extract_strided_slice %convert_element_type3A {offsets = [5120, 0], sizes = [5120, 128], strides = [1, 1]} : vector<10240x128xf32> to vector<5120x128xf32>
    %add3A = arith.addf %slice3A, %slice3A_2 : vector<5120x128xf32>
    %get3A_3 = arith.constant 0 : index
    %get3A_4 = arith.constant 0 : index
    %get3A_5 = vector.load %arg1[%get3A_3, %get3A_4] : memref<128x128xf32, #tpu.memory_space<vmem>>, vector<128x128xf32>
    %dot_general3A = arith.constant dense<0.000000e+00> : vector<5120x128xf32>
    %dot_general3A_6 = tpu.matmul %add3A, %get3A_5, %dot_general3A {dimension_numbers = #tpu.dot_dimension_numbers<[1], [0], [0], [1], [0, 0, 1, 1], [], []>, transpose_lhs_hint = false} : vector<5120x128xf32>, vector<128x128xf32>, vector<5120x128xf32> -> vector<5120x128xf32>
    %get3A_7 = arith.constant 0 : index
    %get3A_8 = arith.constant 0 : index
    %get3A_9 = vector.load %arg2[%get3A_7, %get3A_8] : memref<1x128xf32, #tpu.memory_space<vmem>>, vector<1x128xf32>
    %add3A_10 = vector.broadcast %get3A_9 : vector<1x128xf32> to vector<5120x128xf32>
    %add3A_11 = arith.addf %dot_general3A_6, %add3A_10 : vector<5120x128xf32>
    %max3A = arith.constant 0.000000e+00 : f32
    %max3A_12 = vector.broadcast %max3A : f32 to vector<5120x128xf32>
    %max3A_13 = arith.maximumf %add3A_11, %max3A_12 : vector<5120x128xf32>
    %iota3A = tpu.iota {dimensions = array<i32: 0>} : vector<5120x128xi32>
    %iota3A_14 = tpu.iota {dimensions = array<i32: 1>} : vector<5120x128xi32>
    %mul3A = arith.constant 2 : i32
    %mul3A_15 = vector.broadcast %mul3A : i32 to vector<5120x128xi32>
    %mul3A_16 = arith.muli %mul3A_15, %iota3A : vector<5120x128xi32>
    %ge3A = arith.constant 64 : i32
    %ge3A_17 = vector.broadcast %ge3A : i32 to vector<5120x128xi32>
    %ge3A_18 = arith.cmpi sge, %iota3A_14, %ge3A_17 : vector<5120x128xi32>
    %convert_element_type3A_19 = arith.extui %ge3A_18 : vector<5120x128xi1> to vector<5120x128xi32>
    %add3A_20 = arith.addi %mul3A_16, %convert_element_type3A_19 : vector<5120x128xi32>
    %lt3A = arith.constant 10000 : i32
    %lt3A_21 = vector.broadcast %lt3A : i32 to vector<5120x128xi32>
    %lt3A_22 = arith.cmpi slt, %add3A_20, %lt3A_21 : vector<5120x128xi32>
    %jit3A = arith.constant 0.000000e+00 : f32
    %broadcast_in_dim3A = vector.broadcast %jit3A : f32 to vector<5120x128xf32>
    %select_n3A = arith.select %lt3A_22, %max3A_13, %broadcast_in_dim3A : vector<5120x128xi1>, vector<5120x128xf32>
    %reduce_sum3A = arith.constant dense<0.000000e+00> : vector<128xf32>
    %reduce_sum3A_23 = vector.multi_reduction <add>, %select_n3A, %reduce_sum3A [0] : vector<5120x128xf32> to vector<128xf32>
    %broadcast_in_dim3A_24 = vector.shape_cast %reduce_sum3A_23 : vector<128xf32> to vector<1x128xf32>
    %slice3A_25 = vector.extract_strided_slice %broadcast_in_dim3A_24 {offsets = [0, 0], sizes = [1, 64], strides = [1, 1]} : vector<1x128xf32> to vector<1x64xf32>
    %slice3A_26 = vector.extract_strided_slice %broadcast_in_dim3A_24 {offsets = [0, 64], sizes = [1, 64], strides = [1, 1]} : vector<1x128xf32> to vector<1x64xf32>
    %add3A_27 = arith.addf %slice3A_25, %slice3A_26 : vector<1x64xf32>
    %mul3A_28 = arith.constant 9.99999974E-5 : f32
    %mul3A_29 = vector.broadcast %mul3A_28 : f32 to vector<1x64xf32>
    %mul3A_30 = arith.mulf %add3A_27, %mul3A_29 : vector<1x64xf32>
    %get3A_31 = arith.constant 0 : index
    %get3A_32 = arith.constant 0 : index
    %get3A_33 = vector.load %arg3[%get3A_31, %get3A_32] : memref<64x8192xf32, #tpu.memory_space<vmem>>, vector<64x8192xf32>
    %dot_general3A_34 = arith.constant dense<0.000000e+00> : vector<1x8192xf32>
    %dot_general3A_35 = tpu.matmul %mul3A_30, %get3A_33, %dot_general3A_34 {dimension_numbers = #tpu.dot_dimension_numbers<[1], [0], [0], [1], [0, 0, 1, 1], [], []>, transpose_lhs_hint = false} : vector<1x64xf32>, vector<64x8192xf32>, vector<1x8192xf32> -> vector<1x8192xf32>
    %slice3A_36 = vector.extract_strided_slice %dot_general3A_35 {offsets = [0, 0], sizes = [1, 64], strides = [1, 1]} : vector<1x8192xf32> to vector<1x64xf32>
    %get3A_37 = arith.constant 0 : index
    %get3A_38 = arith.constant 0 : index
    %get3A_39 = vector.load %arg4[%get3A_37, %get3A_38] : memref<128x64xf32, #tpu.memory_space<vmem>>, vector<1x64xf32>
    %add3A_40 = arith.addf %slice3A_36, %get3A_39 : vector<1x64xf32>
    %swap3A = arith.constant 0 : index
    %swap3A_41 = arith.constant 0 : index
    %swap3A_42 = vector.load %arg9[%swap3A, %swap3A_41] : memref<128x64xf32, #tpu.memory_space<vmem>>, vector<1x64xf32>
    tpu.vector_store %arg9[%swap3A, %swap3A_41], %add3A_40 {strides = array<i32>} : memref<128x64xf32, #tpu.memory_space<vmem>>, vector<1x64xf32>,
    %slice3A_43 = vector.extract_strided_slice %dot_general3A_35 {offsets = [0, 64], sizes = [1, 64], strides = [1, 1]} : vector<1x8192xf32> to vector<1x64xf32>
    %get3A_44 = arith.constant 1 : index
    %get3A_45 = arith.constant 0 : index
    %get3A_46 = vector.load %arg4[%get3A_44, %get3A_45] : memref<128x64xf32, #tpu.memory_space<vmem>>, vector<1x64xf32>
    %add3A_47 = arith.addf %slice3A_43, %get3A_46 : vector<1x64xf32>
    %swap3A_48 = arith.constant 1 : index
    %swap3A_49 = arith.constant 0 : index
    %swap3A_50 = vector.load %arg9[%swap3A_48, %swap3A_49] : memref<128x64xf32, #tpu.memory_space<vmem>>, vector<1x64xf32>
    tpu.vector_store %arg9[%swap3A_48, %swap3A_49], %add3A_47 {strides = array<i32>} : memref<128x64xf32, #tpu.memory_space<vmem>>, vector<1x64xf32>,
    %slice3A_51 = vector.extract_strided_slice %dot_general3A_35 {offsets = [0, 128], sizes = [1, 64], strides = [1, 1]} : vector<1x8192xf32> to vector<1x64xf32>
    %get3A_52 = arith.constant 2 : index
    %get3A_53 = arith.constant 0 : index
    %get3A_54 = vector.load %arg4[%get3A_52, %get3A_53] : memref<128x64xf32, #tpu.memory_space<vmem>>, vector<1x64xf32>
    %add3A_55 = arith.addf %slice3A_51, %get3A_54 : vector<1x64xf32>
    %swap3A_56 = arith.constant 2 : index
    %swap3A_57 = arith.constant 0 : index
    %swap3A_58 = vector.load %arg9[%swap3A_56, %swap3A_57] : memref<128x64xf32, #tpu.memory_space<vmem>>, vector<1x64xf32>
    tpu.vector_store %arg9[%swap3A_56, %swap3A_57], %add3A_55 {strides = array<i32>} : memref<128x64xf32, #tpu.memory_space<vmem>>, vector<1x64xf32>,
    %slice3A_59 = vector.extract_strided_slice %dot_general3A_35 {offsets = [0, 192], sizes = [1, 64], strides = [1, 1]} : vector<1x8192xf32> to vector<1x64xf32>
    %get3A_60 = arith.constant 3 : index
    %get3A_61 = arith.constant 0 : index
    %get3A_62 = vector.load %arg4[%get3A_60, %get3A_61] : memref<128x64xf32, #tpu.memory_space<vmem>>, vector<1x64xf32>
    %add3A_63 = arith.addf %slice3A_59, %get3A_62 : vector<1x64xf32>
    %swap3A_64 = arith.constant 3 : index
    %swap3A_65 = arith.constant 0 : index
    %swap3A_66 = vector.load %arg9[%swap3A_64, %swap3A_65] : memref<128x64xf32, #tpu.memory_space<vmem>>, vector<1x64xf32>
    tpu.vector_store %arg9[%swap3A_64, %swap3A_65], %add3A_63 {strides = array<i32>} : memref<128x64xf32, #tpu.memory_space<vmem>>, vector<1x64xf32>,
    %slice3A_67 = vector.extract_strided_slice %dot_general3A_35 {offsets = [0, 256], sizes = [1, 64], strides = [1, 1]} : vector<1x8192xf32> to vector<1x64xf32>
    %get3A_68 = arith.constant 4 : index
    %get3A_69 = arith.constant 0 : index
    %get3A_70 = vector.load %arg4[%get3A_68, %get3A_69] : memref<128x64xf32, #tpu.memory_space<vmem>>, vector<1x64xf32>
    %add3A_71 = arith.addf %slice3A_67, %get3A_70 : vector<1x64xf32>
    %swap3A_72 = arith.constant 4 : index
    %swap3A_73 = arith.constant 0 : index
    %swap3A_74 = vector.load %arg9[%swap3A_72, %swap3A_73] : memref<128x64xf32, #tpu.memory_space<vmem>>, vector<1x64xf32>
    tpu.vector_store %arg9[%swap3A_72, %swap3A_73], %add3A_71 {strides = array<i32>} : memref<128x64xf32, #tpu.memory_space<vmem>>, vector<1x64xf32>,
    %slice3A_75 = vector.extract_strided_slice %dot_general3A_35 {offsets = [0, 320], sizes = [1, 64], strides = [1, 1]} : vector<1x8192xf32> to vector<1x64xf32>
    %get3A_76 = arith.constant 5 : index
    %get3A_77 = arith.constant 0 : index
    %get3A_78 = vector.load %arg4[%get3A_76, %get3A_77] : memref<128x64xf32, #tpu.memory_space<vmem>>, vector<1x64xf32>
    %add3A_79 = arith.addf %slice3A_75, %get3A_78 : vector<1x64xf32>
    %swap3A_80 = arith.constant 5 : index
    %swap3A_81 = arith.constant 0 : index
    %swap3A_82 = vector.load %arg9[%swap3A_80, %swap3A_81] : memref<128x64xf32, #tpu.memory_space<vmem>>, vector<1x64xf32>
    tpu.vector_store %arg9[%swap3A_80, %swap3A_81], %add3A_79 {strides = array<i32>} : memref<128x64xf32, #tpu.memory_space<vmem>>, vector<1x64xf32>,
    %slice3A_83 = vector.extract_strided_slice %dot_general3A_35 {offsets = [0, 384], sizes = [1, 64], strides = [1, 1]} : vector<1x8192xf32> to vector<1x64xf32>
    %get3A_84 = arith.constant 6 : index
    %get3A_85 = arith.constant 0 : index
    %get3A_86 = vector.load %arg4[%get3A_84, %get3A_85] : memref<128x64xf32, #tpu.memory_space<vmem>>, vector<1x64xf32>
    %add3A_87 = arith.addf %slice3A_83, %get3A_86 : vector<1x64xf32>
    %swap3A_88 = arith.constant 6 : index
    %swap3A_89 = arith.constant 0 : index
    %swap3A_90 = vector.load %arg9[%swap3A_88, %swap3A_89] : memref<128x64xf32, #tpu.memory_space<vmem>>, vector<1x64xf32>
    tpu.vector_store %arg9[%swap3A_88, %swap3A_89], %add3A_87 {strides = array<i32>} : memref<128x64xf32, #tpu.memory_space<vmem>>, vector<1x64xf32>,
    %slice3A_91 = vector.extract_strided_slice %dot_general3A_35 {offsets = [0, 448], sizes = [1, 64], strides = [1, 1]} : vector<1x8192xf32> to vector<1x64xf32>
    %get3A_92 = arith.constant 7 : index
    %get3A_93 = arith.constant 0 : index
    %get3A_94 = vector.load %arg4[%get3A_92, %get3A_93] : memref<128x64xf32, #tpu.memory_space<vmem>>, vector<1x64xf32>
    %add3A_95 = arith.addf %slice3A_91, %get3A_94 : vector<1x64xf32>
    %swap3A_96 = arith.constant 7 : index
    %swap3A_97 = arith.constant 0 : index
    %swap3A_98 = vector.load %arg9[%swap3A_96, %swap3A_97] : memref<128x64xf32, #tpu.memory_space<vmem>>, vector<1x64xf32>
    tpu.vector_store %arg9[%swap3A_96, %swap3A_97], %add3A_95 {strides = array<i32>} : memref<128x64xf32, #tpu.memory_space<vmem>>, vector<1x64xf32>,
    %slice3A_99 = vector.extract_strided_slice %dot_general3A_35 {offsets = [0, 512], sizes = [1, 64], strides = [1, 1]} : vector<1x8192xf32> to vector<1x64xf32>
    %get3A_100 = arith.constant 8 : index
    %get3A_101 = arith.constant 0 : index
    %get3A_102 = vector.load %arg4[%get3A_100, %get3A_101] : memref<128x64xf32, #tpu.memory_space<vmem>>, vector<1x64xf32>
    %add3A_103 = arith.addf %slice3A_99, %get3A_102 : vector<1x64xf32>
    %swap3A_104 = arith.constant 8 : index
    %swap3A_105 = arith.constant 0 : index
    %swap3A_106 = vector.load %arg9[%swap3A_104, %swap3A_105] : memref<128x64xf32, #tpu.memory_space<vmem>>, vector<1x64xf32>
    tpu.vector_store %arg9[%swap3A_104, %swap3A_105], %add3A_103 {strides = array<i32>} : memref<128x64xf32, #tpu.memory_space<vmem>>, vector<1x64xf32>,
    %slice3A_107 = vector.extract_strided_slice %dot_general3A_35 {offsets = [0, 576], sizes = [1, 64], strides = [1, 1]} : vector<1x8192xf32> to vector<1x64xf32>
    %get3A_108 = arith.constant 9 : index
    %get3A_109 = arith.constant 0 : index
    %get3A_110 = vector.load %arg4[%get3A_108, %get3A_109] : memref<128x64xf32, #tpu.memory_space<vmem>>, vector<1x64xf32>
    %add3A_111 = arith.addf %slice3A_107, %get3A_110 : vector<1x64xf32>
    %swap3A_112 = arith.constant 9 : index
    %swap3A_113 = arith.constant 0 : index
    %swap3A_114 = vector.load %arg9[%swap3A_112, %swap3A_113] : memref<128x64xf32, #tpu.memory_space<vmem>>, vector<1x64xf32>
    tpu.vector_store %arg9[%swap3A_112, %swap3A_113], %add3A_111 {strides = array<i32>} : memref<128x64xf32, #tpu.memory_space<vmem>>, vector<1x64xf32>,
    %slice3A_115 = vector.extract_strided_slice %dot_general3A_35 {offsets = [0, 640], sizes = [1, 64], strides = [1, 1]} : vector<1x8192xf32> to vector<1x64xf32>
    %get3A_116 = arith.constant 10 : index
    %get3A_117 = arith.constant 0 : index
    %get3A_118 = vector.load %arg4[%get3A_116, %get3A_117] : memref<128x64xf32, #tpu.memory_space<vmem>>, vector<1x64xf32>
    %add3A_119 = arith.addf %slice3A_115, %get3A_118 : vector<1x64xf32>
    %swap3A_120 = arith.constant 10 : index
    %swap3A_121 = arith.constant 0 : index
    %swap3A_122 = vector.load %arg9[%swap3A_120, %swap3A_121] : memref<128x64xf32, #tpu.memory_space<vmem>>, vector<1x64xf32>
    tpu.vector_store %arg9[%swap3A_120, %swap3A_121], %add3A_119 {strides = array<i32>} : memref<128x64xf32, #tpu.memory_space<vmem>>, vector<1x64xf32>,
    %slice3A_123 = vector.extract_strided_slice %dot_general3A_35 {offsets = [0, 704], sizes = [1, 64], strides = [1, 1]} : vector<1x8192xf32> to vector<1x64xf32>
    %get3A_124 = arith.constant 11 : index
    %get3A_125 = arith.constant 0 : index
    %get3A_126 = vector.load %arg4[%get3A_124, %get3A_125] : memref<128x64xf32, #tpu.memory_space<vmem>>, vector<1x64xf32>
    %add3A_127 = arith.addf %slice3A_123, %get3A_126 : vector<1x64xf32>
    %swap3A_128 = arith.constant 11 : index
    %swap3A_129 = arith.constant 0 : index
    %swap3A_130 = vector.load %arg9[%swap3A_128, %swap3A_129] : memref<128x64xf32, #tpu.memory_space<vmem>>, vector<1x64xf32>
    tpu.vector_store %arg9[%swap3A_128, %swap3A_129], %add3A_127 {strides = array<i32>} : memref<128x64xf32, #tpu.memory_space<vmem>>, vector<1x64xf32>,
    %slice3A_131 = vector.extract_strided_slice %dot_general3A_35 {offsets = [0, 768], sizes = [1, 64], strides = [1, 1]} : vector<1x8192xf32> to vector<1x64xf32>
    %get3A_132 = arith.constant 12 : index
    %get3A_133 = arith.constant 0 : index
    %get3A_134 = vector.load %arg4[%get3A_132, %get3A_133] : memref<128x64xf32, #tpu.memory_space<vmem>>, vector<1x64xf32>
    %add3A_135 = arith.addf %slice3A_131, %get3A_134 : vector<1x64xf32>
    %swap3A_136 = arith.constant 12 : index
    %swap3A_137 = arith.constant 0 : index
    %swap3A_138 = vector.load %arg9[%swap3A_136, %swap3A_137] : memref<128x64xf32, #tpu.memory_space<vmem>>, vector<1x64xf32>
    tpu.vector_store %arg9[%swap3A_136, %swap3A_137], %add3A_135 {strides = array<i32>} : memref<128x64xf32, #tpu.memory_space<vmem>>, vector<1x64xf32>,
    %slice3A_139 = vector.extract_strided_slice %dot_general3A_35 {offsets = [0, 832], sizes = [1, 64], strides = [1, 1]} : vector<1x8192xf32> to vector<1x64xf32>
    %get3A_140 = arith.constant 13 : index
    %get3A_141 = arith.constant 0 : index
    %get3A_142 = vector.load %arg4[%get3A_140, %get3A_141] : memref<128x64xf32, #tpu.memory_space<vmem>>, vector<1x64xf32>
    %add3A_143 = arith.addf %slice3A_139, %get3A_142 : vector<1x64xf32>
    %swap3A_144 = arith.constant 13 : index
    %swap3A_145 = arith.constant 0 : index
    %swap3A_146 = vector.load %arg9[%swap3A_144, %swap3A_145] : memref<128x64xf32, #tpu.memory_space<vmem>>, vector<1x64xf32>
    tpu.vector_store %arg9[%swap3A_144, %swap3A_145], %add3A_143 {strides = array<i32>} : memref<128x64xf32, #tpu.memory_space<vmem>>, vector<1x64xf32>,
    %slice3A_147 = vector.extract_strided_slice %dot_general3A_35 {offsets = [0, 896], sizes = [1, 64], strides = [1, 1]} : vector<1x8192xf32> to vector<1x64xf32>
    %get3A_148 = arith.constant 14 : index
    %get3A_149 = arith.constant 0 : index
    %get3A_150 = vector.load %arg4[%get3A_148, %get3A_149] : memref<128x64xf32, #tpu.memory_space<vmem>>, vector<1x64xf32>
    %add3A_151 = arith.addf %slice3A_147, %get3A_150 : vector<1x64xf32>
    %swap3A_152 = arith.constant 14 : index
    %swap3A_153 = arith.constant 0 : index
    %swap3A_154 = vector.load %arg9[%swap3A_152, %swap3A_153] : memref<128x64xf32, #tpu.memory_space<vmem>>, vector<1x64xf32>
    tpu.vector_store %arg9[%swap3A_152, %swap3A_153], %add3A_151 {strides = array<i32>} : memref<128x64xf32, #tpu.memory_space<vmem>>, vector<1x64xf32>,
    %slice3A_155 = vector.extract_strided_slice %dot_general3A_35 {offsets = [0, 960], sizes = [1, 64], strides = [1, 1]} : vector<1x8192xf32> to vector<1x64xf32>
    %get3A_156 = arith.constant 15 : index
    %get3A_157 = arith.constant 0 : index
    %get3A_158 = vector.load %arg4[%get3A_156, %get3A_157] : memref<128x64xf32, #tpu.memory_space<vmem>>, vector<1x64xf32>
    %add3A_159 = arith.addf %slice3A_155, %get3A_158 : vector<1x64xf32>
    %swap3A_160 = arith.constant 15 : index
    %swap3A_161 = arith.constant 0 : index
    %swap3A_162 = vector.load %arg9[%swap3A_160, %swap3A_161] : memref<128x64xf32, #tpu.memory_space<vmem>>, vector<1x64xf32>
    tpu.vector_store %arg9[%swap3A_160, %swap3A_161], %add3A_159 {strides = array<i32>} : memref<128x64xf32, #tpu.memory_space<vmem>>, vector<1x64xf32>,
    %slice3A_163 = vector.extract_strided_slice %dot_general3A_35 {offsets = [0, 1024], sizes = [1, 64], strides = [1, 1]} : vector<1x8192xf32> to vector<1x64xf32>
    %get3A_164 = arith.constant 16 : index
    %get3A_165 = arith.constant 0 : index
    %get3A_166 = vector.load %arg4[%get3A_164, %get3A_165] : memref<128x64xf32, #tpu.memory_space<vmem>>, vector<1x64xf32>
    %add3A_167 = arith.addf %slice3A_163, %get3A_166 : vector<1x64xf32>
    %swap3A_168 = arith.constant 16 : index
    %swap3A_169 = arith.constant 0 : index
    %swap3A_170 = vector.load %arg9[%swap3A_168, %swap3A_169] : memref<128x64xf32, #tpu.memory_space<vmem>>, vector<1x64xf32>
    tpu.vector_store %arg9[%swap3A_168, %swap3A_169], %add3A_167 {strides = array<i32>} : memref<128x64xf32, #tpu.memory_space<vmem>>, vector<1x64xf32>,
    %slice3A_171 = vector.extract_strided_slice %dot_general3A_35 {offsets = [0, 1088], sizes = [1, 64], strides = [1, 1]} : vector<1x8192xf32> to vector<1x64xf32>
    %get3A_172 = arith.constant 17 : index
    %get3A_173 = arith.constant 0 : index
    %get3A_174 = vector.load %arg4[%get3A_172, %get3A_173] : memref<128x64xf32, #tpu.memory_space<vmem>>, vector<1x64xf32>
    %add3A_175 = arith.addf %slice3A_171, %get3A_174 : vector<1x64xf32>
    %swap3A_176 = arith.constant 17 : index
    %swap3A_177 = arith.constant 0 : index
    %swap3A_178 = vector.load %arg9[%swap3A_176, %swap3A_177] : memref<128x64xf32, #tpu.memory_space<vmem>>, vector<1x64xf32>
    tpu.vector_store %arg9[%swap3A_176, %swap3A_177], %add3A_175 {strides = array<i32>} : memref<128x64xf32, #tpu.memory_space<vmem>>, vector<1x64xf32>,
    %slice3A_179 = vector.extract_strided_slice %dot_general3A_35 {offsets = [0, 1152], sizes = [1, 64], strides = [1, 1]} : vector<1x8192xf32> to vector<1x64xf32>
    %get3A_180 = arith.constant 18 : index
    %get3A_181 = arith.constant 0 : index
    %get3A_182 = vector.load %arg4[%get3A_180, %get3A_181] : memref<128x64xf32, #tpu.memory_space<vmem>>, vector<1x64xf32>
    %add3A_183 = arith.addf %slice3A_179, %get3A_182 : vector<1x64xf32>
    %swap3A_184 = arith.constant 18 : index
    %swap3A_185 = arith.constant 0 : index
    %swap3A_186 = vector.load %arg9[%swap3A_184, %swap3A_185] : memref<128x64xf32, #tpu.memory_space<vmem>>, vector<1x64xf32>
    tpu.vector_store %arg9[%swap3A_184, %swap3A_185], %add3A_183 {strides = array<i32>} : memref<128x64xf32, #tpu.memory_space<vmem>>, vector<1x64xf32>,
    %slice3A_187 = vector.extract_strided_slice %dot_general3A_35 {offsets = [0, 1216], sizes = [1, 64], strides = [1, 1]} : vector<1x8192xf32> to vector<1x64xf32>
    %get3A_188 = arith.constant 19 : index
    %get3A_189 = arith.constant 0 : index
    %get3A_190 = vector.load %arg4[%get3A_188, %get3A_189] : memref<128x64xf32, #tpu.memory_space<vmem>>, vector<1x64xf32>
    %add3A_191 = arith.addf %slice3A_187, %get3A_190 : vector<1x64xf32>
    %swap3A_192 = arith.constant 19 : index
    %swap3A_193 = arith.constant 0 : index
    %swap3A_194 = vector.load %arg9[%swap3A_192, %swap3A_193] : memref<128x64xf32, #tpu.memory_space<vmem>>, vector<1x64xf32>
    tpu.vector_store %arg9[%swap3A_192, %swap3A_193], %add3A_191 {strides = array<i32>} : memref<128x64xf32, #tpu.memory_space<vmem>>, vector<1x64xf32>,
    %slice3A_195 = vector.extract_strided_slice %dot_general3A_35 {offsets = [0, 1280], sizes = [1, 64], strides = [1, 1]} : vector<1x8192xf32> to vector<1x64xf32>
    %get3A_196 = arith.constant 20 : index
    %get3A_197 = arith.constant 0 : index
    %get3A_198 = vector.load %arg4[%get3A_196, %get3A_197] : memref<128x64xf32, #tpu.memory_space<vmem>>, vector<1x64xf32>
    %add3A_199 = arith.addf %slice3A_195, %get3A_198 : vector<1x64xf32>
    %swap3A_200 = arith.constant 20 : index
    %swap3A_201 = arith.constant 0 : index
    %swap3A_202 = vector.load %arg9[%swap3A_200, %swap3A_201] : memref<128x64xf32, #tpu.memory_space<vmem>>, vector<1x64xf32>
    tpu.vector_store %arg9[%swap3A_200, %swap3A_201], %add3A_199 {strides = array<i32>} : memref<128x64xf32, #tpu.memory_space<vmem>>, vector<1x64xf32>,
    %slice3A_203 = vector.extract_strided_slice %dot_general3A_35 {offsets = [0, 1344], sizes = [1, 64], strides = [1, 1]} : vector<1x8192xf32> to vector<1x64xf32>
    %get3A_204 = arith.constant 21 : index
    %get3A_205 = arith.constant 0 : index
    %get3A_206 = vector.load %arg4[%get3A_204, %get3A_205] : memref<128x64xf32, #tpu.memory_space<vmem>>, vector<1x64xf32>
    %add3A_207 = arith.addf %slice3A_203, %get3A_206 : vector<1x64xf32>
    %swap3A_208 = arith.constant 21 : index
    %swap3A_209 = arith.constant 0 : index
    %swap3A_210 = vector.load %arg9[%swap3A_208, %swap3A_209] : memref<128x64xf32, #tpu.memory_space<vmem>>, vector<1x64xf32>
    tpu.vector_store %arg9[%swap3A_208, %swap3A_209], %add3A_207 {strides = array<i32>} : memref<128x64xf32, #tpu.memory_space<vmem>>, vector<1x64xf32>,
    %slice3A_211 = vector.extract_strided_slice %dot_general3A_35 {offsets = [0, 1408], sizes = [1, 64], strides = [1, 1]} : vector<1x8192xf32> to vector<1x64xf32>
    %get3A_212 = arith.constant 22 : index
    %get3A_213 = arith.constant 0 : index
    %get3A_214 = vector.load %arg4[%get3A_212, %get3A_213] : memref<128x64xf32, #tpu.memory_space<vmem>>, vector<1x64xf32>
    %add3A_215 = arith.addf %slice3A_211, %get3A_214 : vector<1x64xf32>
    %swap3A_216 = arith.constant 22 : index
    %swap3A_217 = arith.constant 0 : index
    %swap3A_218 = vector.load %arg9[%swap3A_216, %swap3A_217] : memref<128x64xf32, #tpu.memory_space<vmem>>, vector<1x64xf32>
    tpu.vector_store %arg9[%swap3A_216, %swap3A_217], %add3A_215 {strides = array<i32>} : memref<128x64xf32, #tpu.memory_space<vmem>>, vector<1x64xf32>,
    %slice3A_219 = vector.extract_strided_slice %dot_general3A_35 {offsets = [0, 1472], sizes = [1, 64], strides = [1, 1]} : vector<1x8192xf32> to vector<1x64xf32>
    %get3A_220 = arith.constant 23 : index
    %get3A_221 = arith.constant 0 : index
    %get3A_222 = vector.load %arg4[%get3A_220, %get3A_221] : memref<128x64xf32, #tpu.memory_space<vmem>>, vector<1x64xf32>
    %add3A_223 = arith.addf %slice3A_219, %get3A_222 : vector<1x64xf32>
    %swap3A_224 = arith.constant 23 : index
    %swap3A_225 = arith.constant 0 : index
    %swap3A_226 = vector.load %arg9[%swap3A_224, %swap3A_225] : memref<128x64xf32, #tpu.memory_space<vmem>>, vector<1x64xf32>
    tpu.vector_store %arg9[%swap3A_224, %swap3A_225], %add3A_223 {strides = array<i32>} : memref<128x64xf32, #tpu.memory_space<vmem>>, vector<1x64xf32>,
    %slice3A_227 = vector.extract_strided_slice %dot_general3A_35 {offsets = [0, 1536], sizes = [1, 64], strides = [1, 1]} : vector<1x8192xf32> to vector<1x64xf32>
    %get3A_228 = arith.constant 24 : index
    %get3A_229 = arith.constant 0 : index
    %get3A_230 = vector.load %arg4[%get3A_228, %get3A_229] : memref<128x64xf32, #tpu.memory_space<vmem>>, vector<1x64xf32>
    %add3A_231 = arith.addf %slice3A_227, %get3A_230 : vector<1x64xf32>
    %swap3A_232 = arith.constant 24 : index
    %swap3A_233 = arith.constant 0 : index
    %swap3A_234 = vector.load %arg9[%swap3A_232, %swap3A_233] : memref<128x64xf32, #tpu.memory_space<vmem>>, vector<1x64xf32>
    tpu.vector_store %arg9[%swap3A_232, %swap3A_233], %add3A_231 {strides = array<i32>} : memref<128x64xf32, #tpu.memory_space<vmem>>, vector<1x64xf32>,
    %slice3A_235 = vector.extract_strided_slice %dot_general3A_35 {offsets = [0, 1600], sizes = [1, 64], strides = [1, 1]} : vector<1x8192xf32> to vector<1x64xf32>
    %get3A_236 = arith.constant 25 : index
    %get3A_237 = arith.constant 0 : index
    %get3A_238 = vector.load %arg4[%get3A_236, %get3A_237] : memref<128x64xf32, #tpu.memory_space<vmem>>, vector<1x64xf32>
    %add3A_239 = arith.addf %slice3A_235, %get3A_238 : vector<1x64xf32>
    %swap3A_240 = arith.constant 25 : index
    %swap3A_241 = arith.constant 0 : index
    %swap3A_242 = vector.load %arg9[%swap3A_240, %swap3A_241] : memref<128x64xf32, #tpu.memory_space<vmem>>, vector<1x64xf32>
    tpu.vector_store %arg9[%swap3A_240, %swap3A_241], %add3A_239 {strides = array<i32>} : memref<128x64xf32, #tpu.memory_space<vmem>>, vector<1x64xf32>,
    %slice3A_243 = vector.extract_strided_slice %dot_general3A_35 {offsets = [0, 1664], sizes = [1, 64], strides = [1, 1]} : vector<1x8192xf32> to vector<1x64xf32>
    %get3A_244 = arith.constant 26 : index
    %get3A_245 = arith.constant 0 : index
    %get3A_246 = vector.load %arg4[%get3A_244, %get3A_245] : memref<128x64xf32, #tpu.memory_space<vmem>>, vector<1x64xf32>
    %add3A_247 = arith.addf %slice3A_243, %get3A_246 : vector<1x64xf32>
    %swap3A_248 = arith.constant 26 : index
    %swap3A_249 = arith.constant 0 : index
    %swap3A_250 = vector.load %arg9[%swap3A_248, %swap3A_249] : memref<128x64xf32, #tpu.memory_space<vmem>>, vector<1x64xf32>
    tpu.vector_store %arg9[%swap3A_248, %swap3A_249], %add3A_247 {strides = array<i32>} : memref<128x64xf32, #tpu.memory_space<vmem>>, vector<1x64xf32>,
    %slice3A_251 = vector.extract_strided_slice %dot_general3A_35 {offsets = [0, 1728], sizes = [1, 64], strides = [1, 1]} : vector<1x8192xf32> to vector<1x64xf32>
    %get3A_252 = arith.constant 27 : index
    %get3A_253 = arith.constant 0 : index
    %get3A_254 = vector.load %arg4[%get3A_252, %get3A_253] : memref<128x64xf32, #tpu.memory_space<vmem>>, vector<1x64xf32>
    %add3A_255 = arith.addf %slice3A_251, %get3A_254 : vector<1x64xf32>
    %swap3A_256 = arith.constant 27 : index
    %swap3A_257 = arith.constant 0 : index
    %swap3A_258 = vector.load %arg9[%swap3A_256, %swap3A_257] : memref<128x64xf32, #tpu.memory_space<vmem>>, vector<1x64xf32>
    tpu.vector_store %arg9[%swap3A_256, %swap3A_257], %add3A_255 {strides = array<i32>} : memref<128x64xf32, #tpu.memory_space<vmem>>, vector<1x64xf32>,
    %slice3A_259 = vector.extract_strided_slice %dot_general3A_35 {offsets = [0, 1792], sizes = [1, 64], strides = [1, 1]} : vector<1x8192xf32> to vector<1x64xf32>
    %get3A_260 = arith.constant 28 : index
    %get3A_261 = arith.constant 0 : index
    %get3A_262 = vector.load %arg4[%get3A_260, %get3A_261] : memref<128x64xf32, #tpu.memory_space<vmem>>, vector<1x64xf32>
    %add3A_263 = arith.addf %slice3A_259, %get3A_262 : vector<1x64xf32>
    %swap3A_264 = arith.constant 28 : index
    %swap3A_265 = arith.constant 0 : index
    %swap3A_266 = vector.load %arg9[%swap3A_264, %swap3A_265] : memref<128x64xf32, #tpu.memory_space<vmem>>, vector<1x64xf32>
    tpu.vector_store %arg9[%swap3A_264, %swap3A_265], %add3A_263 {strides = array<i32>} : memref<128x64xf32, #tpu.memory_space<vmem>>, vector<1x64xf32>,
    %slice3A_267 = vector.extract_strided_slice %dot_general3A_35 {offsets = [0, 1856], sizes = [1, 64], strides = [1, 1]} : vector<1x8192xf32> to vector<1x64xf32>
    %get3A_268 = arith.constant 29 : index
    %get3A_269 = arith.constant 0 : index
    %get3A_270 = vector.load %arg4[%get3A_268, %get3A_269] : memref<128x64xf32, #tpu.memory_space<vmem>>, vector<1x64xf32>
    %add3A_271 = arith.addf %slice3A_267, %get3A_270 : vector<1x64xf32>
    %swap3A_272 = arith.constant 29 : index
    %swap3A_273 = arith.constant 0 : index
    %swap3A_274 = vector.load %arg9[%swap3A_272, %swap3A_273] : memref<128x64xf32, #tpu.memory_space<vmem>>, vector<1x64xf32>
    tpu.vector_store %arg9[%swap3A_272, %swap3A_273], %add3A_271 {strides = array<i32>} : memref<128x64xf32, #tpu.memory_space<vmem>>, vector<1x64xf32>,
    %slice3A_275 = vector.extract_strided_slice %dot_general3A_35 {offsets = [0, 1920], sizes = [1, 64], strides = [1, 1]} : vector<1x8192xf32> to vector<1x64xf32>
    %get3A_276 = arith.constant 30 : index
    %get3A_277 = arith.constant 0 : index
    %get3A_278 = vector.load %arg4[%get3A_276, %get3A_277] : memref<128x64xf32, #tpu.memory_space<vmem>>, vector<1x64xf32>
    %add3A_279 = arith.addf %slice3A_275, %get3A_278 : vector<1x64xf32>
    %swap3A_280 = arith.constant 30 : index
    %swap3A_281 = arith.constant 0 : index
    %swap3A_282 = vector.load %arg9[%swap3A_280, %swap3A_281] : memref<128x64xf32, #tpu.memory_space<vmem>>, vector<1x64xf32>
    tpu.vector_store %arg9[%swap3A_280, %swap3A_281], %add3A_279 {strides = array<i32>} : memref<128x64xf32, #tpu.memory_space<vmem>>, vector<1x64xf32>,
    %slice3A_283 = vector.extract_strided_slice %dot_general3A_35 {offsets = [0, 1984], sizes = [1, 64], strides = [1, 1]} : vector<1x8192xf32> to vector<1x64xf32>
    %get3A_284 = arith.constant 31 : index
    %get3A_285 = arith.constant 0 : index
    %get3A_286 = vector.load %arg4[%get3A_284, %get3A_285] : memref<128x64xf32, #tpu.memory_space<vmem>>, vector<1x64xf32>
    %add3A_287 = arith.addf %slice3A_283, %get3A_286 : vector<1x64xf32>
    %swap3A_288 = arith.constant 31 : index
    %swap3A_289 = arith.constant 0 : index
    %swap3A_290 = vector.load %arg9[%swap3A_288, %swap3A_289] : memref<128x64xf32, #tpu.memory_space<vmem>>, vector<1x64xf32>
    tpu.vector_store %arg9[%swap3A_288, %swap3A_289], %add3A_287 {strides = array<i32>} : memref<128x64xf32, #tpu.memory_space<vmem>>, vector<1x64xf32>,
    %slice3A_291 = vector.extract_strided_slice %dot_general3A_35 {offsets = [0, 2048], sizes = [1, 64], strides = [1, 1]} : vector<1x8192xf32> to vector<1x64xf32>
    %get3A_292 = arith.constant 32 : index
    %get3A_293 = arith.constant 0 : index
    %get3A_294 = vector.load %arg4[%get3A_292, %get3A_293] : memref<128x64xf32, #tpu.memory_space<vmem>>, vector<1x64xf32>
    %add3A_295 = arith.addf %slice3A_291, %get3A_294 : vector<1x64xf32>
    %swap3A_296 = arith.constant 32 : index
    %swap3A_297 = arith.constant 0 : index
    %swap3A_298 = vector.load %arg9[%swap3A_296, %swap3A_297] : memref<128x64xf32, #tpu.memory_space<vmem>>, vector<1x64xf32>
    tpu.vector_store %arg9[%swap3A_296, %swap3A_297], %add3A_295 {strides = array<i32>} : memref<128x64xf32, #tpu.memory_space<vmem>>, vector<1x64xf32>,
    %slice3A_299 = vector.extract_strided_slice %dot_general3A_35 {offsets = [0, 2112], sizes = [1, 64], strides = [1, 1]} : vector<1x8192xf32> to vector<1x64xf32>
    %get3A_300 = arith.constant 33 : index
    %get3A_301 = arith.constant 0 : index
    %get3A_302 = vector.load %arg4[%get3A_300, %get3A_301] : memref<128x64xf32, #tpu.memory_space<vmem>>, vector<1x64xf32>
    %add3A_303 = arith.addf %slice3A_299, %get3A_302 : vector<1x64xf32>
    %swap3A_304 = arith.constant 33 : index
    %swap3A_305 = arith.constant 0 : index
    %swap3A_306 = vector.load %arg9[%swap3A_304, %swap3A_305] : memref<128x64xf32, #tpu.memory_space<vmem>>, vector<1x64xf32>
    tpu.vector_store %arg9[%swap3A_304, %swap3A_305], %add3A_303 {strides = array<i32>} : memref<128x64xf32, #tpu.memory_space<vmem>>, vector<1x64xf32>,
    %slice3A_307 = vector.extract_strided_slice %dot_general3A_35 {offsets = [0, 2176], sizes = [1, 64], strides = [1, 1]} : vector<1x8192xf32> to vector<1x64xf32>
    %get3A_308 = arith.constant 34 : index
    %get3A_309 = arith.constant 0 : index
    %get3A_310 = vector.load %arg4[%get3A_308, %get3A_309] : memref<128x64xf32, #tpu.memory_space<vmem>>, vector<1x64xf32>
    %add3A_311 = arith.addf %slice3A_307, %get3A_310 : vector<1x64xf32>
    %swap3A_312 = arith.constant 34 : index
    %swap3A_313 = arith.constant 0 : index
    %swap3A_314 = vector.load %arg9[%swap3A_312, %swap3A_313] : memref<128x64xf32, #tpu.memory_space<vmem>>, vector<1x64xf32>
    tpu.vector_store %arg9[%swap3A_312, %swap3A_313], %add3A_311 {strides = array<i32>} : memref<128x64xf32, #tpu.memory_space<vmem>>, vector<1x64xf32>,
    %slice3A_315 = vector.extract_strided_slice %dot_general3A_35 {offsets = [0, 2240], sizes = [1, 64], strides = [1, 1]} : vector<1x8192xf32> to vector<1x64xf32>
    %get3A_316 = arith.constant 35 : index
    %get3A_317 = arith.constant 0 : index
    %get3A_318 = vector.load %arg4[%get3A_316, %get3A_317] : memref<128x64xf32, #tpu.memory_space<vmem>>, vector<1x64xf32>
    %add3A_319 = arith.addf %slice3A_315, %get3A_318 : vector<1x64xf32>
    %swap3A_320 = arith.constant 35 : index
    %swap3A_321 = arith.constant 0 : index
    %swap3A_322 = vector.load %arg9[%swap3A_320, %swap3A_321] : memref<128x64xf32, #tpu.memory_space<vmem>>, vector<1x64xf32>
    tpu.vector_store %arg9[%swap3A_320, %swap3A_321], %add3A_319 {strides = array<i32>} : memref<128x64xf32, #tpu.memory_space<vmem>>, vector<1x64xf32>,
    %slice3A_323 = vector.extract_strided_slice %dot_general3A_35 {offsets = [0, 2304], sizes = [1, 64], strides = [1, 1]} : vector<1x8192xf32> to vector<1x64xf32>
    %get3A_324 = arith.constant 36 : index
    %get3A_325 = arith.constant 0 : index
    %get3A_326 = vector.load %arg4[%get3A_324, %get3A_325] : memref<128x64xf32, #tpu.memory_space<vmem>>, vector<1x64xf32>
    %add3A_327 = arith.addf %slice3A_323, %get3A_326 : vector<1x64xf32>
    %swap3A_328 = arith.constant 36 : index
    %swap3A_329 = arith.constant 0 : index
    %swap3A_330 = vector.load %arg9[%swap3A_328, %swap3A_329] : memref<128x64xf32, #tpu.memory_space<vmem>>, vector<1x64xf32>
    tpu.vector_store %arg9[%swap3A_328, %swap3A_329], %add3A_327 {strides = array<i32>} : memref<128x64xf32, #tpu.memory_space<vmem>>, vector<1x64xf32>,
    %slice3A_331 = vector.extract_strided_slice %dot_general3A_35 {offsets = [0, 2368], sizes = [1, 64], strides = [1, 1]} : vector<1x8192xf32> to vector<1x64xf32>
    %get3A_332 = arith.constant 37 : index
    %get3A_333 = arith.constant 0 : index
    %get3A_334 = vector.load %arg4[%get3A_332, %get3A_333] : memref<128x64xf32, #tpu.memory_space<vmem>>, vector<1x64xf32>
    %add3A_335 = arith.addf %slice3A_331, %get3A_334 : vector<1x64xf32>
    %swap3A_336 = arith.constant 37 : index
    %swap3A_337 = arith.constant 0 : index
    %swap3A_338 = vector.load %arg9[%swap3A_336, %swap3A_337] : memref<128x64xf32, #tpu.memory_space<vmem>>, vector<1x64xf32>
    tpu.vector_store %arg9[%swap3A_336, %swap3A_337], %add3A_335 {strides = array<i32>} : memref<128x64xf32, #tpu.memory_space<vmem>>, vector<1x64xf32>,
    %slice3A_339 = vector.extract_strided_slice %dot_general3A_35 {offsets = [0, 2432], sizes = [1, 64], strides = [1, 1]} : vector<1x8192xf32> to vector<1x64xf32>
    %get3A_340 = arith.constant 38 : index
    %get3A_341 = arith.constant 0 : index
    %get3A_342 = vector.load %arg4[%get3A_340, %get3A_341] : memref<128x64xf32, #tpu.memory_space<vmem>>, vector<1x64xf32>
    %add3A_343 = arith.addf %slice3A_339, %get3A_342 : vector<1x64xf32>
    %swap3A_344 = arith.constant 38 : index
    %swap3A_345 = arith.constant 0 : index
    %swap3A_346 = vector.load %arg9[%swap3A_344, %swap3A_345] : memref<128x64xf32, #tpu.memory_space<vmem>>, vector<1x64xf32>
    tpu.vector_store %arg9[%swap3A_344, %swap3A_345], %add3A_343 {strides = array<i32>} : memref<128x64xf32, #tpu.memory_space<vmem>>, vector<1x64xf32>,
    %slice3A_347 = vector.extract_strided_slice %dot_general3A_35 {offsets = [0, 2496], sizes = [1, 64], strides = [1, 1]} : vector<1x8192xf32> to vector<1x64xf32>
    %get3A_348 = arith.constant 39 : index
    %get3A_349 = arith.constant 0 : index
    %get3A_350 = vector.load %arg4[%get3A_348, %get3A_349] : memref<128x64xf32, #tpu.memory_space<vmem>>, vector<1x64xf32>
    %add3A_351 = arith.addf %slice3A_347, %get3A_350 : vector<1x64xf32>
    %swap3A_352 = arith.constant 39 : index
    %swap3A_353 = arith.constant 0 : index
    %swap3A_354 = vector.load %arg9[%swap3A_352, %swap3A_353] : memref<128x64xf32, #tpu.memory_space<vmem>>, vector<1x64xf32>
    tpu.vector_store %arg9[%swap3A_352, %swap3A_353], %add3A_351 {strides = array<i32>} : memref<128x64xf32, #tpu.memory_space<vmem>>, vector<1x64xf32>,
    %slice3A_355 = vector.extract_strided_slice %dot_general3A_35 {offsets = [0, 2560], sizes = [1, 64], strides = [1, 1]} : vector<1x8192xf32> to vector<1x64xf32>
    %get3A_356 = arith.constant 40 : index
    %get3A_357 = arith.constant 0 : index
    %get3A_358 = vector.load %arg4[%get3A_356, %get3A_357] : memref<128x64xf32, #tpu.memory_space<vmem>>, vector<1x64xf32>
    %add3A_359 = arith.addf %slice3A_355, %get3A_358 : vector<1x64xf32>
    %swap3A_360 = arith.constant 40 : index
    %swap3A_361 = arith.constant 0 : index
    %swap3A_362 = vector.load %arg9[%swap3A_360, %swap3A_361] : memref<128x64xf32, #tpu.memory_space<vmem>>, vector<1x64xf32>
    tpu.vector_store %arg9[%swap3A_360, %swap3A_361], %add3A_359 {strides = array<i32>} : memref<128x64xf32, #tpu.memory_space<vmem>>, vector<1x64xf32>,
    %slice3A_363 = vector.extract_strided_slice %dot_general3A_35 {offsets = [0, 2624], sizes = [1, 64], strides = [1, 1]} : vector<1x8192xf32> to vector<1x64xf32>
    %get3A_364 = arith.constant 41 : index
    %get3A_365 = arith.constant 0 : index
    %get3A_366 = vector.load %arg4[%get3A_364, %get3A_365] : memref<128x64xf32, #tpu.memory_space<vmem>>, vector<1x64xf32>
    %add3A_367 = arith.addf %slice3A_363, %get3A_366 : vector<1x64xf32>
    %swap3A_368 = arith.constant 41 : index
    %swap3A_369 = arith.constant 0 : index
    %swap3A_370 = vector.load %arg9[%swap3A_368, %swap3A_369] : memref<128x64xf32, #tpu.memory_space<vmem>>, vector<1x64xf32>
    tpu.vector_store %arg9[%swap3A_368, %swap3A_369], %add3A_367 {strides = array<i32>} : memref<128x64xf32, #tpu.memory_space<vmem>>, vector<1x64xf32>,
    %slice3A_371 = vector.extract_strided_slice %dot_general3A_35 {offsets = [0, 2688], sizes = [1, 64], strides = [1, 1]} : vector<1x8192xf32> to vector<1x64xf32>
    %get3A_372 = arith.constant 42 : index
    %get3A_373 = arith.constant 0 : index
    %get3A_374 = vector.load %arg4[%get3A_372, %get3A_373] : memref<128x64xf32, #tpu.memory_space<vmem>>, vector<1x64xf32>
    %add3A_375 = arith.addf %slice3A_371, %get3A_374 : vector<1x64xf32>
    %swap3A_376 = arith.constant 42 : index
    %swap3A_377 = arith.constant 0 : index
    %swap3A_378 = vector.load %arg9[%swap3A_376, %swap3A_377] : memref<128x64xf32, #tpu.memory_space<vmem>>, vector<1x64xf32>
    tpu.vector_store %arg9[%swap3A_376, %swap3A_377], %add3A_375 {strides = array<i32>} : memref<128x64xf32, #tpu.memory_space<vmem>>, vector<1x64xf32>,
    %slice3A_379 = vector.extract_strided_slice %dot_general3A_35 {offsets = [0, 2752], sizes = [1, 64], strides = [1, 1]} : vector<1x8192xf32> to vector<1x64xf32>
    %get3A_380 = arith.constant 43 : index
    %get3A_381 = arith.constant 0 : index
    %get3A_382 = vector.load %arg4[%get3A_380, %get3A_381] : memref<128x64xf32, #tpu.memory_space<vmem>>, vector<1x64xf32>
    %add3A_383 = arith.addf %slice3A_379, %get3A_382 : vector<1x64xf32>
    %swap3A_384 = arith.constant 43 : index
    %swap3A_385 = arith.constant 0 : index
    %swap3A_386 = vector.load %arg9[%swap3A_384, %swap3A_385] : memref<128x64xf32, #tpu.memory_space<vmem>>, vector<1x64xf32>
    tpu.vector_store %arg9[%swap3A_384, %swap3A_385], %add3A_383 {strides = array<i32>} : memref<128x64xf32, #tpu.memory_space<vmem>>, vector<1x64xf32>,
    %slice3A_387 = vector.extract_strided_slice %dot_general3A_35 {offsets = [0, 2816], sizes = [1, 64], strides = [1, 1]} : vector<1x8192xf32> to vector<1x64xf32>
    %get3A_388 = arith.constant 44 : index
    %get3A_389 = arith.constant 0 : index
    %get3A_390 = vector.load %arg4[%get3A_388, %get3A_389] : memref<128x64xf32, #tpu.memory_space<vmem>>, vector<1x64xf32>
    %add3A_391 = arith.addf %slice3A_387, %get3A_390 : vector<1x64xf32>
    %swap3A_392 = arith.constant 44 : index
    %swap3A_393 = arith.constant 0 : index
    %swap3A_394 = vector.load %arg9[%swap3A_392, %swap3A_393] : memref<128x64xf32, #tpu.memory_space<vmem>>, vector<1x64xf32>
    tpu.vector_store %arg9[%swap3A_392, %swap3A_393], %add3A_391 {strides = array<i32>} : memref<128x64xf32, #tpu.memory_space<vmem>>, vector<1x64xf32>,
    %slice3A_395 = vector.extract_strided_slice %dot_general3A_35 {offsets = [0, 2880], sizes = [1, 64], strides = [1, 1]} : vector<1x8192xf32> to vector<1x64xf32>
    %get3A_396 = arith.constant 45 : index
    %get3A_397 = arith.constant 0 : index
    %get3A_398 = vector.load %arg4[%get3A_396, %get3A_397] : memref<128x64xf32, #tpu.memory_space<vmem>>, vector<1x64xf32>
    %add3A_399 = arith.addf %slice3A_395, %get3A_398 : vector<1x64xf32>
    %swap3A_400 = arith.constant 45 : index
    %swap3A_401 = arith.constant 0 : index
    %swap3A_402 = vector.load %arg9[%swap3A_400, %swap3A_401] : memref<128x64xf32, #tpu.memory_space<vmem>>, vector<1x64xf32>
    tpu.vector_store %arg9[%swap3A_400, %swap3A_401], %add3A_399 {strides = array<i32>} : memref<128x64xf32, #tpu.memory_space<vmem>>, vector<1x64xf32>,
    %slice3A_403 = vector.extract_strided_slice %dot_general3A_35 {offsets = [0, 2944], sizes = [1, 64], strides = [1, 1]} : vector<1x8192xf32> to vector<1x64xf32>
    %get3A_404 = arith.constant 46 : index
    %get3A_405 = arith.constant 0 : index
    %get3A_406 = vector.load %arg4[%get3A_404, %get3A_405] : memref<128x64xf32, #tpu.memory_space<vmem>>, vector<1x64xf32>
    %add3A_407 = arith.addf %slice3A_403, %get3A_406 : vector<1x64xf32>
    %swap3A_408 = arith.constant 46 : index
    %swap3A_409 = arith.constant 0 : index
    %swap3A_410 = vector.load %arg9[%swap3A_408, %swap3A_409] : memref<128x64xf32, #tpu.memory_space<vmem>>, vector<1x64xf32>
    tpu.vector_store %arg9[%swap3A_408, %swap3A_409], %add3A_407 {strides = array<i32>} : memref<128x64xf32, #tpu.memory_space<vmem>>, vector<1x64xf32>,
    %slice3A_411 = vector.extract_strided_slice %dot_general3A_35 {offsets = [0, 3008], sizes = [1, 64], strides = [1, 1]} : vector<1x8192xf32> to vector<1x64xf32>
    %get3A_412 = arith.constant 47 : index
    %get3A_413 = arith.constant 0 : index
    %get3A_414 = vector.load %arg4[%get3A_412, %get3A_413] : memref<128x64xf32, #tpu.memory_space<vmem>>, vector<1x64xf32>
    %add3A_415 = arith.addf %slice3A_411, %get3A_414 : vector<1x64xf32>
    %swap3A_416 = arith.constant 47 : index
    %swap3A_417 = arith.constant 0 : index
    %swap3A_418 = vector.load %arg9[%swap3A_416, %swap3A_417] : memref<128x64xf32, #tpu.memory_space<vmem>>, vector<1x64xf32>
    tpu.vector_store %arg9[%swap3A_416, %swap3A_417], %add3A_415 {strides = array<i32>} : memref<128x64xf32, #tpu.memory_space<vmem>>, vector<1x64xf32>,
    %slice3A_419 = vector.extract_strided_slice %dot_general3A_35 {offsets = [0, 3072], sizes = [1, 64], strides = [1, 1]} : vector<1x8192xf32> to vector<1x64xf32>
    %get3A_420 = arith.constant 48 : index
    %get3A_421 = arith.constant 0 : index
    %get3A_422 = vector.load %arg4[%get3A_420, %get3A_421] : memref<128x64xf32, #tpu.memory_space<vmem>>, vector<1x64xf32>
    %add3A_423 = arith.addf %slice3A_419, %get3A_422 : vector<1x64xf32>
    %swap3A_424 = arith.constant 48 : index
    %swap3A_425 = arith.constant 0 : index
    %swap3A_426 = vector.load %arg9[%swap3A_424, %swap3A_425] : memref<128x64xf32, #tpu.memory_space<vmem>>, vector<1x64xf32>
    tpu.vector_store %arg9[%swap3A_424, %swap3A_425], %add3A_423 {strides = array<i32>} : memref<128x64xf32, #tpu.memory_space<vmem>>, vector<1x64xf32>,
    %slice3A_427 = vector.extract_strided_slice %dot_general3A_35 {offsets = [0, 3136], sizes = [1, 64], strides = [1, 1]} : vector<1x8192xf32> to vector<1x64xf32>
    %get3A_428 = arith.constant 49 : index
    %get3A_429 = arith.constant 0 : index
    %get3A_430 = vector.load %arg4[%get3A_428, %get3A_429] : memref<128x64xf32, #tpu.memory_space<vmem>>, vector<1x64xf32>
    %add3A_431 = arith.addf %slice3A_427, %get3A_430 : vector<1x64xf32>
    %swap3A_432 = arith.constant 49 : index
    %swap3A_433 = arith.constant 0 : index
    %swap3A_434 = vector.load %arg9[%swap3A_432, %swap3A_433] : memref<128x64xf32, #tpu.memory_space<vmem>>, vector<1x64xf32>
    tpu.vector_store %arg9[%swap3A_432, %swap3A_433], %add3A_431 {strides = array<i32>} : memref<128x64xf32, #tpu.memory_space<vmem>>, vector<1x64xf32>,
    %slice3A_435 = vector.extract_strided_slice %dot_general3A_35 {offsets = [0, 3200], sizes = [1, 64], strides = [1, 1]} : vector<1x8192xf32> to vector<1x64xf32>
    %get3A_436 = arith.constant 50 : index
    %get3A_437 = arith.constant 0 : index
    %get3A_438 = vector.load %arg4[%get3A_436, %get3A_437] : memref<128x64xf32, #tpu.memory_space<vmem>>, vector<1x64xf32>
    %add3A_439 = arith.addf %slice3A_435, %get3A_438 : vector<1x64xf32>
    %swap3A_440 = arith.constant 50 : index
    %swap3A_441 = arith.constant 0 : index
    %swap3A_442 = vector.load %arg9[%swap3A_440, %swap3A_441] : memref<128x64xf32, #tpu.memory_space<vmem>>, vector<1x64xf32>
    tpu.vector_store %arg9[%swap3A_440, %swap3A_441], %add3A_439 {strides = array<i32>} : memref<128x64xf32, #tpu.memory_space<vmem>>, vector<1x64xf32>,
    %slice3A_443 = vector.extract_strided_slice %dot_general3A_35 {offsets = [0, 3264], sizes = [1, 64], strides = [1, 1]} : vector<1x8192xf32> to vector<1x64xf32>
    %get3A_444 = arith.constant 51 : index
    %get3A_445 = arith.constant 0 : index
    %get3A_446 = vector.load %arg4[%get3A_444, %get3A_445] : memref<128x64xf32, #tpu.memory_space<vmem>>, vector<1x64xf32>
    %add3A_447 = arith.addf %slice3A_443, %get3A_446 : vector<1x64xf32>
    %swap3A_448 = arith.constant 51 : index
    %swap3A_449 = arith.constant 0 : index
    %swap3A_450 = vector.load %arg9[%swap3A_448, %swap3A_449] : memref<128x64xf32, #tpu.memory_space<vmem>>, vector<1x64xf32>
    tpu.vector_store %arg9[%swap3A_448, %swap3A_449], %add3A_447 {strides = array<i32>} : memref<128x64xf32, #tpu.memory_space<vmem>>, vector<1x64xf32>,
    %slice3A_451 = vector.extract_strided_slice %dot_general3A_35 {offsets = [0, 3328], sizes = [1, 64], strides = [1, 1]} : vector<1x8192xf32> to vector<1x64xf32>
    %get3A_452 = arith.constant 52 : index
    %get3A_453 = arith.constant 0 : index
    %get3A_454 = vector.load %arg4[%get3A_452, %get3A_453] : memref<128x64xf32, #tpu.memory_space<vmem>>, vector<1x64xf32>
    %add3A_455 = arith.addf %slice3A_451, %get3A_454 : vector<1x64xf32>
    %swap3A_456 = arith.constant 52 : index
    %swap3A_457 = arith.constant 0 : index
    %swap3A_458 = vector.load %arg9[%swap3A_456, %swap3A_457] : memref<128x64xf32, #tpu.memory_space<vmem>>, vector<1x64xf32>
    tpu.vector_store %arg9[%swap3A_456, %swap3A_457], %add3A_455 {strides = array<i32>} : memref<128x64xf32, #tpu.memory_space<vmem>>, vector<1x64xf32>,
    %slice3A_459 = vector.extract_strided_slice %dot_general3A_35 {offsets = [0, 3392], sizes = [1, 64], strides = [1, 1]} : vector<1x8192xf32> to vector<1x64xf32>
    %get3A_460 = arith.constant 53 : index
    %get3A_461 = arith.constant 0 : index
    %get3A_462 = vector.load %arg4[%get3A_460, %get3A_461] : memref<128x64xf32, #tpu.memory_space<vmem>>, vector<1x64xf32>
    %add3A_463 = arith.addf %slice3A_459, %get3A_462 : vector<1x64xf32>
    %swap3A_464 = arith.constant 53 : index
    %swap3A_465 = arith.constant 0 : index
    %swap3A_466 = vector.load %arg9[%swap3A_464, %swap3A_465] : memref<128x64xf32, #tpu.memory_space<vmem>>, vector<1x64xf32>
    tpu.vector_store %arg9[%swap3A_464, %swap3A_465], %add3A_463 {strides = array<i32>} : memref<128x64xf32, #tpu.memory_space<vmem>>, vector<1x64xf32>,
    %slice3A_467 = vector.extract_strided_slice %dot_general3A_35 {offsets = [0, 3456], sizes = [1, 64], strides = [1, 1]} : vector<1x8192xf32> to vector<1x64xf32>
    %get3A_468 = arith.constant 54 : index
    %get3A_469 = arith.constant 0 : index
    %get3A_470 = vector.load %arg4[%get3A_468, %get3A_469] : memref<128x64xf32, #tpu.memory_space<vmem>>, vector<1x64xf32>
    %add3A_471 = arith.addf %slice3A_467, %get3A_470 : vector<1x64xf32>
    %swap3A_472 = arith.constant 54 : index
    %swap3A_473 = arith.constant 0 : index
    %swap3A_474 = vector.load %arg9[%swap3A_472, %swap3A_473] : memref<128x64xf32, #tpu.memory_space<vmem>>, vector<1x64xf32>
    tpu.vector_store %arg9[%swap3A_472, %swap3A_473], %add3A_471 {strides = array<i32>} : memref<128x64xf32, #tpu.memory_space<vmem>>, vector<1x64xf32>,
    %slice3A_475 = vector.extract_strided_slice %dot_general3A_35 {offsets = [0, 3520], sizes = [1, 64], strides = [1, 1]} : vector<1x8192xf32> to vector<1x64xf32>
    %get3A_476 = arith.constant 55 : index
    %get3A_477 = arith.constant 0 : index
    %get3A_478 = vector.load %arg4[%get3A_476, %get3A_477] : memref<128x64xf32, #tpu.memory_space<vmem>>, vector<1x64xf32>
    %add3A_479 = arith.addf %slice3A_475, %get3A_478 : vector<1x64xf32>
    %swap3A_480 = arith.constant 55 : index
    %swap3A_481 = arith.constant 0 : index
    %swap3A_482 = vector.load %arg9[%swap3A_480, %swap3A_481] : memref<128x64xf32, #tpu.memory_space<vmem>>, vector<1x64xf32>
    tpu.vector_store %arg9[%swap3A_480, %swap3A_481], %add3A_479 {strides = array<i32>} : memref<128x64xf32, #tpu.memory_space<vmem>>, vector<1x64xf32>,
    %slice3A_483 = vector.extract_strided_slice %dot_general3A_35 {offsets = [0, 3584], sizes = [1, 64], strides = [1, 1]} : vector<1x8192xf32> to vector<1x64xf32>
    %get3A_484 = arith.constant 56 : index
    %get3A_485 = arith.constant 0 : index
    %get3A_486 = vector.load %arg4[%get3A_484, %get3A_485] : memref<128x64xf32, #tpu.memory_space<vmem>>, vector<1x64xf32>
    %add3A_487 = arith.addf %slice3A_483, %get3A_486 : vector<1x64xf32>
    %swap3A_488 = arith.constant 56 : index
    %swap3A_489 = arith.constant 0 : index
    %swap3A_490 = vector.load %arg9[%swap3A_488, %swap3A_489] : memref<128x64xf32, #tpu.memory_space<vmem>>, vector<1x64xf32>
    tpu.vector_store %arg9[%swap3A_488, %swap3A_489], %add3A_487 {strides = array<i32>} : memref<128x64xf32, #tpu.memory_space<vmem>>, vector<1x64xf32>,
    %slice3A_491 = vector.extract_strided_slice %dot_general3A_35 {offsets = [0, 3648], sizes = [1, 64], strides = [1, 1]} : vector<1x8192xf32> to vector<1x64xf32>
    %get3A_492 = arith.constant 57 : index
    %get3A_493 = arith.constant 0 : index
    %get3A_494 = vector.load %arg4[%get3A_492, %get3A_493] : memref<128x64xf32, #tpu.memory_space<vmem>>, vector<1x64xf32>
    %add3A_495 = arith.addf %slice3A_491, %get3A_494 : vector<1x64xf32>
    %swap3A_496 = arith.constant 57 : index
    %swap3A_497 = arith.constant 0 : index
    %swap3A_498 = vector.load %arg9[%swap3A_496, %swap3A_497] : memref<128x64xf32, #tpu.memory_space<vmem>>, vector<1x64xf32>
    tpu.vector_store %arg9[%swap3A_496, %swap3A_497], %add3A_495 {strides = array<i32>} : memref<128x64xf32, #tpu.memory_space<vmem>>, vector<1x64xf32>,
    %slice3A_499 = vector.extract_strided_slice %dot_general3A_35 {offsets = [0, 3712], sizes = [1, 64], strides = [1, 1]} : vector<1x8192xf32> to vector<1x64xf32>
    %get3A_500 = arith.constant 58 : index
    %get3A_501 = arith.constant 0 : index
    %get3A_502 = vector.load %arg4[%get3A_500, %get3A_501] : memref<128x64xf32, #tpu.memory_space<vmem>>, vector<1x64xf32>
    %add3A_503 = arith.addf %slice3A_499, %get3A_502 : vector<1x64xf32>
    %swap3A_504 = arith.constant 58 : index
    %swap3A_505 = arith.constant 0 : index
    %swap3A_506 = vector.load %arg9[%swap3A_504, %swap3A_505] : memref<128x64xf32, #tpu.memory_space<vmem>>, vector<1x64xf32>
    tpu.vector_store %arg9[%swap3A_504, %swap3A_505], %add3A_503 {strides = array<i32>} : memref<128x64xf32, #tpu.memory_space<vmem>>, vector<1x64xf32>,
    %slice3A_507 = vector.extract_strided_slice %dot_general3A_35 {offsets = [0, 3776], sizes = [1, 64], strides = [1, 1]} : vector<1x8192xf32> to vector<1x64xf32>
    %get3A_508 = arith.constant 59 : index
    %get3A_509 = arith.constant 0 : index
    %get3A_510 = vector.load %arg4[%get3A_508, %get3A_509] : memref<128x64xf32, #tpu.memory_space<vmem>>, vector<1x64xf32>
    %add3A_511 = arith.addf %slice3A_507, %get3A_510 : vector<1x64xf32>
    %swap3A_512 = arith.constant 59 : index
    %swap3A_513 = arith.constant 0 : index
    %swap3A_514 = vector.load %arg9[%swap3A_512, %swap3A_513] : memref<128x64xf32, #tpu.memory_space<vmem>>, vector<1x64xf32>
    tpu.vector_store %arg9[%swap3A_512, %swap3A_513], %add3A_511 {strides = array<i32>} : memref<128x64xf32, #tpu.memory_space<vmem>>, vector<1x64xf32>,
    %slice3A_515 = vector.extract_strided_slice %dot_general3A_35 {offsets = [0, 3840], sizes = [1, 64], strides = [1, 1]} : vector<1x8192xf32> to vector<1x64xf32>
    %get3A_516 = arith.constant 60 : index
    %get3A_517 = arith.constant 0 : index
    %get3A_518 = vector.load %arg4[%get3A_516, %get3A_517] : memref<128x64xf32, #tpu.memory_space<vmem>>, vector<1x64xf32>
    %add3A_519 = arith.addf %slice3A_515, %get3A_518 : vector<1x64xf32>
    %swap3A_520 = arith.constant 60 : index
    %swap3A_521 = arith.constant 0 : index
    %swap3A_522 = vector.load %arg9[%swap3A_520, %swap3A_521] : memref<128x64xf32, #tpu.memory_space<vmem>>, vector<1x64xf32>
    tpu.vector_store %arg9[%swap3A_520, %swap3A_521], %add3A_519 {strides = array<i32>} : memref<128x64xf32, #tpu.memory_space<vmem>>, vector<1x64xf32>,
    %slice3A_523 = vector.extract_strided_slice %dot_general3A_35 {offsets = [0, 3904], sizes = [1, 64], strides = [1, 1]} : vector<1x8192xf32> to vector<1x64xf32>
    %get3A_524 = arith.constant 61 : index
    %get3A_525 = arith.constant 0 : index
    %get3A_526 = vector.load %arg4[%get3A_524, %get3A_525] : memref<128x64xf32, #tpu.memory_space<vmem>>, vector<1x64xf32>
    %add3A_527 = arith.addf %slice3A_523, %get3A_526 : vector<1x64xf32>
    %swap3A_528 = arith.constant 61 : index
    %swap3A_529 = arith.constant 0 : index
    %swap3A_530 = vector.load %arg9[%swap3A_528, %swap3A_529] : memref<128x64xf32, #tpu.memory_space<vmem>>, vector<1x64xf32>
    tpu.vector_store %arg9[%swap3A_528, %swap3A_529], %add3A_527 {strides = array<i32>} : memref<128x64xf32, #tpu.memory_space<vmem>>, vector<1x64xf32>,
    %slice3A_531 = vector.extract_strided_slice %dot_general3A_35 {offsets = [0, 3968], sizes = [1, 64], strides = [1, 1]} : vector<1x8192xf32> to vector<1x64xf32>
    %get3A_532 = arith.constant 62 : index
    %get3A_533 = arith.constant 0 : index
    %get3A_534 = vector.load %arg4[%get3A_532, %get3A_533] : memref<128x64xf32, #tpu.memory_space<vmem>>, vector<1x64xf32>
    %add3A_535 = arith.addf %slice3A_531, %get3A_534 : vector<1x64xf32>
    %swap3A_536 = arith.constant 62 : index
    %swap3A_537 = arith.constant 0 : index
    %swap3A_538 = vector.load %arg9[%swap3A_536, %swap3A_537] : memref<128x64xf32, #tpu.memory_space<vmem>>, vector<1x64xf32>
    tpu.vector_store %arg9[%swap3A_536, %swap3A_537], %add3A_535 {strides = array<i32>} : memref<128x64xf32, #tpu.memory_space<vmem>>, vector<1x64xf32>,
    %slice3A_539 = vector.extract_strided_slice %dot_general3A_35 {offsets = [0, 4032], sizes = [1, 64], strides = [1, 1]} : vector<1x8192xf32> to vector<1x64xf32>
    %get3A_540 = arith.constant 63 : index
    %get3A_541 = arith.constant 0 : index
    %get3A_542 = vector.load %arg4[%get3A_540, %get3A_541] : memref<128x64xf32, #tpu.memory_space<vmem>>, vector<1x64xf32>
    %add3A_543 = arith.addf %slice3A_539, %get3A_542 : vector<1x64xf32>
    %swap3A_544 = arith.constant 63 : index
    %swap3A_545 = arith.constant 0 : index
    %swap3A_546 = vector.load %arg9[%swap3A_544, %swap3A_545] : memref<128x64xf32, #tpu.memory_space<vmem>>, vector<1x64xf32>
    tpu.vector_store %arg9[%swap3A_544, %swap3A_545], %add3A_543 {strides = array<i32>} : memref<128x64xf32, #tpu.memory_space<vmem>>, vector<1x64xf32>,
    %slice3A_547 = vector.extract_strided_slice %dot_general3A_35 {offsets = [0, 4096], sizes = [1, 64], strides = [1, 1]} : vector<1x8192xf32> to vector<1x64xf32>
    %get3A_548 = arith.constant 64 : index
    %get3A_549 = arith.constant 0 : index
    %get3A_550 = vector.load %arg4[%get3A_548, %get3A_549] : memref<128x64xf32, #tpu.memory_space<vmem>>, vector<1x64xf32>
    %add3A_551 = arith.addf %slice3A_547, %get3A_550 : vector<1x64xf32>
    %swap3A_552 = arith.constant 64 : index
    %swap3A_553 = arith.constant 0 : index
    %swap3A_554 = vector.load %arg9[%swap3A_552, %swap3A_553] : memref<128x64xf32, #tpu.memory_space<vmem>>, vector<1x64xf32>
    tpu.vector_store %arg9[%swap3A_552, %swap3A_553], %add3A_551 {strides = array<i32>} : memref<128x64xf32, #tpu.memory_space<vmem>>, vector<1x64xf32>,
    %slice3A_555 = vector.extract_strided_slice %dot_general3A_35 {offsets = [0, 4160], sizes = [1, 64], strides = [1, 1]} : vector<1x8192xf32> to vector<1x64xf32>
    %get3A_556 = arith.constant 65 : index
    %get3A_557 = arith.constant 0 : index
    %get3A_558 = vector.load %arg4[%get3A_556, %get3A_557] : memref<128x64xf32, #tpu.memory_space<vmem>>, vector<1x64xf32>
    %add3A_559 = arith.addf %slice3A_555, %get3A_558 : vector<1x64xf32>
    %swap3A_560 = arith.constant 65 : index
    %swap3A_561 = arith.constant 0 : index
    %swap3A_562 = vector.load %arg9[%swap3A_560, %swap3A_561] : memref<128x64xf32, #tpu.memory_space<vmem>>, vector<1x64xf32>
    tpu.vector_store %arg9[%swap3A_560, %swap3A_561], %add3A_559 {strides = array<i32>} : memref<128x64xf32, #tpu.memory_space<vmem>>, vector<1x64xf32>,
    %slice3A_563 = vector.extract_strided_slice %dot_general3A_35 {offsets = [0, 4224], sizes = [1, 64], strides = [1, 1]} : vector<1x8192xf32> to vector<1x64xf32>
    %get3A_564 = arith.constant 66 : index
    %get3A_565 = arith.constant 0 : index
    %get3A_566 = vector.load %arg4[%get3A_564, %get3A_565] : memref<128x64xf32, #tpu.memory_space<vmem>>, vector<1x64xf32>
    %add3A_567 = arith.addf %slice3A_563, %get3A_566 : vector<1x64xf32>
    %swap3A_568 = arith.constant 66 : index
    %swap3A_569 = arith.constant 0 : index
    %swap3A_570 = vector.load %arg9[%swap3A_568, %swap3A_569] : memref<128x64xf32, #tpu.memory_space<vmem>>, vector<1x64xf32>
    tpu.vector_store %arg9[%swap3A_568, %swap3A_569], %add3A_567 {strides = array<i32>} : memref<128x64xf32, #tpu.memory_space<vmem>>, vector<1x64xf32>,
    %slice3A_571 = vector.extract_strided_slice %dot_general3A_35 {offsets = [0, 4288], sizes = [1, 64], strides = [1, 1]} : vector<1x8192xf32> to vector<1x64xf32>
    %get3A_572 = arith.constant 67 : index
    %get3A_573 = arith.constant 0 : index
    %get3A_574 = vector.load %arg4[%get3A_572, %get3A_573] : memref<128x64xf32, #tpu.memory_space<vmem>>, vector<1x64xf32>
    %add3A_575 = arith.addf %slice3A_571, %get3A_574 : vector<1x64xf32>
    %swap3A_576 = arith.constant 67 : index
    %swap3A_577 = arith.constant 0 : index
    %swap3A_578 = vector.load %arg9[%swap3A_576, %swap3A_577] : memref<128x64xf32, #tpu.memory_space<vmem>>, vector<1x64xf32>
    tpu.vector_store %arg9[%swap3A_576, %swap3A_577], %add3A_575 {strides = array<i32>} : memref<128x64xf32, #tpu.memory_space<vmem>>, vector<1x64xf32>,
    %slice3A_579 = vector.extract_strided_slice %dot_general3A_35 {offsets = [0, 4352], sizes = [1, 64], strides = [1, 1]} : vector<1x8192xf32> to vector<1x64xf32>
    %get3A_580 = arith.constant 68 : index
    %get3A_581 = arith.constant 0 : index
    %get3A_582 = vector.load %arg4[%get3A_580, %get3A_581] : memref<128x64xf32, #tpu.memory_space<vmem>>, vector<1x64xf32>
    %add3A_583 = arith.addf %slice3A_579, %get3A_582 : vector<1x64xf32>
    %swap3A_584 = arith.constant 68 : index
    %swap3A_585 = arith.constant 0 : index
    %swap3A_586 = vector.load %arg9[%swap3A_584, %swap3A_585] : memref<128x64xf32, #tpu.memory_space<vmem>>, vector<1x64xf32>
    tpu.vector_store %arg9[%swap3A_584, %swap3A_585], %add3A_583 {strides = array<i32>} : memref<128x64xf32, #tpu.memory_space<vmem>>, vector<1x64xf32>,
    %slice3A_587 = vector.extract_strided_slice %dot_general3A_35 {offsets = [0, 4416], sizes = [1, 64], strides = [1, 1]} : vector<1x8192xf32> to vector<1x64xf32>
    %get3A_588 = arith.constant 69 : index
    %get3A_589 = arith.constant 0 : index
    %get3A_590 = vector.load %arg4[%get3A_588, %get3A_589] : memref<128x64xf32, #tpu.memory_space<vmem>>, vector<1x64xf32>
    %add3A_591 = arith.addf %slice3A_587, %get3A_590 : vector<1x64xf32>
    %swap3A_592 = arith.constant 69 : index
    %swap3A_593 = arith.constant 0 : index
    %swap3A_594 = vector.load %arg9[%swap3A_592, %swap3A_593] : memref<128x64xf32, #tpu.memory_space<vmem>>, vector<1x64xf32>
    tpu.vector_store %arg9[%swap3A_592, %swap3A_593], %add3A_591 {strides = array<i32>} : memref<128x64xf32, #tpu.memory_space<vmem>>, vector<1x64xf32>,
    %slice3A_595 = vector.extract_strided_slice %dot_general3A_35 {offsets = [0, 4480], sizes = [1, 64], strides = [1, 1]} : vector<1x8192xf32> to vector<1x64xf32>
    %get3A_596 = arith.constant 70 : index
    %get3A_597 = arith.constant 0 : index
    %get3A_598 = vector.load %arg4[%get3A_596, %get3A_597] : memref<128x64xf32, #tpu.memory_space<vmem>>, vector<1x64xf32>
    %add3A_599 = arith.addf %slice3A_595, %get3A_598 : vector<1x64xf32>
    %swap3A_600 = arith.constant 70 : index
    %swap3A_601 = arith.constant 0 : index
    %swap3A_602 = vector.load %arg9[%swap3A_600, %swap3A_601] : memref<128x64xf32, #tpu.memory_space<vmem>>, vector<1x64xf32>
    tpu.vector_store %arg9[%swap3A_600, %swap3A_601], %add3A_599 {strides = array<i32>} : memref<128x64xf32, #tpu.memory_space<vmem>>, vector<1x64xf32>,
    %slice3A_603 = vector.extract_strided_slice %dot_general3A_35 {offsets = [0, 4544], sizes = [1, 64], strides = [1, 1]} : vector<1x8192xf32> to vector<1x64xf32>
    %get3A_604 = arith.constant 71 : index
    %get3A_605 = arith.constant 0 : index
    %get3A_606 = vector.load %arg4[%get3A_604, %get3A_605] : memref<128x64xf32, #tpu.memory_space<vmem>>, vector<1x64xf32>
    %add3A_607 = arith.addf %slice3A_603, %get3A_606 : vector<1x64xf32>
    %swap3A_608 = arith.constant 71 : index
    %swap3A_609 = arith.constant 0 : index
    %swap3A_610 = vector.load %arg9[%swap3A_608, %swap3A_609] : memref<128x64xf32, #tpu.memory_space<vmem>>, vector<1x64xf32>
    tpu.vector_store %arg9[%swap3A_608, %swap3A_609], %add3A_607 {strides = array<i32>} : memref<128x64xf32, #tpu.memory_space<vmem>>, vector<1x64xf32>,
    %slice3A_611 = vector.extract_strided_slice %dot_general3A_35 {offsets = [0, 4608], sizes = [1, 64], strides = [1, 1]} : vector<1x8192xf32> to vector<1x64xf32>
    %get3A_612 = arith.constant 72 : index
    %get3A_613 = arith.constant 0 : index
    %get3A_614 = vector.load %arg4[%get3A_612, %get3A_613] : memref<128x64xf32, #tpu.memory_space<vmem>>, vector<1x64xf32>
    %add3A_615 = arith.addf %slice3A_611, %get3A_614 : vector<1x64xf32>
    %swap3A_616 = arith.constant 72 : index
    %swap3A_617 = arith.constant 0 : index
    %swap3A_618 = vector.load %arg9[%swap3A_616, %swap3A_617] : memref<128x64xf32, #tpu.memory_space<vmem>>, vector<1x64xf32>
    tpu.vector_store %arg9[%swap3A_616, %swap3A_617], %add3A_615 {strides = array<i32>} : memref<128x64xf32, #tpu.memory_space<vmem>>, vector<1x64xf32>,
    %slice3A_619 = vector.extract_strided_slice %dot_general3A_35 {offsets = [0, 4672], sizes = [1, 64], strides = [1, 1]} : vector<1x8192xf32> to vector<1x64xf32>
    %get3A_620 = arith.constant 73 : index
    %get3A_621 = arith.constant 0 : index
    %get3A_622 = vector.load %arg4[%get3A_620, %get3A_621] : memref<128x64xf32, #tpu.memory_space<vmem>>, vector<1x64xf32>
    %add3A_623 = arith.addf %slice3A_619, %get3A_622 : vector<1x64xf32>
    %swap3A_624 = arith.constant 73 : index
    %swap3A_625 = arith.constant 0 : index
    %swap3A_626 = vector.load %arg9[%swap3A_624, %swap3A_625] : memref<128x64xf32, #tpu.memory_space<vmem>>, vector<1x64xf32>
    tpu.vector_store %arg9[%swap3A_624, %swap3A_625], %add3A_623 {strides = array<i32>} : memref<128x64xf32, #tpu.memory_space<vmem>>, vector<1x64xf32>,
    %slice3A_627 = vector.extract_strided_slice %dot_general3A_35 {offsets = [0, 4736], sizes = [1, 64], strides = [1, 1]} : vector<1x8192xf32> to vector<1x64xf32>
    %get3A_628 = arith.constant 74 : index
    %get3A_629 = arith.constant 0 : index
    %get3A_630 = vector.load %arg4[%get3A_628, %get3A_629] : memref<128x64xf32, #tpu.memory_space<vmem>>, vector<1x64xf32>
    %add3A_631 = arith.addf %slice3A_627, %get3A_630 : vector<1x64xf32>
    %swap3A_632 = arith.constant 74 : index
    %swap3A_633 = arith.constant 0 : index
    %swap3A_634 = vector.load %arg9[%swap3A_632, %swap3A_633] : memref<128x64xf32, #tpu.memory_space<vmem>>, vector<1x64xf32>
    tpu.vector_store %arg9[%swap3A_632, %swap3A_633], %add3A_631 {strides = array<i32>} : memref<128x64xf32, #tpu.memory_space<vmem>>, vector<1x64xf32>,
    %slice3A_635 = vector.extract_strided_slice %dot_general3A_35 {offsets = [0, 4800], sizes = [1, 64], strides = [1, 1]} : vector<1x8192xf32> to vector<1x64xf32>
    %get3A_636 = arith.constant 75 : index
    %get3A_637 = arith.constant 0 : index
    %get3A_638 = vector.load %arg4[%get3A_636, %get3A_637] : memref<128x64xf32, #tpu.memory_space<vmem>>, vector<1x64xf32>
    %add3A_639 = arith.addf %slice3A_635, %get3A_638 : vector<1x64xf32>
    %swap3A_640 = arith.constant 75 : index
    %swap3A_641 = arith.constant 0 : index
    %swap3A_642 = vector.load %arg9[%swap3A_640, %swap3A_641] : memref<128x64xf32, #tpu.memory_space<vmem>>, vector<1x64xf32>
    tpu.vector_store %arg9[%swap3A_640, %swap3A_641], %add3A_639 {strides = array<i32>} : memref<128x64xf32, #tpu.memory_space<vmem>>, vector<1x64xf32>,
    %slice3A_643 = vector.extract_strided_slice %dot_general3A_35 {offsets = [0, 4864], sizes = [1, 64], strides = [1, 1]} : vector<1x8192xf32> to vector<1x64xf32>
    %get3A_644 = arith.constant 76 : index
    %get3A_645 = arith.constant 0 : index
    %get3A_646 = vector.load %arg4[%get3A_644, %get3A_645] : memref<128x64xf32, #tpu.memory_space<vmem>>, vector<1x64xf32>
    %add3A_647 = arith.addf %slice3A_643, %get3A_646 : vector<1x64xf32>
    %swap3A_648 = arith.constant 76 : index
    %swap3A_649 = arith.constant 0 : index
    %swap3A_650 = vector.load %arg9[%swap3A_648, %swap3A_649] : memref<128x64xf32, #tpu.memory_space<vmem>>, vector<1x64xf32>
    tpu.vector_store %arg9[%swap3A_648, %swap3A_649], %add3A_647 {strides = array<i32>} : memref<128x64xf32, #tpu.memory_space<vmem>>, vector<1x64xf32>,
    %slice3A_651 = vector.extract_strided_slice %dot_general3A_35 {offsets = [0, 4928], sizes = [1, 64], strides = [1, 1]} : vector<1x8192xf32> to vector<1x64xf32>
    %get3A_652 = arith.constant 77 : index
    %get3A_653 = arith.constant 0 : index
    %get3A_654 = vector.load %arg4[%get3A_652, %get3A_653] : memref<128x64xf32, #tpu.memory_space<vmem>>, vector<1x64xf32>
    %add3A_655 = arith.addf %slice3A_651, %get3A_654 : vector<1x64xf32>
    %swap3A_656 = arith.constant 77 : index
    %swap3A_657 = arith.constant 0 : index
    %swap3A_658 = vector.load %arg9[%swap3A_656, %swap3A_657] : memref<128x64xf32, #tpu.memory_space<vmem>>, vector<1x64xf32>
    tpu.vector_store %arg9[%swap3A_656, %swap3A_657], %add3A_655 {strides = array<i32>} : memref<128x64xf32, #tpu.memory_space<vmem>>, vector<1x64xf32>,
    %slice3A_659 = vector.extract_strided_slice %dot_general3A_35 {offsets = [0, 4992], sizes = [1, 64], strides = [1, 1]} : vector<1x8192xf32> to vector<1x64xf32>
    %get3A_660 = arith.constant 78 : index
    %get3A_661 = arith.constant 0 : index
    %get3A_662 = vector.load %arg4[%get3A_660, %get3A_661] : memref<128x64xf32, #tpu.memory_space<vmem>>, vector<1x64xf32>
    %add3A_663 = arith.addf %slice3A_659, %get3A_662 : vector<1x64xf32>
    %swap3A_664 = arith.constant 78 : index
    %swap3A_665 = arith.constant 0 : index
    %swap3A_666 = vector.load %arg9[%swap3A_664, %swap3A_665] : memref<128x64xf32, #tpu.memory_space<vmem>>, vector<1x64xf32>
    tpu.vector_store %arg9[%swap3A_664, %swap3A_665], %add3A_663 {strides = array<i32>} : memref<128x64xf32, #tpu.memory_space<vmem>>, vector<1x64xf32>,
    %slice3A_667 = vector.extract_strided_slice %dot_general3A_35 {offsets = [0, 5056], sizes = [1, 64], strides = [1, 1]} : vector<1x8192xf32> to vector<1x64xf32>
    %get3A_668 = arith.constant 79 : index
    %get3A_669 = arith.constant 0 : index
    %get3A_670 = vector.load %arg4[%get3A_668, %get3A_669] : memref<128x64xf32, #tpu.memory_space<vmem>>, vector<1x64xf32>
    %add3A_671 = arith.addf %slice3A_667, %get3A_670 : vector<1x64xf32>
    %swap3A_672 = arith.constant 79 : index
    %swap3A_673 = arith.constant 0 : index
    %swap3A_674 = vector.load %arg9[%swap3A_672, %swap3A_673] : memref<128x64xf32, #tpu.memory_space<vmem>>, vector<1x64xf32>
    tpu.vector_store %arg9[%swap3A_672, %swap3A_673], %add3A_671 {strides = array<i32>} : memref<128x64xf32, #tpu.memory_space<vmem>>, vector<1x64xf32>,
    %slice3A_675 = vector.extract_strided_slice %dot_general3A_35 {offsets = [0, 5120], sizes = [1, 64], strides = [1, 1]} : vector<1x8192xf32> to vector<1x64xf32>
    %get3A_676 = arith.constant 80 : index
    %get3A_677 = arith.constant 0 : index
    %get3A_678 = vector.load %arg4[%get3A_676, %get3A_677] : memref<128x64xf32, #tpu.memory_space<vmem>>, vector<1x64xf32>
    %add3A_679 = arith.addf %slice3A_675, %get3A_678 : vector<1x64xf32>
    %swap3A_680 = arith.constant 80 : index
    %swap3A_681 = arith.constant 0 : index
    %swap3A_682 = vector.load %arg9[%swap3A_680, %swap3A_681] : memref<128x64xf32, #tpu.memory_space<vmem>>, vector<1x64xf32>
    tpu.vector_store %arg9[%swap3A_680, %swap3A_681], %add3A_679 {strides = array<i32>} : memref<128x64xf32, #tpu.memory_space<vmem>>, vector<1x64xf32>,
    %slice3A_683 = vector.extract_strided_slice %dot_general3A_35 {offsets = [0, 5184], sizes = [1, 64], strides = [1, 1]} : vector<1x8192xf32> to vector<1x64xf32>
    %get3A_684 = arith.constant 81 : index
    %get3A_685 = arith.constant 0 : index
    %get3A_686 = vector.load %arg4[%get3A_684, %get3A_685] : memref<128x64xf32, #tpu.memory_space<vmem>>, vector<1x64xf32>
    %add3A_687 = arith.addf %slice3A_683, %get3A_686 : vector<1x64xf32>
    %swap3A_688 = arith.constant 81 : index
    %swap3A_689 = arith.constant 0 : index
    %swap3A_690 = vector.load %arg9[%swap3A_688, %swap3A_689] : memref<128x64xf32, #tpu.memory_space<vmem>>, vector<1x64xf32>
    tpu.vector_store %arg9[%swap3A_688, %swap3A_689], %add3A_687 {strides = array<i32>} : memref<128x64xf32, #tpu.memory_space<vmem>>, vector<1x64xf32>,
    %slice3A_691 = vector.extract_strided_slice %dot_general3A_35 {offsets = [0, 5248], sizes = [1, 64], strides = [1, 1]} : vector<1x8192xf32> to vector<1x64xf32>
    %get3A_692 = arith.constant 82 : index
    %get3A_693 = arith.constant 0 : index
    %get3A_694 = vector.load %arg4[%get3A_692, %get3A_693] : memref<128x64xf32, #tpu.memory_space<vmem>>, vector<1x64xf32>
    %add3A_695 = arith.addf %slice3A_691, %get3A_694 : vector<1x64xf32>
    %swap3A_696 = arith.constant 82 : index
    %swap3A_697 = arith.constant 0 : index
    %swap3A_698 = vector.load %arg9[%swap3A_696, %swap3A_697] : memref<128x64xf32, #tpu.memory_space<vmem>>, vector<1x64xf32>
    tpu.vector_store %arg9[%swap3A_696, %swap3A_697], %add3A_695 {strides = array<i32>} : memref<128x64xf32, #tpu.memory_space<vmem>>, vector<1x64xf32>,
    %slice3A_699 = vector.extract_strided_slice %dot_general3A_35 {offsets = [0, 5312], sizes = [1, 64], strides = [1, 1]} : vector<1x8192xf32> to vector<1x64xf32>
    %get3A_700 = arith.constant 83 : index
    %get3A_701 = arith.constant 0 : index
    %get3A_702 = vector.load %arg4[%get3A_700, %get3A_701] : memref<128x64xf32, #tpu.memory_space<vmem>>, vector<1x64xf32>
    %add3A_703 = arith.addf %slice3A_699, %get3A_702 : vector<1x64xf32>
    %swap3A_704 = arith.constant 83 : index
    %swap3A_705 = arith.constant 0 : index
    %swap3A_706 = vector.load %arg9[%swap3A_704, %swap3A_705] : memref<128x64xf32, #tpu.memory_space<vmem>>, vector<1x64xf32>
    tpu.vector_store %arg9[%swap3A_704, %swap3A_705], %add3A_703 {strides = array<i32>} : memref<128x64xf32, #tpu.memory_space<vmem>>, vector<1x64xf32>,
    %slice3A_707 = vector.extract_strided_slice %dot_general3A_35 {offsets = [0, 5376], sizes = [1, 64], strides = [1, 1]} : vector<1x8192xf32> to vector<1x64xf32>
    %get3A_708 = arith.constant 84 : index
    %get3A_709 = arith.constant 0 : index
    %get3A_710 = vector.load %arg4[%get3A_708, %get3A_709] : memref<128x64xf32, #tpu.memory_space<vmem>>, vector<1x64xf32>
    %add3A_711 = arith.addf %slice3A_707, %get3A_710 : vector<1x64xf32>
    %swap3A_712 = arith.constant 84 : index
    %swap3A_713 = arith.constant 0 : index
    %swap3A_714 = vector.load %arg9[%swap3A_712, %swap3A_713] : memref<128x64xf32, #tpu.memory_space<vmem>>, vector<1x64xf32>
    tpu.vector_store %arg9[%swap3A_712, %swap3A_713], %add3A_711 {strides = array<i32>} : memref<128x64xf32, #tpu.memory_space<vmem>>, vector<1x64xf32>,
    %slice3A_715 = vector.extract_strided_slice %dot_general3A_35 {offsets = [0, 5440], sizes = [1, 64], strides = [1, 1]} : vector<1x8192xf32> to vector<1x64xf32>
    %get3A_716 = arith.constant 85 : index
    %get3A_717 = arith.constant 0 : index
    %get3A_718 = vector.load %arg4[%get3A_716, %get3A_717] : memref<128x64xf32, #tpu.memory_space<vmem>>, vector<1x64xf32>
    %add3A_719 = arith.addf %slice3A_715, %get3A_718 : vector<1x64xf32>
    %swap3A_720 = arith.constant 85 : index
    %swap3A_721 = arith.constant 0 : index
    %swap3A_722 = vector.load %arg9[%swap3A_720, %swap3A_721] : memref<128x64xf32, #tpu.memory_space<vmem>>, vector<1x64xf32>
    tpu.vector_store %arg9[%swap3A_720, %swap3A_721], %add3A_719 {strides = array<i32>} : memref<128x64xf32, #tpu.memory_space<vmem>>, vector<1x64xf32>,
    %slice3A_723 = vector.extract_strided_slice %dot_general3A_35 {offsets = [0, 5504], sizes = [1, 64], strides = [1, 1]} : vector<1x8192xf32> to vector<1x64xf32>
    %get3A_724 = arith.constant 86 : index
    %get3A_725 = arith.constant 0 : index
    %get3A_726 = vector.load %arg4[%get3A_724, %get3A_725] : memref<128x64xf32, #tpu.memory_space<vmem>>, vector<1x64xf32>
    %add3A_727 = arith.addf %slice3A_723, %get3A_726 : vector<1x64xf32>
    %swap3A_728 = arith.constant 86 : index
    %swap3A_729 = arith.constant 0 : index
    %swap3A_730 = vector.load %arg9[%swap3A_728, %swap3A_729] : memref<128x64xf32, #tpu.memory_space<vmem>>, vector<1x64xf32>
    tpu.vector_store %arg9[%swap3A_728, %swap3A_729], %add3A_727 {strides = array<i32>} : memref<128x64xf32, #tpu.memory_space<vmem>>, vector<1x64xf32>,
    %slice3A_731 = vector.extract_strided_slice %dot_general3A_35 {offsets = [0, 5568], sizes = [1, 64], strides = [1, 1]} : vector<1x8192xf32> to vector<1x64xf32>
    %get3A_732 = arith.constant 87 : index
    %get3A_733 = arith.constant 0 : index
    %get3A_734 = vector.load %arg4[%get3A_732, %get3A_733] : memref<128x64xf32, #tpu.memory_space<vmem>>, vector<1x64xf32>
    %add3A_735 = arith.addf %slice3A_731, %get3A_734 : vector<1x64xf32>
    %swap3A_736 = arith.constant 87 : index
    %swap3A_737 = arith.constant 0 : index
    %swap3A_738 = vector.load %arg9[%swap3A_736, %swap3A_737] : memref<128x64xf32, #tpu.memory_space<vmem>>, vector<1x64xf32>
    tpu.vector_store %arg9[%swap3A_736, %swap3A_737], %add3A_735 {strides = array<i32>} : memref<128x64xf32, #tpu.memory_space<vmem>>, vector<1x64xf32>,
    %slice3A_739 = vector.extract_strided_slice %dot_general3A_35 {offsets = [0, 5632], sizes = [1, 64], strides = [1, 1]} : vector<1x8192xf32> to vector<1x64xf32>
    %get3A_740 = arith.constant 88 : index
    %get3A_741 = arith.constant 0 : index
    %get3A_742 = vector.load %arg4[%get3A_740, %get3A_741] : memref<128x64xf32, #tpu.memory_space<vmem>>, vector<1x64xf32>
    %add3A_743 = arith.addf %slice3A_739, %get3A_742 : vector<1x64xf32>
    %swap3A_744 = arith.constant 88 : index
    %swap3A_745 = arith.constant 0 : index
    %swap3A_746 = vector.load %arg9[%swap3A_744, %swap3A_745] : memref<128x64xf32, #tpu.memory_space<vmem>>, vector<1x64xf32>
    tpu.vector_store %arg9[%swap3A_744, %swap3A_745], %add3A_743 {strides = array<i32>} : memref<128x64xf32, #tpu.memory_space<vmem>>, vector<1x64xf32>,
    %slice3A_747 = vector.extract_strided_slice %dot_general3A_35 {offsets = [0, 5696], sizes = [1, 64], strides = [1, 1]} : vector<1x8192xf32> to vector<1x64xf32>
    %get3A_748 = arith.constant 89 : index
    %get3A_749 = arith.constant 0 : index
    %get3A_750 = vector.load %arg4[%get3A_748, %get3A_749] : memref<128x64xf32, #tpu.memory_space<vmem>>, vector<1x64xf32>
    %add3A_751 = arith.addf %slice3A_747, %get3A_750 : vector<1x64xf32>
    %swap3A_752 = arith.constant 89 : index
    %swap3A_753 = arith.constant 0 : index
    %swap3A_754 = vector.load %arg9[%swap3A_752, %swap3A_753] : memref<128x64xf32, #tpu.memory_space<vmem>>, vector<1x64xf32>
    tpu.vector_store %arg9[%swap3A_752, %swap3A_753], %add3A_751 {strides = array<i32>} : memref<128x64xf32, #tpu.memory_space<vmem>>, vector<1x64xf32>,
    %slice3A_755 = vector.extract_strided_slice %dot_general3A_35 {offsets = [0, 5760], sizes = [1, 64], strides = [1, 1]} : vector<1x8192xf32> to vector<1x64xf32>
    %get3A_756 = arith.constant 90 : index
    %get3A_757 = arith.constant 0 : index
    %get3A_758 = vector.load %arg4[%get3A_756, %get3A_757] : memref<128x64xf32, #tpu.memory_space<vmem>>, vector<1x64xf32>
    %add3A_759 = arith.addf %slice3A_755, %get3A_758 : vector<1x64xf32>
    %swap3A_760 = arith.constant 90 : index
    %swap3A_761 = arith.constant 0 : index
    %swap3A_762 = vector.load %arg9[%swap3A_760, %swap3A_761] : memref<128x64xf32, #tpu.memory_space<vmem>>, vector<1x64xf32>
    tpu.vector_store %arg9[%swap3A_760, %swap3A_761], %add3A_759 {strides = array<i32>} : memref<128x64xf32, #tpu.memory_space<vmem>>, vector<1x64xf32>,
    %slice3A_763 = vector.extract_strided_slice %dot_general3A_35 {offsets = [0, 5824], sizes = [1, 64], strides = [1, 1]} : vector<1x8192xf32> to vector<1x64xf32>
    %get3A_764 = arith.constant 91 : index
    %get3A_765 = arith.constant 0 : index
    %get3A_766 = vector.load %arg4[%get3A_764, %get3A_765] : memref<128x64xf32, #tpu.memory_space<vmem>>, vector<1x64xf32>
    %add3A_767 = arith.addf %slice3A_763, %get3A_766 : vector<1x64xf32>
    %swap3A_768 = arith.constant 91 : index
    %swap3A_769 = arith.constant 0 : index
    %swap3A_770 = vector.load %arg9[%swap3A_768, %swap3A_769] : memref<128x64xf32, #tpu.memory_space<vmem>>, vector<1x64xf32>
    tpu.vector_store %arg9[%swap3A_768, %swap3A_769], %add3A_767 {strides = array<i32>} : memref<128x64xf32, #tpu.memory_space<vmem>>, vector<1x64xf32>,
    %slice3A_771 = vector.extract_strided_slice %dot_general3A_35 {offsets = [0, 5888], sizes = [1, 64], strides = [1, 1]} : vector<1x8192xf32> to vector<1x64xf32>
    %get3A_772 = arith.constant 92 : index
    %get3A_773 = arith.constant 0 : index
    %get3A_774 = vector.load %arg4[%get3A_772, %get3A_773] : memref<128x64xf32, #tpu.memory_space<vmem>>, vector<1x64xf32>
    %add3A_775 = arith.addf %slice3A_771, %get3A_774 : vector<1x64xf32>
    %swap3A_776 = arith.constant 92 : index
    %swap3A_777 = arith.constant 0 : index
    %swap3A_778 = vector.load %arg9[%swap3A_776, %swap3A_777] : memref<128x64xf32, #tpu.memory_space<vmem>>, vector<1x64xf32>
    tpu.vector_store %arg9[%swap3A_776, %swap3A_777], %add3A_775 {strides = array<i32>} : memref<128x64xf32, #tpu.memory_space<vmem>>, vector<1x64xf32>,
    %slice3A_779 = vector.extract_strided_slice %dot_general3A_35 {offsets = [0, 5952], sizes = [1, 64], strides = [1, 1]} : vector<1x8192xf32> to vector<1x64xf32>
    %get3A_780 = arith.constant 93 : index
    %get3A_781 = arith.constant 0 : index
    %get3A_782 = vector.load %arg4[%get3A_780, %get3A_781] : memref<128x64xf32, #tpu.memory_space<vmem>>, vector<1x64xf32>
    %add3A_783 = arith.addf %slice3A_779, %get3A_782 : vector<1x64xf32>
    %swap3A_784 = arith.constant 93 : index
    %swap3A_785 = arith.constant 0 : index
    %swap3A_786 = vector.load %arg9[%swap3A_784, %swap3A_785] : memref<128x64xf32, #tpu.memory_space<vmem>>, vector<1x64xf32>
    tpu.vector_store %arg9[%swap3A_784, %swap3A_785], %add3A_783 {strides = array<i32>} : memref<128x64xf32, #tpu.memory_space<vmem>>, vector<1x64xf32>,
    %slice3A_787 = vector.extract_strided_slice %dot_general3A_35 {offsets = [0, 6016], sizes = [1, 64], strides = [1, 1]} : vector<1x8192xf32> to vector<1x64xf32>
    %get3A_788 = arith.constant 94 : index
    %get3A_789 = arith.constant 0 : index
    %get3A_790 = vector.load %arg4[%get3A_788, %get3A_789] : memref<128x64xf32, #tpu.memory_space<vmem>>, vector<1x64xf32>
    %add3A_791 = arith.addf %slice3A_787, %get3A_790 : vector<1x64xf32>
    %swap3A_792 = arith.constant 94 : index
    %swap3A_793 = arith.constant 0 : index
    %swap3A_794 = vector.load %arg9[%swap3A_792, %swap3A_793] : memref<128x64xf32, #tpu.memory_space<vmem>>, vector<1x64xf32>
    tpu.vector_store %arg9[%swap3A_792, %swap3A_793], %add3A_791 {strides = array<i32>} : memref<128x64xf32, #tpu.memory_space<vmem>>, vector<1x64xf32>,
    %slice3A_795 = vector.extract_strided_slice %dot_general3A_35 {offsets = [0, 6080], sizes = [1, 64], strides = [1, 1]} : vector<1x8192xf32> to vector<1x64xf32>
    %get3A_796 = arith.constant 95 : index
    %get3A_797 = arith.constant 0 : index
    %get3A_798 = vector.load %arg4[%get3A_796, %get3A_797] : memref<128x64xf32, #tpu.memory_space<vmem>>, vector<1x64xf32>
    %add3A_799 = arith.addf %slice3A_795, %get3A_798 : vector<1x64xf32>
    %swap3A_800 = arith.constant 95 : index
    %swap3A_801 = arith.constant 0 : index
    %swap3A_802 = vector.load %arg9[%swap3A_800, %swap3A_801] : memref<128x64xf32, #tpu.memory_space<vmem>>, vector<1x64xf32>
    tpu.vector_store %arg9[%swap3A_800, %swap3A_801], %add3A_799 {strides = array<i32>} : memref<128x64xf32, #tpu.memory_space<vmem>>, vector<1x64xf32>,
    %slice3A_803 = vector.extract_strided_slice %dot_general3A_35 {offsets = [0, 6144], sizes = [1, 64], strides = [1, 1]} : vector<1x8192xf32> to vector<1x64xf32>
    %get3A_804 = arith.constant 96 : index
    %get3A_805 = arith.constant 0 : index
    %get3A_806 = vector.load %arg4[%get3A_804, %get3A_805] : memref<128x64xf32, #tpu.memory_space<vmem>>, vector<1x64xf32>
    %add3A_807 = arith.addf %slice3A_803, %get3A_806 : vector<1x64xf32>
    %swap3A_808 = arith.constant 96 : index
    %swap3A_809 = arith.constant 0 : index
    %swap3A_810 = vector.load %arg9[%swap3A_808, %swap3A_809] : memref<128x64xf32, #tpu.memory_space<vmem>>, vector<1x64xf32>
    tpu.vector_store %arg9[%swap3A_808, %swap3A_809], %add3A_807 {strides = array<i32>} : memref<128x64xf32, #tpu.memory_space<vmem>>, vector<1x64xf32>,
    %slice3A_811 = vector.extract_strided_slice %dot_general3A_35 {offsets = [0, 6208], sizes = [1, 64], strides = [1, 1]} : vector<1x8192xf32> to vector<1x64xf32>
    %get3A_812 = arith.constant 97 : index
    %get3A_813 = arith.constant 0 : index
    %get3A_814 = vector.load %arg4[%get3A_812, %get3A_813] : memref<128x64xf32, #tpu.memory_space<vmem>>, vector<1x64xf32>
    %add3A_815 = arith.addf %slice3A_811, %get3A_814 : vector<1x64xf32>
    %swap3A_816 = arith.constant 97 : index
    %swap3A_817 = arith.constant 0 : index
    %swap3A_818 = vector.load %arg9[%swap3A_816, %swap3A_817] : memref<128x64xf32, #tpu.memory_space<vmem>>, vector<1x64xf32>
    tpu.vector_store %arg9[%swap3A_816, %swap3A_817], %add3A_815 {strides = array<i32>} : memref<128x64xf32, #tpu.memory_space<vmem>>, vector<1x64xf32>,
    %slice3A_819 = vector.extract_strided_slice %dot_general3A_35 {offsets = [0, 6272], sizes = [1, 64], strides = [1, 1]} : vector<1x8192xf32> to vector<1x64xf32>
    %get3A_820 = arith.constant 98 : index
    %get3A_821 = arith.constant 0 : index
    %get3A_822 = vector.load %arg4[%get3A_820, %get3A_821] : memref<128x64xf32, #tpu.memory_space<vmem>>, vector<1x64xf32>
    %add3A_823 = arith.addf %slice3A_819, %get3A_822 : vector<1x64xf32>
    %swap3A_824 = arith.constant 98 : index
    %swap3A_825 = arith.constant 0 : index
    %swap3A_826 = vector.load %arg9[%swap3A_824, %swap3A_825] : memref<128x64xf32, #tpu.memory_space<vmem>>, vector<1x64xf32>
    tpu.vector_store %arg9[%swap3A_824, %swap3A_825], %add3A_823 {strides = array<i32>} : memref<128x64xf32, #tpu.memory_space<vmem>>, vector<1x64xf32>,
    %slice3A_827 = vector.extract_strided_slice %dot_general3A_35 {offsets = [0, 6336], sizes = [1, 64], strides = [1, 1]} : vector<1x8192xf32> to vector<1x64xf32>
    %get3A_828 = arith.constant 99 : index
    %get3A_829 = arith.constant 0 : index
    %get3A_830 = vector.load %arg4[%get3A_828, %get3A_829] : memref<128x64xf32, #tpu.memory_space<vmem>>, vector<1x64xf32>
    %add3A_831 = arith.addf %slice3A_827, %get3A_830 : vector<1x64xf32>
    %swap3A_832 = arith.constant 99 : index
    %swap3A_833 = arith.constant 0 : index
    %swap3A_834 = vector.load %arg9[%swap3A_832, %swap3A_833] : memref<128x64xf32, #tpu.memory_space<vmem>>, vector<1x64xf32>
    tpu.vector_store %arg9[%swap3A_832, %swap3A_833], %add3A_831 {strides = array<i32>} : memref<128x64xf32, #tpu.memory_space<vmem>>, vector<1x64xf32>,
    %slice3A_835 = vector.extract_strided_slice %dot_general3A_35 {offsets = [0, 6400], sizes = [1, 64], strides = [1, 1]} : vector<1x8192xf32> to vector<1x64xf32>
    %get3A_836 = arith.constant 100 : index
    %get3A_837 = arith.constant 0 : index
    %get3A_838 = vector.load %arg4[%get3A_836, %get3A_837] : memref<128x64xf32, #tpu.memory_space<vmem>>, vector<1x64xf32>
    %add3A_839 = arith.addf %slice3A_835, %get3A_838 : vector<1x64xf32>
    %swap3A_840 = arith.constant 100 : index
    %swap3A_841 = arith.constant 0 : index
    %swap3A_842 = vector.load %arg9[%swap3A_840, %swap3A_841] : memref<128x64xf32, #tpu.memory_space<vmem>>, vector<1x64xf32>
    tpu.vector_store %arg9[%swap3A_840, %swap3A_841], %add3A_839 {strides = array<i32>} : memref<128x64xf32, #tpu.memory_space<vmem>>, vector<1x64xf32>,
    %slice3A_843 = vector.extract_strided_slice %dot_general3A_35 {offsets = [0, 6464], sizes = [1, 64], strides = [1, 1]} : vector<1x8192xf32> to vector<1x64xf32>
    %get3A_844 = arith.constant 101 : index
    %get3A_845 = arith.constant 0 : index
    %get3A_846 = vector.load %arg4[%get3A_844, %get3A_845] : memref<128x64xf32, #tpu.memory_space<vmem>>, vector<1x64xf32>
    %add3A_847 = arith.addf %slice3A_843, %get3A_846 : vector<1x64xf32>
    %swap3A_848 = arith.constant 101 : index
    %swap3A_849 = arith.constant 0 : index
    %swap3A_850 = vector.load %arg9[%swap3A_848, %swap3A_849] : memref<128x64xf32, #tpu.memory_space<vmem>>, vector<1x64xf32>
    tpu.vector_store %arg9[%swap3A_848, %swap3A_849], %add3A_847 {strides = array<i32>} : memref<128x64xf32, #tpu.memory_space<vmem>>, vector<1x64xf32>,
    %slice3A_851 = vector.extract_strided_slice %dot_general3A_35 {offsets = [0, 6528], sizes = [1, 64], strides = [1, 1]} : vector<1x8192xf32> to vector<1x64xf32>
    %get3A_852 = arith.constant 102 : index
    %get3A_853 = arith.constant 0 : index
    %get3A_854 = vector.load %arg4[%get3A_852, %get3A_853] : memref<128x64xf32, #tpu.memory_space<vmem>>, vector<1x64xf32>
    %add3A_855 = arith.addf %slice3A_851, %get3A_854 : vector<1x64xf32>
    %swap3A_856 = arith.constant 102 : index
    %swap3A_857 = arith.constant 0 : index
    %swap3A_858 = vector.load %arg9[%swap3A_856, %swap3A_857] : memref<128x64xf32, #tpu.memory_space<vmem>>, vector<1x64xf32>
    tpu.vector_store %arg9[%swap3A_856, %swap3A_857], %add3A_855 {strides = array<i32>} : memref<128x64xf32, #tpu.memory_space<vmem>>, vector<1x64xf32>,
    %slice3A_859 = vector.extract_strided_slice %dot_general3A_35 {offsets = [0, 6592], sizes = [1, 64], strides = [1, 1]} : vector<1x8192xf32> to vector<1x64xf32>
    %get3A_860 = arith.constant 103 : index
    %get3A_861 = arith.constant 0 : index
    %get3A_862 = vector.load %arg4[%get3A_860, %get3A_861] : memref<128x64xf32, #tpu.memory_space<vmem>>, vector<1x64xf32>
    %add3A_863 = arith.addf %slice3A_859, %get3A_862 : vector<1x64xf32>
    %swap3A_864 = arith.constant 103 : index
    %swap3A_865 = arith.constant 0 : index
    %swap3A_866 = vector.load %arg9[%swap3A_864, %swap3A_865] : memref<128x64xf32, #tpu.memory_space<vmem>>, vector<1x64xf32>
    tpu.vector_store %arg9[%swap3A_864, %swap3A_865], %add3A_863 {strides = array<i32>} : memref<128x64xf32, #tpu.memory_space<vmem>>, vector<1x64xf32>,
    %slice3A_867 = vector.extract_strided_slice %dot_general3A_35 {offsets = [0, 6656], sizes = [1, 64], strides = [1, 1]} : vector<1x8192xf32> to vector<1x64xf32>
    %get3A_868 = arith.constant 104 : index
    %get3A_869 = arith.constant 0 : index
    %get3A_870 = vector.load %arg4[%get3A_868, %get3A_869] : memref<128x64xf32, #tpu.memory_space<vmem>>, vector<1x64xf32>
    %add3A_871 = arith.addf %slice3A_867, %get3A_870 : vector<1x64xf32>
    %swap3A_872 = arith.constant 104 : index
    %swap3A_873 = arith.constant 0 : index
    %swap3A_874 = vector.load %arg9[%swap3A_872, %swap3A_873] : memref<128x64xf32, #tpu.memory_space<vmem>>, vector<1x64xf32>
    tpu.vector_store %arg9[%swap3A_872, %swap3A_873], %add3A_871 {strides = array<i32>} : memref<128x64xf32, #tpu.memory_space<vmem>>, vector<1x64xf32>,
    %slice3A_875 = vector.extract_strided_slice %dot_general3A_35 {offsets = [0, 6720], sizes = [1, 64], strides = [1, 1]} : vector<1x8192xf32> to vector<1x64xf32>
    %get3A_876 = arith.constant 105 : index
    %get3A_877 = arith.constant 0 : index
    %get3A_878 = vector.load %arg4[%get3A_876, %get3A_877] : memref<128x64xf32, #tpu.memory_space<vmem>>, vector<1x64xf32>
    %add3A_879 = arith.addf %slice3A_875, %get3A_878 : vector<1x64xf32>
    %swap3A_880 = arith.constant 105 : index
    %swap3A_881 = arith.constant 0 : index
    %swap3A_882 = vector.load %arg9[%swap3A_880, %swap3A_881] : memref<128x64xf32, #tpu.memory_space<vmem>>, vector<1x64xf32>
    tpu.vector_store %arg9[%swap3A_880, %swap3A_881], %add3A_879 {strides = array<i32>} : memref<128x64xf32, #tpu.memory_space<vmem>>, vector<1x64xf32>,
    %slice3A_883 = vector.extract_strided_slice %dot_general3A_35 {offsets = [0, 6784], sizes = [1, 64], strides = [1, 1]} : vector<1x8192xf32> to vector<1x64xf32>
    %get3A_884 = arith.constant 106 : index
    %get3A_885 = arith.constant 0 : index
    %get3A_886 = vector.load %arg4[%get3A_884, %get3A_885] : memref<128x64xf32, #tpu.memory_space<vmem>>, vector<1x64xf32>
    %add3A_887 = arith.addf %slice3A_883, %get3A_886 : vector<1x64xf32>
    %swap3A_888 = arith.constant 106 : index
    %swap3A_889 = arith.constant 0 : index
    %swap3A_890 = vector.load %arg9[%swap3A_888, %swap3A_889] : memref<128x64xf32, #tpu.memory_space<vmem>>, vector<1x64xf32>
    tpu.vector_store %arg9[%swap3A_888, %swap3A_889], %add3A_887 {strides = array<i32>} : memref<128x64xf32, #tpu.memory_space<vmem>>, vector<1x64xf32>,
    %slice3A_891 = vector.extract_strided_slice %dot_general3A_35 {offsets = [0, 6848], sizes = [1, 64], strides = [1, 1]} : vector<1x8192xf32> to vector<1x64xf32>
    %get3A_892 = arith.constant 107 : index
    %get3A_893 = arith.constant 0 : index
    %get3A_894 = vector.load %arg4[%get3A_892, %get3A_893] : memref<128x64xf32, #tpu.memory_space<vmem>>, vector<1x64xf32>
    %add3A_895 = arith.addf %slice3A_891, %get3A_894 : vector<1x64xf32>
    %swap3A_896 = arith.constant 107 : index
    %swap3A_897 = arith.constant 0 : index
    %swap3A_898 = vector.load %arg9[%swap3A_896, %swap3A_897] : memref<128x64xf32, #tpu.memory_space<vmem>>, vector<1x64xf32>
    tpu.vector_store %arg9[%swap3A_896, %swap3A_897], %add3A_895 {strides = array<i32>} : memref<128x64xf32, #tpu.memory_space<vmem>>, vector<1x64xf32>,
    %slice3A_899 = vector.extract_strided_slice %dot_general3A_35 {offsets = [0, 6912], sizes = [1, 64], strides = [1, 1]} : vector<1x8192xf32> to vector<1x64xf32>
    %get3A_900 = arith.constant 108 : index
    %get3A_901 = arith.constant 0 : index
    %get3A_902 = vector.load %arg4[%get3A_900, %get3A_901] : memref<128x64xf32, #tpu.memory_space<vmem>>, vector<1x64xf32>
    %add3A_903 = arith.addf %slice3A_899, %get3A_902 : vector<1x64xf32>
    %swap3A_904 = arith.constant 108 : index
    %swap3A_905 = arith.constant 0 : index
    %swap3A_906 = vector.load %arg9[%swap3A_904, %swap3A_905] : memref<128x64xf32, #tpu.memory_space<vmem>>, vector<1x64xf32>
    tpu.vector_store %arg9[%swap3A_904, %swap3A_905], %add3A_903 {strides = array<i32>} : memref<128x64xf32, #tpu.memory_space<vmem>>, vector<1x64xf32>,
    %slice3A_907 = vector.extract_strided_slice %dot_general3A_35 {offsets = [0, 6976], sizes = [1, 64], strides = [1, 1]} : vector<1x8192xf32> to vector<1x64xf32>
    %get3A_908 = arith.constant 109 : index
    %get3A_909 = arith.constant 0 : index
    %get3A_910 = vector.load %arg4[%get3A_908, %get3A_909] : memref<128x64xf32, #tpu.memory_space<vmem>>, vector<1x64xf32>
    %add3A_911 = arith.addf %slice3A_907, %get3A_910 : vector<1x64xf32>
    %swap3A_912 = arith.constant 109 : index
    %swap3A_913 = arith.constant 0 : index
    %swap3A_914 = vector.load %arg9[%swap3A_912, %swap3A_913] : memref<128x64xf32, #tpu.memory_space<vmem>>, vector<1x64xf32>
    tpu.vector_store %arg9[%swap3A_912, %swap3A_913], %add3A_911 {strides = array<i32>} : memref<128x64xf32, #tpu.memory_space<vmem>>, vector<1x64xf32>,
    %slice3A_915 = vector.extract_strided_slice %dot_general3A_35 {offsets = [0, 7040], sizes = [1, 64], strides = [1, 1]} : vector<1x8192xf32> to vector<1x64xf32>
    %get3A_916 = arith.constant 110 : index
    %get3A_917 = arith.constant 0 : index
    %get3A_918 = vector.load %arg4[%get3A_916, %get3A_917] : memref<128x64xf32, #tpu.memory_space<vmem>>, vector<1x64xf32>
    %add3A_919 = arith.addf %slice3A_915, %get3A_918 : vector<1x64xf32>
    %swap3A_920 = arith.constant 110 : index
    %swap3A_921 = arith.constant 0 : index
    %swap3A_922 = vector.load %arg9[%swap3A_920, %swap3A_921] : memref<128x64xf32, #tpu.memory_space<vmem>>, vector<1x64xf32>
    tpu.vector_store %arg9[%swap3A_920, %swap3A_921], %add3A_919 {strides = array<i32>} : memref<128x64xf32, #tpu.memory_space<vmem>>, vector<1x64xf32>,
    %slice3A_923 = vector.extract_strided_slice %dot_general3A_35 {offsets = [0, 7104], sizes = [1, 64], strides = [1, 1]} : vector<1x8192xf32> to vector<1x64xf32>
    %get3A_924 = arith.constant 111 : index
    %get3A_925 = arith.constant 0 : index
    %get3A_926 = vector.load %arg4[%get3A_924, %get3A_925] : memref<128x64xf32, #tpu.memory_space<vmem>>, vector<1x64xf32>
    %add3A_927 = arith.addf %slice3A_923, %get3A_926 : vector<1x64xf32>
    %swap3A_928 = arith.constant 111 : index
    %swap3A_929 = arith.constant 0 : index
    %swap3A_930 = vector.load %arg9[%swap3A_928, %swap3A_929] : memref<128x64xf32, #tpu.memory_space<vmem>>, vector<1x64xf32>
    tpu.vector_store %arg9[%swap3A_928, %swap3A_929], %add3A_927 {strides = array<i32>} : memref<128x64xf32, #tpu.memory_space<vmem>>, vector<1x64xf32>,
    %slice3A_931 = vector.extract_strided_slice %dot_general3A_35 {offsets = [0, 7168], sizes = [1, 64], strides = [1, 1]} : vector<1x8192xf32> to vector<1x64xf32>
    %get3A_932 = arith.constant 112 : index
    %get3A_933 = arith.constant 0 : index
    %get3A_934 = vector.load %arg4[%get3A_932, %get3A_933] : memref<128x64xf32, #tpu.memory_space<vmem>>, vector<1x64xf32>
    %add3A_935 = arith.addf %slice3A_931, %get3A_934 : vector<1x64xf32>
    %swap3A_936 = arith.constant 112 : index
    %swap3A_937 = arith.constant 0 : index
    %swap3A_938 = vector.load %arg9[%swap3A_936, %swap3A_937] : memref<128x64xf32, #tpu.memory_space<vmem>>, vector<1x64xf32>
    tpu.vector_store %arg9[%swap3A_936, %swap3A_937], %add3A_935 {strides = array<i32>} : memref<128x64xf32, #tpu.memory_space<vmem>>, vector<1x64xf32>,
    %slice3A_939 = vector.extract_strided_slice %dot_general3A_35 {offsets = [0, 7232], sizes = [1, 64], strides = [1, 1]} : vector<1x8192xf32> to vector<1x64xf32>
    %get3A_940 = arith.constant 113 : index
    %get3A_941 = arith.constant 0 : index
    %get3A_942 = vector.load %arg4[%get3A_940, %get3A_941] : memref<128x64xf32, #tpu.memory_space<vmem>>, vector<1x64xf32>
    %add3A_943 = arith.addf %slice3A_939, %get3A_942 : vector<1x64xf32>
    %swap3A_944 = arith.constant 113 : index
    %swap3A_945 = arith.constant 0 : index
    %swap3A_946 = vector.load %arg9[%swap3A_944, %swap3A_945] : memref<128x64xf32, #tpu.memory_space<vmem>>, vector<1x64xf32>
    tpu.vector_store %arg9[%swap3A_944, %swap3A_945], %add3A_943 {strides = array<i32>} : memref<128x64xf32, #tpu.memory_space<vmem>>, vector<1x64xf32>,
    %slice3A_947 = vector.extract_strided_slice %dot_general3A_35 {offsets = [0, 7296], sizes = [1, 64], strides = [1, 1]} : vector<1x8192xf32> to vector<1x64xf32>
    %get3A_948 = arith.constant 114 : index
    %get3A_949 = arith.constant 0 : index
    %get3A_950 = vector.load %arg4[%get3A_948, %get3A_949] : memref<128x64xf32, #tpu.memory_space<vmem>>, vector<1x64xf32>
    %add3A_951 = arith.addf %slice3A_947, %get3A_950 : vector<1x64xf32>
    %swap3A_952 = arith.constant 114 : index
    %swap3A_953 = arith.constant 0 : index
    %swap3A_954 = vector.load %arg9[%swap3A_952, %swap3A_953] : memref<128x64xf32, #tpu.memory_space<vmem>>, vector<1x64xf32>
    tpu.vector_store %arg9[%swap3A_952, %swap3A_953], %add3A_951 {strides = array<i32>} : memref<128x64xf32, #tpu.memory_space<vmem>>, vector<1x64xf32>,
    %slice3A_955 = vector.extract_strided_slice %dot_general3A_35 {offsets = [0, 7360], sizes = [1, 64], strides = [1, 1]} : vector<1x8192xf32> to vector<1x64xf32>
    %get3A_956 = arith.constant 115 : index
    %get3A_957 = arith.constant 0 : index
    %get3A_958 = vector.load %arg4[%get3A_956, %get3A_957] : memref<128x64xf32, #tpu.memory_space<vmem>>, vector<1x64xf32>
    %add3A_959 = arith.addf %slice3A_955, %get3A_958 : vector<1x64xf32>
    %swap3A_960 = arith.constant 115 : index
    %swap3A_961 = arith.constant 0 : index
    %swap3A_962 = vector.load %arg9[%swap3A_960, %swap3A_961] : memref<128x64xf32, #tpu.memory_space<vmem>>, vector<1x64xf32>
    tpu.vector_store %arg9[%swap3A_960, %swap3A_961], %add3A_959 {strides = array<i32>} : memref<128x64xf32, #tpu.memory_space<vmem>>, vector<1x64xf32>,
    %slice3A_963 = vector.extract_strided_slice %dot_general3A_35 {offsets = [0, 7424], sizes = [1, 64], strides = [1, 1]} : vector<1x8192xf32> to vector<1x64xf32>
    %get3A_964 = arith.constant 116 : index
    %get3A_965 = arith.constant 0 : index
    %get3A_966 = vector.load %arg4[%get3A_964, %get3A_965] : memref<128x64xf32, #tpu.memory_space<vmem>>, vector<1x64xf32>
    %add3A_967 = arith.addf %slice3A_963, %get3A_966 : vector<1x64xf32>
    %swap3A_968 = arith.constant 116 : index
    %swap3A_969 = arith.constant 0 : index
    %swap3A_970 = vector.load %arg9[%swap3A_968, %swap3A_969] : memref<128x64xf32, #tpu.memory_space<vmem>>, vector<1x64xf32>
    tpu.vector_store %arg9[%swap3A_968, %swap3A_969], %add3A_967 {strides = array<i32>} : memref<128x64xf32, #tpu.memory_space<vmem>>, vector<1x64xf32>,
    %slice3A_971 = vector.extract_strided_slice %dot_general3A_35 {offsets = [0, 7488], sizes = [1, 64], strides = [1, 1]} : vector<1x8192xf32> to vector<1x64xf32>
    %get3A_972 = arith.constant 117 : index
    %get3A_973 = arith.constant 0 : index
    %get3A_974 = vector.load %arg4[%get3A_972, %get3A_973] : memref<128x64xf32, #tpu.memory_space<vmem>>, vector<1x64xf32>
    %add3A_975 = arith.addf %slice3A_971, %get3A_974 : vector<1x64xf32>
    %swap3A_976 = arith.constant 117 : index
    %swap3A_977 = arith.constant 0 : index
    %swap3A_978 = vector.load %arg9[%swap3A_976, %swap3A_977] : memref<128x64xf32, #tpu.memory_space<vmem>>, vector<1x64xf32>
    tpu.vector_store %arg9[%swap3A_976, %swap3A_977], %add3A_975 {strides = array<i32>} : memref<128x64xf32, #tpu.memory_space<vmem>>, vector<1x64xf32>,
    %slice3A_979 = vector.extract_strided_slice %dot_general3A_35 {offsets = [0, 7552], sizes = [1, 64], strides = [1, 1]} : vector<1x8192xf32> to vector<1x64xf32>
    %get3A_980 = arith.constant 118 : index
    %get3A_981 = arith.constant 0 : index
    %get3A_982 = vector.load %arg4[%get3A_980, %get3A_981] : memref<128x64xf32, #tpu.memory_space<vmem>>, vector<1x64xf32>
    %add3A_983 = arith.addf %slice3A_979, %get3A_982 : vector<1x64xf32>
    %swap3A_984 = arith.constant 118 : index
    %swap3A_985 = arith.constant 0 : index
    %swap3A_986 = vector.load %arg9[%swap3A_984, %swap3A_985] : memref<128x64xf32, #tpu.memory_space<vmem>>, vector<1x64xf32>
    tpu.vector_store %arg9[%swap3A_984, %swap3A_985], %add3A_983 {strides = array<i32>} : memref<128x64xf32, #tpu.memory_space<vmem>>, vector<1x64xf32>,
    %slice3A_987 = vector.extract_strided_slice %dot_general3A_35 {offsets = [0, 7616], sizes = [1, 64], strides = [1, 1]} : vector<1x8192xf32> to vector<1x64xf32>
    %get3A_988 = arith.constant 119 : index
    %get3A_989 = arith.constant 0 : index
    %get3A_990 = vector.load %arg4[%get3A_988, %get3A_989] : memref<128x64xf32, #tpu.memory_space<vmem>>, vector<1x64xf32>
    %add3A_991 = arith.addf %slice3A_987, %get3A_990 : vector<1x64xf32>
    %swap3A_992 = arith.constant 119 : index
    %swap3A_993 = arith.constant 0 : index
    %swap3A_994 = vector.load %arg9[%swap3A_992, %swap3A_993] : memref<128x64xf32, #tpu.memory_space<vmem>>, vector<1x64xf32>
    tpu.vector_store %arg9[%swap3A_992, %swap3A_993], %add3A_991 {strides = array<i32>} : memref<128x64xf32, #tpu.memory_space<vmem>>, vector<1x64xf32>,
    %slice3A_995 = vector.extract_strided_slice %dot_general3A_35 {offsets = [0, 7680], sizes = [1, 64], strides = [1, 1]} : vector<1x8192xf32> to vector<1x64xf32>
    %get3A_996 = arith.constant 120 : index
    %get3A_997 = arith.constant 0 : index
    %get3A_998 = vector.load %arg4[%get3A_996, %get3A_997] : memref<128x64xf32, #tpu.memory_space<vmem>>, vector<1x64xf32>
    %add3A_999 = arith.addf %slice3A_995, %get3A_998 : vector<1x64xf32>
    %swap3A_1000 = arith.constant 120 : index
    %swap3A_1001 = arith.constant 0 : index
    %swap3A_1002 = vector.load %arg9[%swap3A_1000, %swap3A_1001] : memref<128x64xf32, #tpu.memory_space<vmem>>, vector<1x64xf32>
    tpu.vector_store %arg9[%swap3A_1000, %swap3A_1001], %add3A_999 {strides = array<i32>} : memref<128x64xf32, #tpu.memory_space<vmem>>, vector<1x64xf32>,
    %slice3A_1003 = vector.extract_strided_slice %dot_general3A_35 {offsets = [0, 7744], sizes = [1, 64], strides = [1, 1]} : vector<1x8192xf32> to vector<1x64xf32>
    %get3A_1004 = arith.constant 121 : index
    %get3A_1005 = arith.constant 0 : index
    %get3A_1006 = vector.load %arg4[%get3A_1004, %get3A_1005] : memref<128x64xf32, #tpu.memory_space<vmem>>, vector<1x64xf32>
    %add3A_1007 = arith.addf %slice3A_1003, %get3A_1006 : vector<1x64xf32>
    %swap3A_1008 = arith.constant 121 : index
    %swap3A_1009 = arith.constant 0 : index
    %swap3A_1010 = vector.load %arg9[%swap3A_1008, %swap3A_1009] : memref<128x64xf32, #tpu.memory_space<vmem>>, vector<1x64xf32>
    tpu.vector_store %arg9[%swap3A_1008, %swap3A_1009], %add3A_1007 {strides = array<i32>} : memref<128x64xf32, #tpu.memory_space<vmem>>, vector<1x64xf32>,
    %slice3A_1011 = vector.extract_strided_slice %dot_general3A_35 {offsets = [0, 7808], sizes = [1, 64], strides = [1, 1]} : vector<1x8192xf32> to vector<1x64xf32>
    %get3A_1012 = arith.constant 122 : index
    %get3A_1013 = arith.constant 0 : index
    %get3A_1014 = vector.load %arg4[%get3A_1012, %get3A_1013] : memref<128x64xf32, #tpu.memory_space<vmem>>, vector<1x64xf32>
    %add3A_1015 = arith.addf %slice3A_1011, %get3A_1014 : vector<1x64xf32>
    %swap3A_1016 = arith.constant 122 : index
    %swap3A_1017 = arith.constant 0 : index
    %swap3A_1018 = vector.load %arg9[%swap3A_1016, %swap3A_1017] : memref<128x64xf32, #tpu.memory_space<vmem>>, vector<1x64xf32>
    tpu.vector_store %arg9[%swap3A_1016, %swap3A_1017], %add3A_1015 {strides = array<i32>} : memref<128x64xf32, #tpu.memory_space<vmem>>, vector<1x64xf32>,
    %slice3A_1019 = vector.extract_strided_slice %dot_general3A_35 {offsets = [0, 7872], sizes = [1, 64], strides = [1, 1]} : vector<1x8192xf32> to vector<1x64xf32>
    %get3A_1020 = arith.constant 123 : index
    %get3A_1021 = arith.constant 0 : index
    %get3A_1022 = vector.load %arg4[%get3A_1020, %get3A_1021] : memref<128x64xf32, #tpu.memory_space<vmem>>, vector<1x64xf32>
    %add3A_1023 = arith.addf %slice3A_1019, %get3A_1022 : vector<1x64xf32>
    %swap3A_1024 = arith.constant 123 : index
    %swap3A_1025 = arith.constant 0 : index
    %swap3A_1026 = vector.load %arg9[%swap3A_1024, %swap3A_1025] : memref<128x64xf32, #tpu.memory_space<vmem>>, vector<1x64xf32>
    tpu.vector_store %arg9[%swap3A_1024, %swap3A_1025], %add3A_1023 {strides = array<i32>} : memref<128x64xf32, #tpu.memory_space<vmem>>, vector<1x64xf32>,
    %slice3A_1027 = vector.extract_strided_slice %dot_general3A_35 {offsets = [0, 7936], sizes = [1, 64], strides = [1, 1]} : vector<1x8192xf32> to vector<1x64xf32>
    %get3A_1028 = arith.constant 124 : index
    %get3A_1029 = arith.constant 0 : index
    %get3A_1030 = vector.load %arg4[%get3A_1028, %get3A_1029] : memref<128x64xf32, #tpu.memory_space<vmem>>, vector<1x64xf32>
    %add3A_1031 = arith.addf %slice3A_1027, %get3A_1030 : vector<1x64xf32>
    %swap3A_1032 = arith.constant 124 : index
    %swap3A_1033 = arith.constant 0 : index
    %swap3A_1034 = vector.load %arg9[%swap3A_1032, %swap3A_1033] : memref<128x64xf32, #tpu.memory_space<vmem>>, vector<1x64xf32>
    tpu.vector_store %arg9[%swap3A_1032, %swap3A_1033], %add3A_1031 {strides = array<i32>} : memref<128x64xf32, #tpu.memory_space<vmem>>, vector<1x64xf32>,
    %slice3A_1035 = vector.extract_strided_slice %dot_general3A_35 {offsets = [0, 8000], sizes = [1, 64], strides = [1, 1]} : vector<1x8192xf32> to vector<1x64xf32>
    %get3A_1036 = arith.constant 125 : index
    %get3A_1037 = arith.constant 0 : index
    %get3A_1038 = vector.load %arg4[%get3A_1036, %get3A_1037] : memref<128x64xf32, #tpu.memory_space<vmem>>, vector<1x64xf32>
    %add3A_1039 = arith.addf %slice3A_1035, %get3A_1038 : vector<1x64xf32>
    %swap3A_1040 = arith.constant 125 : index
    %swap3A_1041 = arith.constant 0 : index
    %swap3A_1042 = vector.load %arg9[%swap3A_1040, %swap3A_1041] : memref<128x64xf32, #tpu.memory_space<vmem>>, vector<1x64xf32>
    tpu.vector_store %arg9[%swap3A_1040, %swap3A_1041], %add3A_1039 {strides = array<i32>} : memref<128x64xf32, #tpu.memory_space<vmem>>, vector<1x64xf32>,
    %slice3A_1043 = vector.extract_strided_slice %dot_general3A_35 {offsets = [0, 8064], sizes = [1, 64], strides = [1, 1]} : vector<1x8192xf32> to vector<1x64xf32>
    %get3A_1044 = arith.constant 126 : index
    %get3A_1045 = arith.constant 0 : index
    %get3A_1046 = vector.load %arg4[%get3A_1044, %get3A_1045] : memref<128x64xf32, #tpu.memory_space<vmem>>, vector<1x64xf32>
    %add3A_1047 = arith.addf %slice3A_1043, %get3A_1046 : vector<1x64xf32>
    %swap3A_1048 = arith.constant 126 : index
    %swap3A_1049 = arith.constant 0 : index
    %swap3A_1050 = vector.load %arg9[%swap3A_1048, %swap3A_1049] : memref<128x64xf32, #tpu.memory_space<vmem>>, vector<1x64xf32>
    tpu.vector_store %arg9[%swap3A_1048, %swap3A_1049], %add3A_1047 {strides = array<i32>} : memref<128x64xf32, #tpu.memory_space<vmem>>, vector<1x64xf32>,
    %slice3A_1051 = vector.extract_strided_slice %dot_general3A_35 {offsets = [0, 8128], sizes = [1, 64], strides = [1, 1]} : vector<1x8192xf32> to vector<1x64xf32>
    %get3A_1052 = arith.constant 127 : index
    %get3A_1053 = arith.constant 0 : index
    %get3A_1054 = vector.load %arg4[%get3A_1052, %get3A_1053] : memref<128x64xf32, #tpu.memory_space<vmem>>, vector<1x64xf32>
    %add3A_1055 = arith.addf %slice3A_1051, %get3A_1054 : vector<1x64xf32>
    %swap3A_1056 = arith.constant 127 : index
    %swap3A_1057 = arith.constant 0 : index
    %swap3A_1058 = vector.load %arg9[%swap3A_1056, %swap3A_1057] : memref<128x64xf32, #tpu.memory_space<vmem>>, vector<1x64xf32>
    tpu.vector_store %arg9[%swap3A_1056, %swap3A_1057], %add3A_1055 {strides = array<i32>} : memref<128x64xf32, #tpu.memory_space<vmem>>, vector<1x64xf32>,
    %get3A_1059 = arith.constant 0 : index
    %get3A_1060 = arith.constant 0 : index
    %get3A_1061 = vector.load %arg5[%get3A_1059, %get3A_1060] : memref<64x2048xf32, #tpu.memory_space<vmem>>, vector<64x2048xf32>
    %dot_general3A_1062 = arith.constant dense<0.000000e+00> : vector<1x2048xf32>
    %dot_general3A_1063 = tpu.matmul %mul3A_30, %get3A_1061, %dot_general3A_1062 {dimension_numbers = #tpu.dot_dimension_numbers<[1], [0], [0], [1], [0, 0, 1, 1], [], []>, transpose_lhs_hint = false} : vector<1x64xf32>, vector<64x2048xf32>, vector<1x2048xf32> -> vector<1x2048xf32>
    %slice3A_1064 = vector.extract_strided_slice %dot_general3A_1063 {offsets = [0, 0], sizes = [1, 32], strides = [1, 1]} : vector<1x2048xf32> to vector<1x32xf32>
    %get3A_1065 = arith.constant 0 : index
    %get3A_1066 = arith.constant 0 : index
    %get3A_1067 = vector.load %arg6[%get3A_1065, %get3A_1066] : memref<64x32xf32, #tpu.memory_space<vmem>>, vector<1x32xf32>
    %add3A_1068 = arith.addf %slice3A_1064, %get3A_1067 : vector<1x32xf32>
    %swap3A_1069 = arith.constant 0 : index
    %swap3A_1070 = arith.constant 0 : index
    %swap3A_1071 = vector.load %arg10[%swap3A_1069, %swap3A_1070] : memref<64x32xf32, #tpu.memory_space<vmem>>, vector<1x32xf32>
    tpu.vector_store %arg10[%swap3A_1069, %swap3A_1070], %add3A_1068 {strides = array<i32>} : memref<64x32xf32, #tpu.memory_space<vmem>>, vector<1x32xf32>,
    %slice3A_1072 = vector.extract_strided_slice %dot_general3A_1063 {offsets = [0, 32], sizes = [1, 32], strides = [1, 1]} : vector<1x2048xf32> to vector<1x32xf32>
    %get3A_1073 = arith.constant 1 : index
    %get3A_1074 = arith.constant 0 : index
    %get3A_1075 = vector.load %arg6[%get3A_1073, %get3A_1074] : memref<64x32xf32, #tpu.memory_space<vmem>>, vector<1x32xf32>
    %add3A_1076 = arith.addf %slice3A_1072, %get3A_1075 : vector<1x32xf32>
    %swap3A_1077 = arith.constant 1 : index
    %swap3A_1078 = arith.constant 0 : index
    %swap3A_1079 = vector.load %arg10[%swap3A_1077, %swap3A_1078] : memref<64x32xf32, #tpu.memory_space<vmem>>, vector<1x32xf32>
    tpu.vector_store %arg10[%swap3A_1077, %swap3A_1078], %add3A_1076 {strides = array<i32>} : memref<64x32xf32, #tpu.memory_space<vmem>>, vector<1x32xf32>,
    %slice3A_1080 = vector.extract_strided_slice %dot_general3A_1063 {offsets = [0, 64], sizes = [1, 32], strides = [1, 1]} : vector<1x2048xf32> to vector<1x32xf32>
    %get3A_1081 = arith.constant 2 : index
    %get3A_1082 = arith.constant 0 : index
    %get3A_1083 = vector.load %arg6[%get3A_1081, %get3A_1082] : memref<64x32xf32, #tpu.memory_space<vmem>>, vector<1x32xf32>
    %add3A_1084 = arith.addf %slice3A_1080, %get3A_1083 : vector<1x32xf32>
    %swap3A_1085 = arith.constant 2 : index
    %swap3A_1086 = arith.constant 0 : index
    %swap3A_1087 = vector.load %arg10[%swap3A_1085, %swap3A_1086] : memref<64x32xf32, #tpu.memory_space<vmem>>, vector<1x32xf32>
    tpu.vector_store %arg10[%swap3A_1085, %swap3A_1086], %add3A_1084 {strides = array<i32>} : memref<64x32xf32, #tpu.memory_space<vmem>>, vector<1x32xf32>,
    %slice3A_1088 = vector.extract_strided_slice %dot_general3A_1063 {offsets = [0, 96], sizes = [1, 32], strides = [1, 1]} : vector<1x2048xf32> to vector<1x32xf32>
    %get3A_1089 = arith.constant 3 : index
    %get3A_1090 = arith.constant 0 : index
    %get3A_1091 = vector.load %arg6[%get3A_1089, %get3A_1090] : memref<64x32xf32, #tpu.memory_space<vmem>>, vector<1x32xf32>
    %add3A_1092 = arith.addf %slice3A_1088, %get3A_1091 : vector<1x32xf32>
    %swap3A_1093 = arith.constant 3 : index
    %swap3A_1094 = arith.constant 0 : index
    %swap3A_1095 = vector.load %arg10[%swap3A_1093, %swap3A_1094] : memref<64x32xf32, #tpu.memory_space<vmem>>, vector<1x32xf32>
    tpu.vector_store %arg10[%swap3A_1093, %swap3A_1094], %add3A_1092 {strides = array<i32>} : memref<64x32xf32, #tpu.memory_space<vmem>>, vector<1x32xf32>,
    %slice3A_1096 = vector.extract_strided_slice %dot_general3A_1063 {offsets = [0, 128], sizes = [1, 32], strides = [1, 1]} : vector<1x2048xf32> to vector<1x32xf32>
    %get3A_1097 = arith.constant 4 : index
    %get3A_1098 = arith.constant 0 : index
    %get3A_1099 = vector.load %arg6[%get3A_1097, %get3A_1098] : memref<64x32xf32, #tpu.memory_space<vmem>>, vector<1x32xf32>
    %add3A_1100 = arith.addf %slice3A_1096, %get3A_1099 : vector<1x32xf32>
    %swap3A_1101 = arith.constant 4 : index
    %swap3A_1102 = arith.constant 0 : index
    %swap3A_1103 = vector.load %arg10[%swap3A_1101, %swap3A_1102] : memref<64x32xf32, #tpu.memory_space<vmem>>, vector<1x32xf32>
    tpu.vector_store %arg10[%swap3A_1101, %swap3A_1102], %add3A_1100 {strides = array<i32>} : memref<64x32xf32, #tpu.memory_space<vmem>>, vector<1x32xf32>,
    %slice3A_1104 = vector.extract_strided_slice %dot_general3A_1063 {offsets = [0, 160], sizes = [1, 32], strides = [1, 1]} : vector<1x2048xf32> to vector<1x32xf32>
    %get3A_1105 = arith.constant 5 : index
    %get3A_1106 = arith.constant 0 : index
    %get3A_1107 = vector.load %arg6[%get3A_1105, %get3A_1106] : memref<64x32xf32, #tpu.memory_space<vmem>>, vector<1x32xf32>
    %add3A_1108 = arith.addf %slice3A_1104, %get3A_1107 : vector<1x32xf32>
    %swap3A_1109 = arith.constant 5 : index
    %swap3A_1110 = arith.constant 0 : index
    %swap3A_1111 = vector.load %arg10[%swap3A_1109, %swap3A_1110] : memref<64x32xf32, #tpu.memory_space<vmem>>, vector<1x32xf32>
    tpu.vector_store %arg10[%swap3A_1109, %swap3A_1110], %add3A_1108 {strides = array<i32>} : memref<64x32xf32, #tpu.memory_space<vmem>>, vector<1x32xf32>,
    %slice3A_1112 = vector.extract_strided_slice %dot_general3A_1063 {offsets = [0, 192], sizes = [1, 32], strides = [1, 1]} : vector<1x2048xf32> to vector<1x32xf32>
    %get3A_1113 = arith.constant 6 : index
    %get3A_1114 = arith.constant 0 : index
    %get3A_1115 = vector.load %arg6[%get3A_1113, %get3A_1114] : memref<64x32xf32, #tpu.memory_space<vmem>>, vector<1x32xf32>
    %add3A_1116 = arith.addf %slice3A_1112, %get3A_1115 : vector<1x32xf32>
    %swap3A_1117 = arith.constant 6 : index
    %swap3A_1118 = arith.constant 0 : index
    %swap3A_1119 = vector.load %arg10[%swap3A_1117, %swap3A_1118] : memref<64x32xf32, #tpu.memory_space<vmem>>, vector<1x32xf32>
    tpu.vector_store %arg10[%swap3A_1117, %swap3A_1118], %add3A_1116 {strides = array<i32>} : memref<64x32xf32, #tpu.memory_space<vmem>>, vector<1x32xf32>,
    %slice3A_1120 = vector.extract_strided_slice %dot_general3A_1063 {offsets = [0, 224], sizes = [1, 32], strides = [1, 1]} : vector<1x2048xf32> to vector<1x32xf32>
    %get3A_1121 = arith.constant 7 : index
    %get3A_1122 = arith.constant 0 : index
    %get3A_1123 = vector.load %arg6[%get3A_1121, %get3A_1122] : memref<64x32xf32, #tpu.memory_space<vmem>>, vector<1x32xf32>
    %add3A_1124 = arith.addf %slice3A_1120, %get3A_1123 : vector<1x32xf32>
    %swap3A_1125 = arith.constant 7 : index
    %swap3A_1126 = arith.constant 0 : index
    %swap3A_1127 = vector.load %arg10[%swap3A_1125, %swap3A_1126] : memref<64x32xf32, #tpu.memory_space<vmem>>, vector<1x32xf32>
    tpu.vector_store %arg10[%swap3A_1125, %swap3A_1126], %add3A_1124 {strides = array<i32>} : memref<64x32xf32, #tpu.memory_space<vmem>>, vector<1x32xf32>,
    %slice3A_1128 = vector.extract_strided_slice %dot_general3A_1063 {offsets = [0, 256], sizes = [1, 32], strides = [1, 1]} : vector<1x2048xf32> to vector<1x32xf32>
    %get3A_1129 = arith.constant 8 : index
    %get3A_1130 = arith.constant 0 : index
    %get3A_1131 = vector.load %arg6[%get3A_1129, %get3A_1130] : memref<64x32xf32, #tpu.memory_space<vmem>>, vector<1x32xf32>
    %add3A_1132 = arith.addf %slice3A_1128, %get3A_1131 : vector<1x32xf32>
    %swap3A_1133 = arith.constant 8 : index
    %swap3A_1134 = arith.constant 0 : index
    %swap3A_1135 = vector.load %arg10[%swap3A_1133, %swap3A_1134] : memref<64x32xf32, #tpu.memory_space<vmem>>, vector<1x32xf32>
    tpu.vector_store %arg10[%swap3A_1133, %swap3A_1134], %add3A_1132 {strides = array<i32>} : memref<64x32xf32, #tpu.memory_space<vmem>>, vector<1x32xf32>,
    %slice3A_1136 = vector.extract_strided_slice %dot_general3A_1063 {offsets = [0, 288], sizes = [1, 32], strides = [1, 1]} : vector<1x2048xf32> to vector<1x32xf32>
    %get3A_1137 = arith.constant 9 : index
    %get3A_1138 = arith.constant 0 : index
    %get3A_1139 = vector.load %arg6[%get3A_1137, %get3A_1138] : memref<64x32xf32, #tpu.memory_space<vmem>>, vector<1x32xf32>
    %add3A_1140 = arith.addf %slice3A_1136, %get3A_1139 : vector<1x32xf32>
    %swap3A_1141 = arith.constant 9 : index
    %swap3A_1142 = arith.constant 0 : index
    %swap3A_1143 = vector.load %arg10[%swap3A_1141, %swap3A_1142] : memref<64x32xf32, #tpu.memory_space<vmem>>, vector<1x32xf32>
    tpu.vector_store %arg10[%swap3A_1141, %swap3A_1142], %add3A_1140 {strides = array<i32>} : memref<64x32xf32, #tpu.memory_space<vmem>>, vector<1x32xf32>,
    %slice3A_1144 = vector.extract_strided_slice %dot_general3A_1063 {offsets = [0, 320], sizes = [1, 32], strides = [1, 1]} : vector<1x2048xf32> to vector<1x32xf32>
    %get3A_1145 = arith.constant 10 : index
    %get3A_1146 = arith.constant 0 : index
    %get3A_1147 = vector.load %arg6[%get3A_1145, %get3A_1146] : memref<64x32xf32, #tpu.memory_space<vmem>>, vector<1x32xf32>
    %add3A_1148 = arith.addf %slice3A_1144, %get3A_1147 : vector<1x32xf32>
    %swap3A_1149 = arith.constant 10 : index
    %swap3A_1150 = arith.constant 0 : index
    %swap3A_1151 = vector.load %arg10[%swap3A_1149, %swap3A_1150] : memref<64x32xf32, #tpu.memory_space<vmem>>, vector<1x32xf32>
    tpu.vector_store %arg10[%swap3A_1149, %swap3A_1150], %add3A_1148 {strides = array<i32>} : memref<64x32xf32, #tpu.memory_space<vmem>>, vector<1x32xf32>,
    %slice3A_1152 = vector.extract_strided_slice %dot_general3A_1063 {offsets = [0, 352], sizes = [1, 32], strides = [1, 1]} : vector<1x2048xf32> to vector<1x32xf32>
    %get3A_1153 = arith.constant 11 : index
    %get3A_1154 = arith.constant 0 : index
    %get3A_1155 = vector.load %arg6[%get3A_1153, %get3A_1154] : memref<64x32xf32, #tpu.memory_space<vmem>>, vector<1x32xf32>
    %add3A_1156 = arith.addf %slice3A_1152, %get3A_1155 : vector<1x32xf32>
    %swap3A_1157 = arith.constant 11 : index
    %swap3A_1158 = arith.constant 0 : index
    %swap3A_1159 = vector.load %arg10[%swap3A_1157, %swap3A_1158] : memref<64x32xf32, #tpu.memory_space<vmem>>, vector<1x32xf32>
    tpu.vector_store %arg10[%swap3A_1157, %swap3A_1158], %add3A_1156 {strides = array<i32>} : memref<64x32xf32, #tpu.memory_space<vmem>>, vector<1x32xf32>,
    %slice3A_1160 = vector.extract_strided_slice %dot_general3A_1063 {offsets = [0, 384], sizes = [1, 32], strides = [1, 1]} : vector<1x2048xf32> to vector<1x32xf32>
    %get3A_1161 = arith.constant 12 : index
    %get3A_1162 = arith.constant 0 : index
    %get3A_1163 = vector.load %arg6[%get3A_1161, %get3A_1162] : memref<64x32xf32, #tpu.memory_space<vmem>>, vector<1x32xf32>
    %add3A_1164 = arith.addf %slice3A_1160, %get3A_1163 : vector<1x32xf32>
    %swap3A_1165 = arith.constant 12 : index
    %swap3A_1166 = arith.constant 0 : index
    %swap3A_1167 = vector.load %arg10[%swap3A_1165, %swap3A_1166] : memref<64x32xf32, #tpu.memory_space<vmem>>, vector<1x32xf32>
    tpu.vector_store %arg10[%swap3A_1165, %swap3A_1166], %add3A_1164 {strides = array<i32>} : memref<64x32xf32, #tpu.memory_space<vmem>>, vector<1x32xf32>,
    %slice3A_1168 = vector.extract_strided_slice %dot_general3A_1063 {offsets = [0, 416], sizes = [1, 32], strides = [1, 1]} : vector<1x2048xf32> to vector<1x32xf32>
    %get3A_1169 = arith.constant 13 : index
    %get3A_1170 = arith.constant 0 : index
    %get3A_1171 = vector.load %arg6[%get3A_1169, %get3A_1170] : memref<64x32xf32, #tpu.memory_space<vmem>>, vector<1x32xf32>
    %add3A_1172 = arith.addf %slice3A_1168, %get3A_1171 : vector<1x32xf32>
    %swap3A_1173 = arith.constant 13 : index
    %swap3A_1174 = arith.constant 0 : index
    %swap3A_1175 = vector.load %arg10[%swap3A_1173, %swap3A_1174] : memref<64x32xf32, #tpu.memory_space<vmem>>, vector<1x32xf32>
    tpu.vector_store %arg10[%swap3A_1173, %swap3A_1174], %add3A_1172 {strides = array<i32>} : memref<64x32xf32, #tpu.memory_space<vmem>>, vector<1x32xf32>,
    %slice3A_1176 = vector.extract_strided_slice %dot_general3A_1063 {offsets = [0, 448], sizes = [1, 32], strides = [1, 1]} : vector<1x2048xf32> to vector<1x32xf32>
    %get3A_1177 = arith.constant 14 : index
    %get3A_1178 = arith.constant 0 : index
    %get3A_1179 = vector.load %arg6[%get3A_1177, %get3A_1178] : memref<64x32xf32, #tpu.memory_space<vmem>>, vector<1x32xf32>
    %add3A_1180 = arith.addf %slice3A_1176, %get3A_1179 : vector<1x32xf32>
    %swap3A_1181 = arith.constant 14 : index
    %swap3A_1182 = arith.constant 0 : index
    %swap3A_1183 = vector.load %arg10[%swap3A_1181, %swap3A_1182] : memref<64x32xf32, #tpu.memory_space<vmem>>, vector<1x32xf32>
    tpu.vector_store %arg10[%swap3A_1181, %swap3A_1182], %add3A_1180 {strides = array<i32>} : memref<64x32xf32, #tpu.memory_space<vmem>>, vector<1x32xf32>,
    %slice3A_1184 = vector.extract_strided_slice %dot_general3A_1063 {offsets = [0, 480], sizes = [1, 32], strides = [1, 1]} : vector<1x2048xf32> to vector<1x32xf32>
    %get3A_1185 = arith.constant 15 : index
    %get3A_1186 = arith.constant 0 : index
    %get3A_1187 = vector.load %arg6[%get3A_1185, %get3A_1186] : memref<64x32xf32, #tpu.memory_space<vmem>>, vector<1x32xf32>
    %add3A_1188 = arith.addf %slice3A_1184, %get3A_1187 : vector<1x32xf32>
    %swap3A_1189 = arith.constant 15 : index
    %swap3A_1190 = arith.constant 0 : index
    %swap3A_1191 = vector.load %arg10[%swap3A_1189, %swap3A_1190] : memref<64x32xf32, #tpu.memory_space<vmem>>, vector<1x32xf32>
    tpu.vector_store %arg10[%swap3A_1189, %swap3A_1190], %add3A_1188 {strides = array<i32>} : memref<64x32xf32, #tpu.memory_space<vmem>>, vector<1x32xf32>,
    %slice3A_1192 = vector.extract_strided_slice %dot_general3A_1063 {offsets = [0, 512], sizes = [1, 32], strides = [1, 1]} : vector<1x2048xf32> to vector<1x32xf32>
    %get3A_1193 = arith.constant 16 : index
    %get3A_1194 = arith.constant 0 : index
    %get3A_1195 = vector.load %arg6[%get3A_1193, %get3A_1194] : memref<64x32xf32, #tpu.memory_space<vmem>>, vector<1x32xf32>
    %add3A_1196 = arith.addf %slice3A_1192, %get3A_1195 : vector<1x32xf32>
    %swap3A_1197 = arith.constant 16 : index
    %swap3A_1198 = arith.constant 0 : index
    %swap3A_1199 = vector.load %arg10[%swap3A_1197, %swap3A_1198] : memref<64x32xf32, #tpu.memory_space<vmem>>, vector<1x32xf32>
    tpu.vector_store %arg10[%swap3A_1197, %swap3A_1198], %add3A_1196 {strides = array<i32>} : memref<64x32xf32, #tpu.memory_space<vmem>>, vector<1x32xf32>,
    %slice3A_1200 = vector.extract_strided_slice %dot_general3A_1063 {offsets = [0, 544], sizes = [1, 32], strides = [1, 1]} : vector<1x2048xf32> to vector<1x32xf32>
    %get3A_1201 = arith.constant 17 : index
    %get3A_1202 = arith.constant 0 : index
    %get3A_1203 = vector.load %arg6[%get3A_1201, %get3A_1202] : memref<64x32xf32, #tpu.memory_space<vmem>>, vector<1x32xf32>
    %add3A_1204 = arith.addf %slice3A_1200, %get3A_1203 : vector<1x32xf32>
    %swap3A_1205 = arith.constant 17 : index
    %swap3A_1206 = arith.constant 0 : index
    %swap3A_1207 = vector.load %arg10[%swap3A_1205, %swap3A_1206] : memref<64x32xf32, #tpu.memory_space<vmem>>, vector<1x32xf32>
    tpu.vector_store %arg10[%swap3A_1205, %swap3A_1206], %add3A_1204 {strides = array<i32>} : memref<64x32xf32, #tpu.memory_space<vmem>>, vector<1x32xf32>,
    %slice3A_1208 = vector.extract_strided_slice %dot_general3A_1063 {offsets = [0, 576], sizes = [1, 32], strides = [1, 1]} : vector<1x2048xf32> to vector<1x32xf32>
    %get3A_1209 = arith.constant 18 : index
    %get3A_1210 = arith.constant 0 : index
    %get3A_1211 = vector.load %arg6[%get3A_1209, %get3A_1210] : memref<64x32xf32, #tpu.memory_space<vmem>>, vector<1x32xf32>
    %add3A_1212 = arith.addf %slice3A_1208, %get3A_1211 : vector<1x32xf32>
    %swap3A_1213 = arith.constant 18 : index
    %swap3A_1214 = arith.constant 0 : index
    %swap3A_1215 = vector.load %arg10[%swap3A_1213, %swap3A_1214] : memref<64x32xf32, #tpu.memory_space<vmem>>, vector<1x32xf32>
    tpu.vector_store %arg10[%swap3A_1213, %swap3A_1214], %add3A_1212 {strides = array<i32>} : memref<64x32xf32, #tpu.memory_space<vmem>>, vector<1x32xf32>,
    %slice3A_1216 = vector.extract_strided_slice %dot_general3A_1063 {offsets = [0, 608], sizes = [1, 32], strides = [1, 1]} : vector<1x2048xf32> to vector<1x32xf32>
    %get3A_1217 = arith.constant 19 : index
    %get3A_1218 = arith.constant 0 : index
    %get3A_1219 = vector.load %arg6[%get3A_1217, %get3A_1218] : memref<64x32xf32, #tpu.memory_space<vmem>>, vector<1x32xf32>
    %add3A_1220 = arith.addf %slice3A_1216, %get3A_1219 : vector<1x32xf32>
    %swap3A_1221 = arith.constant 19 : index
    %swap3A_1222 = arith.constant 0 : index
    %swap3A_1223 = vector.load %arg10[%swap3A_1221, %swap3A_1222] : memref<64x32xf32, #tpu.memory_space<vmem>>, vector<1x32xf32>
    tpu.vector_store %arg10[%swap3A_1221, %swap3A_1222], %add3A_1220 {strides = array<i32>} : memref<64x32xf32, #tpu.memory_space<vmem>>, vector<1x32xf32>,
    %slice3A_1224 = vector.extract_strided_slice %dot_general3A_1063 {offsets = [0, 640], sizes = [1, 32], strides = [1, 1]} : vector<1x2048xf32> to vector<1x32xf32>
    %get3A_1225 = arith.constant 20 : index
    %get3A_1226 = arith.constant 0 : index
    %get3A_1227 = vector.load %arg6[%get3A_1225, %get3A_1226] : memref<64x32xf32, #tpu.memory_space<vmem>>, vector<1x32xf32>
    %add3A_1228 = arith.addf %slice3A_1224, %get3A_1227 : vector<1x32xf32>
    %swap3A_1229 = arith.constant 20 : index
    %swap3A_1230 = arith.constant 0 : index
    %swap3A_1231 = vector.load %arg10[%swap3A_1229, %swap3A_1230] : memref<64x32xf32, #tpu.memory_space<vmem>>, vector<1x32xf32>
    tpu.vector_store %arg10[%swap3A_1229, %swap3A_1230], %add3A_1228 {strides = array<i32>} : memref<64x32xf32, #tpu.memory_space<vmem>>, vector<1x32xf32>,
    %slice3A_1232 = vector.extract_strided_slice %dot_general3A_1063 {offsets = [0, 672], sizes = [1, 32], strides = [1, 1]} : vector<1x2048xf32> to vector<1x32xf32>
    %get3A_1233 = arith.constant 21 : index
    %get3A_1234 = arith.constant 0 : index
    %get3A_1235 = vector.load %arg6[%get3A_1233, %get3A_1234] : memref<64x32xf32, #tpu.memory_space<vmem>>, vector<1x32xf32>
    %add3A_1236 = arith.addf %slice3A_1232, %get3A_1235 : vector<1x32xf32>
    %swap3A_1237 = arith.constant 21 : index
    %swap3A_1238 = arith.constant 0 : index
    %swap3A_1239 = vector.load %arg10[%swap3A_1237, %swap3A_1238] : memref<64x32xf32, #tpu.memory_space<vmem>>, vector<1x32xf32>
    tpu.vector_store %arg10[%swap3A_1237, %swap3A_1238], %add3A_1236 {strides = array<i32>} : memref<64x32xf32, #tpu.memory_space<vmem>>, vector<1x32xf32>,
    %slice3A_1240 = vector.extract_strided_slice %dot_general3A_1063 {offsets = [0, 704], sizes = [1, 32], strides = [1, 1]} : vector<1x2048xf32> to vector<1x32xf32>
    %get3A_1241 = arith.constant 22 : index
    %get3A_1242 = arith.constant 0 : index
    %get3A_1243 = vector.load %arg6[%get3A_1241, %get3A_1242] : memref<64x32xf32, #tpu.memory_space<vmem>>, vector<1x32xf32>
    %add3A_1244 = arith.addf %slice3A_1240, %get3A_1243 : vector<1x32xf32>
    %swap3A_1245 = arith.constant 22 : index
    %swap3A_1246 = arith.constant 0 : index
    %swap3A_1247 = vector.load %arg10[%swap3A_1245, %swap3A_1246] : memref<64x32xf32, #tpu.memory_space<vmem>>, vector<1x32xf32>
    tpu.vector_store %arg10[%swap3A_1245, %swap3A_1246], %add3A_1244 {strides = array<i32>} : memref<64x32xf32, #tpu.memory_space<vmem>>, vector<1x32xf32>,
    %slice3A_1248 = vector.extract_strided_slice %dot_general3A_1063 {offsets = [0, 736], sizes = [1, 32], strides = [1, 1]} : vector<1x2048xf32> to vector<1x32xf32>
    %get3A_1249 = arith.constant 23 : index
    %get3A_1250 = arith.constant 0 : index
    %get3A_1251 = vector.load %arg6[%get3A_1249, %get3A_1250] : memref<64x32xf32, #tpu.memory_space<vmem>>, vector<1x32xf32>
    %add3A_1252 = arith.addf %slice3A_1248, %get3A_1251 : vector<1x32xf32>
    %swap3A_1253 = arith.constant 23 : index
    %swap3A_1254 = arith.constant 0 : index
    %swap3A_1255 = vector.load %arg10[%swap3A_1253, %swap3A_1254] : memref<64x32xf32, #tpu.memory_space<vmem>>, vector<1x32xf32>
    tpu.vector_store %arg10[%swap3A_1253, %swap3A_1254], %add3A_1252 {strides = array<i32>} : memref<64x32xf32, #tpu.memory_space<vmem>>, vector<1x32xf32>,
    %slice3A_1256 = vector.extract_strided_slice %dot_general3A_1063 {offsets = [0, 768], sizes = [1, 32], strides = [1, 1]} : vector<1x2048xf32> to vector<1x32xf32>
    %get3A_1257 = arith.constant 24 : index
    %get3A_1258 = arith.constant 0 : index
    %get3A_1259 = vector.load %arg6[%get3A_1257, %get3A_1258] : memref<64x32xf32, #tpu.memory_space<vmem>>, vector<1x32xf32>
    %add3A_1260 = arith.addf %slice3A_1256, %get3A_1259 : vector<1x32xf32>
    %swap3A_1261 = arith.constant 24 : index
    %swap3A_1262 = arith.constant 0 : index
    %swap3A_1263 = vector.load %arg10[%swap3A_1261, %swap3A_1262] : memref<64x32xf32, #tpu.memory_space<vmem>>, vector<1x32xf32>
    tpu.vector_store %arg10[%swap3A_1261, %swap3A_1262], %add3A_1260 {strides = array<i32>} : memref<64x32xf32, #tpu.memory_space<vmem>>, vector<1x32xf32>,
    %slice3A_1264 = vector.extract_strided_slice %dot_general3A_1063 {offsets = [0, 800], sizes = [1, 32], strides = [1, 1]} : vector<1x2048xf32> to vector<1x32xf32>
    %get3A_1265 = arith.constant 25 : index
    %get3A_1266 = arith.constant 0 : index
    %get3A_1267 = vector.load %arg6[%get3A_1265, %get3A_1266] : memref<64x32xf32, #tpu.memory_space<vmem>>, vector<1x32xf32>
    %add3A_1268 = arith.addf %slice3A_1264, %get3A_1267 : vector<1x32xf32>
    %swap3A_1269 = arith.constant 25 : index
    %swap3A_1270 = arith.constant 0 : index
    %swap3A_1271 = vector.load %arg10[%swap3A_1269, %swap3A_1270] : memref<64x32xf32, #tpu.memory_space<vmem>>, vector<1x32xf32>
    tpu.vector_store %arg10[%swap3A_1269, %swap3A_1270], %add3A_1268 {strides = array<i32>} : memref<64x32xf32, #tpu.memory_space<vmem>>, vector<1x32xf32>,
    %slice3A_1272 = vector.extract_strided_slice %dot_general3A_1063 {offsets = [0, 832], sizes = [1, 32], strides = [1, 1]} : vector<1x2048xf32> to vector<1x32xf32>
    %get3A_1273 = arith.constant 26 : index
    %get3A_1274 = arith.constant 0 : index
    %get3A_1275 = vector.load %arg6[%get3A_1273, %get3A_1274] : memref<64x32xf32, #tpu.memory_space<vmem>>, vector<1x32xf32>
    %add3A_1276 = arith.addf %slice3A_1272, %get3A_1275 : vector<1x32xf32>
    %swap3A_1277 = arith.constant 26 : index
    %swap3A_1278 = arith.constant 0 : index
    %swap3A_1279 = vector.load %arg10[%swap3A_1277, %swap3A_1278] : memref<64x32xf32, #tpu.memory_space<vmem>>, vector<1x32xf32>
    tpu.vector_store %arg10[%swap3A_1277, %swap3A_1278], %add3A_1276 {strides = array<i32>} : memref<64x32xf32, #tpu.memory_space<vmem>>, vector<1x32xf32>,
    %slice3A_1280 = vector.extract_strided_slice %dot_general3A_1063 {offsets = [0, 864], sizes = [1, 32], strides = [1, 1]} : vector<1x2048xf32> to vector<1x32xf32>
    %get3A_1281 = arith.constant 27 : index
    %get3A_1282 = arith.constant 0 : index
    %get3A_1283 = vector.load %arg6[%get3A_1281, %get3A_1282] : memref<64x32xf32, #tpu.memory_space<vmem>>, vector<1x32xf32>
    %add3A_1284 = arith.addf %slice3A_1280, %get3A_1283 : vector<1x32xf32>
    %swap3A_1285 = arith.constant 27 : index
    %swap3A_1286 = arith.constant 0 : index
    %swap3A_1287 = vector.load %arg10[%swap3A_1285, %swap3A_1286] : memref<64x32xf32, #tpu.memory_space<vmem>>, vector<1x32xf32>
    tpu.vector_store %arg10[%swap3A_1285, %swap3A_1286], %add3A_1284 {strides = array<i32>} : memref<64x32xf32, #tpu.memory_space<vmem>>, vector<1x32xf32>,
    %slice3A_1288 = vector.extract_strided_slice %dot_general3A_1063 {offsets = [0, 896], sizes = [1, 32], strides = [1, 1]} : vector<1x2048xf32> to vector<1x32xf32>
    %get3A_1289 = arith.constant 28 : index
    %get3A_1290 = arith.constant 0 : index
    %get3A_1291 = vector.load %arg6[%get3A_1289, %get3A_1290] : memref<64x32xf32, #tpu.memory_space<vmem>>, vector<1x32xf32>
    %add3A_1292 = arith.addf %slice3A_1288, %get3A_1291 : vector<1x32xf32>
    %swap3A_1293 = arith.constant 28 : index
    %swap3A_1294 = arith.constant 0 : index
    %swap3A_1295 = vector.load %arg10[%swap3A_1293, %swap3A_1294] : memref<64x32xf32, #tpu.memory_space<vmem>>, vector<1x32xf32>
    tpu.vector_store %arg10[%swap3A_1293, %swap3A_1294], %add3A_1292 {strides = array<i32>} : memref<64x32xf32, #tpu.memory_space<vmem>>, vector<1x32xf32>,
    %slice3A_1296 = vector.extract_strided_slice %dot_general3A_1063 {offsets = [0, 928], sizes = [1, 32], strides = [1, 1]} : vector<1x2048xf32> to vector<1x32xf32>
    %get3A_1297 = arith.constant 29 : index
    %get3A_1298 = arith.constant 0 : index
    %get3A_1299 = vector.load %arg6[%get3A_1297, %get3A_1298] : memref<64x32xf32, #tpu.memory_space<vmem>>, vector<1x32xf32>
    %add3A_1300 = arith.addf %slice3A_1296, %get3A_1299 : vector<1x32xf32>
    %swap3A_1301 = arith.constant 29 : index
    %swap3A_1302 = arith.constant 0 : index
    %swap3A_1303 = vector.load %arg10[%swap3A_1301, %swap3A_1302] : memref<64x32xf32, #tpu.memory_space<vmem>>, vector<1x32xf32>
    tpu.vector_store %arg10[%swap3A_1301, %swap3A_1302], %add3A_1300 {strides = array<i32>} : memref<64x32xf32, #tpu.memory_space<vmem>>, vector<1x32xf32>,
    %slice3A_1304 = vector.extract_strided_slice %dot_general3A_1063 {offsets = [0, 960], sizes = [1, 32], strides = [1, 1]} : vector<1x2048xf32> to vector<1x32xf32>
    %get3A_1305 = arith.constant 30 : index
    %get3A_1306 = arith.constant 0 : index
    %get3A_1307 = vector.load %arg6[%get3A_1305, %get3A_1306] : memref<64x32xf32, #tpu.memory_space<vmem>>, vector<1x32xf32>
    %add3A_1308 = arith.addf %slice3A_1304, %get3A_1307 : vector<1x32xf32>
    %swap3A_1309 = arith.constant 30 : index
    %swap3A_1310 = arith.constant 0 : index
    %swap3A_1311 = vector.load %arg10[%swap3A_1309, %swap3A_1310] : memref<64x32xf32, #tpu.memory_space<vmem>>, vector<1x32xf32>
    tpu.vector_store %arg10[%swap3A_1309, %swap3A_1310], %add3A_1308 {strides = array<i32>} : memref<64x32xf32, #tpu.memory_space<vmem>>, vector<1x32xf32>,
    %slice3A_1312 = vector.extract_strided_slice %dot_general3A_1063 {offsets = [0, 992], sizes = [1, 32], strides = [1, 1]} : vector<1x2048xf32> to vector<1x32xf32>
    %get3A_1313 = arith.constant 31 : index
    %get3A_1314 = arith.constant 0 : index
    %get3A_1315 = vector.load %arg6[%get3A_1313, %get3A_1314] : memref<64x32xf32, #tpu.memory_space<vmem>>, vector<1x32xf32>
    %add3A_1316 = arith.addf %slice3A_1312, %get3A_1315 : vector<1x32xf32>
    %swap3A_1317 = arith.constant 31 : index
    %swap3A_1318 = arith.constant 0 : index
    %swap3A_1319 = vector.load %arg10[%swap3A_1317, %swap3A_1318] : memref<64x32xf32, #tpu.memory_space<vmem>>, vector<1x32xf32>
    tpu.vector_store %arg10[%swap3A_1317, %swap3A_1318], %add3A_1316 {strides = array<i32>} : memref<64x32xf32, #tpu.memory_space<vmem>>, vector<1x32xf32>,
    %slice3A_1320 = vector.extract_strided_slice %dot_general3A_1063 {offsets = [0, 1024], sizes = [1, 32], strides = [1, 1]} : vector<1x2048xf32> to vector<1x32xf32>
    %get3A_1321 = arith.constant 32 : index
    %get3A_1322 = arith.constant 0 : index
    %get3A_1323 = vector.load %arg6[%get3A_1321, %get3A_1322] : memref<64x32xf32, #tpu.memory_space<vmem>>, vector<1x32xf32>
    %add3A_1324 = arith.addf %slice3A_1320, %get3A_1323 : vector<1x32xf32>
    %swap3A_1325 = arith.constant 32 : index
    %swap3A_1326 = arith.constant 0 : index
    %swap3A_1327 = vector.load %arg10[%swap3A_1325, %swap3A_1326] : memref<64x32xf32, #tpu.memory_space<vmem>>, vector<1x32xf32>
    tpu.vector_store %arg10[%swap3A_1325, %swap3A_1326], %add3A_1324 {strides = array<i32>} : memref<64x32xf32, #tpu.memory_space<vmem>>, vector<1x32xf32>,
    %slice3A_1328 = vector.extract_strided_slice %dot_general3A_1063 {offsets = [0, 1056], sizes = [1, 32], strides = [1, 1]} : vector<1x2048xf32> to vector<1x32xf32>
    %get3A_1329 = arith.constant 33 : index
    %get3A_1330 = arith.constant 0 : index
    %get3A_1331 = vector.load %arg6[%get3A_1329, %get3A_1330] : memref<64x32xf32, #tpu.memory_space<vmem>>, vector<1x32xf32>
    %add3A_1332 = arith.addf %slice3A_1328, %get3A_1331 : vector<1x32xf32>
    %swap3A_1333 = arith.constant 33 : index
    %swap3A_1334 = arith.constant 0 : index
    %swap3A_1335 = vector.load %arg10[%swap3A_1333, %swap3A_1334] : memref<64x32xf32, #tpu.memory_space<vmem>>, vector<1x32xf32>
    tpu.vector_store %arg10[%swap3A_1333, %swap3A_1334], %add3A_1332 {strides = array<i32>} : memref<64x32xf32, #tpu.memory_space<vmem>>, vector<1x32xf32>,
    %slice3A_1336 = vector.extract_strided_slice %dot_general3A_1063 {offsets = [0, 1088], sizes = [1, 32], strides = [1, 1]} : vector<1x2048xf32> to vector<1x32xf32>
    %get3A_1337 = arith.constant 34 : index
    %get3A_1338 = arith.constant 0 : index
    %get3A_1339 = vector.load %arg6[%get3A_1337, %get3A_1338] : memref<64x32xf32, #tpu.memory_space<vmem>>, vector<1x32xf32>
    %add3A_1340 = arith.addf %slice3A_1336, %get3A_1339 : vector<1x32xf32>
    %swap3A_1341 = arith.constant 34 : index
    %swap3A_1342 = arith.constant 0 : index
    %swap3A_1343 = vector.load %arg10[%swap3A_1341, %swap3A_1342] : memref<64x32xf32, #tpu.memory_space<vmem>>, vector<1x32xf32>
    tpu.vector_store %arg10[%swap3A_1341, %swap3A_1342], %add3A_1340 {strides = array<i32>} : memref<64x32xf32, #tpu.memory_space<vmem>>, vector<1x32xf32>,
    %slice3A_1344 = vector.extract_strided_slice %dot_general3A_1063 {offsets = [0, 1120], sizes = [1, 32], strides = [1, 1]} : vector<1x2048xf32> to vector<1x32xf32>
    %get3A_1345 = arith.constant 35 : index
    %get3A_1346 = arith.constant 0 : index
    %get3A_1347 = vector.load %arg6[%get3A_1345, %get3A_1346] : memref<64x32xf32, #tpu.memory_space<vmem>>, vector<1x32xf32>
    %add3A_1348 = arith.addf %slice3A_1344, %get3A_1347 : vector<1x32xf32>
    %swap3A_1349 = arith.constant 35 : index
    %swap3A_1350 = arith.constant 0 : index
    %swap3A_1351 = vector.load %arg10[%swap3A_1349, %swap3A_1350] : memref<64x32xf32, #tpu.memory_space<vmem>>, vector<1x32xf32>
    tpu.vector_store %arg10[%swap3A_1349, %swap3A_1350], %add3A_1348 {strides = array<i32>} : memref<64x32xf32, #tpu.memory_space<vmem>>, vector<1x32xf32>,
    %slice3A_1352 = vector.extract_strided_slice %dot_general3A_1063 {offsets = [0, 1152], sizes = [1, 32], strides = [1, 1]} : vector<1x2048xf32> to vector<1x32xf32>
    %get3A_1353 = arith.constant 36 : index
    %get3A_1354 = arith.constant 0 : index
    %get3A_1355 = vector.load %arg6[%get3A_1353, %get3A_1354] : memref<64x32xf32, #tpu.memory_space<vmem>>, vector<1x32xf32>
    %add3A_1356 = arith.addf %slice3A_1352, %get3A_1355 : vector<1x32xf32>
    %swap3A_1357 = arith.constant 36 : index
    %swap3A_1358 = arith.constant 0 : index
    %swap3A_1359 = vector.load %arg10[%swap3A_1357, %swap3A_1358] : memref<64x32xf32, #tpu.memory_space<vmem>>, vector<1x32xf32>
    tpu.vector_store %arg10[%swap3A_1357, %swap3A_1358], %add3A_1356 {strides = array<i32>} : memref<64x32xf32, #tpu.memory_space<vmem>>, vector<1x32xf32>,
    %slice3A_1360 = vector.extract_strided_slice %dot_general3A_1063 {offsets = [0, 1184], sizes = [1, 32], strides = [1, 1]} : vector<1x2048xf32> to vector<1x32xf32>
    %get3A_1361 = arith.constant 37 : index
    %get3A_1362 = arith.constant 0 : index
    %get3A_1363 = vector.load %arg6[%get3A_1361, %get3A_1362] : memref<64x32xf32, #tpu.memory_space<vmem>>, vector<1x32xf32>
    %add3A_1364 = arith.addf %slice3A_1360, %get3A_1363 : vector<1x32xf32>
    %swap3A_1365 = arith.constant 37 : index
    %swap3A_1366 = arith.constant 0 : index
    %swap3A_1367 = vector.load %arg10[%swap3A_1365, %swap3A_1366] : memref<64x32xf32, #tpu.memory_space<vmem>>, vector<1x32xf32>
    tpu.vector_store %arg10[%swap3A_1365, %swap3A_1366], %add3A_1364 {strides = array<i32>} : memref<64x32xf32, #tpu.memory_space<vmem>>, vector<1x32xf32>,
    %slice3A_1368 = vector.extract_strided_slice %dot_general3A_1063 {offsets = [0, 1216], sizes = [1, 32], strides = [1, 1]} : vector<1x2048xf32> to vector<1x32xf32>
    %get3A_1369 = arith.constant 38 : index
    %get3A_1370 = arith.constant 0 : index
    %get3A_1371 = vector.load %arg6[%get3A_1369, %get3A_1370] : memref<64x32xf32, #tpu.memory_space<vmem>>, vector<1x32xf32>
    %add3A_1372 = arith.addf %slice3A_1368, %get3A_1371 : vector<1x32xf32>
    %swap3A_1373 = arith.constant 38 : index
    %swap3A_1374 = arith.constant 0 : index
    %swap3A_1375 = vector.load %arg10[%swap3A_1373, %swap3A_1374] : memref<64x32xf32, #tpu.memory_space<vmem>>, vector<1x32xf32>
    tpu.vector_store %arg10[%swap3A_1373, %swap3A_1374], %add3A_1372 {strides = array<i32>} : memref<64x32xf32, #tpu.memory_space<vmem>>, vector<1x32xf32>,
    %slice3A_1376 = vector.extract_strided_slice %dot_general3A_1063 {offsets = [0, 1248], sizes = [1, 32], strides = [1, 1]} : vector<1x2048xf32> to vector<1x32xf32>
    %get3A_1377 = arith.constant 39 : index
    %get3A_1378 = arith.constant 0 : index
    %get3A_1379 = vector.load %arg6[%get3A_1377, %get3A_1378] : memref<64x32xf32, #tpu.memory_space<vmem>>, vector<1x32xf32>
    %add3A_1380 = arith.addf %slice3A_1376, %get3A_1379 : vector<1x32xf32>
    %swap3A_1381 = arith.constant 39 : index
    %swap3A_1382 = arith.constant 0 : index
    %swap3A_1383 = vector.load %arg10[%swap3A_1381, %swap3A_1382] : memref<64x32xf32, #tpu.memory_space<vmem>>, vector<1x32xf32>
    tpu.vector_store %arg10[%swap3A_1381, %swap3A_1382], %add3A_1380 {strides = array<i32>} : memref<64x32xf32, #tpu.memory_space<vmem>>, vector<1x32xf32>,
    %slice3A_1384 = vector.extract_strided_slice %dot_general3A_1063 {offsets = [0, 1280], sizes = [1, 32], strides = [1, 1]} : vector<1x2048xf32> to vector<1x32xf32>
    %get3A_1385 = arith.constant 40 : index
    %get3A_1386 = arith.constant 0 : index
    %get3A_1387 = vector.load %arg6[%get3A_1385, %get3A_1386] : memref<64x32xf32, #tpu.memory_space<vmem>>, vector<1x32xf32>
    %add3A_1388 = arith.addf %slice3A_1384, %get3A_1387 : vector<1x32xf32>
    %swap3A_1389 = arith.constant 40 : index
    %swap3A_1390 = arith.constant 0 : index
    %swap3A_1391 = vector.load %arg10[%swap3A_1389, %swap3A_1390] : memref<64x32xf32, #tpu.memory_space<vmem>>, vector<1x32xf32>
    tpu.vector_store %arg10[%swap3A_1389, %swap3A_1390], %add3A_1388 {strides = array<i32>} : memref<64x32xf32, #tpu.memory_space<vmem>>, vector<1x32xf32>,
    %slice3A_1392 = vector.extract_strided_slice %dot_general3A_1063 {offsets = [0, 1312], sizes = [1, 32], strides = [1, 1]} : vector<1x2048xf32> to vector<1x32xf32>
    %get3A_1393 = arith.constant 41 : index
    %get3A_1394 = arith.constant 0 : index
    %get3A_1395 = vector.load %arg6[%get3A_1393, %get3A_1394] : memref<64x32xf32, #tpu.memory_space<vmem>>, vector<1x32xf32>
    %add3A_1396 = arith.addf %slice3A_1392, %get3A_1395 : vector<1x32xf32>
    %swap3A_1397 = arith.constant 41 : index
    %swap3A_1398 = arith.constant 0 : index
    %swap3A_1399 = vector.load %arg10[%swap3A_1397, %swap3A_1398] : memref<64x32xf32, #tpu.memory_space<vmem>>, vector<1x32xf32>
    tpu.vector_store %arg10[%swap3A_1397, %swap3A_1398], %add3A_1396 {strides = array<i32>} : memref<64x32xf32, #tpu.memory_space<vmem>>, vector<1x32xf32>,
    %slice3A_1400 = vector.extract_strided_slice %dot_general3A_1063 {offsets = [0, 1344], sizes = [1, 32], strides = [1, 1]} : vector<1x2048xf32> to vector<1x32xf32>
    %get3A_1401 = arith.constant 42 : index
    %get3A_1402 = arith.constant 0 : index
    %get3A_1403 = vector.load %arg6[%get3A_1401, %get3A_1402] : memref<64x32xf32, #tpu.memory_space<vmem>>, vector<1x32xf32>
    %add3A_1404 = arith.addf %slice3A_1400, %get3A_1403 : vector<1x32xf32>
    %swap3A_1405 = arith.constant 42 : index
    %swap3A_1406 = arith.constant 0 : index
    %swap3A_1407 = vector.load %arg10[%swap3A_1405, %swap3A_1406] : memref<64x32xf32, #tpu.memory_space<vmem>>, vector<1x32xf32>
    tpu.vector_store %arg10[%swap3A_1405, %swap3A_1406], %add3A_1404 {strides = array<i32>} : memref<64x32xf32, #tpu.memory_space<vmem>>, vector<1x32xf32>,
    %slice3A_1408 = vector.extract_strided_slice %dot_general3A_1063 {offsets = [0, 1376], sizes = [1, 32], strides = [1, 1]} : vector<1x2048xf32> to vector<1x32xf32>
    %get3A_1409 = arith.constant 43 : index
    %get3A_1410 = arith.constant 0 : index
    %get3A_1411 = vector.load %arg6[%get3A_1409, %get3A_1410] : memref<64x32xf32, #tpu.memory_space<vmem>>, vector<1x32xf32>
    %add3A_1412 = arith.addf %slice3A_1408, %get3A_1411 : vector<1x32xf32>
    %swap3A_1413 = arith.constant 43 : index
    %swap3A_1414 = arith.constant 0 : index
    %swap3A_1415 = vector.load %arg10[%swap3A_1413, %swap3A_1414] : memref<64x32xf32, #tpu.memory_space<vmem>>, vector<1x32xf32>
    tpu.vector_store %arg10[%swap3A_1413, %swap3A_1414], %add3A_1412 {strides = array<i32>} : memref<64x32xf32, #tpu.memory_space<vmem>>, vector<1x32xf32>,
    %slice3A_1416 = vector.extract_strided_slice %dot_general3A_1063 {offsets = [0, 1408], sizes = [1, 32], strides = [1, 1]} : vector<1x2048xf32> to vector<1x32xf32>
    %get3A_1417 = arith.constant 44 : index
    %get3A_1418 = arith.constant 0 : index
    %get3A_1419 = vector.load %arg6[%get3A_1417, %get3A_1418] : memref<64x32xf32, #tpu.memory_space<vmem>>, vector<1x32xf32>
    %add3A_1420 = arith.addf %slice3A_1416, %get3A_1419 : vector<1x32xf32>
    %swap3A_1421 = arith.constant 44 : index
    %swap3A_1422 = arith.constant 0 : index
    %swap3A_1423 = vector.load %arg10[%swap3A_1421, %swap3A_1422] : memref<64x32xf32, #tpu.memory_space<vmem>>, vector<1x32xf32>
    tpu.vector_store %arg10[%swap3A_1421, %swap3A_1422], %add3A_1420 {strides = array<i32>} : memref<64x32xf32, #tpu.memory_space<vmem>>, vector<1x32xf32>,
    %slice3A_1424 = vector.extract_strided_slice %dot_general3A_1063 {offsets = [0, 1440], sizes = [1, 32], strides = [1, 1]} : vector<1x2048xf32> to vector<1x32xf32>
    %get3A_1425 = arith.constant 45 : index
    %get3A_1426 = arith.constant 0 : index
    %get3A_1427 = vector.load %arg6[%get3A_1425, %get3A_1426] : memref<64x32xf32, #tpu.memory_space<vmem>>, vector<1x32xf32>
    %add3A_1428 = arith.addf %slice3A_1424, %get3A_1427 : vector<1x32xf32>
    %swap3A_1429 = arith.constant 45 : index
    %swap3A_1430 = arith.constant 0 : index
    %swap3A_1431 = vector.load %arg10[%swap3A_1429, %swap3A_1430] : memref<64x32xf32, #tpu.memory_space<vmem>>, vector<1x32xf32>
    tpu.vector_store %arg10[%swap3A_1429, %swap3A_1430], %add3A_1428 {strides = array<i32>} : memref<64x32xf32, #tpu.memory_space<vmem>>, vector<1x32xf32>,
    %slice3A_1432 = vector.extract_strided_slice %dot_general3A_1063 {offsets = [0, 1472], sizes = [1, 32], strides = [1, 1]} : vector<1x2048xf32> to vector<1x32xf32>
    %get3A_1433 = arith.constant 46 : index
    %get3A_1434 = arith.constant 0 : index
    %get3A_1435 = vector.load %arg6[%get3A_1433, %get3A_1434] : memref<64x32xf32, #tpu.memory_space<vmem>>, vector<1x32xf32>
    %add3A_1436 = arith.addf %slice3A_1432, %get3A_1435 : vector<1x32xf32>
    %swap3A_1437 = arith.constant 46 : index
    %swap3A_1438 = arith.constant 0 : index
    %swap3A_1439 = vector.load %arg10[%swap3A_1437, %swap3A_1438] : memref<64x32xf32, #tpu.memory_space<vmem>>, vector<1x32xf32>
    tpu.vector_store %arg10[%swap3A_1437, %swap3A_1438], %add3A_1436 {strides = array<i32>} : memref<64x32xf32, #tpu.memory_space<vmem>>, vector<1x32xf32>,
    %slice3A_1440 = vector.extract_strided_slice %dot_general3A_1063 {offsets = [0, 1504], sizes = [1, 32], strides = [1, 1]} : vector<1x2048xf32> to vector<1x32xf32>
    %get3A_1441 = arith.constant 47 : index
    %get3A_1442 = arith.constant 0 : index
    %get3A_1443 = vector.load %arg6[%get3A_1441, %get3A_1442] : memref<64x32xf32, #tpu.memory_space<vmem>>, vector<1x32xf32>
    %add3A_1444 = arith.addf %slice3A_1440, %get3A_1443 : vector<1x32xf32>
    %swap3A_1445 = arith.constant 47 : index
    %swap3A_1446 = arith.constant 0 : index
    %swap3A_1447 = vector.load %arg10[%swap3A_1445, %swap3A_1446] : memref<64x32xf32, #tpu.memory_space<vmem>>, vector<1x32xf32>
    tpu.vector_store %arg10[%swap3A_1445, %swap3A_1446], %add3A_1444 {strides = array<i32>} : memref<64x32xf32, #tpu.memory_space<vmem>>, vector<1x32xf32>,
    %slice3A_1448 = vector.extract_strided_slice %dot_general3A_1063 {offsets = [0, 1536], sizes = [1, 32], strides = [1, 1]} : vector<1x2048xf32> to vector<1x32xf32>
    %get3A_1449 = arith.constant 48 : index
    %get3A_1450 = arith.constant 0 : index
    %get3A_1451 = vector.load %arg6[%get3A_1449, %get3A_1450] : memref<64x32xf32, #tpu.memory_space<vmem>>, vector<1x32xf32>
    %add3A_1452 = arith.addf %slice3A_1448, %get3A_1451 : vector<1x32xf32>
    %swap3A_1453 = arith.constant 48 : index
    %swap3A_1454 = arith.constant 0 : index
    %swap3A_1455 = vector.load %arg10[%swap3A_1453, %swap3A_1454] : memref<64x32xf32, #tpu.memory_space<vmem>>, vector<1x32xf32>
    tpu.vector_store %arg10[%swap3A_1453, %swap3A_1454], %add3A_1452 {strides = array<i32>} : memref<64x32xf32, #tpu.memory_space<vmem>>, vector<1x32xf32>,
    %slice3A_1456 = vector.extract_strided_slice %dot_general3A_1063 {offsets = [0, 1568], sizes = [1, 32], strides = [1, 1]} : vector<1x2048xf32> to vector<1x32xf32>
    %get3A_1457 = arith.constant 49 : index
    %get3A_1458 = arith.constant 0 : index
    %get3A_1459 = vector.load %arg6[%get3A_1457, %get3A_1458] : memref<64x32xf32, #tpu.memory_space<vmem>>, vector<1x32xf32>
    %add3A_1460 = arith.addf %slice3A_1456, %get3A_1459 : vector<1x32xf32>
    %swap3A_1461 = arith.constant 49 : index
    %swap3A_1462 = arith.constant 0 : index
    %swap3A_1463 = vector.load %arg10[%swap3A_1461, %swap3A_1462] : memref<64x32xf32, #tpu.memory_space<vmem>>, vector<1x32xf32>
    tpu.vector_store %arg10[%swap3A_1461, %swap3A_1462], %add3A_1460 {strides = array<i32>} : memref<64x32xf32, #tpu.memory_space<vmem>>, vector<1x32xf32>,
    %slice3A_1464 = vector.extract_strided_slice %dot_general3A_1063 {offsets = [0, 1600], sizes = [1, 32], strides = [1, 1]} : vector<1x2048xf32> to vector<1x32xf32>
    %get3A_1465 = arith.constant 50 : index
    %get3A_1466 = arith.constant 0 : index
    %get3A_1467 = vector.load %arg6[%get3A_1465, %get3A_1466] : memref<64x32xf32, #tpu.memory_space<vmem>>, vector<1x32xf32>
    %add3A_1468 = arith.addf %slice3A_1464, %get3A_1467 : vector<1x32xf32>
    %swap3A_1469 = arith.constant 50 : index
    %swap3A_1470 = arith.constant 0 : index
    %swap3A_1471 = vector.load %arg10[%swap3A_1469, %swap3A_1470] : memref<64x32xf32, #tpu.memory_space<vmem>>, vector<1x32xf32>
    tpu.vector_store %arg10[%swap3A_1469, %swap3A_1470], %add3A_1468 {strides = array<i32>} : memref<64x32xf32, #tpu.memory_space<vmem>>, vector<1x32xf32>,
    %slice3A_1472 = vector.extract_strided_slice %dot_general3A_1063 {offsets = [0, 1632], sizes = [1, 32], strides = [1, 1]} : vector<1x2048xf32> to vector<1x32xf32>
    %get3A_1473 = arith.constant 51 : index
    %get3A_1474 = arith.constant 0 : index
    %get3A_1475 = vector.load %arg6[%get3A_1473, %get3A_1474] : memref<64x32xf32, #tpu.memory_space<vmem>>, vector<1x32xf32>
    %add3A_1476 = arith.addf %slice3A_1472, %get3A_1475 : vector<1x32xf32>
    %swap3A_1477 = arith.constant 51 : index
    %swap3A_1478 = arith.constant 0 : index
    %swap3A_1479 = vector.load %arg10[%swap3A_1477, %swap3A_1478] : memref<64x32xf32, #tpu.memory_space<vmem>>, vector<1x32xf32>
    tpu.vector_store %arg10[%swap3A_1477, %swap3A_1478], %add3A_1476 {strides = array<i32>} : memref<64x32xf32, #tpu.memory_space<vmem>>, vector<1x32xf32>,
    %slice3A_1480 = vector.extract_strided_slice %dot_general3A_1063 {offsets = [0, 1664], sizes = [1, 32], strides = [1, 1]} : vector<1x2048xf32> to vector<1x32xf32>
    %get3A_1481 = arith.constant 52 : index
    %get3A_1482 = arith.constant 0 : index
    %get3A_1483 = vector.load %arg6[%get3A_1481, %get3A_1482] : memref<64x32xf32, #tpu.memory_space<vmem>>, vector<1x32xf32>
    %add3A_1484 = arith.addf %slice3A_1480, %get3A_1483 : vector<1x32xf32>
    %swap3A_1485 = arith.constant 52 : index
    %swap3A_1486 = arith.constant 0 : index
    %swap3A_1487 = vector.load %arg10[%swap3A_1485, %swap3A_1486] : memref<64x32xf32, #tpu.memory_space<vmem>>, vector<1x32xf32>
    tpu.vector_store %arg10[%swap3A_1485, %swap3A_1486], %add3A_1484 {strides = array<i32>} : memref<64x32xf32, #tpu.memory_space<vmem>>, vector<1x32xf32>,
    %slice3A_1488 = vector.extract_strided_slice %dot_general3A_1063 {offsets = [0, 1696], sizes = [1, 32], strides = [1, 1]} : vector<1x2048xf32> to vector<1x32xf32>
    %get3A_1489 = arith.constant 53 : index
    %get3A_1490 = arith.constant 0 : index
    %get3A_1491 = vector.load %arg6[%get3A_1489, %get3A_1490] : memref<64x32xf32, #tpu.memory_space<vmem>>, vector<1x32xf32>
    %add3A_1492 = arith.addf %slice3A_1488, %get3A_1491 : vector<1x32xf32>
    %swap3A_1493 = arith.constant 53 : index
    %swap3A_1494 = arith.constant 0 : index
    %swap3A_1495 = vector.load %arg10[%swap3A_1493, %swap3A_1494] : memref<64x32xf32, #tpu.memory_space<vmem>>, vector<1x32xf32>
    tpu.vector_store %arg10[%swap3A_1493, %swap3A_1494], %add3A_1492 {strides = array<i32>} : memref<64x32xf32, #tpu.memory_space<vmem>>, vector<1x32xf32>,
    %slice3A_1496 = vector.extract_strided_slice %dot_general3A_1063 {offsets = [0, 1728], sizes = [1, 32], strides = [1, 1]} : vector<1x2048xf32> to vector<1x32xf32>
    %get3A_1497 = arith.constant 54 : index
    %get3A_1498 = arith.constant 0 : index
    %get3A_1499 = vector.load %arg6[%get3A_1497, %get3A_1498] : memref<64x32xf32, #tpu.memory_space<vmem>>, vector<1x32xf32>
    %add3A_1500 = arith.addf %slice3A_1496, %get3A_1499 : vector<1x32xf32>
    %swap3A_1501 = arith.constant 54 : index
    %swap3A_1502 = arith.constant 0 : index
    %swap3A_1503 = vector.load %arg10[%swap3A_1501, %swap3A_1502] : memref<64x32xf32, #tpu.memory_space<vmem>>, vector<1x32xf32>
    tpu.vector_store %arg10[%swap3A_1501, %swap3A_1502], %add3A_1500 {strides = array<i32>} : memref<64x32xf32, #tpu.memory_space<vmem>>, vector<1x32xf32>,
    %slice3A_1504 = vector.extract_strided_slice %dot_general3A_1063 {offsets = [0, 1760], sizes = [1, 32], strides = [1, 1]} : vector<1x2048xf32> to vector<1x32xf32>
    %get3A_1505 = arith.constant 55 : index
    %get3A_1506 = arith.constant 0 : index
    %get3A_1507 = vector.load %arg6[%get3A_1505, %get3A_1506] : memref<64x32xf32, #tpu.memory_space<vmem>>, vector<1x32xf32>
    %add3A_1508 = arith.addf %slice3A_1504, %get3A_1507 : vector<1x32xf32>
    %swap3A_1509 = arith.constant 55 : index
    %swap3A_1510 = arith.constant 0 : index
    %swap3A_1511 = vector.load %arg10[%swap3A_1509, %swap3A_1510] : memref<64x32xf32, #tpu.memory_space<vmem>>, vector<1x32xf32>
    tpu.vector_store %arg10[%swap3A_1509, %swap3A_1510], %add3A_1508 {strides = array<i32>} : memref<64x32xf32, #tpu.memory_space<vmem>>, vector<1x32xf32>,
    %slice3A_1512 = vector.extract_strided_slice %dot_general3A_1063 {offsets = [0, 1792], sizes = [1, 32], strides = [1, 1]} : vector<1x2048xf32> to vector<1x32xf32>
    %get3A_1513 = arith.constant 56 : index
    %get3A_1514 = arith.constant 0 : index
    %get3A_1515 = vector.load %arg6[%get3A_1513, %get3A_1514] : memref<64x32xf32, #tpu.memory_space<vmem>>, vector<1x32xf32>
    %add3A_1516 = arith.addf %slice3A_1512, %get3A_1515 : vector<1x32xf32>
    %swap3A_1517 = arith.constant 56 : index
    %swap3A_1518 = arith.constant 0 : index
    %swap3A_1519 = vector.load %arg10[%swap3A_1517, %swap3A_1518] : memref<64x32xf32, #tpu.memory_space<vmem>>, vector<1x32xf32>
    tpu.vector_store %arg10[%swap3A_1517, %swap3A_1518], %add3A_1516 {strides = array<i32>} : memref<64x32xf32, #tpu.memory_space<vmem>>, vector<1x32xf32>,
    %slice3A_1520 = vector.extract_strided_slice %dot_general3A_1063 {offsets = [0, 1824], sizes = [1, 32], strides = [1, 1]} : vector<1x2048xf32> to vector<1x32xf32>
    %get3A_1521 = arith.constant 57 : index
    %get3A_1522 = arith.constant 0 : index
    %get3A_1523 = vector.load %arg6[%get3A_1521, %get3A_1522] : memref<64x32xf32, #tpu.memory_space<vmem>>, vector<1x32xf32>
    %add3A_1524 = arith.addf %slice3A_1520, %get3A_1523 : vector<1x32xf32>
    %swap3A_1525 = arith.constant 57 : index
    %swap3A_1526 = arith.constant 0 : index
    %swap3A_1527 = vector.load %arg10[%swap3A_1525, %swap3A_1526] : memref<64x32xf32, #tpu.memory_space<vmem>>, vector<1x32xf32>
    tpu.vector_store %arg10[%swap3A_1525, %swap3A_1526], %add3A_1524 {strides = array<i32>} : memref<64x32xf32, #tpu.memory_space<vmem>>, vector<1x32xf32>,
    %slice3A_1528 = vector.extract_strided_slice %dot_general3A_1063 {offsets = [0, 1856], sizes = [1, 32], strides = [1, 1]} : vector<1x2048xf32> to vector<1x32xf32>
    %get3A_1529 = arith.constant 58 : index
    %get3A_1530 = arith.constant 0 : index
    %get3A_1531 = vector.load %arg6[%get3A_1529, %get3A_1530] : memref<64x32xf32, #tpu.memory_space<vmem>>, vector<1x32xf32>
    %add3A_1532 = arith.addf %slice3A_1528, %get3A_1531 : vector<1x32xf32>
    %swap3A_1533 = arith.constant 58 : index
    %swap3A_1534 = arith.constant 0 : index
    %swap3A_1535 = vector.load %arg10[%swap3A_1533, %swap3A_1534] : memref<64x32xf32, #tpu.memory_space<vmem>>, vector<1x32xf32>
    tpu.vector_store %arg10[%swap3A_1533, %swap3A_1534], %add3A_1532 {strides = array<i32>} : memref<64x32xf32, #tpu.memory_space<vmem>>, vector<1x32xf32>,
    %slice3A_1536 = vector.extract_strided_slice %dot_general3A_1063 {offsets = [0, 1888], sizes = [1, 32], strides = [1, 1]} : vector<1x2048xf32> to vector<1x32xf32>
    %get3A_1537 = arith.constant 59 : index
    %get3A_1538 = arith.constant 0 : index
    %get3A_1539 = vector.load %arg6[%get3A_1537, %get3A_1538] : memref<64x32xf32, #tpu.memory_space<vmem>>, vector<1x32xf32>
    %add3A_1540 = arith.addf %slice3A_1536, %get3A_1539 : vector<1x32xf32>
    %swap3A_1541 = arith.constant 59 : index
    %swap3A_1542 = arith.constant 0 : index
    %swap3A_1543 = vector.load %arg10[%swap3A_1541, %swap3A_1542] : memref<64x32xf32, #tpu.memory_space<vmem>>, vector<1x32xf32>
    tpu.vector_store %arg10[%swap3A_1541, %swap3A_1542], %add3A_1540 {strides = array<i32>} : memref<64x32xf32, #tpu.memory_space<vmem>>, vector<1x32xf32>,
    %slice3A_1544 = vector.extract_strided_slice %dot_general3A_1063 {offsets = [0, 1920], sizes = [1, 32], strides = [1, 1]} : vector<1x2048xf32> to vector<1x32xf32>
    %get3A_1545 = arith.constant 60 : index
    %get3A_1546 = arith.constant 0 : index
    %get3A_1547 = vector.load %arg6[%get3A_1545, %get3A_1546] : memref<64x32xf32, #tpu.memory_space<vmem>>, vector<1x32xf32>
    %add3A_1548 = arith.addf %slice3A_1544, %get3A_1547 : vector<1x32xf32>
    %swap3A_1549 = arith.constant 60 : index
    %swap3A_1550 = arith.constant 0 : index
    %swap3A_1551 = vector.load %arg10[%swap3A_1549, %swap3A_1550] : memref<64x32xf32, #tpu.memory_space<vmem>>, vector<1x32xf32>
    tpu.vector_store %arg10[%swap3A_1549, %swap3A_1550], %add3A_1548 {strides = array<i32>} : memref<64x32xf32, #tpu.memory_space<vmem>>, vector<1x32xf32>,
    %slice3A_1552 = vector.extract_strided_slice %dot_general3A_1063 {offsets = [0, 1952], sizes = [1, 32], strides = [1, 1]} : vector<1x2048xf32> to vector<1x32xf32>
    %get3A_1553 = arith.constant 61 : index
    %get3A_1554 = arith.constant 0 : index
    %get3A_1555 = vector.load %arg6[%get3A_1553, %get3A_1554] : memref<64x32xf32, #tpu.memory_space<vmem>>, vector<1x32xf32>
    %add3A_1556 = arith.addf %slice3A_1552, %get3A_1555 : vector<1x32xf32>
    %swap3A_1557 = arith.constant 61 : index
    %swap3A_1558 = arith.constant 0 : index
    %swap3A_1559 = vector.load %arg10[%swap3A_1557, %swap3A_1558] : memref<64x32xf32, #tpu.memory_space<vmem>>, vector<1x32xf32>
    tpu.vector_store %arg10[%swap3A_1557, %swap3A_1558], %add3A_1556 {strides = array<i32>} : memref<64x32xf32, #tpu.memory_space<vmem>>, vector<1x32xf32>,
    %slice3A_1560 = vector.extract_strided_slice %dot_general3A_1063 {offsets = [0, 1984], sizes = [1, 32], strides = [1, 1]} : vector<1x2048xf32> to vector<1x32xf32>
    %get3A_1561 = arith.constant 62 : index
    %get3A_1562 = arith.constant 0 : index
    %get3A_1563 = vector.load %arg6[%get3A_1561, %get3A_1562] : memref<64x32xf32, #tpu.memory_space<vmem>>, vector<1x32xf32>
    %add3A_1564 = arith.addf %slice3A_1560, %get3A_1563 : vector<1x32xf32>
    %swap3A_1565 = arith.constant 62 : index
    %swap3A_1566 = arith.constant 0 : index
    %swap3A_1567 = vector.load %arg10[%swap3A_1565, %swap3A_1566] : memref<64x32xf32, #tpu.memory_space<vmem>>, vector<1x32xf32>
    tpu.vector_store %arg10[%swap3A_1565, %swap3A_1566], %add3A_1564 {strides = array<i32>} : memref<64x32xf32, #tpu.memory_space<vmem>>, vector<1x32xf32>,
    %slice3A_1568 = vector.extract_strided_slice %dot_general3A_1063 {offsets = [0, 2016], sizes = [1, 32], strides = [1, 1]} : vector<1x2048xf32> to vector<1x32xf32>
    %get3A_1569 = arith.constant 63 : index
    %get3A_1570 = arith.constant 0 : index
    %get3A_1571 = vector.load %arg6[%get3A_1569, %get3A_1570] : memref<64x32xf32, #tpu.memory_space<vmem>>, vector<1x32xf32>
    %add3A_1572 = arith.addf %slice3A_1568, %get3A_1571 : vector<1x32xf32>
    %swap3A_1573 = arith.constant 63 : index
    %swap3A_1574 = arith.constant 0 : index
    %swap3A_1575 = vector.load %arg10[%swap3A_1573, %swap3A_1574] : memref<64x32xf32, #tpu.memory_space<vmem>>, vector<1x32xf32>
    tpu.vector_store %arg10[%swap3A_1573, %swap3A_1574], %add3A_1572 {strides = array<i32>} : memref<64x32xf32, #tpu.memory_space<vmem>>, vector<1x32xf32>,
    %get3A_1576 = arith.constant 0 : index
    %get3A_1577 = arith.constant 0 : index
    %get3A_1578 = vector.load %arg7[%get3A_1576, %get3A_1577] : memref<64x512xf32, #tpu.memory_space<vmem>>, vector<64x512xf32>
    %dot_general3A_1579 = arith.constant dense<0.000000e+00> : vector<1x512xf32>
    %dot_general3A_1580 = tpu.matmul %mul3A_30, %get3A_1578, %dot_general3A_1579 {dimension_numbers = #tpu.dot_dimension_numbers<[1], [0], [0], [1], [0, 0, 1, 1], [], []>, transpose_lhs_hint = false} : vector<1x64xf32>, vector<64x512xf32>, vector<1x512xf32> -> vector<1x512xf32>
    %slice3A_1581 = vector.extract_strided_slice %dot_general3A_1580 {offsets = [0, 0], sizes = [1, 16], strides = [1, 1]} : vector<1x512xf32> to vector<1x16xf32>
    %get3A_1582 = arith.constant 0 : index
    %get3A_1583 = arith.constant 0 : index
    %get3A_1584 = vector.load %arg8[%get3A_1582, %get3A_1583] : memref<32x16xf32, #tpu.memory_space<vmem>>, vector<1x16xf32>
    %add3A_1585 = arith.addf %slice3A_1581, %get3A_1584 : vector<1x16xf32>
    %swap3A_1586 = arith.constant 0 : index
    %swap3A_1587 = arith.constant 0 : index
    %swap3A_1588 = vector.load %arg11[%swap3A_1586, %swap3A_1587] : memref<32x16xf32, #tpu.memory_space<vmem>>, vector<1x16xf32>
    tpu.vector_store %arg11[%swap3A_1586, %swap3A_1587], %add3A_1585 {strides = array<i32>} : memref<32x16xf32, #tpu.memory_space<vmem>>, vector<1x16xf32>,
    %slice3A_1589 = vector.extract_strided_slice %dot_general3A_1580 {offsets = [0, 16], sizes = [1, 16], strides = [1, 1]} : vector<1x512xf32> to vector<1x16xf32>
    %get3A_1590 = arith.constant 1 : index
    %get3A_1591 = arith.constant 0 : index
    %get3A_1592 = vector.load %arg8[%get3A_1590, %get3A_1591] : memref<32x16xf32, #tpu.memory_space<vmem>>, vector<1x16xf32>
    %add3A_1593 = arith.addf %slice3A_1589, %get3A_1592 : vector<1x16xf32>
    %swap3A_1594 = arith.constant 1 : index
    %swap3A_1595 = arith.constant 0 : index
    %swap3A_1596 = vector.load %arg11[%swap3A_1594, %swap3A_1595] : memref<32x16xf32, #tpu.memory_space<vmem>>, vector<1x16xf32>
    tpu.vector_store %arg11[%swap3A_1594, %swap3A_1595], %add3A_1593 {strides = array<i32>} : memref<32x16xf32, #tpu.memory_space<vmem>>, vector<1x16xf32>,
    %slice3A_1597 = vector.extract_strided_slice %dot_general3A_1580 {offsets = [0, 32], sizes = [1, 16], strides = [1, 1]} : vector<1x512xf32> to vector<1x16xf32>
    %get3A_1598 = arith.constant 2 : index
    %get3A_1599 = arith.constant 0 : index
    %get3A_1600 = vector.load %arg8[%get3A_1598, %get3A_1599] : memref<32x16xf32, #tpu.memory_space<vmem>>, vector<1x16xf32>
    %add3A_1601 = arith.addf %slice3A_1597, %get3A_1600 : vector<1x16xf32>
    %swap3A_1602 = arith.constant 2 : index
    %swap3A_1603 = arith.constant 0 : index
    %swap3A_1604 = vector.load %arg11[%swap3A_1602, %swap3A_1603] : memref<32x16xf32, #tpu.memory_space<vmem>>, vector<1x16xf32>
    tpu.vector_store %arg11[%swap3A_1602, %swap3A_1603], %add3A_1601 {strides = array<i32>} : memref<32x16xf32, #tpu.memory_space<vmem>>, vector<1x16xf32>,
    %slice3A_1605 = vector.extract_strided_slice %dot_general3A_1580 {offsets = [0, 48], sizes = [1, 16], strides = [1, 1]} : vector<1x512xf32> to vector<1x16xf32>
    %get3A_1606 = arith.constant 3 : index
    %get3A_1607 = arith.constant 0 : index
    %get3A_1608 = vector.load %arg8[%get3A_1606, %get3A_1607] : memref<32x16xf32, #tpu.memory_space<vmem>>, vector<1x16xf32>
    %add3A_1609 = arith.addf %slice3A_1605, %get3A_1608 : vector<1x16xf32>
    %swap3A_1610 = arith.constant 3 : index
    %swap3A_1611 = arith.constant 0 : index
    %swap3A_1612 = vector.load %arg11[%swap3A_1610, %swap3A_1611] : memref<32x16xf32, #tpu.memory_space<vmem>>, vector<1x16xf32>
    tpu.vector_store %arg11[%swap3A_1610, %swap3A_1611], %add3A_1609 {strides = array<i32>} : memref<32x16xf32, #tpu.memory_space<vmem>>, vector<1x16xf32>,
    %slice3A_1613 = vector.extract_strided_slice %dot_general3A_1580 {offsets = [0, 64], sizes = [1, 16], strides = [1, 1]} : vector<1x512xf32> to vector<1x16xf32>
    %get3A_1614 = arith.constant 4 : index
    %get3A_1615 = arith.constant 0 : index
    %get3A_1616 = vector.load %arg8[%get3A_1614, %get3A_1615] : memref<32x16xf32, #tpu.memory_space<vmem>>, vector<1x16xf32>
    %add3A_1617 = arith.addf %slice3A_1613, %get3A_1616 : vector<1x16xf32>
    %swap3A_1618 = arith.constant 4 : index
    %swap3A_1619 = arith.constant 0 : index
    %swap3A_1620 = vector.load %arg11[%swap3A_1618, %swap3A_1619] : memref<32x16xf32, #tpu.memory_space<vmem>>, vector<1x16xf32>
    tpu.vector_store %arg11[%swap3A_1618, %swap3A_1619], %add3A_1617 {strides = array<i32>} : memref<32x16xf32, #tpu.memory_space<vmem>>, vector<1x16xf32>,
    %slice3A_1621 = vector.extract_strided_slice %dot_general3A_1580 {offsets = [0, 80], sizes = [1, 16], strides = [1, 1]} : vector<1x512xf32> to vector<1x16xf32>
    %get3A_1622 = arith.constant 5 : index
    %get3A_1623 = arith.constant 0 : index
    %get3A_1624 = vector.load %arg8[%get3A_1622, %get3A_1623] : memref<32x16xf32, #tpu.memory_space<vmem>>, vector<1x16xf32>
    %add3A_1625 = arith.addf %slice3A_1621, %get3A_1624 : vector<1x16xf32>
    %swap3A_1626 = arith.constant 5 : index
    %swap3A_1627 = arith.constant 0 : index
    %swap3A_1628 = vector.load %arg11[%swap3A_1626, %swap3A_1627] : memref<32x16xf32, #tpu.memory_space<vmem>>, vector<1x16xf32>
    tpu.vector_store %arg11[%swap3A_1626, %swap3A_1627], %add3A_1625 {strides = array<i32>} : memref<32x16xf32, #tpu.memory_space<vmem>>, vector<1x16xf32>,
    %slice3A_1629 = vector.extract_strided_slice %dot_general3A_1580 {offsets = [0, 96], sizes = [1, 16], strides = [1, 1]} : vector<1x512xf32> to vector<1x16xf32>
    %get3A_1630 = arith.constant 6 : index
    %get3A_1631 = arith.constant 0 : index
    %get3A_1632 = vector.load %arg8[%get3A_1630, %get3A_1631] : memref<32x16xf32, #tpu.memory_space<vmem>>, vector<1x16xf32>
    %add3A_1633 = arith.addf %slice3A_1629, %get3A_1632 : vector<1x16xf32>
    %swap3A_1634 = arith.constant 6 : index
    %swap3A_1635 = arith.constant 0 : index
    %swap3A_1636 = vector.load %arg11[%swap3A_1634, %swap3A_1635] : memref<32x16xf32, #tpu.memory_space<vmem>>, vector<1x16xf32>
    tpu.vector_store %arg11[%swap3A_1634, %swap3A_1635], %add3A_1633 {strides = array<i32>} : memref<32x16xf32, #tpu.memory_space<vmem>>, vector<1x16xf32>,
    %slice3A_1637 = vector.extract_strided_slice %dot_general3A_1580 {offsets = [0, 112], sizes = [1, 16], strides = [1, 1]} : vector<1x512xf32> to vector<1x16xf32>
    %get3A_1638 = arith.constant 7 : index
    %get3A_1639 = arith.constant 0 : index
    %get3A_1640 = vector.load %arg8[%get3A_1638, %get3A_1639] : memref<32x16xf32, #tpu.memory_space<vmem>>, vector<1x16xf32>
    %add3A_1641 = arith.addf %slice3A_1637, %get3A_1640 : vector<1x16xf32>
    %swap3A_1642 = arith.constant 7 : index
    %swap3A_1643 = arith.constant 0 : index
    %swap3A_1644 = vector.load %arg11[%swap3A_1642, %swap3A_1643] : memref<32x16xf32, #tpu.memory_space<vmem>>, vector<1x16xf32>
    tpu.vector_store %arg11[%swap3A_1642, %swap3A_1643], %add3A_1641 {strides = array<i32>} : memref<32x16xf32, #tpu.memory_space<vmem>>, vector<1x16xf32>,
    %slice3A_1645 = vector.extract_strided_slice %dot_general3A_1580 {offsets = [0, 128], sizes = [1, 16], strides = [1, 1]} : vector<1x512xf32> to vector<1x16xf32>
    %get3A_1646 = arith.constant 8 : index
    %get3A_1647 = arith.constant 0 : index
    %get3A_1648 = vector.load %arg8[%get3A_1646, %get3A_1647] : memref<32x16xf32, #tpu.memory_space<vmem>>, vector<1x16xf32>
    %add3A_1649 = arith.addf %slice3A_1645, %get3A_1648 : vector<1x16xf32>
    %swap3A_1650 = arith.constant 8 : index
    %swap3A_1651 = arith.constant 0 : index
    %swap3A_1652 = vector.load %arg11[%swap3A_1650, %swap3A_1651] : memref<32x16xf32, #tpu.memory_space<vmem>>, vector<1x16xf32>
    tpu.vector_store %arg11[%swap3A_1650, %swap3A_1651], %add3A_1649 {strides = array<i32>} : memref<32x16xf32, #tpu.memory_space<vmem>>, vector<1x16xf32>,
    %slice3A_1653 = vector.extract_strided_slice %dot_general3A_1580 {offsets = [0, 144], sizes = [1, 16], strides = [1, 1]} : vector<1x512xf32> to vector<1x16xf32>
    %get3A_1654 = arith.constant 9 : index
    %get3A_1655 = arith.constant 0 : index
    %get3A_1656 = vector.load %arg8[%get3A_1654, %get3A_1655] : memref<32x16xf32, #tpu.memory_space<vmem>>, vector<1x16xf32>
    %add3A_1657 = arith.addf %slice3A_1653, %get3A_1656 : vector<1x16xf32>
    %swap3A_1658 = arith.constant 9 : index
    %swap3A_1659 = arith.constant 0 : index
    %swap3A_1660 = vector.load %arg11[%swap3A_1658, %swap3A_1659] : memref<32x16xf32, #tpu.memory_space<vmem>>, vector<1x16xf32>
    tpu.vector_store %arg11[%swap3A_1658, %swap3A_1659], %add3A_1657 {strides = array<i32>} : memref<32x16xf32, #tpu.memory_space<vmem>>, vector<1x16xf32>,
    %slice3A_1661 = vector.extract_strided_slice %dot_general3A_1580 {offsets = [0, 160], sizes = [1, 16], strides = [1, 1]} : vector<1x512xf32> to vector<1x16xf32>
    %get3A_1662 = arith.constant 10 : index
    %get3A_1663 = arith.constant 0 : index
    %get3A_1664 = vector.load %arg8[%get3A_1662, %get3A_1663] : memref<32x16xf32, #tpu.memory_space<vmem>>, vector<1x16xf32>
    %add3A_1665 = arith.addf %slice3A_1661, %get3A_1664 : vector<1x16xf32>
    %swap3A_1666 = arith.constant 10 : index
    %swap3A_1667 = arith.constant 0 : index
    %swap3A_1668 = vector.load %arg11[%swap3A_1666, %swap3A_1667] : memref<32x16xf32, #tpu.memory_space<vmem>>, vector<1x16xf32>
    tpu.vector_store %arg11[%swap3A_1666, %swap3A_1667], %add3A_1665 {strides = array<i32>} : memref<32x16xf32, #tpu.memory_space<vmem>>, vector<1x16xf32>,
    %slice3A_1669 = vector.extract_strided_slice %dot_general3A_1580 {offsets = [0, 176], sizes = [1, 16], strides = [1, 1]} : vector<1x512xf32> to vector<1x16xf32>
    %get3A_1670 = arith.constant 11 : index
    %get3A_1671 = arith.constant 0 : index
    %get3A_1672 = vector.load %arg8[%get3A_1670, %get3A_1671] : memref<32x16xf32, #tpu.memory_space<vmem>>, vector<1x16xf32>
    %add3A_1673 = arith.addf %slice3A_1669, %get3A_1672 : vector<1x16xf32>
    %swap3A_1674 = arith.constant 11 : index
    %swap3A_1675 = arith.constant 0 : index
    %swap3A_1676 = vector.load %arg11[%swap3A_1674, %swap3A_1675] : memref<32x16xf32, #tpu.memory_space<vmem>>, vector<1x16xf32>
    tpu.vector_store %arg11[%swap3A_1674, %swap3A_1675], %add3A_1673 {strides = array<i32>} : memref<32x16xf32, #tpu.memory_space<vmem>>, vector<1x16xf32>,
    %slice3A_1677 = vector.extract_strided_slice %dot_general3A_1580 {offsets = [0, 192], sizes = [1, 16], strides = [1, 1]} : vector<1x512xf32> to vector<1x16xf32>
    %get3A_1678 = arith.constant 12 : index
    %get3A_1679 = arith.constant 0 : index
    %get3A_1680 = vector.load %arg8[%get3A_1678, %get3A_1679] : memref<32x16xf32, #tpu.memory_space<vmem>>, vector<1x16xf32>
    %add3A_1681 = arith.addf %slice3A_1677, %get3A_1680 : vector<1x16xf32>
    %swap3A_1682 = arith.constant 12 : index
    %swap3A_1683 = arith.constant 0 : index
    %swap3A_1684 = vector.load %arg11[%swap3A_1682, %swap3A_1683] : memref<32x16xf32, #tpu.memory_space<vmem>>, vector<1x16xf32>
    tpu.vector_store %arg11[%swap3A_1682, %swap3A_1683], %add3A_1681 {strides = array<i32>} : memref<32x16xf32, #tpu.memory_space<vmem>>, vector<1x16xf32>,
    %slice3A_1685 = vector.extract_strided_slice %dot_general3A_1580 {offsets = [0, 208], sizes = [1, 16], strides = [1, 1]} : vector<1x512xf32> to vector<1x16xf32>
    %get3A_1686 = arith.constant 13 : index
    %get3A_1687 = arith.constant 0 : index
    %get3A_1688 = vector.load %arg8[%get3A_1686, %get3A_1687] : memref<32x16xf32, #tpu.memory_space<vmem>>, vector<1x16xf32>
    %add3A_1689 = arith.addf %slice3A_1685, %get3A_1688 : vector<1x16xf32>
    %swap3A_1690 = arith.constant 13 : index
    %swap3A_1691 = arith.constant 0 : index
    %swap3A_1692 = vector.load %arg11[%swap3A_1690, %swap3A_1691] : memref<32x16xf32, #tpu.memory_space<vmem>>, vector<1x16xf32>
    tpu.vector_store %arg11[%swap3A_1690, %swap3A_1691], %add3A_1689 {strides = array<i32>} : memref<32x16xf32, #tpu.memory_space<vmem>>, vector<1x16xf32>,
    %slice3A_1693 = vector.extract_strided_slice %dot_general3A_1580 {offsets = [0, 224], sizes = [1, 16], strides = [1, 1]} : vector<1x512xf32> to vector<1x16xf32>
    %get3A_1694 = arith.constant 14 : index
    %get3A_1695 = arith.constant 0 : index
    %get3A_1696 = vector.load %arg8[%get3A_1694, %get3A_1695] : memref<32x16xf32, #tpu.memory_space<vmem>>, vector<1x16xf32>
    %add3A_1697 = arith.addf %slice3A_1693, %get3A_1696 : vector<1x16xf32>
    %swap3A_1698 = arith.constant 14 : index
    %swap3A_1699 = arith.constant 0 : index
    %swap3A_1700 = vector.load %arg11[%swap3A_1698, %swap3A_1699] : memref<32x16xf32, #tpu.memory_space<vmem>>, vector<1x16xf32>
    tpu.vector_store %arg11[%swap3A_1698, %swap3A_1699], %add3A_1697 {strides = array<i32>} : memref<32x16xf32, #tpu.memory_space<vmem>>, vector<1x16xf32>,
    %slice3A_1701 = vector.extract_strided_slice %dot_general3A_1580 {offsets = [0, 240], sizes = [1, 16], strides = [1, 1]} : vector<1x512xf32> to vector<1x16xf32>
    %get3A_1702 = arith.constant 15 : index
    %get3A_1703 = arith.constant 0 : index
    %get3A_1704 = vector.load %arg8[%get3A_1702, %get3A_1703] : memref<32x16xf32, #tpu.memory_space<vmem>>, vector<1x16xf32>
    %add3A_1705 = arith.addf %slice3A_1701, %get3A_1704 : vector<1x16xf32>
    %swap3A_1706 = arith.constant 15 : index
    %swap3A_1707 = arith.constant 0 : index
    %swap3A_1708 = vector.load %arg11[%swap3A_1706, %swap3A_1707] : memref<32x16xf32, #tpu.memory_space<vmem>>, vector<1x16xf32>
    tpu.vector_store %arg11[%swap3A_1706, %swap3A_1707], %add3A_1705 {strides = array<i32>} : memref<32x16xf32, #tpu.memory_space<vmem>>, vector<1x16xf32>,
    %slice3A_1709 = vector.extract_strided_slice %dot_general3A_1580 {offsets = [0, 256], sizes = [1, 16], strides = [1, 1]} : vector<1x512xf32> to vector<1x16xf32>
    %get3A_1710 = arith.constant 16 : index
    %get3A_1711 = arith.constant 0 : index
    %get3A_1712 = vector.load %arg8[%get3A_1710, %get3A_1711] : memref<32x16xf32, #tpu.memory_space<vmem>>, vector<1x16xf32>
    %add3A_1713 = arith.addf %slice3A_1709, %get3A_1712 : vector<1x16xf32>
    %swap3A_1714 = arith.constant 16 : index
    %swap3A_1715 = arith.constant 0 : index
    %swap3A_1716 = vector.load %arg11[%swap3A_1714, %swap3A_1715] : memref<32x16xf32, #tpu.memory_space<vmem>>, vector<1x16xf32>
    tpu.vector_store %arg11[%swap3A_1714, %swap3A_1715], %add3A_1713 {strides = array<i32>} : memref<32x16xf32, #tpu.memory_space<vmem>>, vector<1x16xf32>,
    %slice3A_1717 = vector.extract_strided_slice %dot_general3A_1580 {offsets = [0, 272], sizes = [1, 16], strides = [1, 1]} : vector<1x512xf32> to vector<1x16xf32>
    %get3A_1718 = arith.constant 17 : index
    %get3A_1719 = arith.constant 0 : index
    %get3A_1720 = vector.load %arg8[%get3A_1718, %get3A_1719] : memref<32x16xf32, #tpu.memory_space<vmem>>, vector<1x16xf32>
    %add3A_1721 = arith.addf %slice3A_1717, %get3A_1720 : vector<1x16xf32>
    %swap3A_1722 = arith.constant 17 : index
    %swap3A_1723 = arith.constant 0 : index
    %swap3A_1724 = vector.load %arg11[%swap3A_1722, %swap3A_1723] : memref<32x16xf32, #tpu.memory_space<vmem>>, vector<1x16xf32>
    tpu.vector_store %arg11[%swap3A_1722, %swap3A_1723], %add3A_1721 {strides = array<i32>} : memref<32x16xf32, #tpu.memory_space<vmem>>, vector<1x16xf32>,
    %slice3A_1725 = vector.extract_strided_slice %dot_general3A_1580 {offsets = [0, 288], sizes = [1, 16], strides = [1, 1]} : vector<1x512xf32> to vector<1x16xf32>
    %get3A_1726 = arith.constant 18 : index
    %get3A_1727 = arith.constant 0 : index
    %get3A_1728 = vector.load %arg8[%get3A_1726, %get3A_1727] : memref<32x16xf32, #tpu.memory_space<vmem>>, vector<1x16xf32>
    %add3A_1729 = arith.addf %slice3A_1725, %get3A_1728 : vector<1x16xf32>
    %swap3A_1730 = arith.constant 18 : index
    %swap3A_1731 = arith.constant 0 : index
    %swap3A_1732 = vector.load %arg11[%swap3A_1730, %swap3A_1731] : memref<32x16xf32, #tpu.memory_space<vmem>>, vector<1x16xf32>
    tpu.vector_store %arg11[%swap3A_1730, %swap3A_1731], %add3A_1729 {strides = array<i32>} : memref<32x16xf32, #tpu.memory_space<vmem>>, vector<1x16xf32>,
    %slice3A_1733 = vector.extract_strided_slice %dot_general3A_1580 {offsets = [0, 304], sizes = [1, 16], strides = [1, 1]} : vector<1x512xf32> to vector<1x16xf32>
    %get3A_1734 = arith.constant 19 : index
    %get3A_1735 = arith.constant 0 : index
    %get3A_1736 = vector.load %arg8[%get3A_1734, %get3A_1735] : memref<32x16xf32, #tpu.memory_space<vmem>>, vector<1x16xf32>
    %add3A_1737 = arith.addf %slice3A_1733, %get3A_1736 : vector<1x16xf32>
    %swap3A_1738 = arith.constant 19 : index
    %swap3A_1739 = arith.constant 0 : index
    %swap3A_1740 = vector.load %arg11[%swap3A_1738, %swap3A_1739] : memref<32x16xf32, #tpu.memory_space<vmem>>, vector<1x16xf32>
    tpu.vector_store %arg11[%swap3A_1738, %swap3A_1739], %add3A_1737 {strides = array<i32>} : memref<32x16xf32, #tpu.memory_space<vmem>>, vector<1x16xf32>,
    %slice3A_1741 = vector.extract_strided_slice %dot_general3A_1580 {offsets = [0, 320], sizes = [1, 16], strides = [1, 1]} : vector<1x512xf32> to vector<1x16xf32>
    %get3A_1742 = arith.constant 20 : index
    %get3A_1743 = arith.constant 0 : index
    %get3A_1744 = vector.load %arg8[%get3A_1742, %get3A_1743] : memref<32x16xf32, #tpu.memory_space<vmem>>, vector<1x16xf32>
    %add3A_1745 = arith.addf %slice3A_1741, %get3A_1744 : vector<1x16xf32>
    %swap3A_1746 = arith.constant 20 : index
    %swap3A_1747 = arith.constant 0 : index
    %swap3A_1748 = vector.load %arg11[%swap3A_1746, %swap3A_1747] : memref<32x16xf32, #tpu.memory_space<vmem>>, vector<1x16xf32>
    tpu.vector_store %arg11[%swap3A_1746, %swap3A_1747], %add3A_1745 {strides = array<i32>} : memref<32x16xf32, #tpu.memory_space<vmem>>, vector<1x16xf32>,
    %slice3A_1749 = vector.extract_strided_slice %dot_general3A_1580 {offsets = [0, 336], sizes = [1, 16], strides = [1, 1]} : vector<1x512xf32> to vector<1x16xf32>
    %get3A_1750 = arith.constant 21 : index
    %get3A_1751 = arith.constant 0 : index
    %get3A_1752 = vector.load %arg8[%get3A_1750, %get3A_1751] : memref<32x16xf32, #tpu.memory_space<vmem>>, vector<1x16xf32>
    %add3A_1753 = arith.addf %slice3A_1749, %get3A_1752 : vector<1x16xf32>
    %swap3A_1754 = arith.constant 21 : index
    %swap3A_1755 = arith.constant 0 : index
    %swap3A_1756 = vector.load %arg11[%swap3A_1754, %swap3A_1755] : memref<32x16xf32, #tpu.memory_space<vmem>>, vector<1x16xf32>
    tpu.vector_store %arg11[%swap3A_1754, %swap3A_1755], %add3A_1753 {strides = array<i32>} : memref<32x16xf32, #tpu.memory_space<vmem>>, vector<1x16xf32>,
    %slice3A_1757 = vector.extract_strided_slice %dot_general3A_1580 {offsets = [0, 352], sizes = [1, 16], strides = [1, 1]} : vector<1x512xf32> to vector<1x16xf32>
    %get3A_1758 = arith.constant 22 : index
    %get3A_1759 = arith.constant 0 : index
    %get3A_1760 = vector.load %arg8[%get3A_1758, %get3A_1759] : memref<32x16xf32, #tpu.memory_space<vmem>>, vector<1x16xf32>
    %add3A_1761 = arith.addf %slice3A_1757, %get3A_1760 : vector<1x16xf32>
    %swap3A_1762 = arith.constant 22 : index
    %swap3A_1763 = arith.constant 0 : index
    %swap3A_1764 = vector.load %arg11[%swap3A_1762, %swap3A_1763] : memref<32x16xf32, #tpu.memory_space<vmem>>, vector<1x16xf32>
    tpu.vector_store %arg11[%swap3A_1762, %swap3A_1763], %add3A_1761 {strides = array<i32>} : memref<32x16xf32, #tpu.memory_space<vmem>>, vector<1x16xf32>,
    %slice3A_1765 = vector.extract_strided_slice %dot_general3A_1580 {offsets = [0, 368], sizes = [1, 16], strides = [1, 1]} : vector<1x512xf32> to vector<1x16xf32>
    %get3A_1766 = arith.constant 23 : index
    %get3A_1767 = arith.constant 0 : index
    %get3A_1768 = vector.load %arg8[%get3A_1766, %get3A_1767] : memref<32x16xf32, #tpu.memory_space<vmem>>, vector<1x16xf32>
    %add3A_1769 = arith.addf %slice3A_1765, %get3A_1768 : vector<1x16xf32>
    %swap3A_1770 = arith.constant 23 : index
    %swap3A_1771 = arith.constant 0 : index
    %swap3A_1772 = vector.load %arg11[%swap3A_1770, %swap3A_1771] : memref<32x16xf32, #tpu.memory_space<vmem>>, vector<1x16xf32>
    tpu.vector_store %arg11[%swap3A_1770, %swap3A_1771], %add3A_1769 {strides = array<i32>} : memref<32x16xf32, #tpu.memory_space<vmem>>, vector<1x16xf32>,
    %slice3A_1773 = vector.extract_strided_slice %dot_general3A_1580 {offsets = [0, 384], sizes = [1, 16], strides = [1, 1]} : vector<1x512xf32> to vector<1x16xf32>
    %get3A_1774 = arith.constant 24 : index
    %get3A_1775 = arith.constant 0 : index
    %get3A_1776 = vector.load %arg8[%get3A_1774, %get3A_1775] : memref<32x16xf32, #tpu.memory_space<vmem>>, vector<1x16xf32>
    %add3A_1777 = arith.addf %slice3A_1773, %get3A_1776 : vector<1x16xf32>
    %swap3A_1778 = arith.constant 24 : index
    %swap3A_1779 = arith.constant 0 : index
    %swap3A_1780 = vector.load %arg11[%swap3A_1778, %swap3A_1779] : memref<32x16xf32, #tpu.memory_space<vmem>>, vector<1x16xf32>
    tpu.vector_store %arg11[%swap3A_1778, %swap3A_1779], %add3A_1777 {strides = array<i32>} : memref<32x16xf32, #tpu.memory_space<vmem>>, vector<1x16xf32>,
    %slice3A_1781 = vector.extract_strided_slice %dot_general3A_1580 {offsets = [0, 400], sizes = [1, 16], strides = [1, 1]} : vector<1x512xf32> to vector<1x16xf32>
    %get3A_1782 = arith.constant 25 : index
    %get3A_1783 = arith.constant 0 : index
    %get3A_1784 = vector.load %arg8[%get3A_1782, %get3A_1783] : memref<32x16xf32, #tpu.memory_space<vmem>>, vector<1x16xf32>
    %add3A_1785 = arith.addf %slice3A_1781, %get3A_1784 : vector<1x16xf32>
    %swap3A_1786 = arith.constant 25 : index
    %swap3A_1787 = arith.constant 0 : index
    %swap3A_1788 = vector.load %arg11[%swap3A_1786, %swap3A_1787] : memref<32x16xf32, #tpu.memory_space<vmem>>, vector<1x16xf32>
    tpu.vector_store %arg11[%swap3A_1786, %swap3A_1787], %add3A_1785 {strides = array<i32>} : memref<32x16xf32, #tpu.memory_space<vmem>>, vector<1x16xf32>,
    %slice3A_1789 = vector.extract_strided_slice %dot_general3A_1580 {offsets = [0, 416], sizes = [1, 16], strides = [1, 1]} : vector<1x512xf32> to vector<1x16xf32>
    %get3A_1790 = arith.constant 26 : index
    %get3A_1791 = arith.constant 0 : index
    %get3A_1792 = vector.load %arg8[%get3A_1790, %get3A_1791] : memref<32x16xf32, #tpu.memory_space<vmem>>, vector<1x16xf32>
    %add3A_1793 = arith.addf %slice3A_1789, %get3A_1792 : vector<1x16xf32>
    %swap3A_1794 = arith.constant 26 : index
    %swap3A_1795 = arith.constant 0 : index
    %swap3A_1796 = vector.load %arg11[%swap3A_1794, %swap3A_1795] : memref<32x16xf32, #tpu.memory_space<vmem>>, vector<1x16xf32>
    tpu.vector_store %arg11[%swap3A_1794, %swap3A_1795], %add3A_1793 {strides = array<i32>} : memref<32x16xf32, #tpu.memory_space<vmem>>, vector<1x16xf32>,
    %slice3A_1797 = vector.extract_strided_slice %dot_general3A_1580 {offsets = [0, 432], sizes = [1, 16], strides = [1, 1]} : vector<1x512xf32> to vector<1x16xf32>
    %get3A_1798 = arith.constant 27 : index
    %get3A_1799 = arith.constant 0 : index
    %get3A_1800 = vector.load %arg8[%get3A_1798, %get3A_1799] : memref<32x16xf32, #tpu.memory_space<vmem>>, vector<1x16xf32>
    %add3A_1801 = arith.addf %slice3A_1797, %get3A_1800 : vector<1x16xf32>
    %swap3A_1802 = arith.constant 27 : index
    %swap3A_1803 = arith.constant 0 : index
    %swap3A_1804 = vector.load %arg11[%swap3A_1802, %swap3A_1803] : memref<32x16xf32, #tpu.memory_space<vmem>>, vector<1x16xf32>
    tpu.vector_store %arg11[%swap3A_1802, %swap3A_1803], %add3A_1801 {strides = array<i32>} : memref<32x16xf32, #tpu.memory_space<vmem>>, vector<1x16xf32>,
    %slice3A_1805 = vector.extract_strided_slice %dot_general3A_1580 {offsets = [0, 448], sizes = [1, 16], strides = [1, 1]} : vector<1x512xf32> to vector<1x16xf32>
    %get3A_1806 = arith.constant 28 : index
    %get3A_1807 = arith.constant 0 : index
    %get3A_1808 = vector.load %arg8[%get3A_1806, %get3A_1807] : memref<32x16xf32, #tpu.memory_space<vmem>>, vector<1x16xf32>
    %add3A_1809 = arith.addf %slice3A_1805, %get3A_1808 : vector<1x16xf32>
    %swap3A_1810 = arith.constant 28 : index
    %swap3A_1811 = arith.constant 0 : index
    %swap3A_1812 = vector.load %arg11[%swap3A_1810, %swap3A_1811] : memref<32x16xf32, #tpu.memory_space<vmem>>, vector<1x16xf32>
    tpu.vector_store %arg11[%swap3A_1810, %swap3A_1811], %add3A_1809 {strides = array<i32>} : memref<32x16xf32, #tpu.memory_space<vmem>>, vector<1x16xf32>,
    %slice3A_1813 = vector.extract_strided_slice %dot_general3A_1580 {offsets = [0, 464], sizes = [1, 16], strides = [1, 1]} : vector<1x512xf32> to vector<1x16xf32>
    %get3A_1814 = arith.constant 29 : index
    %get3A_1815 = arith.constant 0 : index
    %get3A_1816 = vector.load %arg8[%get3A_1814, %get3A_1815] : memref<32x16xf32, #tpu.memory_space<vmem>>, vector<1x16xf32>
    %add3A_1817 = arith.addf %slice3A_1813, %get3A_1816 : vector<1x16xf32>
    %swap3A_1818 = arith.constant 29 : index
    %swap3A_1819 = arith.constant 0 : index
    %swap3A_1820 = vector.load %arg11[%swap3A_1818, %swap3A_1819] : memref<32x16xf32, #tpu.memory_space<vmem>>, vector<1x16xf32>
    tpu.vector_store %arg11[%swap3A_1818, %swap3A_1819], %add3A_1817 {strides = array<i32>} : memref<32x16xf32, #tpu.memory_space<vmem>>, vector<1x16xf32>,
    %slice3A_1821 = vector.extract_strided_slice %dot_general3A_1580 {offsets = [0, 480], sizes = [1, 16], strides = [1, 1]} : vector<1x512xf32> to vector<1x16xf32>
    %get3A_1822 = arith.constant 30 : index
    %get3A_1823 = arith.constant 0 : index
    %get3A_1824 = vector.load %arg8[%get3A_1822, %get3A_1823] : memref<32x16xf32, #tpu.memory_space<vmem>>, vector<1x16xf32>
    %add3A_1825 = arith.addf %slice3A_1821, %get3A_1824 : vector<1x16xf32>
    %swap3A_1826 = arith.constant 30 : index
    %swap3A_1827 = arith.constant 0 : index
    %swap3A_1828 = vector.load %arg11[%swap3A_1826, %swap3A_1827] : memref<32x16xf32, #tpu.memory_space<vmem>>, vector<1x16xf32>
    tpu.vector_store %arg11[%swap3A_1826, %swap3A_1827], %add3A_1825 {strides = array<i32>} : memref<32x16xf32, #tpu.memory_space<vmem>>, vector<1x16xf32>,
    %slice3A_1829 = vector.extract_strided_slice %dot_general3A_1580 {offsets = [0, 496], sizes = [1, 16], strides = [1, 1]} : vector<1x512xf32> to vector<1x16xf32>
    %get3A_1830 = arith.constant 31 : index
    %get3A_1831 = arith.constant 0 : index
    %get3A_1832 = vector.load %arg8[%get3A_1830, %get3A_1831] : memref<32x16xf32, #tpu.memory_space<vmem>>, vector<1x16xf32>
    %add3A_1833 = arith.addf %slice3A_1829, %get3A_1832 : vector<1x16xf32>
    %swap3A_1834 = arith.constant 31 : index
    %swap3A_1835 = arith.constant 0 : index
    %swap3A_1836 = vector.load %arg11[%swap3A_1834, %swap3A_1835] : memref<32x16xf32, #tpu.memory_space<vmem>>, vector<1x16xf32>
    tpu.vector_store %arg11[%swap3A_1834, %swap3A_1835], %add3A_1833 {strides = array<i32>} : memref<32x16xf32, #tpu.memory_space<vmem>>, vector<1x16xf32>,
    return
  }
}

</mosaic_0001>

<sc_bundles>
// kernel: kernel.5.cloned.1.call-start
scs
__scs_entry_jumppad:
0x0: {  	(pc) =	sbr.rel $0x88, $3  }
0x1: {  	(tag) =	ssettag $0x0;
	lr =	simm.s32 $0x1  }
0x2: {  	[smem:$0x3F95] =	sst lr;
	_ =	strace $0xD0000000  }
0x3: {  	_ = 	snop  }
0x4: {  	_ = 	snop  }
0x5: {  	_ = 	snop  }
0x6: {  	_ = 	snop  }
0x7: {  	_ = 	snop  }
__scs_overlays_trampoline_lowered:
0x8: {  	[smem:$0x3FA4] =	sst s0  }
0x9: {  	[smem:$0x3FA5] =	sst s1  }
0xa: {  	[smem:$0x3FA6] =	sst s2  }
0xb: {  	[smem:$0x3FA7] =	sst s3  }
0xc: {  	[smem:$0x3FA8] =	sst s4  }
0xd: {  	[smem:$0x3FA9] =	sst s5  }
0xe: {  	[smem:$0x3FAA] =	sst s6  }
0xf: {  	[smem:$0x3FAB] =	sst s7  }
0x10: {  	[smem:$0x3FAC] =	sst s8  }
0x11: {  	[smem:$0x3FAD] =	sst s9;
	s0 =	simm.s32 @!p0 $0x0  }
0x12: {  	s1 =	sld [smem:$0x3F93];
	s0 =	simm.s32 @p0 $0x1  }
0x13: {  	[smem:$0x3FAE] =	sst s0;
	s0 =	simm.s32 @!p1 $0x0  }
0x14: {  	s2 =	sld [smem:$0x3F92];
	s0 =	simm.s32 @p1 $0x1  }
0x15: {  	[smem:$0x3FAF] =	sst s0;
	s0 =	simm.s32 @!p2 $0x0  }
0x16: {  	s3 =	sld [smem:$0x3FDB];
	s0 =	simm.s32 @p2 $0x1  }
0x17: {  	s4 =	simm.s32 $0x1BF5;
	[smem:$0x3FB1] =	sst s0  }
0x18: {  	s0 =	sld [smem:$0x3F94];
	_ =	swait.ge [sflag:s4], $0x0  }
0x19: {  	s7 =	sld [smem:$0x3F95]  }
0x1a: {  	s8 =	sadd.s32 $0xFFFFE003, lr  }
0x1b: {  	s9 =	sadd.s32 $0xFFFFFEF7, lr;
	s5 =	simm.s32 $0xFFFFFFFF;
	p2 =	slt.u32 s8, $0xFFFFF086  }
0x1c: {  	p1 =	slt.u32 s9, $0xF7A;
	s5 =	simm.s32 @!p2 $0x0  }
0x1d: {  	s5 =	simm.s32 @p1 $0x1;
	p0 =	seq.s32 s7, s2  }
0x1e: {  	s7 =	smul.u32 @!p0 $0xF7A, s2;
	p2 =	seq.s32 @!p0 s5, $0x0  }
0x1f: {  	s9 =	smul.u32 $0xF7A, s1;
	s8 =	simm.s32 @!p0 $0x1BF5;
	p2 =	por !p2, p0  }
0x20: {  	[sflag:s8] =	ssyncset.s32 @!p0 $0xFFFFF086;
	s6 =	sadd.s32 @!p0 s3, s7;
	s7 =	simm.s32 @!p0 $0x108  }
0x21: {  	s3 =	sadd.s32 s3, s9;
	s6 =	sadd.s32 @!p0 $0x88, s6;
	s7 =	simm.s32 @p2 $0x1082  }
0x22: {  	[simem:s7], [sflag:s8] =	dma.local @!p0 [hbm:s6], $0xF7A  }
0x23: {  	s9 =	sor.u32 $0xD0000000, s2;
	s6 =	simm.s32 $0x108;
	_ =	swait.ge @!p0 [sflag:s8], $0x0  }
0x24: {  	s3 =	sadd.s32 $0x88, s3;
	s6 =	simm.s32 @!p1 $0x1082;
	[sflag:s4] =	ssyncset.s32 $0xFFFFF086  }
0x25: {  	[simem:s6], [sflag:s4] =	dma.local [hbm:s3], $0xF7A  }
0x26: {  	[smem:$0x3F95] =	sst s1;
	(tag) =	ssettag s2;
	_ =	strace s9  }
0x27: {  	s1 =	sld [smem:$0x3FA5]  }
0x28: {  	s2 =	sld [smem:$0x3FA6]  }
0x29: {  	s4 =	sld [smem:$0x3FA8]  }
0x2a: {  	p0 =	seq.s32 s5, $0x0;
	s5 =	sld [smem:$0x3FA9]  }
0x2b: {  	s6 =	sld [smem:$0x3FAA]  }
0x2c: {  	s7 =	sld [smem:$0x3FAB]  }
0x2d: {  	s3 =	simm.s32 $0x108;
	s8 =	sld [smem:$0x3FAC]  }
0x2e: {  	s3 =	simm.s32 @!p0 $0x1082;
	s9 =	sld [smem:$0x3FAD]  }
0x2f: {  	lr =	sadd.s32 s0, s3;
	s0 =	sld [smem:$0x3FA4]  }
0x30: {  	s3 =	sld [smem:$0x3FA7]  }
0x31: {  	[smem:$0x3FB0] =	sst s10  }
0x32: {  	s10 =	sld [smem:$0x3FAE];
	_ =	sdelay $0x3  }
0x33: {  	p0 =	seq.s32 s10, $0x1;
	s10 =	sld [smem:$0x3FB0];
	_ =	sdelay $0x3  }
0x34: {  	[smem:$0x3FB0] =	sst s10  }
0x35: {  	s10 =	sld [smem:$0x3FAF];
	_ =	sdelay $0x3  }
0x36: {  	p1 =	seq.s32 s10, $0x1;
	s10 =	sld [smem:$0x3FB0];
	_ =	sdelay $0x3  }
0x37: {  	[smem:$0x3FB0] =	sst s10  }
0x38: {  	s10 =	sld [smem:$0x3FB1]  }
0x39: {  	_ = 	snop;
	(pc) =	sbr.ind lr, $3  }
0x3a: {  	_ = 	snop  }
0x3b: {  	_ = 	snop  }
0x3c: {  	p2 =	seq.s32 s10, $0x1;
	s10 =	sld [smem:$0x3FB0]  }
0x3d: {  	_ =	shalt  }
0x3e: {  	_ =	shalt  }
0x3f: {  	_ =	shalt  }
0x40: {  	_ =	shalt  }
0x41: {  	_ =	shalt  }
0x42: {  	_ =	shalt  }
0x43: {  	_ =	shalt  }
0x44: {  	_ =	shalt  }
0x45: {  	_ =	shalt  }
0x46: {  	_ =	shalt  }
0x47: {  	_ =	shalt  }
0x48: {  	_ =	shalt  }
0x49: {  	_ =	shalt  }
0x4a: {  	_ =	shalt  }
0x4b: {  	_ =	shalt  }
0x4c: {  	_ =	shalt  }
0x4d: {  	_ =	shalt  }
0x4e: {  	_ =	shalt  }
0x4f: {  	_ =	shalt  }
0x50: {  	_ =	shalt  }
0x51: {  	_ =	shalt  }
0x52: {  	_ =	shalt  }
0x53: {  	_ =	shalt  }
0x54: {  	_ =	shalt  }
0x55: {  	_ =	shalt  }
0x56: {  	_ =	shalt  }
0x57: {  	_ =	shalt  }
0x58: {  	_ =	shalt  }
0x59: {  	_ =	shalt  }
0x5a: {  	_ =	shalt  }
0x5b: {  	_ =	shalt  }
0x5c: {  	_ =	shalt  }
0x5d: {  	_ =	shalt  }
0x5e: {  	_ =	shalt  }
0x5f: {  	_ =	shalt  }
0x60: {  	_ =	shalt  }
0x61: {  	_ =	shalt  }
0x62: {  	_ =	shalt  }
0x63: {  	_ =	shalt  }
0x64: {  	_ =	shalt  }
0x65: {  	_ =	shalt  }
0x66: {  	_ =	shalt  }
0x67: {  	_ =	shalt  }
0x68: {  	_ =	shalt  }
0x69: {  	_ =	shalt  }
0x6a: {  	_ =	shalt  }
0x6b: {  	_ =	shalt  }
0x6c: {  	_ =	shalt  }
0x6d: {  	_ =	shalt  }
0x6e: {  	_ =	shalt  }
0x6f: {  	_ =	shalt  }
0x70: {  	_ =	shalt  }
0x71: {  	_ =	shalt  }
0x72: {  	_ =	shalt  }
0x73: {  	_ =	shalt  }
0x74: {  	_ =	shalt  }
0x75: {  	_ =	shalt  }
0x76: {  	_ =	shalt  }
0x77: {  	_ =	shalt  }
0x78: {  	_ =	shalt  }
0x79: {  	_ =	shalt  }
0x7a: {  	_ =	shalt  }
0x7b: {  	_ =	shalt  }
0x7c: {  	_ =	shalt  }
0x7d: {  	_ =	shalt  }
0x7e: {  	_ =	shalt  }
0x7f: {  	_ =	shalt  }
0x80: {  	_ =	shalt  }
0x81: {  	_ =	shalt  }
0x82: {  	_ =	shalt  }
0x83: {  	_ =	shalt  }
0x84: {  	_ =	shalt  }
0x85: {  	_ =	shalt  }
0x86: {  	_ =	shalt  }
0x87: {  	_ =	shalt  }
.Lfunc_end0:
.L_simem_size_0:
called_computation_lowered:
.L_overlay_start_0:
0x88: {  	s2 =	sld [smem:$0x3FD9]  }
0x89: {  	s3 =	sld [smem:$0x3FFE];
	_ =	sdelay $0x1  }
0x8a: {  	s1 =	srdreg.scid  }
0x8b: {  	s0 =	sand.u32 $0x1, s1  }
0x8c: {  	s17 =	sshll.u32 s0, $0xA;
	s2 =	sadd.s32 s3, s2  }
0x8d: {  	s2 =	sadd.s32 s2, s17  }
0x8e: {  	[smem:$0x3FBC] =	sst s2  }
0x8f: {  	_ = 	snop  }
0x90: {  	s2 =	sld [smem:$0x3FC8];
	(tm) =	ssettm $0x1  }
0x91: {  	s18 =	sld [smem:$0x3FFB];
	_ =	sdelay $0x3  }
0x92: {  	_ =	strace s18  }
0x93: {  	s3 =	sld [smem:$0x3FFC];
	_ =	sdelay $0x3  }
0x94: {  	_ =	strace s3  }
0x95: {  	s3 =	sld [smem:$0x3FFD];
	_ =	sdelay $0x3  }
0x96: {  	_ =	strace s3  }
0x97: {  	_ =	strace $0x8FFFFFFF  }
0x98: {  	s19 =	sld [smem:$0x3FDB];
	_ =	sdelay $0x1  }
0x99: {  	s4 =	simm.s32 $_scs_section_size  }
0x9a: {  	s5 =	simm.s32 $_size__tile_overlayer_lowered;
	s6 =	simm.s32 $_tile_overlayer_lowered  }
0x9b: {  	s22 =	simm.s32 $0x1BFF;
	s21 =	sshll.u32 s6, $0x1;
	s3 =	sadd.s32 s4, s19  }
0x9c: {  	s7 =	simm.s32 $0x0;
	s20 =	sshll.u32 s5, $0x1;
	s5 =	sadd.s32 s21, s3  }
0x9d: {  	[timem:s7], [sflag:s22] =	dma.local [hbm:s5], s20  }
0x9e: {  	_ =	swait.ge [sflag:s22], s20  }
0x9f: {  	s4 =	ssub.s32 $0x0, s20;
	[sflag:s22] =	ssyncset.done $0x0  }
0xa0: {  	[sflag:s22] =	ssyncadd.s32 s4;
	_ =	sdelay $0x1  }
0xa1: {  	s23 =	simm.s32 $0x1B8B  }
0xa2: {  	_ =	swait.ge [sflag:s23], $0x1  }
0xa3: {  	[sflag:s23] =	ssyncset.done $0x0  }
0xa4: {  	s25 =	simm.s32 $0x1B8E;
	s24 =	sld [smem:$0x3FFE];
	[sflag:s23] =	ssyncadd.s32 $0xFFFFFFFF  }
0xa5: {  	s26 =	simm.s32 $execute0_lowered;
	[smem:$0x3FD2] =	sst s25  }
0xa6: {  	s5 =	sshll.u32 s26, $0x1;
	_ =	strace $0x80000046;
	[dreg:$0x1] =	wrdreg $0xFFFFFFFF  }
0xa7: {  	s28 =	simm.s32 $_size_execute0_lowered;
	s3 =	sadd.s32 s3, s5;
	[dreg:$0x0] =	wrdreg $0x0  }
0xa8: {  	s5 =	sshll.u32 s28, $0x1;
	[dreg:$0x2] =	wrdreg s3  }
0xa9: {  	[dreg:$0x3] =	wrdreg s5  }
0xaa: {  	[dreg:$0x4] =	wrdreg $0xC0  }
0xab: {  	_ =	task [dreg:s7], $0x5FFFF  }
0xac: {  	[dreg:$0x1] =	wrdreg $0xFFFFFFFF  }
0xad: {  	[dreg:$0x0] =	wrdreg $0x60  }
0xae: {  	[dreg:$0x2] =	wrdreg s2  }
0xaf: {  	[dreg:$0x3] =	wrdreg s24  }
0xb0: {  	[dreg:$0x4] =	wrdreg $0x11F000  }
0xb1: {  	[dreg:$0x5] =	wrdreg $0x9  }
0xb2: {  	_ =	task.clear_ibuf [dreg:s7], $0x6FFFF;
	_ =	strace $0x90000046  }
0xb3: {  	s29 =	simm.s32 $0x9;
	_ =	strace $0x80000048  }
0xb4: {  	_ =	swait.ge [sflag:s29], $0x1  }
0xb5: {  	[sflag:s29] =	ssyncadd.s32 $0xFFFFFFFF  }
0xb6: {  	_ =	strace $0x90000048  }
0xb7: {  	_ =	sfence  }
0xb8: {  	s30 =	sld [smem:$0x0];
	_ =	sdelay $0x2  }
0xb9: {  	s31 =	sshll.u32 s1, $0xD;
	s1 =	sshrl.u32 s1, $0x2  }
0xba: {  	s3 =	sand.u32 $0x4000, s31;
	s1 =	sadd.s32 s1, s30  }
0xbb: {  	s0 =	sor.u32 s3, s0;
	s1 =	sshll.u32 s1, $0x11  }
0xbc: {  	s0 =	sor.u32 s1, s0  }
0xbd: {  	s0 =	sadd.s32 $0x8F2B, s0  }
0xbe: {  	[sflag:s0] =	ssyncadd.remote.s32 $0x1  }
0xbf: {  	_ =	sfence.sel $0xFFFF  }
0xc0: {  	[dreg:$0x0] =	wrdreg $0xFFFFFFFF;
	(pc) =	sbr.abs _section_cstart, $3  }
0xc1: {  	[dreg:$0x1] =	wrdreg $0xFFFFFFFF  }
0xc2: {  	_ =	task.clear_ibuf [dreg:s7], $0x2FFFF;
	_ =	strace $0x9FFFFFFF  }
0xc3: {  	(tm) =	ssettm $0x7FFFFFFF  }
tec
execute0_lowered:
.L_overlay_start_1:
0x0: {  	(tag) =	ssettag $0x1  }
0x1: {  	s0 =	rddreg [dreg:$0x0]  }
0x2: {  	s1 =	rddreg [dreg:$0x1]  }
0x3: {  	s3 =	srdreg.scid;
	s9 =	stileid.u32  }
0x4: {  	s2 =	rddreg [dreg:$0x2];
	s6 =	simm.s32 $0x0;
	s16 =	simm.s32 $0x10F00  }
0x5: {  	s17 =	simm.s32 $0x5;
	s28 =	simm.s32 $0x7F00;
	s30 =	simm.s32 $0x8F00  }
0x6: {  	s29 =	simm.s32 $0xEF00;
	s31 =	simm.s32 $0xFF00;
	s5 =	smul.u32 $0xA000, s9  }
0x7: {  	s3 =	sand.u32 $0x1, s3;
	[smem:$0x7FF] =	sst s6;
	s8 =	smul.u32 $0x14000, s9  }
0x8: {  	s4 =	smul.u32 $0xA0000, s3;
	_ =	strace $0x80000047;
	s7 =	ssub.s32 $0x2, s3  }
0x9: {  	s3 =	sshll.u32 s3, $0x4;
	s19 =	sshrl.u32 s7, $0x1;
	s20 =	sshrl.u32 s8, $0x2  }
0xa: {  	s3 =	sor.u32 s9, s3;
	s9 =	sshll.u32 s9, $0x5;
	s8 =	simm.s32 $0x4  }
0xb: {  	s4 =	sadd.s32 s5, s4;
	s6 =	ssub.s32 s7, s19;
	s5 =	sshrl.u32 s5, $0x1  }
0xc: {  	s7 =	sadd.s32 s20, s2;
	s22 =	smul.u32 $0x9C0, s3;
	p0 =	sgt.u32 s3, $0x3  }
0xd: {  	s19 =	simm.s32 $0x100;
	s20 =	simm.s32 $0x2780;
	s3 =	simm.s32 $0x1  }
0xe: {  	s18 =	sshrl.u32 s4, $0x4;
	s4 =	sadd.s32 $0x1A00, s1;
	s21 =	sadd.s32 $0x1000, s7  }
0xf: {  	s5 =	sadd.s32 s5, s2;
	s10 =	sadd.s32 $0x2000, s7;
	[dreg:$0x4] =	wrdreg s21  }
0x10: {  	s23 =	sadd.s32 $0x3000, s7;
	s7 =	sadd.s32 $0x4000, s7;
	[dreg:$0x5] =	wrdreg s10  }
0x11: {  	s15 =	smax.u32 s6, $0x1;
	s6 =	simm.s32 $0x2;
	[dreg:$0x6] =	wrdreg s23  }
0x12: {  	s1 =	sadd.s32 s18, s1;
	[dreg:$0x7] =	wrdreg s7;
	s10 =	sadd.s32 s0, s22  }
0x13: {  	s0 =	sadd.s32 s9, s0;
	s18 =	simm.s32 $0x80;
	s21 =	simm.s32 $0x4F00  }
0x14: {  	s23 =	simm.s32 $0x5F00;
	s22 =	simm.s32 $0xAF00;
	s24 =	sadd.s32 $0x10, s10  }
.Ltmp0:
0x15: {  	s25 =	sadd.s32 $0x13800, s0;
	[dreg:$0x8] =	wrdreg s24;
	(pc) =	sbr.rel .LBB2_1-.Ltmp0, $4  }
0x16: {  	s7 =	simm.s32 $0x3;
	s0 =	sadd.s32 $0x13810, s0;
	[dreg:$0x9] =	wrdreg s25  }
0x17: {  	s9 =	simm.s32 $0x0;
	s26 =	sadd.s32 $0xB800, s1;
	[dreg:$0xa] =	wrdreg s0  }
0x18: {  	s1 =	simm.s32 $0x9F00;
	[dreg:$0xb] =	wrdreg s26;
	s25 =	simm.s32 $0x6F00  }
0x19: {  	v0 =	vimm.bf16 $0.0e+00;
	s24 =	simm.s32 $0xBF00;
	s26 =	simm.s32 $0xCF00;
	s0 =	simm.s32 $0xDF00  }
.LBB2_6:
0x1a: {  	s11 =	simm.s32 $0x4B80  }
0x1b: {  	[tilespmem:s21], [sflag:$0x1] =	stream.indirect.gather [hbm4b:s4+s18], $0x20, s11, s18, $0xb8;
	[tilespmem:$0x16F00] =	vst v63  }
0x1c: {  	s13 =	simm.s32 $0x4C00  }
0x1d: {  	[tilespmem:s23], [sflag:$0x1] =	stream.indirect.gather [hbm4b:s4+s18], $0x20, s13, s18, $0xb8;
	[tilespmem:$0x16F00] =	vst v63  }
0x1e: {  	s14 =	simm.s32 $0x4C80  }
0x1f: {  	[tilespmem:s25], [sflag:$0x1] =	stream.indirect.gather [hbm4b:s4+s18], $0x20, s14, s18, $0xb8;
	[tilespmem:$0x16F00] =	vst v63  }
0x20: {  	s12 =	simm.s32 $0x4D00  }
0x21: {  	[tilespmem:s28], [sflag:$0x1] =	stream.indirect.gather [hbm4b:s4+s18], $0x20, s12, s18, $0xb8;
	[tilespmem:$0x16F00] =	vst v63  }
0x22: {  	s13 =	simm.s32 $0x4D80  }
0x23: {  	[tilespmem:s30], [sflag:$0x1] =	stream.indirect.gather [hbm4b:s4+s18], $0x20, s13, s18, $0xb8;
	[tilespmem:$0x16F00] =	vst v63  }
0x24: {  	s14 =	simm.s32 $0x4E00  }
0x25: {  	[tilespmem:s1], [sflag:$0x1] =	stream.indirect.gather [hbm4b:s4+s18], $0x20, s14, s18, $0xb8;
	[tilespmem:$0x16F00] =	vst v63  }
0x26: {  	_ =	swait.ge [sflag:s3], $0x1000  }
0x27: {  	[sflag:s3] =	ssyncset.done $0x0  }
0x28: {  	[sflag:s3] =	ssyncadd.s32 $0xFFFFF000  }
0x29: {  	_ =	swait.ge [sflag:s3], $0x1000  }
0x2a: {  	[sflag:s3] =	ssyncset.done $0x0  }
0x2b: {  	[sflag:s3] =	ssyncadd.s32 $0xFFFFF000  }
0x2c: {  	_ =	swait.ge [sflag:s3], $0x1000  }
0x2d: {  	[sflag:s3] =	ssyncset.done $0x0  }
0x2e: {  	[sflag:s3] =	ssyncadd.s32 $0xFFFFF000  }
0x2f: {  	_ =	swait.ge [sflag:s3], $0x1000  }
0x30: {  	[sflag:s3] =	ssyncset.done $0x0  }
0x31: {  	[sflag:s3] =	ssyncadd.s32 $0xFFFFF000  }
0x32: {  	_ =	swait.ge [sflag:s3], $0x1000  }
0x33: {  	[sflag:s3] =	ssyncset.done $0x0  }
0x34: {  	[sflag:s3] =	ssyncadd.s32 $0xFFFFF000  }
0x35: {  	_ =	swait.ge [sflag:s3], $0x1000  }
0x36: {  	[sflag:s3] =	ssyncset.done $0x0  }
0x37: {  	s12 =	simm.s32 $0x2400;
	[sflag:s3] =	ssyncadd.s32 $0xFFFFF000  }
0x38: {  	[spmem:s2] =	stream.indirect.scatter.add.bf16 [tilespmem:s21], [sflag:$0x3], $0x20, s12, s18, $0xb8;
	[tilespmem:$0x16F00] =	vst v63  }
0x39: {  	s13 =	simm.s32 $0x2480  }
0x3a: {  	[spmem:s2] =	stream.indirect.scatter.add.bf16 [tilespmem:s23], [sflag:$0x3], $0x20, s13, s18, $0xb8;
	[tilespmem:$0x16F00] =	vst v63  }
0x3b: {  	s14 =	simm.s32 $0x2500  }
0x3c: {  	[spmem:s2] =	stream.indirect.scatter.add.bf16 [tilespmem:s25], [sflag:$0x3], $0x20, s14, s18, $0xb8;
	[tilespmem:$0x16F00] =	vst v63  }
0x3d: {  	s12 =	simm.s32 $0x2580  }
0x3e: {  	[spmem:s2] =	stream.indirect.scatter.add.bf16 [tilespmem:s28], [sflag:$0x3], $0x20, s12, s18, $0xb8;
	[tilespmem:$0x16F00] =	vst v63  }
0x3f: {  	s13 =	simm.s32 $0x2600  }
0x40: {  	[spmem:s2] =	stream.indirect.scatter.add.bf16 [tilespmem:s30], [sflag:$0x3], $0x20, s13, s18, $0xb8;
	[tilespmem:$0x16F00] =	vst v63  }
0x41: {  	s14 =	simm.s32 $0x2680  }
0x42: {  	[spmem:s2] =	stream.indirect.scatter.add.bf16 [tilespmem:s1], [sflag:$0x3], $0x20, s14, s18, $0xb8;
	[tilespmem:$0x16F00] =	vst v63  }
0x43: {  	_ =	swait.ge [sflag:s8], $0x1000  }
0x44: {  	[sflag:s8] =	ssyncset.done $0x0  }
0x45: {  	[sflag:s8] =	ssyncadd.s32 $0xFFFFF000  }
0x46: {  	_ =	swait.ge [sflag:s8], $0x1000  }
0x47: {  	[sflag:s8] =	ssyncset.done $0x0  }
0x48: {  	[sflag:s8] =	ssyncadd.s32 $0xFFFFF000  }
0x49: {  	_ =	swait.ge [sflag:s8], $0x1000  }
0x4a: {  	[sflag:s8] =	ssyncset.done $0x0  }
0x4b: {  	[sflag:s8] =	ssyncadd.s32 $0xFFFFF000  }
0x4c: {  	_ =	swait.ge [sflag:s8], $0x1000  }
0x4d: {  	[sflag:s8] =	ssyncset.done $0x0  }
0x4e: {  	[sflag:s8] =	ssyncadd.s32 $0xFFFFF000  }
0x4f: {  	_ =	swait.ge [sflag:s8], $0x1000  }
0x50: {  	[sflag:s8] =	ssyncset.done $0x0  }
0x51: {  	[sflag:s8] =	ssyncadd.s32 $0xFFFFF000  }
0x52: {  	_ =	swait.ge [sflag:s8], $0x1000  }
0x53: {  	[sflag:s8] =	ssyncset.done $0x0  }
0x54: {  	[sflag:s8] =	ssyncadd.s32 $0xFFFFF000  }
0x55: {  	_ =	swait.ge [sflag:s7], $0x1000  }
0x56: {  	[sflag:s7] =	ssyncset.done $0x0  }
0x57: {  	[sflag:s7] =	ssyncadd.s32 $0xFFFFF000  }
0x58: {  	_ =	swait.ge [sflag:s7], $0x1000  }
0x59: {  	[sflag:s7] =	ssyncset.done $0x0  }
0x5a: {  	[sflag:s7] =	ssyncadd.s32 $0xFFFFF000  }
0x5b: {  	_ =	swait.ge [sflag:s7], $0x1000  }
0x5c: {  	[sflag:s7] =	ssyncset.done $0x0  }
0x5d: {  	[sflag:s7] =	ssyncadd.s32 $0xFFFFF000  }
0x5e: {  	_ =	swait.ge [sflag:s7], $0x1000  }
0x5f: {  	[sflag:s7] =	ssyncset.done $0x0  }
0x60: {  	[sflag:s7] =	ssyncadd.s32 $0xFFFFF000  }
0x61: {  	_ =	swait.ge [sflag:s7], $0x1000  }
0x62: {  	[sflag:s7] =	ssyncset.done $0x0  }
0x63: {  	[sflag:s7] =	ssyncadd.s32 $0xFFFFF000  }
0x64: {  	_ =	swait.ge [sflag:s7], $0x1000  }
0x65: {  	s11 =	simm.s32 @!p0 $0x80;
	[sflag:s7] =	ssyncset.done $0x0  }
0x66: {  	s12 =	simm.s32 @!p0 $0x4E80;
	s13 =	simm.s32 @!p0 $0x4F00;
	[sflag:s7] =	ssyncadd.s32 $0xFFFFF000  }
0x67: {  	[tilespmem:s13], [sflag:$0x5] =	stream.indirect.gather @!p0 [hbm4b:s4+s11], $0x20, s12, s11, $0xb8;
	[tilespmem:$0x16F00] =	vst v63  }
0x68: {  	s12 =	simm.s32 @!p0 $0x5  }
0x69: {  	_ =	swait.ge @!p0 [sflag:s12], $0x1000  }
0x6a: {  	[sflag:s12] =	ssyncset.done @!p0 $0x0  }
0x6b: {  	s14 =	simm.s32 @!p0 $0x2700;
	[sflag:s12] =	ssyncadd.s32 @!p0 $0xFFFFF000  }
0x6c: {  	[spmem:s2] =	stream.indirect.scatter.add.bf16 @!p0 [tilespmem:s13], [sflag:$0x5], $0x20, s14, s11, $0xb8;
	[tilespmem:$0x16F00] =	vst v63  }
0x6d: {  	_ =	swait.ge @!p0 [sflag:s12], $0x1000  }
0x6e: {  	s9 =	sadd.s32 $0x1, s9;
	[sflag:s12] =	ssyncset.done @!p0 $0x0  }
0x6f: {  	p1 =	sne.s32 s9, s15;
	[sflag:s12] =	ssyncadd.s32 @!p0 $0xFFFFF000;
	s12 =	stileid.u32  }
0x70: {  	s13 =	sshrl.u32 s5, $0x3;
	s11 =	sshll.u32 s12, $0x6;
	[bflag:$0x0] =	sbarrier.arrive $0xFFFF  }
.Ltmp1:
0x71: {  	s11 =	sor.u32 $0x1C05, s11;
	s14 =	rddreg [dreg:$0xb];
	(pc) =	sbr.rel @!p1 .LBB2_7-.Ltmp1, $4  }
0x72: {  	[hbm:s14], [sflag:s11] =	dma.local [spmem:s13], $0xA00  }
0x73: {  	_ =	swait.ge [sflag:s17], $0xA00  }
0x74: {  	[sflag:s17] =	ssyncset.done $0x0  }
0x75: {  	[sflag:s17] =	ssyncadd.s32 $0xFFFFF600  }
.LBB2_1:
0x76: {  	s11 =	simm.s32 $0x80;
	s12 =	simm.s32 $0x0  }
.LBB2_2:
0x77: {  	p1 =	sne.s32 s11, $0x3F80;
	[tilespmem:s12+$0x10F00] =	vst v0;
	s13 =	smov.u32 s11;
	s11 =	sadd.s32 $0x80, s11  }
.Ltmp2:
0x78: {  	[tilespmem:s12+$0x10F10] =	vst v0;
	(pc) =	sbr.rel @p1 .LBB2_2-.Ltmp2, $2  }
0x79: {  	_ =	sdelay $0x2  }
0x7a: {  	s12 =	sshra.s32 s13, $0x2  }
0x7b: {  	[tilespmem:s12+$0x10F00] =	vst v0  }
0x7c: {  	[tilespmem:s12+$0x10F10] =	vst v0  }
0x7d: {  	[spmem:s5] =	stream.linear.scatter [tilespmem:s16], [sflag:$0x5], $0x1000, $0x38;
	[tilespmem:$0x16F00] =	vst v63  }
0x7e: {  	_ =	swait.ge [sflag:s17], $0x1000  }
0x7f: {  	[sflag:s17] =	ssyncset.done $0x0  }
0x80: {  	s11 =	rddreg [dreg:$0x4];
	[sflag:s17] =	ssyncadd.s32 $0xFFFFF000  }
0x81: {  	[spmem:s11] =	stream.linear.scatter [tilespmem:s16], [sflag:$0x5], $0x1000, $0x38;
	[tilespmem:$0x16F00] =	vst v63  }
0x82: {  	_ =	swait.ge [sflag:s17], $0x1000  }
0x83: {  	[sflag:s17] =	ssyncset.done $0x0  }
0x84: {  	s14 =	rddreg [dreg:$0x5];
	[sflag:s17] =	ssyncadd.s32 $0xFFFFF000  }
0x85: {  	[spmem:s14] =	stream.linear.scatter [tilespmem:s16], [sflag:$0x5], $0x1000, $0x38;
	[tilespmem:$0x16F00] =	vst v63  }
0x86: {  	_ =	swait.ge [sflag:s17], $0x1000  }
0x87: {  	[sflag:s17] =	ssyncset.done $0x0  }
0x88: {  	s12 =	rddreg [dreg:$0x6];
	[sflag:s17] =	ssyncadd.s32 $0xFFFFF000  }
0x89: {  	[spmem:s12] =	stream.linear.scatter [tilespmem:s16], [sflag:$0x5], $0x1000, $0x38;
	[tilespmem:$0x16F00] =	vst v63  }
0x8a: {  	_ =	swait.ge [sflag:s17], $0x1000  }
0x8b: {  	[sflag:s17] =	ssyncset.done $0x0  }
0x8c: {  	s13 =	rddreg [dreg:$0x7];
	[sflag:s17] =	ssyncadd.s32 $0xFFFFF000  }
0x8d: {  	[spmem:s13] =	stream.linear.scatter [tilespmem:s16], [sflag:$0x5], $0x1000, $0x38;
	[tilespmem:$0x16F00] =	vst v63  }
0x8e: {  	_ =	swait.ge [sflag:s17], $0x1000  }
0x8f: {  	[sflag:s17] =	ssyncset.done $0x0  }
0x90: {  	s14 =	simm.s32 $0x0;
	[sflag:s17] =	ssyncadd.s32 $0xFFFFF000  }
0x91: {  	[tilespmem:s14], [sflag:$0x5] =	stream.strided.gather [hbm4b:s10+s18], $0x2700, s19, s18, $0x38;
	[tilespmem:$0x16F00] =	vst v63  }
0x92: {  	_ =	swait.ge [sflag:s17], $0x2700  }
0x93: {  	[sflag:s17] =	ssyncset.done $0x0  }
0x94: {  	s12 =	rddreg [dreg:$0x8];
	[sflag:s17] =	ssyncadd.s32 $0xFFFFD900  }
0x95: {  	[tilespmem:s20], [sflag:$0x5] =	stream.strided.gather [hbm4b:s12+s18], $0x2700, s19, s18, $0x38;
	[tilespmem:$0x16F00] =	vst v63  }
0x96: {  	_ =	swait.ge [sflag:s17], $0x2700  }
0x97: {  	s11 =	simm.s32 @!p0 $0x0;
	[sflag:s17] =	ssyncset.done $0x0  }
0x98: {  	s12 =	simm.s32 @!p0 $0x2700;
	s13 =	rddreg [dreg:$0x9];
	[sflag:s17] =	ssyncadd.s32 $0xFFFFD900  }
0x99: {  	[tilespmem:s12], [sflag:$0x5] =	stream.linear.gather @!p0 [hbm4b:s13+s11], $0x80, $0x38;
	[tilespmem:$0x16F00] =	vst v63  }
0x9a: {  	s12 =	simm.s32 @!p0 $0x5  }
0x9b: {  	_ =	swait.ge @!p0 [sflag:s12], $0x80  }
0x9c: {  	[sflag:s12] =	ssyncset.done @!p0 $0x0  }
0x9d: {  	s13 =	simm.s32 @!p0 $0x4E80;
	s14 =	rddreg [dreg:$0xa];
	[sflag:s12] =	ssyncadd.s32 @!p0 $0xFFFFFF80  }
0x9e: {  	[tilespmem:s13], [sflag:$0x5] =	stream.linear.gather @!p0 [hbm4b:s14+s11], $0x80, $0x38;
	[tilespmem:$0x16F00] =	vst v63  }
0x9f: {  	_ =	swait.ge @!p0 [sflag:s12], $0x80  }
0xa0: {  	[sflag:s12] =	ssyncset.done @!p0 $0x0  }
0xa1: {  	[sflag:s12] =	ssyncadd.s32 @!p0 $0xFFFFFF80  }
0xa2: {  	[bflag:$0x0] =	sbarrier.arrive $0xFFFF  }
0xa3: {  	[tilespmem:s21], [sflag:$0x1] =	stream.indirect.gather [hbm4b:s4+s18], $0x20, s20, s18, $0xb8;
	[tilespmem:$0x16F00] =	vst v63  }
0xa4: {  	s13 =	simm.s32 $0x2800  }
0xa5: {  	[tilespmem:s23], [sflag:$0x1] =	stream.indirect.gather [hbm4b:s4+s18], $0x20, s13, s18, $0xb8;
	[tilespmem:$0x16F00] =	vst v63  }
0xa6: {  	s14 =	simm.s32 $0x2880  }
0xa7: {  	[tilespmem:s25], [sflag:$0x1] =	stream.indirect.gather [hbm4b:s4+s18], $0x20, s14, s18, $0xb8;
	[tilespmem:$0x16F00] =	vst v63  }
0xa8: {  	s12 =	simm.s32 $0x2900  }
0xa9: {  	[tilespmem:s28], [sflag:$0x1] =	stream.indirect.gather [hbm4b:s4+s18], $0x20, s12, s18, $0xb8;
	[tilespmem:$0x16F00] =	vst v63  }
0xaa: {  	s13 =	simm.s32 $0x2980  }
0xab: {  	[tilespmem:s30], [sflag:$0x1] =	stream.indirect.gather [hbm4b:s4+s18], $0x20, s13, s18, $0xb8;
	[tilespmem:$0x16F00] =	vst v63  }
0xac: {  	s11 =	simm.s32 $0x0;
	s14 =	simm.s32 $0x2A00  }
0xad: {  	[tilespmem:s1], [sflag:$0x1] =	stream.indirect.gather [hbm4b:s4+s18], $0x20, s14, s18, $0xb8;
	[tilespmem:$0x16F00] =	vst v63  }
.LBB2_4:
0xae: {  	_ =	swait.ge [sflag:s3], $0x1000  }
0xaf: {  	[sflag:s3] =	ssyncset.done $0x0  }
0xb0: {  	[sflag:s3] =	ssyncadd.s32 $0xFFFFF000  }
0xb1: {  	_ =	swait.ge [sflag:s3], $0x1000  }
0xb2: {  	[sflag:s3] =	ssyncset.done $0x0  }
0xb3: {  	[sflag:s3] =	ssyncadd.s32 $0xFFFFF000  }
0xb4: {  	_ =	swait.ge [sflag:s3], $0x1000  }
0xb5: {  	[sflag:s3] =	ssyncset.done $0x0  }
0xb6: {  	[sflag:s3] =	ssyncadd.s32 $0xFFFFF000  }
0xb7: {  	_ =	swait.ge [sflag:s3], $0x1000  }
0xb8: {  	[sflag:s3] =	ssyncset.done $0x0  }
0xb9: {  	[sflag:s3] =	ssyncadd.s32 $0xFFFFF000  }
0xba: {  	_ =	swait.ge [sflag:s3], $0x1000  }
0xbb: {  	[sflag:s3] =	ssyncset.done $0x0  }
0xbc: {  	[sflag:s3] =	ssyncadd.s32 $0xFFFFF000  }
0xbd: {  	_ =	swait.ge [sflag:s3], $0x1000  }
0xbe: {  	[sflag:s3] =	ssyncset.done $0x0  }
0xbf: {  	s12 =	sshra.s32 s11, $0x2;
	[sflag:s3] =	ssyncadd.s32 $0xFFFFF000  }
0xc0: {  	[spmem:s2] =	stream.indirect.scatter.add.bf16 [tilespmem:s21], [sflag:$0x3], $0x20, s12, s18, $0xb8;
	[tilespmem:$0x16F00] =	vst v63  }
0xc1: {  	s13 =	sadd.s32 $0x80, s12  }
0xc2: {  	[spmem:s2] =	stream.indirect.scatter.add.bf16 [tilespmem:s23], [sflag:$0x3], $0x20, s13, s18, $0xb8;
	[tilespmem:$0x16F00] =	vst v63  }
0xc3: {  	s14 =	sadd.s32 $0x100, s12  }
0xc4: {  	[spmem:s2] =	stream.indirect.scatter.add.bf16 [tilespmem:s25], [sflag:$0x3], $0x20, s14, s18, $0xb8;
	[tilespmem:$0x16F00] =	vst v63  }
0xc5: {  	s14 =	sadd.s32 $0x180, s12  }
0xc6: {  	[spmem:s2] =	stream.indirect.scatter.add.bf16 [tilespmem:s28], [sflag:$0x3], $0x20, s14, s18, $0xb8;
	[tilespmem:$0x16F00] =	vst v63  }
0xc7: {  	p1 =	seq.s32 s11, $0x0;
	s14 =	sadd.s32 $0x200, s12  }
0xc8: {  	[spmem:s2] =	stream.indirect.scatter.add.bf16 [tilespmem:s30], [sflag:$0x3], $0x20, s14, s18, $0xb8;
	[tilespmem:$0x16F00] =	vst v63  }
0xc9: {  	s13 =	simm.s32 @!p1 $0x4;
	s14 =	sadd.s32 $0x280, s12  }
0xca: {  	[spmem:s2] =	stream.indirect.scatter.add.bf16 [tilespmem:s1], [sflag:$0x3], $0x20, s14, s18, $0xb8;
	[tilespmem:$0x16F00] =	vst v63  }
0xcb: {  	_ =	swait.ge @!p1 [sflag:s13], $0x1000  }
0xcc: {  	[sflag:s13] =	ssyncset.done @!p1 $0x0  }
0xcd: {  	[sflag:s13] =	ssyncadd.s32 @!p1 $0xFFFFF000  }
0xce: {  	_ =	swait.ge @!p1 [sflag:s13], $0x1000  }
0xcf: {  	[sflag:s13] =	ssyncset.done @!p1 $0x0  }
0xd0: {  	[sflag:s13] =	ssyncadd.s32 @!p1 $0xFFFFF000  }
0xd1: {  	_ =	swait.ge @!p1 [sflag:s13], $0x1000  }
0xd2: {  	[sflag:s13] =	ssyncset.done @!p1 $0x0  }
0xd3: {  	[sflag:s13] =	ssyncadd.s32 @!p1 $0xFFFFF000  }
0xd4: {  	_ =	swait.ge @!p1 [sflag:s13], $0x1000  }
0xd5: {  	[sflag:s13] =	ssyncset.done @!p1 $0x0  }
0xd6: {  	[sflag:s13] =	ssyncadd.s32 @!p1 $0xFFFFF000  }
0xd7: {  	_ =	swait.ge @!p1 [sflag:s13], $0x1000  }
0xd8: {  	[sflag:s13] =	ssyncset.done @!p1 $0x0  }
0xd9: {  	[sflag:s13] =	ssyncadd.s32 @!p1 $0xFFFFF000  }
0xda: {  	_ =	swait.ge @!p1 [sflag:s13], $0x1000  }
0xdb: {  	[sflag:s13] =	ssyncset.done @!p1 $0x0  }
0xdc: {  	s14 =	sadd.s32 $0x2A80, s12;
	[sflag:s13] =	ssyncadd.s32 @!p1 $0xFFFFF000  }
0xdd: {  	[tilespmem:s22], [sflag:$0x2] =	stream.indirect.gather [hbm4b:s4+s18], $0x20, s14, s18, $0xb8;
	[tilespmem:$0x16F00] =	vst v63  }
0xde: {  	s14 =	sadd.s32 $0x2B00, s12  }
0xdf: {  	[tilespmem:s24], [sflag:$0x2] =	stream.indirect.gather [hbm4b:s4+s18], $0x20, s14, s18, $0xb8;
	[tilespmem:$0x16F00] =	vst v63  }
0xe0: {  	s14 =	sadd.s32 $0x2B80, s12  }
0xe1: {  	[tilespmem:s26], [sflag:$0x2] =	stream.indirect.gather [hbm4b:s4+s18], $0x20, s14, s18, $0xb8;
	[tilespmem:$0x16F00] =	vst v63  }
0xe2: {  	s14 =	sadd.s32 $0x2C00, s12  }
0xe3: {  	[tilespmem:s0], [sflag:$0x2] =	stream.indirect.gather [hbm4b:s4+s18], $0x20, s14, s18, $0xb8;
	[tilespmem:$0x16F00] =	vst v63  }
0xe4: {  	s14 =	sadd.s32 $0x2C80, s12  }
0xe5: {  	[tilespmem:s29], [sflag:$0x2] =	stream.indirect.gather [hbm4b:s4+s18], $0x20, s14, s18, $0xb8;
	[tilespmem:$0x16F00] =	vst v63  }
0xe6: {  	s14 =	sadd.s32 $0x2D00, s12  }
0xe7: {  	[tilespmem:s31], [sflag:$0x2] =	stream.indirect.gather [hbm4b:s4+s18], $0x20, s14, s18, $0xb8;
	[tilespmem:$0x16F00] =	vst v63  }
0xe8: {  	_ =	swait.ge [sflag:s6], $0x1000  }
0xe9: {  	[sflag:s6] =	ssyncset.done $0x0  }
0xea: {  	[sflag:s6] =	ssyncadd.s32 $0xFFFFF000  }
0xeb: {  	_ =	swait.ge [sflag:s6], $0x1000  }
0xec: {  	[sflag:s6] =	ssyncset.done $0x0  }
0xed: {  	[sflag:s6] =	ssyncadd.s32 $0xFFFFF000  }
0xee: {  	_ =	swait.ge [sflag:s6], $0x1000  }
0xef: {  	[sflag:s6] =	ssyncset.done $0x0  }
0xf0: {  	[sflag:s6] =	ssyncadd.s32 $0xFFFFF000  }
0xf1: {  	_ =	swait.ge [sflag:s6], $0x1000  }
0xf2: {  	[sflag:s6] =	ssyncset.done $0x0  }
0xf3: {  	[sflag:s6] =	ssyncadd.s32 $0xFFFFF000  }
0xf4: {  	_ =	swait.ge [sflag:s6], $0x1000  }
0xf5: {  	[sflag:s6] =	ssyncset.done $0x0  }
0xf6: {  	[sflag:s6] =	ssyncadd.s32 $0xFFFFF000  }
0xf7: {  	_ =	swait.ge [sflag:s6], $0x1000  }
0xf8: {  	[sflag:s6] =	ssyncset.done $0x0  }
0xf9: {  	s14 =	sadd.s32 $0x300, s12;
	[sflag:s6] =	ssyncadd.s32 $0xFFFFF000  }
0xfa: {  	[spmem:s2] =	stream.indirect.scatter.add.bf16 [tilespmem:s22], [sflag:$0x4], $0x20, s14, s18, $0xb8;
	[tilespmem:$0x16F00] =	vst v63  }
0xfb: {  	s14 =	sadd.s32 $0x380, s12  }
0xfc: {  	[spmem:s2] =	stream.indirect.scatter.add.bf16 [tilespmem:s24], [sflag:$0x4], $0x20, s14, s18, $0xb8;
	[tilespmem:$0x16F00] =	vst v63  }
0xfd: {  	s14 =	sadd.s32 $0x400, s12  }
0xfe: {  	[spmem:s2] =	stream.indirect.scatter.add.bf16 [tilespmem:s26], [sflag:$0x4], $0x20, s14, s18, $0xb8;
	[tilespmem:$0x16F00] =	vst v63  }
0xff: {  	s14 =	sadd.s32 $0x480, s12  }
0x100: {  	[spmem:s2] =	stream.indirect.scatter.add.bf16 [tilespmem:s0], [sflag:$0x4], $0x20, s14, s18, $0xb8;
	[tilespmem:$0x16F00] =	vst v63  }
0x101: {  	s14 =	sadd.s32 $0x500, s12  }
0x102: {  	[spmem:s2] =	stream.indirect.scatter.add.bf16 [tilespmem:s29], [sflag:$0x4], $0x20, s14, s18, $0xb8;
	[tilespmem:$0x16F00] =	vst v63  }
0x103: {  	s14 =	sadd.s32 $0x580, s12  }
0x104: {  	[spmem:s2] =	stream.indirect.scatter.add.bf16 [tilespmem:s31], [sflag:$0x4], $0x20, s14, s18, $0xb8;
	[tilespmem:$0x16F00] =	vst v63  }
0x105: {  	_ =	swait.ge [sflag:s7], $0x1000  }
0x106: {  	[sflag:s7] =	ssyncset.done $0x0  }
0x107: {  	[sflag:s7] =	ssyncadd.s32 $0xFFFFF000  }
0x108: {  	_ =	swait.ge [sflag:s7], $0x1000  }
0x109: {  	[sflag:s7] =	ssyncset.done $0x0  }
0x10a: {  	[sflag:s7] =	ssyncadd.s32 $0xFFFFF000  }
0x10b: {  	_ =	swait.ge [sflag:s7], $0x1000  }
0x10c: {  	[sflag:s7] =	ssyncset.done $0x0  }
0x10d: {  	[sflag:s7] =	ssyncadd.s32 $0xFFFFF000  }
0x10e: {  	_ =	swait.ge [sflag:s7], $0x1000  }
0x10f: {  	[sflag:s7] =	ssyncset.done $0x0  }
0x110: {  	[sflag:s7] =	ssyncadd.s32 $0xFFFFF000  }
0x111: {  	p1 =	seq.s32 s11, $0x7800;
	_ =	swait.ge [sflag:s7], $0x1000  }
.Ltmp3:
0x112: {  	[sflag:s7] =	ssyncset.done $0x0;
	(pc) =	sbr.rel @p1 .LBB2_6-.Ltmp3, $4  }
0x113: {  	[sflag:s7] =	ssyncadd.s32 $0xFFFFF000  }
0x114: {  	_ =	swait.ge [sflag:s7], $0x1000  }
0x115: {  	[sflag:s7] =	ssyncset.done $0x0  }
0x116: {  	[sflag:s7] =	ssyncadd.s32 $0xFFFFF000  }
0x117: {  	s13 =	sadd.s32 $0x2D80, s12  }
0x118: {  	[tilespmem:s21], [sflag:$0x1] =	stream.indirect.gather [hbm4b:s4+s18], $0x20, s13, s18, $0xb8;
	[tilespmem:$0x16F00] =	vst v63  }
0x119: {  	s14 =	sadd.s32 $0x2E00, s12  }
0x11a: {  	[tilespmem:s23], [sflag:$0x1] =	stream.indirect.gather [hbm4b:s4+s18], $0x20, s14, s18, $0xb8;
	[tilespmem:$0x16F00] =	vst v63  }
0x11b: {  	s14 =	sadd.s32 $0x2E80, s12  }
0x11c: {  	[tilespmem:s25], [sflag:$0x1] =	stream.indirect.gather [hbm4b:s4+s18], $0x20, s14, s18, $0xb8;
	[tilespmem:$0x16F00] =	vst v63  }
0x11d: {  	s14 =	sadd.s32 $0x2F00, s12  }
0x11e: {  	[tilespmem:s28], [sflag:$0x1] =	stream.indirect.gather [hbm4b:s4+s18], $0x20, s14, s18, $0xb8;
	[tilespmem:$0x16F00] =	vst v63  }
.Ltmp4:
0x11f: {  	_ = 	snop;
	(pc) =	sbr.rel .LBB2_4-.Ltmp4, $4  }
0x120: {  	s14 =	sadd.s32 $0x2F80, s12  }
0x121: {  	[tilespmem:s30], [sflag:$0x1] =	stream.indirect.gather [hbm4b:s4+s18], $0x20, s14, s18, $0xb8;
	[tilespmem:$0x16F00] =	vst v63  }
0x122: {  	s11 =	sadd.s32 $0x1800, s11;
	s14 =	sadd.s32 $0x3000, s12  }
0x123: {  	[tilespmem:s1], [sflag:$0x1] =	stream.indirect.gather [hbm4b:s4+s18], $0x20, s14, s18, $0xb8;
	[tilespmem:$0x16F00] =	vst v63  }
.LBB2_7:
0x124: {  	_ =	sfence.sel $0x180000  }
0x125: {  	[bflag:$0x0] =	sbarrier.arrive $0xFFFF  }
0x126: {  	_ =	strace $0x90000047  }
0x127: {  	s0 =	stileid.u32;
	[bflag:$0x2] =	sbarrier.arrive $0xFFFF  }
0x128: {  	p0 =	sne.s32 s0, $0x0;
	s0 =	rddreg [dreg:$0x3]  }
0x129: {  	s0 =	sadd.s32 @!p0 $0x100000, s0  }
0x12a: {  	[sflag:s0] =	ssyncadd.tile.s32 @!p0 $0x1;
	_ =	shalt  }
.Lfunc_end2:
_tile_overlayer_lowered:
.L_overlay_start_2:
0x12b: {  	(tag) =	ssettag $0x2  }
0x12c: {  	s0 =	rddreg [dreg:$0x0];
	s2 =	stileid.u32  }
0x12d: {  	s1 =	rddreg [dreg:$0x1];
	p0 =	sne.s32 s2, $0x0  }
0x12e: {  	s3 =	rddreg [dreg:$0x2];
	[bflag:$0x3] =	sbarrier.arrive $0xFFFF;
	s2 =	simm.s32 @!p0 $0x1C05  }
0x12f: {  	[timem:s3], [sflag:s2] =	dma.local @!p0 [hbm:s0], s1  }
0x130: {  	s0 =	simm.s32 @!p0 $0x5  }
0x131: {  	_ =	swait.ge @!p0 [sflag:s0], s1  }
0x132: {  	s1 =	ssub.s32 @!p0 $0x0, s1;
	[sflag:s0] =	ssyncset.done @!p0 $0x0  }
0x133: {  	[sflag:s0] =	ssyncadd.s32 @!p0 s1  }
0x134: {  	[bflag:$0x3] =	sbarrier.arrive $0xFFFF  }
0x135: {  	_ =	shalt  }

</sc_bundles>
